<compile_context>
chip_gen: v7x
topology: tpu7x:2x2x1
jax: 0.10.2.dev20260603
libtpu: 0.0.44.dev20260713+nightly
codegen_flags: <defaults>
</compile_context>

<pallas_src>
import functools
import math

import jax
import jax.numpy as jnp
from jax import lax
from jax.experimental import pallas as pl
from jax.experimental.pallas import tpu as pltpu
from jax.experimental.pallas import tpu_sc as plsc

B = 16384
SD = 128
AD = 32
TD = 16
MD = 128
E = 16
K = 4
ID = SD + AD + TD

TILE = 512
TR = 512
BK = B * K
NBLK = BK // TR + E
PAD = NBLK * TR

_NC = 2
_NS = 16
_NW = _NC * _NS
_ROWS = BK // _NW // 128


def _mish(v):
    u = jnp.exp(jnp.minimum(v, 30.0))
    num = u * (u + 2.0)
    return v * (num / (num + 2.0))


def _gate_kernel(x_ref, time_ref, state_ref,
                 tW1_ref, tb1_ref, tW2_ref, tb2_ref,
                 gW1_ref, gb1_ref, gW2_ref, gb2_ref,
                 tvec_ref, posE_ref, w4_ref, cnt_ref, ent_ref):
    f32 = jnp.float32
    xv = x_ref[...]
    sv = state_ref[...]
    tv = time_ref[...]

    half = TD // 2
    lane = jax.lax.broadcasted_iota(jnp.int32, (1, half), 1).astype(f32)
    freq = jnp.exp(lane * (-math.log(10000.0) / (half - 1)))
    emb = tv * freq
    se = jnp.sin(emb)
    ce = jnp.cos(emb)

    t1 = se @ tW1_ref[0:half, :] + ce @ tW1_ref[half:TD, :] + tb1_ref[0:1, :]
    t1 = _mish(t1)
    tvec = t1 @ tW2_ref[...] + tb2_ref[0:1, :]
    tvec_ref[...] = tvec

    g1 = (xv @ gW1_ref[0:AD, :]
          + tvec @ gW1_ref[AD:AD + TD, :]
          + sv @ gW1_ref[AD + TD:ID, :]
          + gb1_ref[0:1, :])
    g1 = jnp.maximum(g1, 0.0)
    logits = g1 @ gW2_ref[...] + gb2_ref[0:1, :]

    m = jnp.max(logits, axis=1, keepdims=True)
    ex = jnp.exp(logits - m)
    p = ex / jnp.sum(ex, axis=1, keepdims=True)

    eidx = jax.lax.broadcasted_iota(jnp.int32, p.shape, 1)
    work = p
    sel = jnp.zeros_like(p)
    tsum = jnp.zeros_like(p[:, 0:1])
    firsts = []
    mks = []
    for _ in range(K):
        mk = jnp.max(work, axis=1, keepdims=True)
        cand = jnp.where(work == mk, eidx, E)
        amin = jnp.min(cand, axis=1, keepdims=True)
        first = (eidx == amin)
        sel = sel + jnp.where(first, 1.0, 0.0)
        tsum = tsum + mk
        firsts.append(first)
        mks.append(mk)
        work = jnp.where(first, -1.0, work)

    @pl.when(pl.program_id(0) == 0)
    def _init():
        cnt_ref[...] = jnp.zeros_like(cnt_ref)
        ent_ref[...] = jnp.zeros_like(ent_ref)

    t_iota = jax.lax.broadcasted_iota(jnp.int32, (TILE, TILE), 0)
    s_iota = jax.lax.broadcasted_iota(jnp.int32, (TILE, TILE), 1)
    tril = jnp.where(t_iota > s_iota, 1.0, 0.0)
    rank = tril @ sel + cnt_ref[0:1, :]
    posE = eidx.astype(f32) * float(B) + rank

    inv = 1.0 / (tsum + 1e-9)
    pos_cols = []
    w_cols = []
    for k in range(K):
        pos_cols.append(jnp.sum(jnp.where(firsts[k], posE, 0.0),
                                axis=1, keepdims=True))
        w_cols.append(mks[k] * inv)
    posE_ref[...] = jnp.concatenate(pos_cols, axis=1).astype(jnp.int32)
    w4_ref[...] = jnp.concatenate(w_cols, axis=1)

    cnt_ref[...] += jnp.sum(sel, axis=0, keepdims=True)
    ent_ref[...] += jnp.sum(-(p * jnp.log(p + 1e-9))).reshape(1, 1)


@functools.partial(
    pl.kernel,
    out_type=jax.ShapeDtypeStruct((PAD,), jnp.int32),
    mesh=plsc.VectorSubcoreMesh(core_axis_name="c", subcore_axis_name="s"),
    compiler_params=pltpu.CompilerParams(needs_layout_passes=False),
    scratch_types=(
        [pltpu.VMEM((_ROWS, 1, 128), jnp.int32)]
        + [pltpu.VMEM((128,), jnp.int32) for _ in range(2 * _ROWS)]
        + [pltpu.VMEM((E,), jnp.int32), pltpu.SemaphoreType.DMA]
    ),
)
def _route_scatter(posE_hbm, delta_hbm, out_hbm, pe_v, *rest):
    pos_rows = rest[:_ROWS]
    tok_rows = rest[_ROWS:2 * _ROWS]
    delta_v = rest[2 * _ROWS]
    sem = rest[2 * _ROWS + 1]
    wid = lax.axis_index("s") * _NC + lax.axis_index("c")
    pltpu.sync_copy(delta_hbm, delta_v)
    pltpu.sync_copy(posE_hbm.at[wid], pe_v)
    base0 = wid * (_ROWS * 128)
    for i in range(_ROWS):
        for j in range(8):
            pe = pe_v[i, 0, pl.ds(j * 16, 16)]
            e = jnp.right_shift(pe, 14)
            d = plsc.load_gather(delta_v, [e])
            pos_rows[i][pl.ds(j * 16, 16)] = pe + d
            g = lax.iota(jnp.int32, 16) + (base0 + i * 128 + j * 16)
            tok_rows[i][pl.ds(j * 16, 16)] = jnp.right_shift(g, 2)
    copies = [pltpu.async_copy(tok_rows[i], out_hbm.at[pos_rows[i]], sem)
              for i in range(_ROWS)]
    for c in copies:
        c.wait()


def _expert_kernel(be_ref, hs_ref,
                   eW1_ref, eb1_ref, eW2_ref, eb2_ref, eW3_ref, eb3_ref,
                   fW_ref, out_ref):
    rows = hs_ref[...]
    h1 = _mish(rows @ eW1_ref[0] + eb1_ref[0:1, 0, :])
    h2 = _mish(h1 @ eW2_ref[0] + eb2_ref[0:1, 0, :])
    h3 = _mish(h2 @ eW3_ref[0] + eb3_ref[0:1, 0, :])
    out_ref[...] = h3 @ fW_ref[...]


def kernel(x, time, state, tW1, tb1, tW2, tb2, gW1, gb1, gW2, gb2,
           eW1, eb1, eW2, eb2, eW3, eb3, fW, fb):
    f32 = jnp.float32
    time2 = time.reshape(B, 1)
    tb1r = tb1.reshape(1, -1)
    tb2r = tb2.reshape(1, -1)
    gb1r = gb1.reshape(1, -1)
    gb2r = gb2.reshape(1, -1)
    eb1r = eb1.reshape(E, 1, MD)
    eb2r = eb2.reshape(E, 1, MD)
    eb3r = eb3.reshape(E, 1, MD)

    def row_blk(cols):
        return pl.BlockSpec((TILE, cols), lambda i: (i, 0))

    def full2(a):
        return pl.BlockSpec(a.shape, lambda i: (0,) * a.ndim)

    tvec, posE4, w4, cnt, ent = pl.pallas_call(
        _gate_kernel,
        grid=(B // TILE,),
        in_specs=[
            row_blk(AD), row_blk(1), row_blk(SD),
            full2(tW1), full2(tb1r), full2(tW2), full2(tb2r),
            full2(gW1), full2(gb1r), full2(gW2), full2(gb2r),
        ],
        out_specs=[
            pl.BlockSpec((TILE, TD), lambda i: (i, 0)),
            pl.BlockSpec((TILE, K), lambda i: (i, 0)),
            pl.BlockSpec((TILE, K), lambda i: (i, 0)),
            pl.BlockSpec((1, E), lambda i: (0, 0)),
            pl.BlockSpec((1, 1), lambda i: (0, 0)),
        ],
        out_shape=[
            jax.ShapeDtypeStruct((B, TD), f32),
            jax.ShapeDtypeStruct((B, K), jnp.int32),
            jax.ShapeDtypeStruct((B, K), f32),
            jax.ShapeDtypeStruct((1, E), f32),
            jax.ShapeDtypeStruct((1, 1), f32),
        ],
    )(x, time2, state, tW1, tb1r, tW2, tb2r, gW1, gb1r, gW2, gb2r)

    cnts = cnt[0].astype(jnp.int32)
    padded = ((cnts + TR - 1) // TR) * TR
    starts_pad = jnp.concatenate([jnp.zeros((1,), jnp.int32),
                                  jnp.cumsum(padded)[:-1].astype(jnp.int32)])
    delta = starts_pad - jnp.arange(E, dtype=jnp.int32) * B
    block_expert = (jnp.searchsorted(starts_pad,
                                     jnp.arange(NBLK, dtype=jnp.int32) * TR,
                                     side='right') - 1).astype(jnp.int32)

    sorted_tok = _route_scatter(posE4.reshape(_NW, _ROWS, 1, 128), delta)

    h = jnp.concatenate([x, tvec, state], axis=1)
    hs = jnp.take(h, sorted_tok, axis=0, mode='clip')

    out_rows = pl.pallas_call(
        _expert_kernel,
        grid_spec=pltpu.PrefetchScalarGridSpec(
            num_scalar_prefetch=1,
            grid=(NBLK,),
            in_specs=[
                pl.BlockSpec((TR, ID), lambda j, be: (j, 0)),
                pl.BlockSpec((1, ID, MD), lambda j, be: (be[j], 0, 0)),
                pl.BlockSpec((1, 1, MD), lambda j, be: (be[j], 0, 0)),
                pl.BlockSpec((1, MD, MD), lambda j, be: (be[j], 0, 0)),
                pl.BlockSpec((1, 1, MD), lambda j, be: (be[j], 0, 0)),
                pl.BlockSpec((1, MD, MD), lambda j, be: (be[j], 0, 0)),
                pl.BlockSpec((1, 1, MD), lambda j, be: (be[j], 0, 0)),
                pl.BlockSpec((MD, AD), lambda j, be: (0, 0)),
            ],
            out_specs=pl.BlockSpec((TR, AD), lambda j, be: (j, 0)),
        ),
        out_shape=jax.ShapeDtypeStruct((PAD, AD), f32),
    )(block_expert, hs, eW1, eb1r, eW2, eb2r, eW3, eb3r, fW)

    pos_f = posE4 + delta[jnp.right_shift(posE4, 14)]
    out_pairs = out_rows[pos_f]
    out = (out_pairs * w4[:, :, None]).sum(axis=1) + fb[None, :]

    expert_load = cnt[0] / (B + 1e-9)
    load_balancing_loss = jnp.var(expert_load, ddof=1)
    entropy = ent[0, 0] / B
    aux_loss = load_balancing_loss + entropy
    return (out, aux_loss)

# --- scband reference (transcript-rebuilt; emitter-appended) ---
"""Pipeline reference for scband-consistency-model-72722386256242 (READ-ONLY COPY).

The authoritative reference and input builder live on the scoring server;
editing this copy changes nothing except your own understanding.
"""

import jax, jax.numpy as jnp
import numpy as np
import math

B = 16384
SD = 128
AD = 32
TD = 16
MD = 128  # hidden_dim // 4 = 512 // 4
E = 16
K = 4
ID = SD + AD + TD


def mish(v):
    return v * jnp.tanh(jax.nn.softplus(v))


def _xavier(k, shape):
    fan_in, fan_out = shape[-2], shape[-1]
    limit = math.sqrt(6.0 / (fan_in + fan_out))
    return jax.random.uniform(k, shape, minval=-limit, maxval=limit, dtype=jnp.float32)


def setup_inputs(seed: int = 0) -> dict:
    key = jax.random.key(seed)
    ks = jax.random.split(key, 16)
    return {
        "x": jax.random.normal(ks[0], (B, AD), dtype=jnp.float32),
        "time": jax.random.uniform(ks[1], (B,), dtype=jnp.float32),
        "state": jax.random.normal(ks[2], (B, SD), dtype=jnp.float32),
        "tW1": _xavier(ks[3], (TD, TD * 2)), "tb1": jnp.zeros((TD * 2,), jnp.float32),
        "tW2": _xavier(ks[4], (TD * 2, TD)), "tb2": jnp.zeros((TD,), jnp.float32),
        "gW1": _xavier(ks[5], (ID, MD)), "gb1": jnp.zeros((MD,), jnp.float32),
        "gW2": _xavier(ks[6], (MD, E)), "gb2": jnp.zeros((E,), jnp.float32),
        "eW1": _xavier(ks[7], (E, ID, MD)), "eb1": jnp.zeros((E, MD), jnp.float32),
        "eW2": _xavier(ks[8], (E, MD, MD)), "eb2": jnp.zeros((E, MD), jnp.float32),
        "eW3": _xavier(ks[9], (E, MD, MD)), "eb3": jnp.zeros((E, MD), jnp.float32),
        "fW": _xavier(ks[10], (MD, AD)), "fb": jnp.zeros((AD,), jnp.float32),
    }


def reference(x, time, state, tW1, tb1, tW2, tb2, gW1, gb1, gW2, gb2, eW1, eb1, eW2, eb2, eW3, eb3, fW, fb):
    batch = x.shape[0]
    # SinusoidalPosEmb(t_dim=16)
    half = TD // 2
    freq = jnp.exp(jnp.arange(half, dtype=jnp.float32) * (-math.log(10000.0) / (half - 1)))
    emb = time[:, None] * freq[None, :]
    temb = jnp.concatenate([jnp.sin(emb), jnp.cos(emb)], axis=-1)
    # time MLP: Linear -> Mish -> Linear
    t = mish(temb @ tW1 + tb1) @ tW2 + tb2
    h = jnp.concatenate([x, t, state], axis=1)  # [B, ID]
    # gate (dropout is identity in eval)
    gate_logits = jax.nn.relu(h @ gW1 + gb1) @ gW2 + gb2
    gate_scores = jax.nn.softmax(gate_logits, axis=1)
    top_k_scores, top_k_indices = jax.lax.top_k(gate_scores, K)
    # all experts computed densely, stacked [E, B, MD]
    e1 = mish(jnp.einsum('bi,eio->ebo', h, eW1) + eb1[:, None, :])
    e2 = mish(jnp.einsum('ebi,eio->ebo', e1, eW2) + eb2[:, None, :])
    e3 = mish(jnp.einsum('ebi,eio->ebo', e2, eW3) + eb3[:, None, :])
    expert_outputs = jnp.transpose(e3, (1, 0, 2))  # [B, E, MD]
    # gather selected experts per token: [B, K, MD]
    selected = jnp.take_along_axis(expert_outputs, top_k_indices[:, :, None], axis=1)
    scaled = selected * top_k_scores[:, :, None]
    scaled = scaled / (top_k_scores.sum(axis=1, keepdims=True)[:, :, None] + 1e-09)
    combined = scaled.sum(axis=1)  # [B, MD]
    # auxiliary loss
    one_hot = jax.nn.one_hot(top_k_indices, E, dtype=jnp.float32)  # [B, K, E]
    expert_load = one_hot.sum(axis=(0, 1)) / (batch + 1e-09)
    load_balancing_loss = jnp.var(expert_load, ddof=1)  # torch var is unbiased
    entropy = -(gate_scores * jnp.log(gate_scores + 1e-09)).sum(axis=1).mean()
    aux_loss = 1.0 * load_balancing_loss + 1.0 * entropy
    out = combined @ fW + fb  # final_layer -> [B, action_dim]
    return (out, aux_loss)

if __name__ == "__main__":
    import jax
    _d = setup_inputs()
    print(jax.jit(kernel)(*tuple(_d.values())))

</pallas_src>

<mosaic_0001>
#map = affine_map<(d0, d1) -> (0, 0, 0, 0)>
#map1 = affine_map<(d0, d1) -> (0)>
module attributes {stable_mosaic.version = 14 : i64} {
  func.func @_route_scatter(%arg0: i32, %arg1: i32, %arg2: memref<32x16x1x128xi32, #tpu.memory_space<hbm>>, %arg3: memref<16xi32, #tpu.memory_space<hbm>>, %arg4: memref<73728xi32, #tpu.memory_space<hbm>>, %arg5: memref<16x1x128xi32, #tpu.memory_space<vmem>>, %arg6: memref<128xi32, #tpu.memory_space<vmem>>, %arg7: memref<128xi32, #tpu.memory_space<vmem>>, %arg8: memref<128xi32, #tpu.memory_space<vmem>>, %arg9: memref<128xi32, #tpu.memory_space<vmem>>, %arg10: memref<128xi32, #tpu.memory_space<vmem>>, %arg11: memref<128xi32, #tpu.memory_space<vmem>>, %arg12: memref<128xi32, #tpu.memory_space<vmem>>, %arg13: memref<128xi32, #tpu.memory_space<vmem>>, %arg14: memref<128xi32, #tpu.memory_space<vmem>>, %arg15: memref<128xi32, #tpu.memory_space<vmem>>, %arg16: memref<128xi32, #tpu.memory_space<vmem>>, %arg17: memref<128xi32, #tpu.memory_space<vmem>>, %arg18: memref<128xi32, #tpu.memory_space<vmem>>, %arg19: memref<128xi32, #tpu.memory_space<vmem>>, %arg20: memref<128xi32, #tpu.memory_space<vmem>>, %arg21: memref<128xi32, #tpu.memory_space<vmem>>, %arg22: memref<128xi32, #tpu.memory_space<vmem>>, %arg23: memref<128xi32, #tpu.memory_space<vmem>>, %arg24: memref<128xi32, #tpu.memory_space<vmem>>, %arg25: memref<128xi32, #tpu.memory_space<vmem>>, %arg26: memref<128xi32, #tpu.memory_space<vmem>>, %arg27: memref<128xi32, #tpu.memory_space<vmem>>, %arg28: memref<128xi32, #tpu.memory_space<vmem>>, %arg29: memref<128xi32, #tpu.memory_space<vmem>>, %arg30: memref<128xi32, #tpu.memory_space<vmem>>, %arg31: memref<128xi32, #tpu.memory_space<vmem>>, %arg32: memref<128xi32, #tpu.memory_space<vmem>>, %arg33: memref<128xi32, #tpu.memory_space<vmem>>, %arg34: memref<128xi32, #tpu.memory_space<vmem>>, %arg35: memref<128xi32, #tpu.memory_space<vmem>>, %arg36: memref<128xi32, #tpu.memory_space<vmem>>, %arg37: memref<128xi32, #tpu.memory_space<vmem>>, %arg38: memref<16xi32, #tpu.memory_space<vmem>>, %arg39: memref<!tpu.dma_semaphore, #tpu.memory_space<semaphore_mem>>) attributes {dimension_semantics = [#tpu.dimension_semantics<core_parallel>, #tpu.dimension_semantics<subcore_parallel>], iteration_bounds = array<i64: 2, 16>, scalar_prefetch = 0 : i64, scratch_operands = 35 : i64, tpu.core_type = #tpu.core_type<sc_vector_subcore>, window_params = [{transform_indices = #map}, {transform_indices = #map1}, {transform_indices = #map1}]} {
    %mul3A = arith.constant 2 : i32
    %mul3A_0 = arith.muli %arg1, %mul3A : i32
    %add3A = arith.addi %mul3A_0, %arg0 : i32
    "tpu.region"() ({
      %run_scoped3A = tpu.sem_alloc : memref<!tpu.dma_semaphore, #tpu.memory_space<semaphore_mem>>
      tpu.enqueue_dma source(%arg3 : memref<16xi32, #tpu.memory_space<hbm>>) target(%arg38 : memref<16xi32, #tpu.memory_space<vmem>>) target_semaphore(%run_scoped3A : memref<!tpu.dma_semaphore, #tpu.memory_space<semaphore_mem>>)
      tpu.wait_dma2 semaphore(%run_scoped3A : memref<!tpu.dma_semaphore, #tpu.memory_space<semaphore_mem>>) src(%arg3 : memref<16xi32, #tpu.memory_space<hbm>>) dst(%arg38 : memref<16xi32, #tpu.memory_space<vmem>>)
      tpu.yield
    }) : () -> ()
    "tpu.region"() ({
      %run_scoped3A = tpu.sem_alloc : memref<!tpu.dma_semaphore, #tpu.memory_space<semaphore_mem>>
      %dma_start3A_3260 = arith.constant 0 : i32
      %dma_start3A_3261 = arith.constant 0 : i32
      %dma_start3A_3262 = arith.constant 0 : i32
      %dma_start3A_3263 = tpu.memref_slice %arg2[%add3A, %dma_start3A_3260, %dma_start3A_3261, %dma_start3A_3262] : memref<32x16x1x128xi32, #tpu.memory_space<hbm>> -> memref<1x16x1x128xi32, #tpu.memory_space<hbm>>
      %dma_start3A_3264 = tpu.memref_squeeze %dma_start3A_3263 : memref<1x16x1x128xi32, #tpu.memory_space<hbm>> -> memref<16x1x128xi32, #tpu.memory_space<hbm>>
      %dma_start3A_3265 = arith.constant 0 : i32
      %dma_start3A_3266 = arith.constant 0 : i32
      %dma_start3A_3267 = arith.constant 0 : i32
      %dma_start3A_3268 = tpu.memref_slice %arg2[%add3A, %dma_start3A_3265, %dma_start3A_3266, %dma_start3A_3267] : memref<32x16x1x128xi32, #tpu.memory_space<hbm>> -> memref<1x16x1x128xi32, #tpu.memory_space<hbm>>
      %dma_start3A_3269 = tpu.memref_squeeze %dma_start3A_3268 : memref<1x16x1x128xi32, #tpu.memory_space<hbm>> -> memref<16x1x128xi32, #tpu.memory_space<hbm>>
      tpu.enqueue_dma source(%dma_start3A_3269 : memref<16x1x128xi32, #tpu.memory_space<hbm>>) target(%arg5 : memref<16x1x128xi32, #tpu.memory_space<vmem>>) target_semaphore(%run_scoped3A : memref<!tpu.dma_semaphore, #tpu.memory_space<semaphore_mem>>)
      %dma_wait3A_3270 = arith.constant 0 : i32
      %dma_wait3A_3271 = arith.constant 0 : i32
      %dma_wait3A_3272 = arith.constant 0 : i32
      %dma_wait3A_3273 = tpu.memref_slice %arg2[%add3A, %dma_wait3A_3270, %dma_wait3A_3271, %dma_wait3A_3272] : memref<32x16x1x128xi32, #tpu.memory_space<hbm>> -> memref<1x16x1x128xi32, #tpu.memory_space<hbm>>
      %dma_wait3A_3274 = tpu.memref_squeeze %dma_wait3A_3273 : memref<1x16x1x128xi32, #tpu.memory_space<hbm>> -> memref<16x1x128xi32, #tpu.memory_space<hbm>>
      %dma_wait3A_3275 = arith.constant 0 : i32
      %dma_wait3A_3276 = arith.constant 0 : i32
      %dma_wait3A_3277 = arith.constant 0 : i32
      %dma_wait3A_3278 = tpu.memref_slice %arg2[%add3A, %dma_wait3A_3275, %dma_wait3A_3276, %dma_wait3A_3277] : memref<32x16x1x128xi32, #tpu.memory_space<hbm>> -> memref<1x16x1x128xi32, #tpu.memory_space<hbm>>
      %dma_wait3A_3279 = tpu.memref_squeeze %dma_wait3A_3278 : memref<1x16x1x128xi32, #tpu.memory_space<hbm>> -> memref<16x1x128xi32, #tpu.memory_space<hbm>>
      tpu.wait_dma2 semaphore(%run_scoped3A : memref<!tpu.dma_semaphore, #tpu.memory_space<semaphore_mem>>) src(%dma_wait3A_3279 : memref<16x1x128xi32, #tpu.memory_space<hbm>>) dst(%arg5 : memref<16x1x128xi32, #tpu.memory_space<vmem>>)
      tpu.yield
    }) : () -> ()
    %mul3A_1 = arith.constant 2048 : i32
    %mul3A_2 = arith.muli %add3A, %mul3A_1 : i32
    %get3A = arith.constant 0 : i32
    %get3A_3 = arith.constant 0 : i32
    %get3A_4 = arith.index_cast %get3A : i32 to index
    %get3A_5 = arith.index_cast %get3A_3 : i32 to index
    %get3A_6 = arith.constant 0 : index
    %get3A_7 = tpu.vector_load %arg5[%get3A_4, %get3A_5, %get3A_6] {strides = array<i32>} : memref<16x1x128xi32, #tpu.memory_space<vmem>>, vector<16xi32>,
    %shift_right_arithmetic3A = arith.constant 14 : i32
    %shift_right_arithmetic3A_8 = vector.broadcast %shift_right_arithmetic3A : i32 to vector<16xi32>
    %shift_right_arithmetic3A_9 = arith.shrsi %get3A_7, %shift_right_arithmetic3A_8 : vector<16xi32>
    %gather3A = tpu.vector_load_idx %arg38[%shift_right_arithmetic3A_9] : memref<16xi32, #tpu.memory_space<vmem>>[vector<16xi32>], vector<16xi32>,
    %add3A_10 = arith.addi %get3A_7, %gather3A : vector<16xi32>
    %swap3A = arith.constant 0 : index
    %swap3A_11 = tpu.vector_load %arg6[%swap3A] {strides = array<i32>} : memref<128xi32, #tpu.memory_space<vmem>>, vector<16xi32>,
    tpu.vector_store %arg6[%swap3A], %add3A_10 {strides = array<i32>} : memref<128xi32, #tpu.memory_space<vmem>>, vector<16xi32>,
    %iota3A = tpu.iota {dimensions = array<i32: 0>} : vector<16xi32>
    %add3A_12 = arith.constant 0 : i32
    %add3A_13 = arith.addi %mul3A_2, %add3A_12 : i32
    %add3A_14 = arith.constant 0 : i32
    %add3A_15 = arith.addi %add3A_13, %add3A_14 : i32
    %add3A_16 = vector.broadcast %add3A_15 : i32 to vector<16xi32>
    %add3A_17 = arith.addi %iota3A, %add3A_16 : vector<16xi32>
    %shift_right_arithmetic3A_18 = arith.constant 2 : i32
    %shift_right_arithmetic3A_19 = vector.broadcast %shift_right_arithmetic3A_18 : i32 to vector<16xi32>
    %shift_right_arithmetic3A_20 = arith.shrsi %add3A_17, %shift_right_arithmetic3A_19 : vector<16xi32>
    %swap3A_21 = arith.constant 0 : index
    %swap3A_22 = tpu.vector_load %arg22[%swap3A_21] {strides = array<i32>} : memref<128xi32, #tpu.memory_space<vmem>>, vector<16xi32>,
    tpu.vector_store %arg22[%swap3A_21], %shift_right_arithmetic3A_20 {strides = array<i32>} : memref<128xi32, #tpu.memory_space<vmem>>, vector<16xi32>,
    %get3A_23 = arith.constant 0 : i32
    %get3A_24 = arith.constant 0 : i32
    %get3A_25 = arith.index_cast %get3A_23 : i32 to index
    %get3A_26 = arith.index_cast %get3A_24 : i32 to index
    %get3A_27 = arith.constant 16 : index
    %get3A_28 = tpu.vector_load %arg5[%get3A_25, %get3A_26, %get3A_27] {strides = array<i32>} : memref<16x1x128xi32, #tpu.memory_space<vmem>>, vector<16xi32>,
    %shift_right_arithmetic3A_29 = arith.constant 14 : i32
    %shift_right_arithmetic3A_30 = vector.broadcast %shift_right_arithmetic3A_29 : i32 to vector<16xi32>
    %shift_right_arithmetic3A_31 = arith.shrsi %get3A_28, %shift_right_arithmetic3A_30 : vector<16xi32>
    %gather3A_32 = tpu.vector_load_idx %arg38[%shift_right_arithmetic3A_31] : memref<16xi32, #tpu.memory_space<vmem>>[vector<16xi32>], vector<16xi32>,
    %add3A_33 = arith.addi %get3A_28, %gather3A_32 : vector<16xi32>
    %swap3A_34 = arith.constant 16 : index
    %swap3A_35 = tpu.vector_load %arg6[%swap3A_34] {strides = array<i32>} : memref<128xi32, #tpu.memory_space<vmem>>, vector<16xi32>,
    tpu.vector_store %arg6[%swap3A_34], %add3A_33 {strides = array<i32>} : memref<128xi32, #tpu.memory_space<vmem>>, vector<16xi32>,
    %iota3A_36 = tpu.iota {dimensions = array<i32: 0>} : vector<16xi32>
    %add3A_37 = arith.constant 0 : i32
    %add3A_38 = arith.addi %mul3A_2, %add3A_37 : i32
    %add3A_39 = arith.constant 16 : i32
    %add3A_40 = arith.addi %add3A_38, %add3A_39 : i32
    %add3A_41 = vector.broadcast %add3A_40 : i32 to vector<16xi32>
    %add3A_42 = arith.addi %iota3A_36, %add3A_41 : vector<16xi32>
    %shift_right_arithmetic3A_43 = arith.constant 2 : i32
    %shift_right_arithmetic3A_44 = vector.broadcast %shift_right_arithmetic3A_43 : i32 to vector<16xi32>
    %shift_right_arithmetic3A_45 = arith.shrsi %add3A_42, %shift_right_arithmetic3A_44 : vector<16xi32>
    %swap3A_46 = arith.constant 16 : index
    %swap3A_47 = tpu.vector_load %arg22[%swap3A_46] {strides = array<i32>} : memref<128xi32, #tpu.memory_space<vmem>>, vector<16xi32>,
    tpu.vector_store %arg22[%swap3A_46], %shift_right_arithmetic3A_45 {strides = array<i32>} : memref<128xi32, #tpu.memory_space<vmem>>, vector<16xi32>,
    %get3A_48 = arith.constant 0 : i32
    %get3A_49 = arith.constant 0 : i32
    %get3A_50 = arith.index_cast %get3A_48 : i32 to index
    %get3A_51 = arith.index_cast %get3A_49 : i32 to index
    %get3A_52 = arith.constant 32 : index
    %get3A_53 = tpu.vector_load %arg5[%get3A_50, %get3A_51, %get3A_52] {strides = array<i32>} : memref<16x1x128xi32, #tpu.memory_space<vmem>>, vector<16xi32>,
    %shift_right_arithmetic3A_54 = arith.constant 14 : i32
    %shift_right_arithmetic3A_55 = vector.broadcast %shift_right_arithmetic3A_54 : i32 to vector<16xi32>
    %shift_right_arithmetic3A_56 = arith.shrsi %get3A_53, %shift_right_arithmetic3A_55 : vector<16xi32>
    %gather3A_57 = tpu.vector_load_idx %arg38[%shift_right_arithmetic3A_56] : memref<16xi32, #tpu.memory_space<vmem>>[vector<16xi32>], vector<16xi32>,
    %add3A_58 = arith.addi %get3A_53, %gather3A_57 : vector<16xi32>
    %swap3A_59 = arith.constant 32 : index
    %swap3A_60 = tpu.vector_load %arg6[%swap3A_59] {strides = array<i32>} : memref<128xi32, #tpu.memory_space<vmem>>, vector<16xi32>,
    tpu.vector_store %arg6[%swap3A_59], %add3A_58 {strides = array<i32>} : memref<128xi32, #tpu.memory_space<vmem>>, vector<16xi32>,
    %iota3A_61 = tpu.iota {dimensions = array<i32: 0>} : vector<16xi32>
    %add3A_62 = arith.constant 0 : i32
    %add3A_63 = arith.addi %mul3A_2, %add3A_62 : i32
    %add3A_64 = arith.constant 32 : i32
    %add3A_65 = arith.addi %add3A_63, %add3A_64 : i32
    %add3A_66 = vector.broadcast %add3A_65 : i32 to vector<16xi32>
    %add3A_67 = arith.addi %iota3A_61, %add3A_66 : vector<16xi32>
    %shift_right_arithmetic3A_68 = arith.constant 2 : i32
    %shift_right_arithmetic3A_69 = vector.broadcast %shift_right_arithmetic3A_68 : i32 to vector<16xi32>
    %shift_right_arithmetic3A_70 = arith.shrsi %add3A_67, %shift_right_arithmetic3A_69 : vector<16xi32>
    %swap3A_71 = arith.constant 32 : index
    %swap3A_72 = tpu.vector_load %arg22[%swap3A_71] {strides = array<i32>} : memref<128xi32, #tpu.memory_space<vmem>>, vector<16xi32>,
    tpu.vector_store %arg22[%swap3A_71], %shift_right_arithmetic3A_70 {strides = array<i32>} : memref<128xi32, #tpu.memory_space<vmem>>, vector<16xi32>,
    %get3A_73 = arith.constant 0 : i32
    %get3A_74 = arith.constant 0 : i32
    %get3A_75 = arith.index_cast %get3A_73 : i32 to index
    %get3A_76 = arith.index_cast %get3A_74 : i32 to index
    %get3A_77 = arith.constant 48 : index
    %get3A_78 = tpu.vector_load %arg5[%get3A_75, %get3A_76, %get3A_77] {strides = array<i32>} : memref<16x1x128xi32, #tpu.memory_space<vmem>>, vector<16xi32>,
    %shift_right_arithmetic3A_79 = arith.constant 14 : i32
    %shift_right_arithmetic3A_80 = vector.broadcast %shift_right_arithmetic3A_79 : i32 to vector<16xi32>
    %shift_right_arithmetic3A_81 = arith.shrsi %get3A_78, %shift_right_arithmetic3A_80 : vector<16xi32>
    %gather3A_82 = tpu.vector_load_idx %arg38[%shift_right_arithmetic3A_81] : memref<16xi32, #tpu.memory_space<vmem>>[vector<16xi32>], vector<16xi32>,
    %add3A_83 = arith.addi %get3A_78, %gather3A_82 : vector<16xi32>
    %swap3A_84 = arith.constant 48 : index
    %swap3A_85 = tpu.vector_load %arg6[%swap3A_84] {strides = array<i32>} : memref<128xi32, #tpu.memory_space<vmem>>, vector<16xi32>,
    tpu.vector_store %arg6[%swap3A_84], %add3A_83 {strides = array<i32>} : memref<128xi32, #tpu.memory_space<vmem>>, vector<16xi32>,
    %iota3A_86 = tpu.iota {dimensions = array<i32: 0>} : vector<16xi32>
    %add3A_87 = arith.constant 0 : i32
    %add3A_88 = arith.addi %mul3A_2, %add3A_87 : i32
    %add3A_89 = arith.constant 48 : i32
    %add3A_90 = arith.addi %add3A_88, %add3A_89 : i32
    %add3A_91 = vector.broadcast %add3A_90 : i32 to vector<16xi32>
    %add3A_92 = arith.addi %iota3A_86, %add3A_91 : vector<16xi32>
    %shift_right_arithmetic3A_93 = arith.constant 2 : i32
    %shift_right_arithmetic3A_94 = vector.broadcast %shift_right_arithmetic3A_93 : i32 to vector<16xi32>
    %shift_right_arithmetic3A_95 = arith.shrsi %add3A_92, %shift_right_arithmetic3A_94 : vector<16xi32>
    %swap3A_96 = arith.constant 48 : index
    %swap3A_97 = tpu.vector_load %arg22[%swap3A_96] {strides = array<i32>} : memref<128xi32, #tpu.memory_space<vmem>>, vector<16xi32>,
    tpu.vector_store %arg22[%swap3A_96], %shift_right_arithmetic3A_95 {strides = array<i32>} : memref<128xi32, #tpu.memory_space<vmem>>, vector<16xi32>,
    %get3A_98 = arith.constant 0 : i32
    %get3A_99 = arith.constant 0 : i32
    %get3A_100 = arith.index_cast %get3A_98 : i32 to index
    %get3A_101 = arith.index_cast %get3A_99 : i32 to index
    %get3A_102 = arith.constant 64 : index
    %get3A_103 = tpu.vector_load %arg5[%get3A_100, %get3A_101, %get3A_102] {strides = array<i32>} : memref<16x1x128xi32, #tpu.memory_space<vmem>>, vector<16xi32>,
    %shift_right_arithmetic3A_104 = arith.constant 14 : i32
    %shift_right_arithmetic3A_105 = vector.broadcast %shift_right_arithmetic3A_104 : i32 to vector<16xi32>
    %shift_right_arithmetic3A_106 = arith.shrsi %get3A_103, %shift_right_arithmetic3A_105 : vector<16xi32>
    %gather3A_107 = tpu.vector_load_idx %arg38[%shift_right_arithmetic3A_106] : memref<16xi32, #tpu.memory_space<vmem>>[vector<16xi32>], vector<16xi32>,
    %add3A_108 = arith.addi %get3A_103, %gather3A_107 : vector<16xi32>
    %swap3A_109 = arith.constant 64 : index
    %swap3A_110 = tpu.vector_load %arg6[%swap3A_109] {strides = array<i32>} : memref<128xi32, #tpu.memory_space<vmem>>, vector<16xi32>,
    tpu.vector_store %arg6[%swap3A_109], %add3A_108 {strides = array<i32>} : memref<128xi32, #tpu.memory_space<vmem>>, vector<16xi32>,
    %iota3A_111 = tpu.iota {dimensions = array<i32: 0>} : vector<16xi32>
    %add3A_112 = arith.constant 0 : i32
    %add3A_113 = arith.addi %mul3A_2, %add3A_112 : i32
    %add3A_114 = arith.constant 64 : i32
    %add3A_115 = arith.addi %add3A_113, %add3A_114 : i32
    %add3A_116 = vector.broadcast %add3A_115 : i32 to vector<16xi32>
    %add3A_117 = arith.addi %iota3A_111, %add3A_116 : vector<16xi32>
    %shift_right_arithmetic3A_118 = arith.constant 2 : i32
    %shift_right_arithmetic3A_119 = vector.broadcast %shift_right_arithmetic3A_118 : i32 to vector<16xi32>
    %shift_right_arithmetic3A_120 = arith.shrsi %add3A_117, %shift_right_arithmetic3A_119 : vector<16xi32>
    %swap3A_121 = arith.constant 64 : index
    %swap3A_122 = tpu.vector_load %arg22[%swap3A_121] {strides = array<i32>} : memref<128xi32, #tpu.memory_space<vmem>>, vector<16xi32>,
    tpu.vector_store %arg22[%swap3A_121], %shift_right_arithmetic3A_120 {strides = array<i32>} : memref<128xi32, #tpu.memory_space<vmem>>, vector<16xi32>,
    %get3A_123 = arith.constant 0 : i32
    %get3A_124 = arith.constant 0 : i32
    %get3A_125 = arith.index_cast %get3A_123 : i32 to index
    %get3A_126 = arith.index_cast %get3A_124 : i32 to index
    %get3A_127 = arith.constant 80 : index
    %get3A_128 = tpu.vector_load %arg5[%get3A_125, %get3A_126, %get3A_127] {strides = array<i32>} : memref<16x1x128xi32, #tpu.memory_space<vmem>>, vector<16xi32>,
    %shift_right_arithmetic3A_129 = arith.constant 14 : i32
    %shift_right_arithmetic3A_130 = vector.broadcast %shift_right_arithmetic3A_129 : i32 to vector<16xi32>
    %shift_right_arithmetic3A_131 = arith.shrsi %get3A_128, %shift_right_arithmetic3A_130 : vector<16xi32>
    %gather3A_132 = tpu.vector_load_idx %arg38[%shift_right_arithmetic3A_131] : memref<16xi32, #tpu.memory_space<vmem>>[vector<16xi32>], vector<16xi32>,
    %add3A_133 = arith.addi %get3A_128, %gather3A_132 : vector<16xi32>
    %swap3A_134 = arith.constant 80 : index
    %swap3A_135 = tpu.vector_load %arg6[%swap3A_134] {strides = array<i32>} : memref<128xi32, #tpu.memory_space<vmem>>, vector<16xi32>,
    tpu.vector_store %arg6[%swap3A_134], %add3A_133 {strides = array<i32>} : memref<128xi32, #tpu.memory_space<vmem>>, vector<16xi32>,
    %iota3A_136 = tpu.iota {dimensions = array<i32: 0>} : vector<16xi32>
    %add3A_137 = arith.constant 0 : i32
    %add3A_138 = arith.addi %mul3A_2, %add3A_137 : i32
    %add3A_139 = arith.constant 80 : i32
    %add3A_140 = arith.addi %add3A_138, %add3A_139 : i32
    %add3A_141 = vector.broadcast %add3A_140 : i32 to vector<16xi32>
    %add3A_142 = arith.addi %iota3A_136, %add3A_141 : vector<16xi32>
    %shift_right_arithmetic3A_143 = arith.constant 2 : i32
    %shift_right_arithmetic3A_144 = vector.broadcast %shift_right_arithmetic3A_143 : i32 to vector<16xi32>
    %shift_right_arithmetic3A_145 = arith.shrsi %add3A_142, %shift_right_arithmetic3A_144 : vector<16xi32>
    %swap3A_146 = arith.constant 80 : index
    %swap3A_147 = tpu.vector_load %arg22[%swap3A_146] {strides = array<i32>} : memref<128xi32, #tpu.memory_space<vmem>>, vector<16xi32>,
    tpu.vector_store %arg22[%swap3A_146], %shift_right_arithmetic3A_145 {strides = array<i32>} : memref<128xi32, #tpu.memory_space<vmem>>, vector<16xi32>,
    %get3A_148 = arith.constant 0 : i32
    %get3A_149 = arith.constant 0 : i32
    %get3A_150 = arith.index_cast %get3A_148 : i32 to index
    %get3A_151 = arith.index_cast %get3A_149 : i32 to index
    %get3A_152 = arith.constant 96 : index
    %get3A_153 = tpu.vector_load %arg5[%get3A_150, %get3A_151, %get3A_152] {strides = array<i32>} : memref<16x1x128xi32, #tpu.memory_space<vmem>>, vector<16xi32>,
    %shift_right_arithmetic3A_154 = arith.constant 14 : i32
    %shift_right_arithmetic3A_155 = vector.broadcast %shift_right_arithmetic3A_154 : i32 to vector<16xi32>
    %shift_right_arithmetic3A_156 = arith.shrsi %get3A_153, %shift_right_arithmetic3A_155 : vector<16xi32>
    %gather3A_157 = tpu.vector_load_idx %arg38[%shift_right_arithmetic3A_156] : memref<16xi32, #tpu.memory_space<vmem>>[vector<16xi32>], vector<16xi32>,
    %add3A_158 = arith.addi %get3A_153, %gather3A_157 : vector<16xi32>
    %swap3A_159 = arith.constant 96 : index
    %swap3A_160 = tpu.vector_load %arg6[%swap3A_159] {strides = array<i32>} : memref<128xi32, #tpu.memory_space<vmem>>, vector<16xi32>,
    tpu.vector_store %arg6[%swap3A_159], %add3A_158 {strides = array<i32>} : memref<128xi32, #tpu.memory_space<vmem>>, vector<16xi32>,
    %iota3A_161 = tpu.iota {dimensions = array<i32: 0>} : vector<16xi32>
    %add3A_162 = arith.constant 0 : i32
    %add3A_163 = arith.addi %mul3A_2, %add3A_162 : i32
    %add3A_164 = arith.constant 96 : i32
    %add3A_165 = arith.addi %add3A_163, %add3A_164 : i32
    %add3A_166 = vector.broadcast %add3A_165 : i32 to vector<16xi32>
    %add3A_167 = arith.addi %iota3A_161, %add3A_166 : vector<16xi32>
    %shift_right_arithmetic3A_168 = arith.constant 2 : i32
    %shift_right_arithmetic3A_169 = vector.broadcast %shift_right_arithmetic3A_168 : i32 to vector<16xi32>
    %shift_right_arithmetic3A_170 = arith.shrsi %add3A_167, %shift_right_arithmetic3A_169 : vector<16xi32>
    %swap3A_171 = arith.constant 96 : index
    %swap3A_172 = tpu.vector_load %arg22[%swap3A_171] {strides = array<i32>} : memref<128xi32, #tpu.memory_space<vmem>>, vector<16xi32>,
    tpu.vector_store %arg22[%swap3A_171], %shift_right_arithmetic3A_170 {strides = array<i32>} : memref<128xi32, #tpu.memory_space<vmem>>, vector<16xi32>,
    %get3A_173 = arith.constant 0 : i32
    %get3A_174 = arith.constant 0 : i32
    %get3A_175 = arith.index_cast %get3A_173 : i32 to index
    %get3A_176 = arith.index_cast %get3A_174 : i32 to index
    %get3A_177 = arith.constant 112 : index
    %get3A_178 = tpu.vector_load %arg5[%get3A_175, %get3A_176, %get3A_177] {strides = array<i32>} : memref<16x1x128xi32, #tpu.memory_space<vmem>>, vector<16xi32>,
    %shift_right_arithmetic3A_179 = arith.constant 14 : i32
    %shift_right_arithmetic3A_180 = vector.broadcast %shift_right_arithmetic3A_179 : i32 to vector<16xi32>
    %shift_right_arithmetic3A_181 = arith.shrsi %get3A_178, %shift_right_arithmetic3A_180 : vector<16xi32>
    %gather3A_182 = tpu.vector_load_idx %arg38[%shift_right_arithmetic3A_181] : memref<16xi32, #tpu.memory_space<vmem>>[vector<16xi32>], vector<16xi32>,
    %add3A_183 = arith.addi %get3A_178, %gather3A_182 : vector<16xi32>
    %swap3A_184 = arith.constant 112 : index
    %swap3A_185 = tpu.vector_load %arg6[%swap3A_184] {strides = array<i32>} : memref<128xi32, #tpu.memory_space<vmem>>, vector<16xi32>,
    tpu.vector_store %arg6[%swap3A_184], %add3A_183 {strides = array<i32>} : memref<128xi32, #tpu.memory_space<vmem>>, vector<16xi32>,
    %iota3A_186 = tpu.iota {dimensions = array<i32: 0>} : vector<16xi32>
    %add3A_187 = arith.constant 0 : i32
    %add3A_188 = arith.addi %mul3A_2, %add3A_187 : i32
    %add3A_189 = arith.constant 112 : i32
    %add3A_190 = arith.addi %add3A_188, %add3A_189 : i32
    %add3A_191 = vector.broadcast %add3A_190 : i32 to vector<16xi32>
    %add3A_192 = arith.addi %iota3A_186, %add3A_191 : vector<16xi32>
    %shift_right_arithmetic3A_193 = arith.constant 2 : i32
    %shift_right_arithmetic3A_194 = vector.broadcast %shift_right_arithmetic3A_193 : i32 to vector<16xi32>
    %shift_right_arithmetic3A_195 = arith.shrsi %add3A_192, %shift_right_arithmetic3A_194 : vector<16xi32>
    %swap3A_196 = arith.constant 112 : index
    %swap3A_197 = tpu.vector_load %arg22[%swap3A_196] {strides = array<i32>} : memref<128xi32, #tpu.memory_space<vmem>>, vector<16xi32>,
    tpu.vector_store %arg22[%swap3A_196], %shift_right_arithmetic3A_195 {strides = array<i32>} : memref<128xi32, #tpu.memory_space<vmem>>, vector<16xi32>,
    %get3A_198 = arith.constant 1 : i32
    %get3A_199 = arith.constant 0 : i32
    %get3A_200 = arith.index_cast %get3A_198 : i32 to index
    %get3A_201 = arith.index_cast %get3A_199 : i32 to index
    %get3A_202 = arith.constant 0 : index
    %get3A_203 = tpu.vector_load %arg5[%get3A_200, %get3A_201, %get3A_202] {strides = array<i32>} : memref<16x1x128xi32, #tpu.memory_space<vmem>>, vector<16xi32>,
    %shift_right_arithmetic3A_204 = arith.constant 14 : i32
    %shift_right_arithmetic3A_205 = vector.broadcast %shift_right_arithmetic3A_204 : i32 to vector<16xi32>
    %shift_right_arithmetic3A_206 = arith.shrsi %get3A_203, %shift_right_arithmetic3A_205 : vector<16xi32>
    %gather3A_207 = tpu.vector_load_idx %arg38[%shift_right_arithmetic3A_206] : memref<16xi32, #tpu.memory_space<vmem>>[vector<16xi32>], vector<16xi32>,
    %add3A_208 = arith.addi %get3A_203, %gather3A_207 : vector<16xi32>
    %swap3A_209 = arith.constant 0 : index
    %swap3A_210 = tpu.vector_load %arg7[%swap3A_209] {strides = array<i32>} : memref<128xi32, #tpu.memory_space<vmem>>, vector<16xi32>,
    tpu.vector_store %arg7[%swap3A_209], %add3A_208 {strides = array<i32>} : memref<128xi32, #tpu.memory_space<vmem>>, vector<16xi32>,
    %iota3A_211 = tpu.iota {dimensions = array<i32: 0>} : vector<16xi32>
    %add3A_212 = arith.constant 128 : i32
    %add3A_213 = arith.addi %mul3A_2, %add3A_212 : i32
    %add3A_214 = arith.constant 0 : i32
    %add3A_215 = arith.addi %add3A_213, %add3A_214 : i32
    %add3A_216 = vector.broadcast %add3A_215 : i32 to vector<16xi32>
    %add3A_217 = arith.addi %iota3A_211, %add3A_216 : vector<16xi32>
    %shift_right_arithmetic3A_218 = arith.constant 2 : i32
    %shift_right_arithmetic3A_219 = vector.broadcast %shift_right_arithmetic3A_218 : i32 to vector<16xi32>
    %shift_right_arithmetic3A_220 = arith.shrsi %add3A_217, %shift_right_arithmetic3A_219 : vector<16xi32>
    %swap3A_221 = arith.constant 0 : index
    %swap3A_222 = tpu.vector_load %arg23[%swap3A_221] {strides = array<i32>} : memref<128xi32, #tpu.memory_space<vmem>>, vector<16xi32>,
    tpu.vector_store %arg23[%swap3A_221], %shift_right_arithmetic3A_220 {strides = array<i32>} : memref<128xi32, #tpu.memory_space<vmem>>, vector<16xi32>,
    %get3A_223 = arith.constant 1 : i32
    %get3A_224 = arith.constant 0 : i32
    %get3A_225 = arith.index_cast %get3A_223 : i32 to index
    %get3A_226 = arith.index_cast %get3A_224 : i32 to index
    %get3A_227 = arith.constant 16 : index
    %get3A_228 = tpu.vector_load %arg5[%get3A_225, %get3A_226, %get3A_227] {strides = array<i32>} : memref<16x1x128xi32, #tpu.memory_space<vmem>>, vector<16xi32>,
    %shift_right_arithmetic3A_229 = arith.constant 14 : i32
    %shift_right_arithmetic3A_230 = vector.broadcast %shift_right_arithmetic3A_229 : i32 to vector<16xi32>
    %shift_right_arithmetic3A_231 = arith.shrsi %get3A_228, %shift_right_arithmetic3A_230 : vector<16xi32>
    %gather3A_232 = tpu.vector_load_idx %arg38[%shift_right_arithmetic3A_231] : memref<16xi32, #tpu.memory_space<vmem>>[vector<16xi32>], vector<16xi32>,
    %add3A_233 = arith.addi %get3A_228, %gather3A_232 : vector<16xi32>
    %swap3A_234 = arith.constant 16 : index
    %swap3A_235 = tpu.vector_load %arg7[%swap3A_234] {strides = array<i32>} : memref<128xi32, #tpu.memory_space<vmem>>, vector<16xi32>,
    tpu.vector_store %arg7[%swap3A_234], %add3A_233 {strides = array<i32>} : memref<128xi32, #tpu.memory_space<vmem>>, vector<16xi32>,
    %iota3A_236 = tpu.iota {dimensions = array<i32: 0>} : vector<16xi32>
    %add3A_237 = arith.constant 128 : i32
    %add3A_238 = arith.addi %mul3A_2, %add3A_237 : i32
    %add3A_239 = arith.constant 16 : i32
    %add3A_240 = arith.addi %add3A_238, %add3A_239 : i32
    %add3A_241 = vector.broadcast %add3A_240 : i32 to vector<16xi32>
    %add3A_242 = arith.addi %iota3A_236, %add3A_241 : vector<16xi32>
    %shift_right_arithmetic3A_243 = arith.constant 2 : i32
    %shift_right_arithmetic3A_244 = vector.broadcast %shift_right_arithmetic3A_243 : i32 to vector<16xi32>
    %shift_right_arithmetic3A_245 = arith.shrsi %add3A_242, %shift_right_arithmetic3A_244 : vector<16xi32>
    %swap3A_246 = arith.constant 16 : index
    %swap3A_247 = tpu.vector_load %arg23[%swap3A_246] {strides = array<i32>} : memref<128xi32, #tpu.memory_space<vmem>>, vector<16xi32>,
    tpu.vector_store %arg23[%swap3A_246], %shift_right_arithmetic3A_245 {strides = array<i32>} : memref<128xi32, #tpu.memory_space<vmem>>, vector<16xi32>,
    %get3A_248 = arith.constant 1 : i32
    %get3A_249 = arith.constant 0 : i32
    %get3A_250 = arith.index_cast %get3A_248 : i32 to index
    %get3A_251 = arith.index_cast %get3A_249 : i32 to index
    %get3A_252 = arith.constant 32 : index
    %get3A_253 = tpu.vector_load %arg5[%get3A_250, %get3A_251, %get3A_252] {strides = array<i32>} : memref<16x1x128xi32, #tpu.memory_space<vmem>>, vector<16xi32>,
    %shift_right_arithmetic3A_254 = arith.constant 14 : i32
    %shift_right_arithmetic3A_255 = vector.broadcast %shift_right_arithmetic3A_254 : i32 to vector<16xi32>
    %shift_right_arithmetic3A_256 = arith.shrsi %get3A_253, %shift_right_arithmetic3A_255 : vector<16xi32>
    %gather3A_257 = tpu.vector_load_idx %arg38[%shift_right_arithmetic3A_256] : memref<16xi32, #tpu.memory_space<vmem>>[vector<16xi32>], vector<16xi32>,
    %add3A_258 = arith.addi %get3A_253, %gather3A_257 : vector<16xi32>
    %swap3A_259 = arith.constant 32 : index
    %swap3A_260 = tpu.vector_load %arg7[%swap3A_259] {strides = array<i32>} : memref<128xi32, #tpu.memory_space<vmem>>, vector<16xi32>,
    tpu.vector_store %arg7[%swap3A_259], %add3A_258 {strides = array<i32>} : memref<128xi32, #tpu.memory_space<vmem>>, vector<16xi32>,
    %iota3A_261 = tpu.iota {dimensions = array<i32: 0>} : vector<16xi32>
    %add3A_262 = arith.constant 128 : i32
    %add3A_263 = arith.addi %mul3A_2, %add3A_262 : i32
    %add3A_264 = arith.constant 32 : i32
    %add3A_265 = arith.addi %add3A_263, %add3A_264 : i32
    %add3A_266 = vector.broadcast %add3A_265 : i32 to vector<16xi32>
    %add3A_267 = arith.addi %iota3A_261, %add3A_266 : vector<16xi32>
    %shift_right_arithmetic3A_268 = arith.constant 2 : i32
    %shift_right_arithmetic3A_269 = vector.broadcast %shift_right_arithmetic3A_268 : i32 to vector<16xi32>
    %shift_right_arithmetic3A_270 = arith.shrsi %add3A_267, %shift_right_arithmetic3A_269 : vector<16xi32>
    %swap3A_271 = arith.constant 32 : index
    %swap3A_272 = tpu.vector_load %arg23[%swap3A_271] {strides = array<i32>} : memref<128xi32, #tpu.memory_space<vmem>>, vector<16xi32>,
    tpu.vector_store %arg23[%swap3A_271], %shift_right_arithmetic3A_270 {strides = array<i32>} : memref<128xi32, #tpu.memory_space<vmem>>, vector<16xi32>,
    %get3A_273 = arith.constant 1 : i32
    %get3A_274 = arith.constant 0 : i32
    %get3A_275 = arith.index_cast %get3A_273 : i32 to index
    %get3A_276 = arith.index_cast %get3A_274 : i32 to index
    %get3A_277 = arith.constant 48 : index
    %get3A_278 = tpu.vector_load %arg5[%get3A_275, %get3A_276, %get3A_277] {strides = array<i32>} : memref<16x1x128xi32, #tpu.memory_space<vmem>>, vector<16xi32>,
    %shift_right_arithmetic3A_279 = arith.constant 14 : i32
    %shift_right_arithmetic3A_280 = vector.broadcast %shift_right_arithmetic3A_279 : i32 to vector<16xi32>
    %shift_right_arithmetic3A_281 = arith.shrsi %get3A_278, %shift_right_arithmetic3A_280 : vector<16xi32>
    %gather3A_282 = tpu.vector_load_idx %arg38[%shift_right_arithmetic3A_281] : memref<16xi32, #tpu.memory_space<vmem>>[vector<16xi32>], vector<16xi32>,
    %add3A_283 = arith.addi %get3A_278, %gather3A_282 : vector<16xi32>
    %swap3A_284 = arith.constant 48 : index
    %swap3A_285 = tpu.vector_load %arg7[%swap3A_284] {strides = array<i32>} : memref<128xi32, #tpu.memory_space<vmem>>, vector<16xi32>,
    tpu.vector_store %arg7[%swap3A_284], %add3A_283 {strides = array<i32>} : memref<128xi32, #tpu.memory_space<vmem>>, vector<16xi32>,
    %iota3A_286 = tpu.iota {dimensions = array<i32: 0>} : vector<16xi32>
    %add3A_287 = arith.constant 128 : i32
    %add3A_288 = arith.addi %mul3A_2, %add3A_287 : i32
    %add3A_289 = arith.constant 48 : i32
    %add3A_290 = arith.addi %add3A_288, %add3A_289 : i32
    %add3A_291 = vector.broadcast %add3A_290 : i32 to vector<16xi32>
    %add3A_292 = arith.addi %iota3A_286, %add3A_291 : vector<16xi32>
    %shift_right_arithmetic3A_293 = arith.constant 2 : i32
    %shift_right_arithmetic3A_294 = vector.broadcast %shift_right_arithmetic3A_293 : i32 to vector<16xi32>
    %shift_right_arithmetic3A_295 = arith.shrsi %add3A_292, %shift_right_arithmetic3A_294 : vector<16xi32>
    %swap3A_296 = arith.constant 48 : index
    %swap3A_297 = tpu.vector_load %arg23[%swap3A_296] {strides = array<i32>} : memref<128xi32, #tpu.memory_space<vmem>>, vector<16xi32>,
    tpu.vector_store %arg23[%swap3A_296], %shift_right_arithmetic3A_295 {strides = array<i32>} : memref<128xi32, #tpu.memory_space<vmem>>, vector<16xi32>,
    %get3A_298 = arith.constant 1 : i32
    %get3A_299 = arith.constant 0 : i32
    %get3A_300 = arith.index_cast %get3A_298 : i32 to index
    %get3A_301 = arith.index_cast %get3A_299 : i32 to index
    %get3A_302 = arith.constant 64 : index
    %get3A_303 = tpu.vector_load %arg5[%get3A_300, %get3A_301, %get3A_302] {strides = array<i32>} : memref<16x1x128xi32, #tpu.memory_space<vmem>>, vector<16xi32>,
    %shift_right_arithmetic3A_304 = arith.constant 14 : i32
    %shift_right_arithmetic3A_305 = vector.broadcast %shift_right_arithmetic3A_304 : i32 to vector<16xi32>
    %shift_right_arithmetic3A_306 = arith.shrsi %get3A_303, %shift_right_arithmetic3A_305 : vector<16xi32>
    %gather3A_307 = tpu.vector_load_idx %arg38[%shift_right_arithmetic3A_306] : memref<16xi32, #tpu.memory_space<vmem>>[vector<16xi32>], vector<16xi32>,
    %add3A_308 = arith.addi %get3A_303, %gather3A_307 : vector<16xi32>
    %swap3A_309 = arith.constant 64 : index
    %swap3A_310 = tpu.vector_load %arg7[%swap3A_309] {strides = array<i32>} : memref<128xi32, #tpu.memory_space<vmem>>, vector<16xi32>,
    tpu.vector_store %arg7[%swap3A_309], %add3A_308 {strides = array<i32>} : memref<128xi32, #tpu.memory_space<vmem>>, vector<16xi32>,
    %iota3A_311 = tpu.iota {dimensions = array<i32: 0>} : vector<16xi32>
    %add3A_312 = arith.constant 128 : i32
    %add3A_313 = arith.addi %mul3A_2, %add3A_312 : i32
    %add3A_314 = arith.constant 64 : i32
    %add3A_315 = arith.addi %add3A_313, %add3A_314 : i32
    %add3A_316 = vector.broadcast %add3A_315 : i32 to vector<16xi32>
    %add3A_317 = arith.addi %iota3A_311, %add3A_316 : vector<16xi32>
    %shift_right_arithmetic3A_318 = arith.constant 2 : i32
    %shift_right_arithmetic3A_319 = vector.broadcast %shift_right_arithmetic3A_318 : i32 to vector<16xi32>
    %shift_right_arithmetic3A_320 = arith.shrsi %add3A_317, %shift_right_arithmetic3A_319 : vector<16xi32>
    %swap3A_321 = arith.constant 64 : index
    %swap3A_322 = tpu.vector_load %arg23[%swap3A_321] {strides = array<i32>} : memref<128xi32, #tpu.memory_space<vmem>>, vector<16xi32>,
    tpu.vector_store %arg23[%swap3A_321], %shift_right_arithmetic3A_320 {strides = array<i32>} : memref<128xi32, #tpu.memory_space<vmem>>, vector<16xi32>,
    %get3A_323 = arith.constant 1 : i32
    %get3A_324 = arith.constant 0 : i32
    %get3A_325 = arith.index_cast %get3A_323 : i32 to index
    %get3A_326 = arith.index_cast %get3A_324 : i32 to index
    %get3A_327 = arith.constant 80 : index
    %get3A_328 = tpu.vector_load %arg5[%get3A_325, %get3A_326, %get3A_327] {strides = array<i32>} : memref<16x1x128xi32, #tpu.memory_space<vmem>>, vector<16xi32>,
    %shift_right_arithmetic3A_329 = arith.constant 14 : i32
    %shift_right_arithmetic3A_330 = vector.broadcast %shift_right_arithmetic3A_329 : i32 to vector<16xi32>
    %shift_right_arithmetic3A_331 = arith.shrsi %get3A_328, %shift_right_arithmetic3A_330 : vector<16xi32>
    %gather3A_332 = tpu.vector_load_idx %arg38[%shift_right_arithmetic3A_331] : memref<16xi32, #tpu.memory_space<vmem>>[vector<16xi32>], vector<16xi32>,
    %add3A_333 = arith.addi %get3A_328, %gather3A_332 : vector<16xi32>
    %swap3A_334 = arith.constant 80 : index
    %swap3A_335 = tpu.vector_load %arg7[%swap3A_334] {strides = array<i32>} : memref<128xi32, #tpu.memory_space<vmem>>, vector<16xi32>,
    tpu.vector_store %arg7[%swap3A_334], %add3A_333 {strides = array<i32>} : memref<128xi32, #tpu.memory_space<vmem>>, vector<16xi32>,
    %iota3A_336 = tpu.iota {dimensions = array<i32: 0>} : vector<16xi32>
    %add3A_337 = arith.constant 128 : i32
    %add3A_338 = arith.addi %mul3A_2, %add3A_337 : i32
    %add3A_339 = arith.constant 80 : i32
    %add3A_340 = arith.addi %add3A_338, %add3A_339 : i32
    %add3A_341 = vector.broadcast %add3A_340 : i32 to vector<16xi32>
    %add3A_342 = arith.addi %iota3A_336, %add3A_341 : vector<16xi32>
    %shift_right_arithmetic3A_343 = arith.constant 2 : i32
    %shift_right_arithmetic3A_344 = vector.broadcast %shift_right_arithmetic3A_343 : i32 to vector<16xi32>
    %shift_right_arithmetic3A_345 = arith.shrsi %add3A_342, %shift_right_arithmetic3A_344 : vector<16xi32>
    %swap3A_346 = arith.constant 80 : index
    %swap3A_347 = tpu.vector_load %arg23[%swap3A_346] {strides = array<i32>} : memref<128xi32, #tpu.memory_space<vmem>>, vector<16xi32>,
    tpu.vector_store %arg23[%swap3A_346], %shift_right_arithmetic3A_345 {strides = array<i32>} : memref<128xi32, #tpu.memory_space<vmem>>, vector<16xi32>,
    %get3A_348 = arith.constant 1 : i32
    %get3A_349 = arith.constant 0 : i32
    %get3A_350 = arith.index_cast %get3A_348 : i32 to index
    %get3A_351 = arith.index_cast %get3A_349 : i32 to index
    %get3A_352 = arith.constant 96 : index
    %get3A_353 = tpu.vector_load %arg5[%get3A_350, %get3A_351, %get3A_352] {strides = array<i32>} : memref<16x1x128xi32, #tpu.memory_space<vmem>>, vector<16xi32>,
    %shift_right_arithmetic3A_354 = arith.constant 14 : i32
    %shift_right_arithmetic3A_355 = vector.broadcast %shift_right_arithmetic3A_354 : i32 to vector<16xi32>
    %shift_right_arithmetic3A_356 = arith.shrsi %get3A_353, %shift_right_arithmetic3A_355 : vector<16xi32>
    %gather3A_357 = tpu.vector_load_idx %arg38[%shift_right_arithmetic3A_356] : memref<16xi32, #tpu.memory_space<vmem>>[vector<16xi32>], vector<16xi32>,
    %add3A_358 = arith.addi %get3A_353, %gather3A_357 : vector<16xi32>
    %swap3A_359 = arith.constant 96 : index
    %swap3A_360 = tpu.vector_load %arg7[%swap3A_359] {strides = array<i32>} : memref<128xi32, #tpu.memory_space<vmem>>, vector<16xi32>,
    tpu.vector_store %arg7[%swap3A_359], %add3A_358 {strides = array<i32>} : memref<128xi32, #tpu.memory_space<vmem>>, vector<16xi32>,
    %iota3A_361 = tpu.iota {dimensions = array<i32: 0>} : vector<16xi32>
    %add3A_362 = arith.constant 128 : i32
    %add3A_363 = arith.addi %mul3A_2, %add3A_362 : i32
    %add3A_364 = arith.constant 96 : i32
    %add3A_365 = arith.addi %add3A_363, %add3A_364 : i32
    %add3A_366 = vector.broadcast %add3A_365 : i32 to vector<16xi32>
    %add3A_367 = arith.addi %iota3A_361, %add3A_366 : vector<16xi32>
    %shift_right_arithmetic3A_368 = arith.constant 2 : i32
    %shift_right_arithmetic3A_369 = vector.broadcast %shift_right_arithmetic3A_368 : i32 to vector<16xi32>
    %shift_right_arithmetic3A_370 = arith.shrsi %add3A_367, %shift_right_arithmetic3A_369 : vector<16xi32>
    %swap3A_371 = arith.constant 96 : index
    %swap3A_372 = tpu.vector_load %arg23[%swap3A_371] {strides = array<i32>} : memref<128xi32, #tpu.memory_space<vmem>>, vector<16xi32>,
    tpu.vector_store %arg23[%swap3A_371], %shift_right_arithmetic3A_370 {strides = array<i32>} : memref<128xi32, #tpu.memory_space<vmem>>, vector<16xi32>,
    %get3A_373 = arith.constant 1 : i32
    %get3A_374 = arith.constant 0 : i32
    %get3A_375 = arith.index_cast %get3A_373 : i32 to index
    %get3A_376 = arith.index_cast %get3A_374 : i32 to index
    %get3A_377 = arith.constant 112 : index
    %get3A_378 = tpu.vector_load %arg5[%get3A_375, %get3A_376, %get3A_377] {strides = array<i32>} : memref<16x1x128xi32, #tpu.memory_space<vmem>>, vector<16xi32>,
    %shift_right_arithmetic3A_379 = arith.constant 14 : i32
    %shift_right_arithmetic3A_380 = vector.broadcast %shift_right_arithmetic3A_379 : i32 to vector<16xi32>
    %shift_right_arithmetic3A_381 = arith.shrsi %get3A_378, %shift_right_arithmetic3A_380 : vector<16xi32>
    %gather3A_382 = tpu.vector_load_idx %arg38[%shift_right_arithmetic3A_381] : memref<16xi32, #tpu.memory_space<vmem>>[vector<16xi32>], vector<16xi32>,
    %add3A_383 = arith.addi %get3A_378, %gather3A_382 : vector<16xi32>
    %swap3A_384 = arith.constant 112 : index
    %swap3A_385 = tpu.vector_load %arg7[%swap3A_384] {strides = array<i32>} : memref<128xi32, #tpu.memory_space<vmem>>, vector<16xi32>,
    tpu.vector_store %arg7[%swap3A_384], %add3A_383 {strides = array<i32>} : memref<128xi32, #tpu.memory_space<vmem>>, vector<16xi32>,
    %iota3A_386 = tpu.iota {dimensions = array<i32: 0>} : vector<16xi32>
    %add3A_387 = arith.constant 128 : i32
    %add3A_388 = arith.addi %mul3A_2, %add3A_387 : i32
    %add3A_389 = arith.constant 112 : i32
    %add3A_390 = arith.addi %add3A_388, %add3A_389 : i32
    %add3A_391 = vector.broadcast %add3A_390 : i32 to vector<16xi32>
    %add3A_392 = arith.addi %iota3A_386, %add3A_391 : vector<16xi32>
    %shift_right_arithmetic3A_393 = arith.constant 2 : i32
    %shift_right_arithmetic3A_394 = vector.broadcast %shift_right_arithmetic3A_393 : i32 to vector<16xi32>
    %shift_right_arithmetic3A_395 = arith.shrsi %add3A_392, %shift_right_arithmetic3A_394 : vector<16xi32>
    %swap3A_396 = arith.constant 112 : index
    %swap3A_397 = tpu.vector_load %arg23[%swap3A_396] {strides = array<i32>} : memref<128xi32, #tpu.memory_space<vmem>>, vector<16xi32>,
    tpu.vector_store %arg23[%swap3A_396], %shift_right_arithmetic3A_395 {strides = array<i32>} : memref<128xi32, #tpu.memory_space<vmem>>, vector<16xi32>,
    %get3A_398 = arith.constant 2 : i32
    %get3A_399 = arith.constant 0 : i32
    %get3A_400 = arith.index_cast %get3A_398 : i32 to index
    %get3A_401 = arith.index_cast %get3A_399 : i32 to index
    %get3A_402 = arith.constant 0 : index
    %get3A_403 = tpu.vector_load %arg5[%get3A_400, %get3A_401, %get3A_402] {strides = array<i32>} : memref<16x1x128xi32, #tpu.memory_space<vmem>>, vector<16xi32>,
    %shift_right_arithmetic3A_404 = arith.constant 14 : i32
    %shift_right_arithmetic3A_405 = vector.broadcast %shift_right_arithmetic3A_404 : i32 to vector<16xi32>
    %shift_right_arithmetic3A_406 = arith.shrsi %get3A_403, %shift_right_arithmetic3A_405 : vector<16xi32>
    %gather3A_407 = tpu.vector_load_idx %arg38[%shift_right_arithmetic3A_406] : memref<16xi32, #tpu.memory_space<vmem>>[vector<16xi32>], vector<16xi32>,
    %add3A_408 = arith.addi %get3A_403, %gather3A_407 : vector<16xi32>
    %swap3A_409 = arith.constant 0 : index
    %swap3A_410 = tpu.vector_load %arg8[%swap3A_409] {strides = array<i32>} : memref<128xi32, #tpu.memory_space<vmem>>, vector<16xi32>,
    tpu.vector_store %arg8[%swap3A_409], %add3A_408 {strides = array<i32>} : memref<128xi32, #tpu.memory_space<vmem>>, vector<16xi32>,
    %iota3A_411 = tpu.iota {dimensions = array<i32: 0>} : vector<16xi32>
    %add3A_412 = arith.constant 256 : i32
    %add3A_413 = arith.addi %mul3A_2, %add3A_412 : i32
    %add3A_414 = arith.constant 0 : i32
    %add3A_415 = arith.addi %add3A_413, %add3A_414 : i32
    %add3A_416 = vector.broadcast %add3A_415 : i32 to vector<16xi32>
    %add3A_417 = arith.addi %iota3A_411, %add3A_416 : vector<16xi32>
    %shift_right_arithmetic3A_418 = arith.constant 2 : i32
    %shift_right_arithmetic3A_419 = vector.broadcast %shift_right_arithmetic3A_418 : i32 to vector<16xi32>
    %shift_right_arithmetic3A_420 = arith.shrsi %add3A_417, %shift_right_arithmetic3A_419 : vector<16xi32>
    %swap3A_421 = arith.constant 0 : index
    %swap3A_422 = tpu.vector_load %arg24[%swap3A_421] {strides = array<i32>} : memref<128xi32, #tpu.memory_space<vmem>>, vector<16xi32>,
    tpu.vector_store %arg24[%swap3A_421], %shift_right_arithmetic3A_420 {strides = array<i32>} : memref<128xi32, #tpu.memory_space<vmem>>, vector<16xi32>,
    %get3A_423 = arith.constant 2 : i32
    %get3A_424 = arith.constant 0 : i32
    %get3A_425 = arith.index_cast %get3A_423 : i32 to index
    %get3A_426 = arith.index_cast %get3A_424 : i32 to index
    %get3A_427 = arith.constant 16 : index
    %get3A_428 = tpu.vector_load %arg5[%get3A_425, %get3A_426, %get3A_427] {strides = array<i32>} : memref<16x1x128xi32, #tpu.memory_space<vmem>>, vector<16xi32>,
    %shift_right_arithmetic3A_429 = arith.constant 14 : i32
    %shift_right_arithmetic3A_430 = vector.broadcast %shift_right_arithmetic3A_429 : i32 to vector<16xi32>
    %shift_right_arithmetic3A_431 = arith.shrsi %get3A_428, %shift_right_arithmetic3A_430 : vector<16xi32>
    %gather3A_432 = tpu.vector_load_idx %arg38[%shift_right_arithmetic3A_431] : memref<16xi32, #tpu.memory_space<vmem>>[vector<16xi32>], vector<16xi32>,
    %add3A_433 = arith.addi %get3A_428, %gather3A_432 : vector<16xi32>
    %swap3A_434 = arith.constant 16 : index
    %swap3A_435 = tpu.vector_load %arg8[%swap3A_434] {strides = array<i32>} : memref<128xi32, #tpu.memory_space<vmem>>, vector<16xi32>,
    tpu.vector_store %arg8[%swap3A_434], %add3A_433 {strides = array<i32>} : memref<128xi32, #tpu.memory_space<vmem>>, vector<16xi32>,
    %iota3A_436 = tpu.iota {dimensions = array<i32: 0>} : vector<16xi32>
    %add3A_437 = arith.constant 256 : i32
    %add3A_438 = arith.addi %mul3A_2, %add3A_437 : i32
    %add3A_439 = arith.constant 16 : i32
    %add3A_440 = arith.addi %add3A_438, %add3A_439 : i32
    %add3A_441 = vector.broadcast %add3A_440 : i32 to vector<16xi32>
    %add3A_442 = arith.addi %iota3A_436, %add3A_441 : vector<16xi32>
    %shift_right_arithmetic3A_443 = arith.constant 2 : i32
    %shift_right_arithmetic3A_444 = vector.broadcast %shift_right_arithmetic3A_443 : i32 to vector<16xi32>
    %shift_right_arithmetic3A_445 = arith.shrsi %add3A_442, %shift_right_arithmetic3A_444 : vector<16xi32>
    %swap3A_446 = arith.constant 16 : index
    %swap3A_447 = tpu.vector_load %arg24[%swap3A_446] {strides = array<i32>} : memref<128xi32, #tpu.memory_space<vmem>>, vector<16xi32>,
    tpu.vector_store %arg24[%swap3A_446], %shift_right_arithmetic3A_445 {strides = array<i32>} : memref<128xi32, #tpu.memory_space<vmem>>, vector<16xi32>,
    %get3A_448 = arith.constant 2 : i32
    %get3A_449 = arith.constant 0 : i32
    %get3A_450 = arith.index_cast %get3A_448 : i32 to index
    %get3A_451 = arith.index_cast %get3A_449 : i32 to index
    %get3A_452 = arith.constant 32 : index
    %get3A_453 = tpu.vector_load %arg5[%get3A_450, %get3A_451, %get3A_452] {strides = array<i32>} : memref<16x1x128xi32, #tpu.memory_space<vmem>>, vector<16xi32>,
    %shift_right_arithmetic3A_454 = arith.constant 14 : i32
    %shift_right_arithmetic3A_455 = vector.broadcast %shift_right_arithmetic3A_454 : i32 to vector<16xi32>
    %shift_right_arithmetic3A_456 = arith.shrsi %get3A_453, %shift_right_arithmetic3A_455 : vector<16xi32>
    %gather3A_457 = tpu.vector_load_idx %arg38[%shift_right_arithmetic3A_456] : memref<16xi32, #tpu.memory_space<vmem>>[vector<16xi32>], vector<16xi32>,
    %add3A_458 = arith.addi %get3A_453, %gather3A_457 : vector<16xi32>
    %swap3A_459 = arith.constant 32 : index
    %swap3A_460 = tpu.vector_load %arg8[%swap3A_459] {strides = array<i32>} : memref<128xi32, #tpu.memory_space<vmem>>, vector<16xi32>,
    tpu.vector_store %arg8[%swap3A_459], %add3A_458 {strides = array<i32>} : memref<128xi32, #tpu.memory_space<vmem>>, vector<16xi32>,
    %iota3A_461 = tpu.iota {dimensions = array<i32: 0>} : vector<16xi32>
    %add3A_462 = arith.constant 256 : i32
    %add3A_463 = arith.addi %mul3A_2, %add3A_462 : i32
    %add3A_464 = arith.constant 32 : i32
    %add3A_465 = arith.addi %add3A_463, %add3A_464 : i32
    %add3A_466 = vector.broadcast %add3A_465 : i32 to vector<16xi32>
    %add3A_467 = arith.addi %iota3A_461, %add3A_466 : vector<16xi32>
    %shift_right_arithmetic3A_468 = arith.constant 2 : i32
    %shift_right_arithmetic3A_469 = vector.broadcast %shift_right_arithmetic3A_468 : i32 to vector<16xi32>
    %shift_right_arithmetic3A_470 = arith.shrsi %add3A_467, %shift_right_arithmetic3A_469 : vector<16xi32>
    %swap3A_471 = arith.constant 32 : index
    %swap3A_472 = tpu.vector_load %arg24[%swap3A_471] {strides = array<i32>} : memref<128xi32, #tpu.memory_space<vmem>>, vector<16xi32>,
    tpu.vector_store %arg24[%swap3A_471], %shift_right_arithmetic3A_470 {strides = array<i32>} : memref<128xi32, #tpu.memory_space<vmem>>, vector<16xi32>,
    %get3A_473 = arith.constant 2 : i32
    %get3A_474 = arith.constant 0 : i32
    %get3A_475 = arith.index_cast %get3A_473 : i32 to index
    %get3A_476 = arith.index_cast %get3A_474 : i32 to index
    %get3A_477 = arith.constant 48 : index
    %get3A_478 = tpu.vector_load %arg5[%get3A_475, %get3A_476, %get3A_477] {strides = array<i32>} : memref<16x1x128xi32, #tpu.memory_space<vmem>>, vector<16xi32>,
    %shift_right_arithmetic3A_479 = arith.constant 14 : i32
    %shift_right_arithmetic3A_480 = vector.broadcast %shift_right_arithmetic3A_479 : i32 to vector<16xi32>
    %shift_right_arithmetic3A_481 = arith.shrsi %get3A_478, %shift_right_arithmetic3A_480 : vector<16xi32>
    %gather3A_482 = tpu.vector_load_idx %arg38[%shift_right_arithmetic3A_481] : memref<16xi32, #tpu.memory_space<vmem>>[vector<16xi32>], vector<16xi32>,
    %add3A_483 = arith.addi %get3A_478, %gather3A_482 : vector<16xi32>
    %swap3A_484 = arith.constant 48 : index
    %swap3A_485 = tpu.vector_load %arg8[%swap3A_484] {strides = array<i32>} : memref<128xi32, #tpu.memory_space<vmem>>, vector<16xi32>,
    tpu.vector_store %arg8[%swap3A_484], %add3A_483 {strides = array<i32>} : memref<128xi32, #tpu.memory_space<vmem>>, vector<16xi32>,
    %iota3A_486 = tpu.iota {dimensions = array<i32: 0>} : vector<16xi32>
    %add3A_487 = arith.constant 256 : i32
    %add3A_488 = arith.addi %mul3A_2, %add3A_487 : i32
    %add3A_489 = arith.constant 48 : i32
    %add3A_490 = arith.addi %add3A_488, %add3A_489 : i32
    %add3A_491 = vector.broadcast %add3A_490 : i32 to vector<16xi32>
    %add3A_492 = arith.addi %iota3A_486, %add3A_491 : vector<16xi32>
    %shift_right_arithmetic3A_493 = arith.constant 2 : i32
    %shift_right_arithmetic3A_494 = vector.broadcast %shift_right_arithmetic3A_493 : i32 to vector<16xi32>
    %shift_right_arithmetic3A_495 = arith.shrsi %add3A_492, %shift_right_arithmetic3A_494 : vector<16xi32>
    %swap3A_496 = arith.constant 48 : index
    %swap3A_497 = tpu.vector_load %arg24[%swap3A_496] {strides = array<i32>} : memref<128xi32, #tpu.memory_space<vmem>>, vector<16xi32>,
    tpu.vector_store %arg24[%swap3A_496], %shift_right_arithmetic3A_495 {strides = array<i32>} : memref<128xi32, #tpu.memory_space<vmem>>, vector<16xi32>,
    %get3A_498 = arith.constant 2 : i32
    %get3A_499 = arith.constant 0 : i32
    %get3A_500 = arith.index_cast %get3A_498 : i32 to index
    %get3A_501 = arith.index_cast %get3A_499 : i32 to index
    %get3A_502 = arith.constant 64 : index
    %get3A_503 = tpu.vector_load %arg5[%get3A_500, %get3A_501, %get3A_502] {strides = array<i32>} : memref<16x1x128xi32, #tpu.memory_space<vmem>>, vector<16xi32>,
    %shift_right_arithmetic3A_504 = arith.constant 14 : i32
    %shift_right_arithmetic3A_505 = vector.broadcast %shift_right_arithmetic3A_504 : i32 to vector<16xi32>
    %shift_right_arithmetic3A_506 = arith.shrsi %get3A_503, %shift_right_arithmetic3A_505 : vector<16xi32>
    %gather3A_507 = tpu.vector_load_idx %arg38[%shift_right_arithmetic3A_506] : memref<16xi32, #tpu.memory_space<vmem>>[vector<16xi32>], vector<16xi32>,
    %add3A_508 = arith.addi %get3A_503, %gather3A_507 : vector<16xi32>
    %swap3A_509 = arith.constant 64 : index
    %swap3A_510 = tpu.vector_load %arg8[%swap3A_509] {strides = array<i32>} : memref<128xi32, #tpu.memory_space<vmem>>, vector<16xi32>,
    tpu.vector_store %arg8[%swap3A_509], %add3A_508 {strides = array<i32>} : memref<128xi32, #tpu.memory_space<vmem>>, vector<16xi32>,
    %iota3A_511 = tpu.iota {dimensions = array<i32: 0>} : vector<16xi32>
    %add3A_512 = arith.constant 256 : i32
    %add3A_513 = arith.addi %mul3A_2, %add3A_512 : i32
    %add3A_514 = arith.constant 64 : i32
    %add3A_515 = arith.addi %add3A_513, %add3A_514 : i32
    %add3A_516 = vector.broadcast %add3A_515 : i32 to vector<16xi32>
    %add3A_517 = arith.addi %iota3A_511, %add3A_516 : vector<16xi32>
    %shift_right_arithmetic3A_518 = arith.constant 2 : i32
    %shift_right_arithmetic3A_519 = vector.broadcast %shift_right_arithmetic3A_518 : i32 to vector<16xi32>
    %shift_right_arithmetic3A_520 = arith.shrsi %add3A_517, %shift_right_arithmetic3A_519 : vector<16xi32>
    %swap3A_521 = arith.constant 64 : index
    %swap3A_522 = tpu.vector_load %arg24[%swap3A_521] {strides = array<i32>} : memref<128xi32, #tpu.memory_space<vmem>>, vector<16xi32>,
    tpu.vector_store %arg24[%swap3A_521], %shift_right_arithmetic3A_520 {strides = array<i32>} : memref<128xi32, #tpu.memory_space<vmem>>, vector<16xi32>,
    %get3A_523 = arith.constant 2 : i32
    %get3A_524 = arith.constant 0 : i32
    %get3A_525 = arith.index_cast %get3A_523 : i32 to index
    %get3A_526 = arith.index_cast %get3A_524 : i32 to index
    %get3A_527 = arith.constant 80 : index
    %get3A_528 = tpu.vector_load %arg5[%get3A_525, %get3A_526, %get3A_527] {strides = array<i32>} : memref<16x1x128xi32, #tpu.memory_space<vmem>>, vector<16xi32>,
    %shift_right_arithmetic3A_529 = arith.constant 14 : i32
    %shift_right_arithmetic3A_530 = vector.broadcast %shift_right_arithmetic3A_529 : i32 to vector<16xi32>
    %shift_right_arithmetic3A_531 = arith.shrsi %get3A_528, %shift_right_arithmetic3A_530 : vector<16xi32>
    %gather3A_532 = tpu.vector_load_idx %arg38[%shift_right_arithmetic3A_531] : memref<16xi32, #tpu.memory_space<vmem>>[vector<16xi32>], vector<16xi32>,
    %add3A_533 = arith.addi %get3A_528, %gather3A_532 : vector<16xi32>
    %swap3A_534 = arith.constant 80 : index
    %swap3A_535 = tpu.vector_load %arg8[%swap3A_534] {strides = array<i32>} : memref<128xi32, #tpu.memory_space<vmem>>, vector<16xi32>,
    tpu.vector_store %arg8[%swap3A_534], %add3A_533 {strides = array<i32>} : memref<128xi32, #tpu.memory_space<vmem>>, vector<16xi32>,
    %iota3A_536 = tpu.iota {dimensions = array<i32: 0>} : vector<16xi32>
    %add3A_537 = arith.constant 256 : i32
    %add3A_538 = arith.addi %mul3A_2, %add3A_537 : i32
    %add3A_539 = arith.constant 80 : i32
    %add3A_540 = arith.addi %add3A_538, %add3A_539 : i32
    %add3A_541 = vector.broadcast %add3A_540 : i32 to vector<16xi32>
    %add3A_542 = arith.addi %iota3A_536, %add3A_541 : vector<16xi32>
    %shift_right_arithmetic3A_543 = arith.constant 2 : i32
    %shift_right_arithmetic3A_544 = vector.broadcast %shift_right_arithmetic3A_543 : i32 to vector<16xi32>
    %shift_right_arithmetic3A_545 = arith.shrsi %add3A_542, %shift_right_arithmetic3A_544 : vector<16xi32>
    %swap3A_546 = arith.constant 80 : index
    %swap3A_547 = tpu.vector_load %arg24[%swap3A_546] {strides = array<i32>} : memref<128xi32, #tpu.memory_space<vmem>>, vector<16xi32>,
    tpu.vector_store %arg24[%swap3A_546], %shift_right_arithmetic3A_545 {strides = array<i32>} : memref<128xi32, #tpu.memory_space<vmem>>, vector<16xi32>,
    %get3A_548 = arith.constant 2 : i32
    %get3A_549 = arith.constant 0 : i32
    %get3A_550 = arith.index_cast %get3A_548 : i32 to index
    %get3A_551 = arith.index_cast %get3A_549 : i32 to index
    %get3A_552 = arith.constant 96 : index
    %get3A_553 = tpu.vector_load %arg5[%get3A_550, %get3A_551, %get3A_552] {strides = array<i32>} : memref<16x1x128xi32, #tpu.memory_space<vmem>>, vector<16xi32>,
    %shift_right_arithmetic3A_554 = arith.constant 14 : i32
    %shift_right_arithmetic3A_555 = vector.broadcast %shift_right_arithmetic3A_554 : i32 to vector<16xi32>
    %shift_right_arithmetic3A_556 = arith.shrsi %get3A_553, %shift_right_arithmetic3A_555 : vector<16xi32>
    %gather3A_557 = tpu.vector_load_idx %arg38[%shift_right_arithmetic3A_556] : memref<16xi32, #tpu.memory_space<vmem>>[vector<16xi32>], vector<16xi32>,
    %add3A_558 = arith.addi %get3A_553, %gather3A_557 : vector<16xi32>
    %swap3A_559 = arith.constant 96 : index
    %swap3A_560 = tpu.vector_load %arg8[%swap3A_559] {strides = array<i32>} : memref<128xi32, #tpu.memory_space<vmem>>, vector<16xi32>,
    tpu.vector_store %arg8[%swap3A_559], %add3A_558 {strides = array<i32>} : memref<128xi32, #tpu.memory_space<vmem>>, vector<16xi32>,
    %iota3A_561 = tpu.iota {dimensions = array<i32: 0>} : vector<16xi32>
    %add3A_562 = arith.constant 256 : i32
    %add3A_563 = arith.addi %mul3A_2, %add3A_562 : i32
    %add3A_564 = arith.constant 96 : i32
    %add3A_565 = arith.addi %add3A_563, %add3A_564 : i32
    %add3A_566 = vector.broadcast %add3A_565 : i32 to vector<16xi32>
    %add3A_567 = arith.addi %iota3A_561, %add3A_566 : vector<16xi32>
    %shift_right_arithmetic3A_568 = arith.constant 2 : i32
    %shift_right_arithmetic3A_569 = vector.broadcast %shift_right_arithmetic3A_568 : i32 to vector<16xi32>
    %shift_right_arithmetic3A_570 = arith.shrsi %add3A_567, %shift_right_arithmetic3A_569 : vector<16xi32>
    %swap3A_571 = arith.constant 96 : index
    %swap3A_572 = tpu.vector_load %arg24[%swap3A_571] {strides = array<i32>} : memref<128xi32, #tpu.memory_space<vmem>>, vector<16xi32>,
    tpu.vector_store %arg24[%swap3A_571], %shift_right_arithmetic3A_570 {strides = array<i32>} : memref<128xi32, #tpu.memory_space<vmem>>, vector<16xi32>,
    %get3A_573 = arith.constant 2 : i32
    %get3A_574 = arith.constant 0 : i32
    %get3A_575 = arith.index_cast %get3A_573 : i32 to index
    %get3A_576 = arith.index_cast %get3A_574 : i32 to index
    %get3A_577 = arith.constant 112 : index
    %get3A_578 = tpu.vector_load %arg5[%get3A_575, %get3A_576, %get3A_577] {strides = array<i32>} : memref<16x1x128xi32, #tpu.memory_space<vmem>>, vector<16xi32>,
    %shift_right_arithmetic3A_579 = arith.constant 14 : i32
    %shift_right_arithmetic3A_580 = vector.broadcast %shift_right_arithmetic3A_579 : i32 to vector<16xi32>
    %shift_right_arithmetic3A_581 = arith.shrsi %get3A_578, %shift_right_arithmetic3A_580 : vector<16xi32>
    %gather3A_582 = tpu.vector_load_idx %arg38[%shift_right_arithmetic3A_581] : memref<16xi32, #tpu.memory_space<vmem>>[vector<16xi32>], vector<16xi32>,
    %add3A_583 = arith.addi %get3A_578, %gather3A_582 : vector<16xi32>
    %swap3A_584 = arith.constant 112 : index
    %swap3A_585 = tpu.vector_load %arg8[%swap3A_584] {strides = array<i32>} : memref<128xi32, #tpu.memory_space<vmem>>, vector<16xi32>,
    tpu.vector_store %arg8[%swap3A_584], %add3A_583 {strides = array<i32>} : memref<128xi32, #tpu.memory_space<vmem>>, vector<16xi32>,
    %iota3A_586 = tpu.iota {dimensions = array<i32: 0>} : vector<16xi32>
    %add3A_587 = arith.constant 256 : i32
    %add3A_588 = arith.addi %mul3A_2, %add3A_587 : i32
    %add3A_589 = arith.constant 112 : i32
    %add3A_590 = arith.addi %add3A_588, %add3A_589 : i32
    %add3A_591 = vector.broadcast %add3A_590 : i32 to vector<16xi32>
    %add3A_592 = arith.addi %iota3A_586, %add3A_591 : vector<16xi32>
    %shift_right_arithmetic3A_593 = arith.constant 2 : i32
    %shift_right_arithmetic3A_594 = vector.broadcast %shift_right_arithmetic3A_593 : i32 to vector<16xi32>
    %shift_right_arithmetic3A_595 = arith.shrsi %add3A_592, %shift_right_arithmetic3A_594 : vector<16xi32>
    %swap3A_596 = arith.constant 112 : index
    %swap3A_597 = tpu.vector_load %arg24[%swap3A_596] {strides = array<i32>} : memref<128xi32, #tpu.memory_space<vmem>>, vector<16xi32>,
    tpu.vector_store %arg24[%swap3A_596], %shift_right_arithmetic3A_595 {strides = array<i32>} : memref<128xi32, #tpu.memory_space<vmem>>, vector<16xi32>,
    %get3A_598 = arith.constant 3 : i32
    %get3A_599 = arith.constant 0 : i32
    %get3A_600 = arith.index_cast %get3A_598 : i32 to index
    %get3A_601 = arith.index_cast %get3A_599 : i32 to index
    %get3A_602 = arith.constant 0 : index
    %get3A_603 = tpu.vector_load %arg5[%get3A_600, %get3A_601, %get3A_602] {strides = array<i32>} : memref<16x1x128xi32, #tpu.memory_space<vmem>>, vector<16xi32>,
    %shift_right_arithmetic3A_604 = arith.constant 14 : i32
    %shift_right_arithmetic3A_605 = vector.broadcast %shift_right_arithmetic3A_604 : i32 to vector<16xi32>
    %shift_right_arithmetic3A_606 = arith.shrsi %get3A_603, %shift_right_arithmetic3A_605 : vector<16xi32>
    %gather3A_607 = tpu.vector_load_idx %arg38[%shift_right_arithmetic3A_606] : memref<16xi32, #tpu.memory_space<vmem>>[vector<16xi32>], vector<16xi32>,
    %add3A_608 = arith.addi %get3A_603, %gather3A_607 : vector<16xi32>
    %swap3A_609 = arith.constant 0 : index
    %swap3A_610 = tpu.vector_load %arg9[%swap3A_609] {strides = array<i32>} : memref<128xi32, #tpu.memory_space<vmem>>, vector<16xi32>,
    tpu.vector_store %arg9[%swap3A_609], %add3A_608 {strides = array<i32>} : memref<128xi32, #tpu.memory_space<vmem>>, vector<16xi32>,
    %iota3A_611 = tpu.iota {dimensions = array<i32: 0>} : vector<16xi32>
    %add3A_612 = arith.constant 384 : i32
    %add3A_613 = arith.addi %mul3A_2, %add3A_612 : i32
    %add3A_614 = arith.constant 0 : i32
    %add3A_615 = arith.addi %add3A_613, %add3A_614 : i32
    %add3A_616 = vector.broadcast %add3A_615 : i32 to vector<16xi32>
    %add3A_617 = arith.addi %iota3A_611, %add3A_616 : vector<16xi32>
    %shift_right_arithmetic3A_618 = arith.constant 2 : i32
    %shift_right_arithmetic3A_619 = vector.broadcast %shift_right_arithmetic3A_618 : i32 to vector<16xi32>
    %shift_right_arithmetic3A_620 = arith.shrsi %add3A_617, %shift_right_arithmetic3A_619 : vector<16xi32>
    %swap3A_621 = arith.constant 0 : index
    %swap3A_622 = tpu.vector_load %arg25[%swap3A_621] {strides = array<i32>} : memref<128xi32, #tpu.memory_space<vmem>>, vector<16xi32>,
    tpu.vector_store %arg25[%swap3A_621], %shift_right_arithmetic3A_620 {strides = array<i32>} : memref<128xi32, #tpu.memory_space<vmem>>, vector<16xi32>,
    %get3A_623 = arith.constant 3 : i32
    %get3A_624 = arith.constant 0 : i32
    %get3A_625 = arith.index_cast %get3A_623 : i32 to index
    %get3A_626 = arith.index_cast %get3A_624 : i32 to index
    %get3A_627 = arith.constant 16 : index
    %get3A_628 = tpu.vector_load %arg5[%get3A_625, %get3A_626, %get3A_627] {strides = array<i32>} : memref<16x1x128xi32, #tpu.memory_space<vmem>>, vector<16xi32>,
    %shift_right_arithmetic3A_629 = arith.constant 14 : i32
    %shift_right_arithmetic3A_630 = vector.broadcast %shift_right_arithmetic3A_629 : i32 to vector<16xi32>
    %shift_right_arithmetic3A_631 = arith.shrsi %get3A_628, %shift_right_arithmetic3A_630 : vector<16xi32>
    %gather3A_632 = tpu.vector_load_idx %arg38[%shift_right_arithmetic3A_631] : memref<16xi32, #tpu.memory_space<vmem>>[vector<16xi32>], vector<16xi32>,
    %add3A_633 = arith.addi %get3A_628, %gather3A_632 : vector<16xi32>
    %swap3A_634 = arith.constant 16 : index
    %swap3A_635 = tpu.vector_load %arg9[%swap3A_634] {strides = array<i32>} : memref<128xi32, #tpu.memory_space<vmem>>, vector<16xi32>,
    tpu.vector_store %arg9[%swap3A_634], %add3A_633 {strides = array<i32>} : memref<128xi32, #tpu.memory_space<vmem>>, vector<16xi32>,
    %iota3A_636 = tpu.iota {dimensions = array<i32: 0>} : vector<16xi32>
    %add3A_637 = arith.constant 384 : i32
    %add3A_638 = arith.addi %mul3A_2, %add3A_637 : i32
    %add3A_639 = arith.constant 16 : i32
    %add3A_640 = arith.addi %add3A_638, %add3A_639 : i32
    %add3A_641 = vector.broadcast %add3A_640 : i32 to vector<16xi32>
    %add3A_642 = arith.addi %iota3A_636, %add3A_641 : vector<16xi32>
    %shift_right_arithmetic3A_643 = arith.constant 2 : i32
    %shift_right_arithmetic3A_644 = vector.broadcast %shift_right_arithmetic3A_643 : i32 to vector<16xi32>
    %shift_right_arithmetic3A_645 = arith.shrsi %add3A_642, %shift_right_arithmetic3A_644 : vector<16xi32>
    %swap3A_646 = arith.constant 16 : index
    %swap3A_647 = tpu.vector_load %arg25[%swap3A_646] {strides = array<i32>} : memref<128xi32, #tpu.memory_space<vmem>>, vector<16xi32>,
    tpu.vector_store %arg25[%swap3A_646], %shift_right_arithmetic3A_645 {strides = array<i32>} : memref<128xi32, #tpu.memory_space<vmem>>, vector<16xi32>,
    %get3A_648 = arith.constant 3 : i32
    %get3A_649 = arith.constant 0 : i32
    %get3A_650 = arith.index_cast %get3A_648 : i32 to index
    %get3A_651 = arith.index_cast %get3A_649 : i32 to index
    %get3A_652 = arith.constant 32 : index
    %get3A_653 = tpu.vector_load %arg5[%get3A_650, %get3A_651, %get3A_652] {strides = array<i32>} : memref<16x1x128xi32, #tpu.memory_space<vmem>>, vector<16xi32>,
    %shift_right_arithmetic3A_654 = arith.constant 14 : i32
    %shift_right_arithmetic3A_655 = vector.broadcast %shift_right_arithmetic3A_654 : i32 to vector<16xi32>
    %shift_right_arithmetic3A_656 = arith.shrsi %get3A_653, %shift_right_arithmetic3A_655 : vector<16xi32>
    %gather3A_657 = tpu.vector_load_idx %arg38[%shift_right_arithmetic3A_656] : memref<16xi32, #tpu.memory_space<vmem>>[vector<16xi32>], vector<16xi32>,
    %add3A_658 = arith.addi %get3A_653, %gather3A_657 : vector<16xi32>
    %swap3A_659 = arith.constant 32 : index
    %swap3A_660 = tpu.vector_load %arg9[%swap3A_659] {strides = array<i32>} : memref<128xi32, #tpu.memory_space<vmem>>, vector<16xi32>,
    tpu.vector_store %arg9[%swap3A_659], %add3A_658 {strides = array<i32>} : memref<128xi32, #tpu.memory_space<vmem>>, vector<16xi32>,
    %iota3A_661 = tpu.iota {dimensions = array<i32: 0>} : vector<16xi32>
    %add3A_662 = arith.constant 384 : i32
    %add3A_663 = arith.addi %mul3A_2, %add3A_662 : i32
    %add3A_664 = arith.constant 32 : i32
    %add3A_665 = arith.addi %add3A_663, %add3A_664 : i32
    %add3A_666 = vector.broadcast %add3A_665 : i32 to vector<16xi32>
    %add3A_667 = arith.addi %iota3A_661, %add3A_666 : vector<16xi32>
    %shift_right_arithmetic3A_668 = arith.constant 2 : i32
    %shift_right_arithmetic3A_669 = vector.broadcast %shift_right_arithmetic3A_668 : i32 to vector<16xi32>
    %shift_right_arithmetic3A_670 = arith.shrsi %add3A_667, %shift_right_arithmetic3A_669 : vector<16xi32>
    %swap3A_671 = arith.constant 32 : index
    %swap3A_672 = tpu.vector_load %arg25[%swap3A_671] {strides = array<i32>} : memref<128xi32, #tpu.memory_space<vmem>>, vector<16xi32>,
    tpu.vector_store %arg25[%swap3A_671], %shift_right_arithmetic3A_670 {strides = array<i32>} : memref<128xi32, #tpu.memory_space<vmem>>, vector<16xi32>,
    %get3A_673 = arith.constant 3 : i32
    %get3A_674 = arith.constant 0 : i32
    %get3A_675 = arith.index_cast %get3A_673 : i32 to index
    %get3A_676 = arith.index_cast %get3A_674 : i32 to index
    %get3A_677 = arith.constant 48 : index
    %get3A_678 = tpu.vector_load %arg5[%get3A_675, %get3A_676, %get3A_677] {strides = array<i32>} : memref<16x1x128xi32, #tpu.memory_space<vmem>>, vector<16xi32>,
    %shift_right_arithmetic3A_679 = arith.constant 14 : i32
    %shift_right_arithmetic3A_680 = vector.broadcast %shift_right_arithmetic3A_679 : i32 to vector<16xi32>
    %shift_right_arithmetic3A_681 = arith.shrsi %get3A_678, %shift_right_arithmetic3A_680 : vector<16xi32>
    %gather3A_682 = tpu.vector_load_idx %arg38[%shift_right_arithmetic3A_681] : memref<16xi32, #tpu.memory_space<vmem>>[vector<16xi32>], vector<16xi32>,
    %add3A_683 = arith.addi %get3A_678, %gather3A_682 : vector<16xi32>
    %swap3A_684 = arith.constant 48 : index
    %swap3A_685 = tpu.vector_load %arg9[%swap3A_684] {strides = array<i32>} : memref<128xi32, #tpu.memory_space<vmem>>, vector<16xi32>,
    tpu.vector_store %arg9[%swap3A_684], %add3A_683 {strides = array<i32>} : memref<128xi32, #tpu.memory_space<vmem>>, vector<16xi32>,
    %iota3A_686 = tpu.iota {dimensions = array<i32: 0>} : vector<16xi32>
    %add3A_687 = arith.constant 384 : i32
    %add3A_688 = arith.addi %mul3A_2, %add3A_687 : i32
    %add3A_689 = arith.constant 48 : i32
    %add3A_690 = arith.addi %add3A_688, %add3A_689 : i32
    %add3A_691 = vector.broadcast %add3A_690 : i32 to vector<16xi32>
    %add3A_692 = arith.addi %iota3A_686, %add3A_691 : vector<16xi32>
    %shift_right_arithmetic3A_693 = arith.constant 2 : i32
    %shift_right_arithmetic3A_694 = vector.broadcast %shift_right_arithmetic3A_693 : i32 to vector<16xi32>
    %shift_right_arithmetic3A_695 = arith.shrsi %add3A_692, %shift_right_arithmetic3A_694 : vector<16xi32>
    %swap3A_696 = arith.constant 48 : index
    %swap3A_697 = tpu.vector_load %arg25[%swap3A_696] {strides = array<i32>} : memref<128xi32, #tpu.memory_space<vmem>>, vector<16xi32>,
    tpu.vector_store %arg25[%swap3A_696], %shift_right_arithmetic3A_695 {strides = array<i32>} : memref<128xi32, #tpu.memory_space<vmem>>, vector<16xi32>,
    %get3A_698 = arith.constant 3 : i32
    %get3A_699 = arith.constant 0 : i32
    %get3A_700 = arith.index_cast %get3A_698 : i32 to index
    %get3A_701 = arith.index_cast %get3A_699 : i32 to index
    %get3A_702 = arith.constant 64 : index
    %get3A_703 = tpu.vector_load %arg5[%get3A_700, %get3A_701, %get3A_702] {strides = array<i32>} : memref<16x1x128xi32, #tpu.memory_space<vmem>>, vector<16xi32>,
    %shift_right_arithmetic3A_704 = arith.constant 14 : i32
    %shift_right_arithmetic3A_705 = vector.broadcast %shift_right_arithmetic3A_704 : i32 to vector<16xi32>
    %shift_right_arithmetic3A_706 = arith.shrsi %get3A_703, %shift_right_arithmetic3A_705 : vector<16xi32>
    %gather3A_707 = tpu.vector_load_idx %arg38[%shift_right_arithmetic3A_706] : memref<16xi32, #tpu.memory_space<vmem>>[vector<16xi32>], vector<16xi32>,
    %add3A_708 = arith.addi %get3A_703, %gather3A_707 : vector<16xi32>
    %swap3A_709 = arith.constant 64 : index
    %swap3A_710 = tpu.vector_load %arg9[%swap3A_709] {strides = array<i32>} : memref<128xi32, #tpu.memory_space<vmem>>, vector<16xi32>,
    tpu.vector_store %arg9[%swap3A_709], %add3A_708 {strides = array<i32>} : memref<128xi32, #tpu.memory_space<vmem>>, vector<16xi32>,
    %iota3A_711 = tpu.iota {dimensions = array<i32: 0>} : vector<16xi32>
    %add3A_712 = arith.constant 384 : i32
    %add3A_713 = arith.addi %mul3A_2, %add3A_712 : i32
    %add3A_714 = arith.constant 64 : i32
    %add3A_715 = arith.addi %add3A_713, %add3A_714 : i32
    %add3A_716 = vector.broadcast %add3A_715 : i32 to vector<16xi32>
    %add3A_717 = arith.addi %iota3A_711, %add3A_716 : vector<16xi32>
    %shift_right_arithmetic3A_718 = arith.constant 2 : i32
    %shift_right_arithmetic3A_719 = vector.broadcast %shift_right_arithmetic3A_718 : i32 to vector<16xi32>
    %shift_right_arithmetic3A_720 = arith.shrsi %add3A_717, %shift_right_arithmetic3A_719 : vector<16xi32>
    %swap3A_721 = arith.constant 64 : index
    %swap3A_722 = tpu.vector_load %arg25[%swap3A_721] {strides = array<i32>} : memref<128xi32, #tpu.memory_space<vmem>>, vector<16xi32>,
    tpu.vector_store %arg25[%swap3A_721], %shift_right_arithmetic3A_720 {strides = array<i32>} : memref<128xi32, #tpu.memory_space<vmem>>, vector<16xi32>,
    %get3A_723 = arith.constant 3 : i32
    %get3A_724 = arith.constant 0 : i32
    %get3A_725 = arith.index_cast %get3A_723 : i32 to index
    %get3A_726 = arith.index_cast %get3A_724 : i32 to index
    %get3A_727 = arith.constant 80 : index
    %get3A_728 = tpu.vector_load %arg5[%get3A_725, %get3A_726, %get3A_727] {strides = array<i32>} : memref<16x1x128xi32, #tpu.memory_space<vmem>>, vector<16xi32>,
    %shift_right_arithmetic3A_729 = arith.constant 14 : i32
    %shift_right_arithmetic3A_730 = vector.broadcast %shift_right_arithmetic3A_729 : i32 to vector<16xi32>
    %shift_right_arithmetic3A_731 = arith.shrsi %get3A_728, %shift_right_arithmetic3A_730 : vector<16xi32>
    %gather3A_732 = tpu.vector_load_idx %arg38[%shift_right_arithmetic3A_731] : memref<16xi32, #tpu.memory_space<vmem>>[vector<16xi32>], vector<16xi32>,
    %add3A_733 = arith.addi %get3A_728, %gather3A_732 : vector<16xi32>
    %swap3A_734 = arith.constant 80 : index
    %swap3A_735 = tpu.vector_load %arg9[%swap3A_734] {strides = array<i32>} : memref<128xi32, #tpu.memory_space<vmem>>, vector<16xi32>,
    tpu.vector_store %arg9[%swap3A_734], %add3A_733 {strides = array<i32>} : memref<128xi32, #tpu.memory_space<vmem>>, vector<16xi32>,
    %iota3A_736 = tpu.iota {dimensions = array<i32: 0>} : vector<16xi32>
    %add3A_737 = arith.constant 384 : i32
    %add3A_738 = arith.addi %mul3A_2, %add3A_737 : i32
    %add3A_739 = arith.constant 80 : i32
    %add3A_740 = arith.addi %add3A_738, %add3A_739 : i32
    %add3A_741 = vector.broadcast %add3A_740 : i32 to vector<16xi32>
    %add3A_742 = arith.addi %iota3A_736, %add3A_741 : vector<16xi32>
    %shift_right_arithmetic3A_743 = arith.constant 2 : i32
    %shift_right_arithmetic3A_744 = vector.broadcast %shift_right_arithmetic3A_743 : i32 to vector<16xi32>
    %shift_right_arithmetic3A_745 = arith.shrsi %add3A_742, %shift_right_arithmetic3A_744 : vector<16xi32>
    %swap3A_746 = arith.constant 80 : index
    %swap3A_747 = tpu.vector_load %arg25[%swap3A_746] {strides = array<i32>} : memref<128xi32, #tpu.memory_space<vmem>>, vector<16xi32>,
    tpu.vector_store %arg25[%swap3A_746], %shift_right_arithmetic3A_745 {strides = array<i32>} : memref<128xi32, #tpu.memory_space<vmem>>, vector<16xi32>,
    %get3A_748 = arith.constant 3 : i32
    %get3A_749 = arith.constant 0 : i32
    %get3A_750 = arith.index_cast %get3A_748 : i32 to index
    %get3A_751 = arith.index_cast %get3A_749 : i32 to index
    %get3A_752 = arith.constant 96 : index
    %get3A_753 = tpu.vector_load %arg5[%get3A_750, %get3A_751, %get3A_752] {strides = array<i32>} : memref<16x1x128xi32, #tpu.memory_space<vmem>>, vector<16xi32>,
    %shift_right_arithmetic3A_754 = arith.constant 14 : i32
    %shift_right_arithmetic3A_755 = vector.broadcast %shift_right_arithmetic3A_754 : i32 to vector<16xi32>
    %shift_right_arithmetic3A_756 = arith.shrsi %get3A_753, %shift_right_arithmetic3A_755 : vector<16xi32>
    %gather3A_757 = tpu.vector_load_idx %arg38[%shift_right_arithmetic3A_756] : memref<16xi32, #tpu.memory_space<vmem>>[vector<16xi32>], vector<16xi32>,
    %add3A_758 = arith.addi %get3A_753, %gather3A_757 : vector<16xi32>
    %swap3A_759 = arith.constant 96 : index
    %swap3A_760 = tpu.vector_load %arg9[%swap3A_759] {strides = array<i32>} : memref<128xi32, #tpu.memory_space<vmem>>, vector<16xi32>,
    tpu.vector_store %arg9[%swap3A_759], %add3A_758 {strides = array<i32>} : memref<128xi32, #tpu.memory_space<vmem>>, vector<16xi32>,
    %iota3A_761 = tpu.iota {dimensions = array<i32: 0>} : vector<16xi32>
    %add3A_762 = arith.constant 384 : i32
    %add3A_763 = arith.addi %mul3A_2, %add3A_762 : i32
    %add3A_764 = arith.constant 96 : i32
    %add3A_765 = arith.addi %add3A_763, %add3A_764 : i32
    %add3A_766 = vector.broadcast %add3A_765 : i32 to vector<16xi32>
    %add3A_767 = arith.addi %iota3A_761, %add3A_766 : vector<16xi32>
    %shift_right_arithmetic3A_768 = arith.constant 2 : i32
    %shift_right_arithmetic3A_769 = vector.broadcast %shift_right_arithmetic3A_768 : i32 to vector<16xi32>
    %shift_right_arithmetic3A_770 = arith.shrsi %add3A_767, %shift_right_arithmetic3A_769 : vector<16xi32>
    %swap3A_771 = arith.constant 96 : index
    %swap3A_772 = tpu.vector_load %arg25[%swap3A_771] {strides = array<i32>} : memref<128xi32, #tpu.memory_space<vmem>>, vector<16xi32>,
    tpu.vector_store %arg25[%swap3A_771], %shift_right_arithmetic3A_770 {strides = array<i32>} : memref<128xi32, #tpu.memory_space<vmem>>, vector<16xi32>,
    %get3A_773 = arith.constant 3 : i32
    %get3A_774 = arith.constant 0 : i32
    %get3A_775 = arith.index_cast %get3A_773 : i32 to index
    %get3A_776 = arith.index_cast %get3A_774 : i32 to index
    %get3A_777 = arith.constant 112 : index
    %get3A_778 = tpu.vector_load %arg5[%get3A_775, %get3A_776, %get3A_777] {strides = array<i32>} : memref<16x1x128xi32, #tpu.memory_space<vmem>>, vector<16xi32>,
    %shift_right_arithmetic3A_779 = arith.constant 14 : i32
    %shift_right_arithmetic3A_780 = vector.broadcast %shift_right_arithmetic3A_779 : i32 to vector<16xi32>
    %shift_right_arithmetic3A_781 = arith.shrsi %get3A_778, %shift_right_arithmetic3A_780 : vector<16xi32>
    %gather3A_782 = tpu.vector_load_idx %arg38[%shift_right_arithmetic3A_781] : memref<16xi32, #tpu.memory_space<vmem>>[vector<16xi32>], vector<16xi32>,
    %add3A_783 = arith.addi %get3A_778, %gather3A_782 : vector<16xi32>
    %swap3A_784 = arith.constant 112 : index
    %swap3A_785 = tpu.vector_load %arg9[%swap3A_784] {strides = array<i32>} : memref<128xi32, #tpu.memory_space<vmem>>, vector<16xi32>,
    tpu.vector_store %arg9[%swap3A_784], %add3A_783 {strides = array<i32>} : memref<128xi32, #tpu.memory_space<vmem>>, vector<16xi32>,
    %iota3A_786 = tpu.iota {dimensions = array<i32: 0>} : vector<16xi32>
    %add3A_787 = arith.constant 384 : i32
    %add3A_788 = arith.addi %mul3A_2, %add3A_787 : i32
    %add3A_789 = arith.constant 112 : i32
    %add3A_790 = arith.addi %add3A_788, %add3A_789 : i32
    %add3A_791 = vector.broadcast %add3A_790 : i32 to vector<16xi32>
    %add3A_792 = arith.addi %iota3A_786, %add3A_791 : vector<16xi32>
    %shift_right_arithmetic3A_793 = arith.constant 2 : i32
    %shift_right_arithmetic3A_794 = vector.broadcast %shift_right_arithmetic3A_793 : i32 to vector<16xi32>
    %shift_right_arithmetic3A_795 = arith.shrsi %add3A_792, %shift_right_arithmetic3A_794 : vector<16xi32>
    %swap3A_796 = arith.constant 112 : index
    %swap3A_797 = tpu.vector_load %arg25[%swap3A_796] {strides = array<i32>} : memref<128xi32, #tpu.memory_space<vmem>>, vector<16xi32>,
    tpu.vector_store %arg25[%swap3A_796], %shift_right_arithmetic3A_795 {strides = array<i32>} : memref<128xi32, #tpu.memory_space<vmem>>, vector<16xi32>,
    %get3A_798 = arith.constant 4 : i32
    %get3A_799 = arith.constant 0 : i32
    %get3A_800 = arith.index_cast %get3A_798 : i32 to index
    %get3A_801 = arith.index_cast %get3A_799 : i32 to index
    %get3A_802 = arith.constant 0 : index
    %get3A_803 = tpu.vector_load %arg5[%get3A_800, %get3A_801, %get3A_802] {strides = array<i32>} : memref<16x1x128xi32, #tpu.memory_space<vmem>>, vector<16xi32>,
    %shift_right_arithmetic3A_804 = arith.constant 14 : i32
    %shift_right_arithmetic3A_805 = vector.broadcast %shift_right_arithmetic3A_804 : i32 to vector<16xi32>
    %shift_right_arithmetic3A_806 = arith.shrsi %get3A_803, %shift_right_arithmetic3A_805 : vector<16xi32>
    %gather3A_807 = tpu.vector_load_idx %arg38[%shift_right_arithmetic3A_806] : memref<16xi32, #tpu.memory_space<vmem>>[vector<16xi32>], vector<16xi32>,
    %add3A_808 = arith.addi %get3A_803, %gather3A_807 : vector<16xi32>
    %swap3A_809 = arith.constant 0 : index
    %swap3A_810 = tpu.vector_load %arg10[%swap3A_809] {strides = array<i32>} : memref<128xi32, #tpu.memory_space<vmem>>, vector<16xi32>,
    tpu.vector_store %arg10[%swap3A_809], %add3A_808 {strides = array<i32>} : memref<128xi32, #tpu.memory_space<vmem>>, vector<16xi32>,
    %iota3A_811 = tpu.iota {dimensions = array<i32: 0>} : vector<16xi32>
    %add3A_812 = arith.constant 512 : i32
    %add3A_813 = arith.addi %mul3A_2, %add3A_812 : i32
    %add3A_814 = arith.constant 0 : i32
    %add3A_815 = arith.addi %add3A_813, %add3A_814 : i32
    %add3A_816 = vector.broadcast %add3A_815 : i32 to vector<16xi32>
    %add3A_817 = arith.addi %iota3A_811, %add3A_816 : vector<16xi32>
    %shift_right_arithmetic3A_818 = arith.constant 2 : i32
    %shift_right_arithmetic3A_819 = vector.broadcast %shift_right_arithmetic3A_818 : i32 to vector<16xi32>
    %shift_right_arithmetic3A_820 = arith.shrsi %add3A_817, %shift_right_arithmetic3A_819 : vector<16xi32>
    %swap3A_821 = arith.constant 0 : index
    %swap3A_822 = tpu.vector_load %arg26[%swap3A_821] {strides = array<i32>} : memref<128xi32, #tpu.memory_space<vmem>>, vector<16xi32>,
    tpu.vector_store %arg26[%swap3A_821], %shift_right_arithmetic3A_820 {strides = array<i32>} : memref<128xi32, #tpu.memory_space<vmem>>, vector<16xi32>,
    %get3A_823 = arith.constant 4 : i32
    %get3A_824 = arith.constant 0 : i32
    %get3A_825 = arith.index_cast %get3A_823 : i32 to index
    %get3A_826 = arith.index_cast %get3A_824 : i32 to index
    %get3A_827 = arith.constant 16 : index
    %get3A_828 = tpu.vector_load %arg5[%get3A_825, %get3A_826, %get3A_827] {strides = array<i32>} : memref<16x1x128xi32, #tpu.memory_space<vmem>>, vector<16xi32>,
    %shift_right_arithmetic3A_829 = arith.constant 14 : i32
    %shift_right_arithmetic3A_830 = vector.broadcast %shift_right_arithmetic3A_829 : i32 to vector<16xi32>
    %shift_right_arithmetic3A_831 = arith.shrsi %get3A_828, %shift_right_arithmetic3A_830 : vector<16xi32>
    %gather3A_832 = tpu.vector_load_idx %arg38[%shift_right_arithmetic3A_831] : memref<16xi32, #tpu.memory_space<vmem>>[vector<16xi32>], vector<16xi32>,
    %add3A_833 = arith.addi %get3A_828, %gather3A_832 : vector<16xi32>
    %swap3A_834 = arith.constant 16 : index
    %swap3A_835 = tpu.vector_load %arg10[%swap3A_834] {strides = array<i32>} : memref<128xi32, #tpu.memory_space<vmem>>, vector<16xi32>,
    tpu.vector_store %arg10[%swap3A_834], %add3A_833 {strides = array<i32>} : memref<128xi32, #tpu.memory_space<vmem>>, vector<16xi32>,
    %iota3A_836 = tpu.iota {dimensions = array<i32: 0>} : vector<16xi32>
    %add3A_837 = arith.constant 512 : i32
    %add3A_838 = arith.addi %mul3A_2, %add3A_837 : i32
    %add3A_839 = arith.constant 16 : i32
    %add3A_840 = arith.addi %add3A_838, %add3A_839 : i32
    %add3A_841 = vector.broadcast %add3A_840 : i32 to vector<16xi32>
    %add3A_842 = arith.addi %iota3A_836, %add3A_841 : vector<16xi32>
    %shift_right_arithmetic3A_843 = arith.constant 2 : i32
    %shift_right_arithmetic3A_844 = vector.broadcast %shift_right_arithmetic3A_843 : i32 to vector<16xi32>
    %shift_right_arithmetic3A_845 = arith.shrsi %add3A_842, %shift_right_arithmetic3A_844 : vector<16xi32>
    %swap3A_846 = arith.constant 16 : index
    %swap3A_847 = tpu.vector_load %arg26[%swap3A_846] {strides = array<i32>} : memref<128xi32, #tpu.memory_space<vmem>>, vector<16xi32>,
    tpu.vector_store %arg26[%swap3A_846], %shift_right_arithmetic3A_845 {strides = array<i32>} : memref<128xi32, #tpu.memory_space<vmem>>, vector<16xi32>,
    %get3A_848 = arith.constant 4 : i32
    %get3A_849 = arith.constant 0 : i32
    %get3A_850 = arith.index_cast %get3A_848 : i32 to index
    %get3A_851 = arith.index_cast %get3A_849 : i32 to index
    %get3A_852 = arith.constant 32 : index
    %get3A_853 = tpu.vector_load %arg5[%get3A_850, %get3A_851, %get3A_852] {strides = array<i32>} : memref<16x1x128xi32, #tpu.memory_space<vmem>>, vector<16xi32>,
    %shift_right_arithmetic3A_854 = arith.constant 14 : i32
    %shift_right_arithmetic3A_855 = vector.broadcast %shift_right_arithmetic3A_854 : i32 to vector<16xi32>
    %shift_right_arithmetic3A_856 = arith.shrsi %get3A_853, %shift_right_arithmetic3A_855 : vector<16xi32>
    %gather3A_857 = tpu.vector_load_idx %arg38[%shift_right_arithmetic3A_856] : memref<16xi32, #tpu.memory_space<vmem>>[vector<16xi32>], vector<16xi32>,
    %add3A_858 = arith.addi %get3A_853, %gather3A_857 : vector<16xi32>
    %swap3A_859 = arith.constant 32 : index
    %swap3A_860 = tpu.vector_load %arg10[%swap3A_859] {strides = array<i32>} : memref<128xi32, #tpu.memory_space<vmem>>, vector<16xi32>,
    tpu.vector_store %arg10[%swap3A_859], %add3A_858 {strides = array<i32>} : memref<128xi32, #tpu.memory_space<vmem>>, vector<16xi32>,
    %iota3A_861 = tpu.iota {dimensions = array<i32: 0>} : vector<16xi32>
    %add3A_862 = arith.constant 512 : i32
    %add3A_863 = arith.addi %mul3A_2, %add3A_862 : i32
    %add3A_864 = arith.constant 32 : i32
    %add3A_865 = arith.addi %add3A_863, %add3A_864 : i32
    %add3A_866 = vector.broadcast %add3A_865 : i32 to vector<16xi32>
    %add3A_867 = arith.addi %iota3A_861, %add3A_866 : vector<16xi32>
    %shift_right_arithmetic3A_868 = arith.constant 2 : i32
    %shift_right_arithmetic3A_869 = vector.broadcast %shift_right_arithmetic3A_868 : i32 to vector<16xi32>
    %shift_right_arithmetic3A_870 = arith.shrsi %add3A_867, %shift_right_arithmetic3A_869 : vector<16xi32>
    %swap3A_871 = arith.constant 32 : index
    %swap3A_872 = tpu.vector_load %arg26[%swap3A_871] {strides = array<i32>} : memref<128xi32, #tpu.memory_space<vmem>>, vector<16xi32>,
    tpu.vector_store %arg26[%swap3A_871], %shift_right_arithmetic3A_870 {strides = array<i32>} : memref<128xi32, #tpu.memory_space<vmem>>, vector<16xi32>,
    %get3A_873 = arith.constant 4 : i32
    %get3A_874 = arith.constant 0 : i32
    %get3A_875 = arith.index_cast %get3A_873 : i32 to index
    %get3A_876 = arith.index_cast %get3A_874 : i32 to index
    %get3A_877 = arith.constant 48 : index
    %get3A_878 = tpu.vector_load %arg5[%get3A_875, %get3A_876, %get3A_877] {strides = array<i32>} : memref<16x1x128xi32, #tpu.memory_space<vmem>>, vector<16xi32>,
    %shift_right_arithmetic3A_879 = arith.constant 14 : i32
    %shift_right_arithmetic3A_880 = vector.broadcast %shift_right_arithmetic3A_879 : i32 to vector<16xi32>
    %shift_right_arithmetic3A_881 = arith.shrsi %get3A_878, %shift_right_arithmetic3A_880 : vector<16xi32>
    %gather3A_882 = tpu.vector_load_idx %arg38[%shift_right_arithmetic3A_881] : memref<16xi32, #tpu.memory_space<vmem>>[vector<16xi32>], vector<16xi32>,
    %add3A_883 = arith.addi %get3A_878, %gather3A_882 : vector<16xi32>
    %swap3A_884 = arith.constant 48 : index
    %swap3A_885 = tpu.vector_load %arg10[%swap3A_884] {strides = array<i32>} : memref<128xi32, #tpu.memory_space<vmem>>, vector<16xi32>,
    tpu.vector_store %arg10[%swap3A_884], %add3A_883 {strides = array<i32>} : memref<128xi32, #tpu.memory_space<vmem>>, vector<16xi32>,
    %iota3A_886 = tpu.iota {dimensions = array<i32: 0>} : vector<16xi32>
    %add3A_887 = arith.constant 512 : i32
    %add3A_888 = arith.addi %mul3A_2, %add3A_887 : i32
    %add3A_889 = arith.constant 48 : i32
    %add3A_890 = arith.addi %add3A_888, %add3A_889 : i32
    %add3A_891 = vector.broadcast %add3A_890 : i32 to vector<16xi32>
    %add3A_892 = arith.addi %iota3A_886, %add3A_891 : vector<16xi32>
    %shift_right_arithmetic3A_893 = arith.constant 2 : i32
    %shift_right_arithmetic3A_894 = vector.broadcast %shift_right_arithmetic3A_893 : i32 to vector<16xi32>
    %shift_right_arithmetic3A_895 = arith.shrsi %add3A_892, %shift_right_arithmetic3A_894 : vector<16xi32>
    %swap3A_896 = arith.constant 48 : index
    %swap3A_897 = tpu.vector_load %arg26[%swap3A_896] {strides = array<i32>} : memref<128xi32, #tpu.memory_space<vmem>>, vector<16xi32>,
    tpu.vector_store %arg26[%swap3A_896], %shift_right_arithmetic3A_895 {strides = array<i32>} : memref<128xi32, #tpu.memory_space<vmem>>, vector<16xi32>,
    %get3A_898 = arith.constant 4 : i32
    %get3A_899 = arith.constant 0 : i32
    %get3A_900 = arith.index_cast %get3A_898 : i32 to index
    %get3A_901 = arith.index_cast %get3A_899 : i32 to index
    %get3A_902 = arith.constant 64 : index
    %get3A_903 = tpu.vector_load %arg5[%get3A_900, %get3A_901, %get3A_902] {strides = array<i32>} : memref<16x1x128xi32, #tpu.memory_space<vmem>>, vector<16xi32>,
    %shift_right_arithmetic3A_904 = arith.constant 14 : i32
    %shift_right_arithmetic3A_905 = vector.broadcast %shift_right_arithmetic3A_904 : i32 to vector<16xi32>
    %shift_right_arithmetic3A_906 = arith.shrsi %get3A_903, %shift_right_arithmetic3A_905 : vector<16xi32>
    %gather3A_907 = tpu.vector_load_idx %arg38[%shift_right_arithmetic3A_906] : memref<16xi32, #tpu.memory_space<vmem>>[vector<16xi32>], vector<16xi32>,
    %add3A_908 = arith.addi %get3A_903, %gather3A_907 : vector<16xi32>
    %swap3A_909 = arith.constant 64 : index
    %swap3A_910 = tpu.vector_load %arg10[%swap3A_909] {strides = array<i32>} : memref<128xi32, #tpu.memory_space<vmem>>, vector<16xi32>,
    tpu.vector_store %arg10[%swap3A_909], %add3A_908 {strides = array<i32>} : memref<128xi32, #tpu.memory_space<vmem>>, vector<16xi32>,
    %iota3A_911 = tpu.iota {dimensions = array<i32: 0>} : vector<16xi32>
    %add3A_912 = arith.constant 512 : i32
    %add3A_913 = arith.addi %mul3A_2, %add3A_912 : i32
    %add3A_914 = arith.constant 64 : i32
    %add3A_915 = arith.addi %add3A_913, %add3A_914 : i32
    %add3A_916 = vector.broadcast %add3A_915 : i32 to vector<16xi32>
    %add3A_917 = arith.addi %iota3A_911, %add3A_916 : vector<16xi32>
    %shift_right_arithmetic3A_918 = arith.constant 2 : i32
    %shift_right_arithmetic3A_919 = vector.broadcast %shift_right_arithmetic3A_918 : i32 to vector<16xi32>
    %shift_right_arithmetic3A_920 = arith.shrsi %add3A_917, %shift_right_arithmetic3A_919 : vector<16xi32>
    %swap3A_921 = arith.constant 64 : index
    %swap3A_922 = tpu.vector_load %arg26[%swap3A_921] {strides = array<i32>} : memref<128xi32, #tpu.memory_space<vmem>>, vector<16xi32>,
    tpu.vector_store %arg26[%swap3A_921], %shift_right_arithmetic3A_920 {strides = array<i32>} : memref<128xi32, #tpu.memory_space<vmem>>, vector<16xi32>,
    %get3A_923 = arith.constant 4 : i32
    %get3A_924 = arith.constant 0 : i32
    %get3A_925 = arith.index_cast %get3A_923 : i32 to index
    %get3A_926 = arith.index_cast %get3A_924 : i32 to index
    %get3A_927 = arith.constant 80 : index
    %get3A_928 = tpu.vector_load %arg5[%get3A_925, %get3A_926, %get3A_927] {strides = array<i32>} : memref<16x1x128xi32, #tpu.memory_space<vmem>>, vector<16xi32>,
    %shift_right_arithmetic3A_929 = arith.constant 14 : i32
    %shift_right_arithmetic3A_930 = vector.broadcast %shift_right_arithmetic3A_929 : i32 to vector<16xi32>
    %shift_right_arithmetic3A_931 = arith.shrsi %get3A_928, %shift_right_arithmetic3A_930 : vector<16xi32>
    %gather3A_932 = tpu.vector_load_idx %arg38[%shift_right_arithmetic3A_931] : memref<16xi32, #tpu.memory_space<vmem>>[vector<16xi32>], vector<16xi32>,
    %add3A_933 = arith.addi %get3A_928, %gather3A_932 : vector<16xi32>
    %swap3A_934 = arith.constant 80 : index
    %swap3A_935 = tpu.vector_load %arg10[%swap3A_934] {strides = array<i32>} : memref<128xi32, #tpu.memory_space<vmem>>, vector<16xi32>,
    tpu.vector_store %arg10[%swap3A_934], %add3A_933 {strides = array<i32>} : memref<128xi32, #tpu.memory_space<vmem>>, vector<16xi32>,
    %iota3A_936 = tpu.iota {dimensions = array<i32: 0>} : vector<16xi32>
    %add3A_937 = arith.constant 512 : i32
    %add3A_938 = arith.addi %mul3A_2, %add3A_937 : i32
    %add3A_939 = arith.constant 80 : i32
    %add3A_940 = arith.addi %add3A_938, %add3A_939 : i32
    %add3A_941 = vector.broadcast %add3A_940 : i32 to vector<16xi32>
    %add3A_942 = arith.addi %iota3A_936, %add3A_941 : vector<16xi32>
    %shift_right_arithmetic3A_943 = arith.constant 2 : i32
    %shift_right_arithmetic3A_944 = vector.broadcast %shift_right_arithmetic3A_943 : i32 to vector<16xi32>
    %shift_right_arithmetic3A_945 = arith.shrsi %add3A_942, %shift_right_arithmetic3A_944 : vector<16xi32>
    %swap3A_946 = arith.constant 80 : index
    %swap3A_947 = tpu.vector_load %arg26[%swap3A_946] {strides = array<i32>} : memref<128xi32, #tpu.memory_space<vmem>>, vector<16xi32>,
    tpu.vector_store %arg26[%swap3A_946], %shift_right_arithmetic3A_945 {strides = array<i32>} : memref<128xi32, #tpu.memory_space<vmem>>, vector<16xi32>,
    %get3A_948 = arith.constant 4 : i32
    %get3A_949 = arith.constant 0 : i32
    %get3A_950 = arith.index_cast %get3A_948 : i32 to index
    %get3A_951 = arith.index_cast %get3A_949 : i32 to index
    %get3A_952 = arith.constant 96 : index
    %get3A_953 = tpu.vector_load %arg5[%get3A_950, %get3A_951, %get3A_952] {strides = array<i32>} : memref<16x1x128xi32, #tpu.memory_space<vmem>>, vector<16xi32>,
    %shift_right_arithmetic3A_954 = arith.constant 14 : i32
    %shift_right_arithmetic3A_955 = vector.broadcast %shift_right_arithmetic3A_954 : i32 to vector<16xi32>
    %shift_right_arithmetic3A_956 = arith.shrsi %get3A_953, %shift_right_arithmetic3A_955 : vector<16xi32>
    %gather3A_957 = tpu.vector_load_idx %arg38[%shift_right_arithmetic3A_956] : memref<16xi32, #tpu.memory_space<vmem>>[vector<16xi32>], vector<16xi32>,
    %add3A_958 = arith.addi %get3A_953, %gather3A_957 : vector<16xi32>
    %swap3A_959 = arith.constant 96 : index
    %swap3A_960 = tpu.vector_load %arg10[%swap3A_959] {strides = array<i32>} : memref<128xi32, #tpu.memory_space<vmem>>, vector<16xi32>,
    tpu.vector_store %arg10[%swap3A_959], %add3A_958 {strides = array<i32>} : memref<128xi32, #tpu.memory_space<vmem>>, vector<16xi32>,
    %iota3A_961 = tpu.iota {dimensions = array<i32: 0>} : vector<16xi32>
    %add3A_962 = arith.constant 512 : i32
    %add3A_963 = arith.addi %mul3A_2, %add3A_962 : i32
    %add3A_964 = arith.constant 96 : i32
    %add3A_965 = arith.addi %add3A_963, %add3A_964 : i32
    %add3A_966 = vector.broadcast %add3A_965 : i32 to vector<16xi32>
    %add3A_967 = arith.addi %iota3A_961, %add3A_966 : vector<16xi32>
    %shift_right_arithmetic3A_968 = arith.constant 2 : i32
    %shift_right_arithmetic3A_969 = vector.broadcast %shift_right_arithmetic3A_968 : i32 to vector<16xi32>
    %shift_right_arithmetic3A_970 = arith.shrsi %add3A_967, %shift_right_arithmetic3A_969 : vector<16xi32>
    %swap3A_971 = arith.constant 96 : index
    %swap3A_972 = tpu.vector_load %arg26[%swap3A_971] {strides = array<i32>} : memref<128xi32, #tpu.memory_space<vmem>>, vector<16xi32>,
    tpu.vector_store %arg26[%swap3A_971], %shift_right_arithmetic3A_970 {strides = array<i32>} : memref<128xi32, #tpu.memory_space<vmem>>, vector<16xi32>,
    %get3A_973 = arith.constant 4 : i32
    %get3A_974 = arith.constant 0 : i32
    %get3A_975 = arith.index_cast %get3A_973 : i32 to index
    %get3A_976 = arith.index_cast %get3A_974 : i32 to index
    %get3A_977 = arith.constant 112 : index
    %get3A_978 = tpu.vector_load %arg5[%get3A_975, %get3A_976, %get3A_977] {strides = array<i32>} : memref<16x1x128xi32, #tpu.memory_space<vmem>>, vector<16xi32>,
    %shift_right_arithmetic3A_979 = arith.constant 14 : i32
    %shift_right_arithmetic3A_980 = vector.broadcast %shift_right_arithmetic3A_979 : i32 to vector<16xi32>
    %shift_right_arithmetic3A_981 = arith.shrsi %get3A_978, %shift_right_arithmetic3A_980 : vector<16xi32>
    %gather3A_982 = tpu.vector_load_idx %arg38[%shift_right_arithmetic3A_981] : memref<16xi32, #tpu.memory_space<vmem>>[vector<16xi32>], vector<16xi32>,
    %add3A_983 = arith.addi %get3A_978, %gather3A_982 : vector<16xi32>
    %swap3A_984 = arith.constant 112 : index
    %swap3A_985 = tpu.vector_load %arg10[%swap3A_984] {strides = array<i32>} : memref<128xi32, #tpu.memory_space<vmem>>, vector<16xi32>,
    tpu.vector_store %arg10[%swap3A_984], %add3A_983 {strides = array<i32>} : memref<128xi32, #tpu.memory_space<vmem>>, vector<16xi32>,
    %iota3A_986 = tpu.iota {dimensions = array<i32: 0>} : vector<16xi32>
    %add3A_987 = arith.constant 512 : i32
    %add3A_988 = arith.addi %mul3A_2, %add3A_987 : i32
    %add3A_989 = arith.constant 112 : i32
    %add3A_990 = arith.addi %add3A_988, %add3A_989 : i32
    %add3A_991 = vector.broadcast %add3A_990 : i32 to vector<16xi32>
    %add3A_992 = arith.addi %iota3A_986, %add3A_991 : vector<16xi32>
    %shift_right_arithmetic3A_993 = arith.constant 2 : i32
    %shift_right_arithmetic3A_994 = vector.broadcast %shift_right_arithmetic3A_993 : i32 to vector<16xi32>
    %shift_right_arithmetic3A_995 = arith.shrsi %add3A_992, %shift_right_arithmetic3A_994 : vector<16xi32>
    %swap3A_996 = arith.constant 112 : index
    %swap3A_997 = tpu.vector_load %arg26[%swap3A_996] {strides = array<i32>} : memref<128xi32, #tpu.memory_space<vmem>>, vector<16xi32>,
    tpu.vector_store %arg26[%swap3A_996], %shift_right_arithmetic3A_995 {strides = array<i32>} : memref<128xi32, #tpu.memory_space<vmem>>, vector<16xi32>,
    %get3A_998 = arith.constant 5 : i32
    %get3A_999 = arith.constant 0 : i32
    %get3A_1000 = arith.index_cast %get3A_998 : i32 to index
    %get3A_1001 = arith.index_cast %get3A_999 : i32 to index
    %get3A_1002 = arith.constant 0 : index
    %get3A_1003 = tpu.vector_load %arg5[%get3A_1000, %get3A_1001, %get3A_1002] {strides = array<i32>} : memref<16x1x128xi32, #tpu.memory_space<vmem>>, vector<16xi32>,
    %shift_right_arithmetic3A_1004 = arith.constant 14 : i32
    %shift_right_arithmetic3A_1005 = vector.broadcast %shift_right_arithmetic3A_1004 : i32 to vector<16xi32>
    %shift_right_arithmetic3A_1006 = arith.shrsi %get3A_1003, %shift_right_arithmetic3A_1005 : vector<16xi32>
    %gather3A_1007 = tpu.vector_load_idx %arg38[%shift_right_arithmetic3A_1006] : memref<16xi32, #tpu.memory_space<vmem>>[vector<16xi32>], vector<16xi32>,
    %add3A_1008 = arith.addi %get3A_1003, %gather3A_1007 : vector<16xi32>
    %swap3A_1009 = arith.constant 0 : index
    %swap3A_1010 = tpu.vector_load %arg11[%swap3A_1009] {strides = array<i32>} : memref<128xi32, #tpu.memory_space<vmem>>, vector<16xi32>,
    tpu.vector_store %arg11[%swap3A_1009], %add3A_1008 {strides = array<i32>} : memref<128xi32, #tpu.memory_space<vmem>>, vector<16xi32>,
    %iota3A_1011 = tpu.iota {dimensions = array<i32: 0>} : vector<16xi32>
    %add3A_1012 = arith.constant 640 : i32
    %add3A_1013 = arith.addi %mul3A_2, %add3A_1012 : i32
    %add3A_1014 = arith.constant 0 : i32
    %add3A_1015 = arith.addi %add3A_1013, %add3A_1014 : i32
    %add3A_1016 = vector.broadcast %add3A_1015 : i32 to vector<16xi32>
    %add3A_1017 = arith.addi %iota3A_1011, %add3A_1016 : vector<16xi32>
    %shift_right_arithmetic3A_1018 = arith.constant 2 : i32
    %shift_right_arithmetic3A_1019 = vector.broadcast %shift_right_arithmetic3A_1018 : i32 to vector<16xi32>
    %shift_right_arithmetic3A_1020 = arith.shrsi %add3A_1017, %shift_right_arithmetic3A_1019 : vector<16xi32>
    %swap3A_1021 = arith.constant 0 : index
    %swap3A_1022 = tpu.vector_load %arg27[%swap3A_1021] {strides = array<i32>} : memref<128xi32, #tpu.memory_space<vmem>>, vector<16xi32>,
    tpu.vector_store %arg27[%swap3A_1021], %shift_right_arithmetic3A_1020 {strides = array<i32>} : memref<128xi32, #tpu.memory_space<vmem>>, vector<16xi32>,
    %get3A_1023 = arith.constant 5 : i32
    %get3A_1024 = arith.constant 0 : i32
    %get3A_1025 = arith.index_cast %get3A_1023 : i32 to index
    %get3A_1026 = arith.index_cast %get3A_1024 : i32 to index
    %get3A_1027 = arith.constant 16 : index
    %get3A_1028 = tpu.vector_load %arg5[%get3A_1025, %get3A_1026, %get3A_1027] {strides = array<i32>} : memref<16x1x128xi32, #tpu.memory_space<vmem>>, vector<16xi32>,
    %shift_right_arithmetic3A_1029 = arith.constant 14 : i32
    %shift_right_arithmetic3A_1030 = vector.broadcast %shift_right_arithmetic3A_1029 : i32 to vector<16xi32>
    %shift_right_arithmetic3A_1031 = arith.shrsi %get3A_1028, %shift_right_arithmetic3A_1030 : vector<16xi32>
    %gather3A_1032 = tpu.vector_load_idx %arg38[%shift_right_arithmetic3A_1031] : memref<16xi32, #tpu.memory_space<vmem>>[vector<16xi32>], vector<16xi32>,
    %add3A_1033 = arith.addi %get3A_1028, %gather3A_1032 : vector<16xi32>
    %swap3A_1034 = arith.constant 16 : index
    %swap3A_1035 = tpu.vector_load %arg11[%swap3A_1034] {strides = array<i32>} : memref<128xi32, #tpu.memory_space<vmem>>, vector<16xi32>,
    tpu.vector_store %arg11[%swap3A_1034], %add3A_1033 {strides = array<i32>} : memref<128xi32, #tpu.memory_space<vmem>>, vector<16xi32>,
    %iota3A_1036 = tpu.iota {dimensions = array<i32: 0>} : vector<16xi32>
    %add3A_1037 = arith.constant 640 : i32
    %add3A_1038 = arith.addi %mul3A_2, %add3A_1037 : i32
    %add3A_1039 = arith.constant 16 : i32
    %add3A_1040 = arith.addi %add3A_1038, %add3A_1039 : i32
    %add3A_1041 = vector.broadcast %add3A_1040 : i32 to vector<16xi32>
    %add3A_1042 = arith.addi %iota3A_1036, %add3A_1041 : vector<16xi32>
    %shift_right_arithmetic3A_1043 = arith.constant 2 : i32
    %shift_right_arithmetic3A_1044 = vector.broadcast %shift_right_arithmetic3A_1043 : i32 to vector<16xi32>
    %shift_right_arithmetic3A_1045 = arith.shrsi %add3A_1042, %shift_right_arithmetic3A_1044 : vector<16xi32>
    %swap3A_1046 = arith.constant 16 : index
    %swap3A_1047 = tpu.vector_load %arg27[%swap3A_1046] {strides = array<i32>} : memref<128xi32, #tpu.memory_space<vmem>>, vector<16xi32>,
    tpu.vector_store %arg27[%swap3A_1046], %shift_right_arithmetic3A_1045 {strides = array<i32>} : memref<128xi32, #tpu.memory_space<vmem>>, vector<16xi32>,
    %get3A_1048 = arith.constant 5 : i32
    %get3A_1049 = arith.constant 0 : i32
    %get3A_1050 = arith.index_cast %get3A_1048 : i32 to index
    %get3A_1051 = arith.index_cast %get3A_1049 : i32 to index
    %get3A_1052 = arith.constant 32 : index
    %get3A_1053 = tpu.vector_load %arg5[%get3A_1050, %get3A_1051, %get3A_1052] {strides = array<i32>} : memref<16x1x128xi32, #tpu.memory_space<vmem>>, vector<16xi32>,
    %shift_right_arithmetic3A_1054 = arith.constant 14 : i32
    %shift_right_arithmetic3A_1055 = vector.broadcast %shift_right_arithmetic3A_1054 : i32 to vector<16xi32>
    %shift_right_arithmetic3A_1056 = arith.shrsi %get3A_1053, %shift_right_arithmetic3A_1055 : vector<16xi32>
    %gather3A_1057 = tpu.vector_load_idx %arg38[%shift_right_arithmetic3A_1056] : memref<16xi32, #tpu.memory_space<vmem>>[vector<16xi32>], vector<16xi32>,
    %add3A_1058 = arith.addi %get3A_1053, %gather3A_1057 : vector<16xi32>
    %swap3A_1059 = arith.constant 32 : index
    %swap3A_1060 = tpu.vector_load %arg11[%swap3A_1059] {strides = array<i32>} : memref<128xi32, #tpu.memory_space<vmem>>, vector<16xi32>,
    tpu.vector_store %arg11[%swap3A_1059], %add3A_1058 {strides = array<i32>} : memref<128xi32, #tpu.memory_space<vmem>>, vector<16xi32>,
    %iota3A_1061 = tpu.iota {dimensions = array<i32: 0>} : vector<16xi32>
    %add3A_1062 = arith.constant 640 : i32
    %add3A_1063 = arith.addi %mul3A_2, %add3A_1062 : i32
    %add3A_1064 = arith.constant 32 : i32
    %add3A_1065 = arith.addi %add3A_1063, %add3A_1064 : i32
    %add3A_1066 = vector.broadcast %add3A_1065 : i32 to vector<16xi32>
    %add3A_1067 = arith.addi %iota3A_1061, %add3A_1066 : vector<16xi32>
    %shift_right_arithmetic3A_1068 = arith.constant 2 : i32
    %shift_right_arithmetic3A_1069 = vector.broadcast %shift_right_arithmetic3A_1068 : i32 to vector<16xi32>
    %shift_right_arithmetic3A_1070 = arith.shrsi %add3A_1067, %shift_right_arithmetic3A_1069 : vector<16xi32>
    %swap3A_1071 = arith.constant 32 : index
    %swap3A_1072 = tpu.vector_load %arg27[%swap3A_1071] {strides = array<i32>} : memref<128xi32, #tpu.memory_space<vmem>>, vector<16xi32>,
    tpu.vector_store %arg27[%swap3A_1071], %shift_right_arithmetic3A_1070 {strides = array<i32>} : memref<128xi32, #tpu.memory_space<vmem>>, vector<16xi32>,
    %get3A_1073 = arith.constant 5 : i32
    %get3A_1074 = arith.constant 0 : i32
    %get3A_1075 = arith.index_cast %get3A_1073 : i32 to index
    %get3A_1076 = arith.index_cast %get3A_1074 : i32 to index
    %get3A_1077 = arith.constant 48 : index
    %get3A_1078 = tpu.vector_load %arg5[%get3A_1075, %get3A_1076, %get3A_1077] {strides = array<i32>} : memref<16x1x128xi32, #tpu.memory_space<vmem>>, vector<16xi32>,
    %shift_right_arithmetic3A_1079 = arith.constant 14 : i32
    %shift_right_arithmetic3A_1080 = vector.broadcast %shift_right_arithmetic3A_1079 : i32 to vector<16xi32>
    %shift_right_arithmetic3A_1081 = arith.shrsi %get3A_1078, %shift_right_arithmetic3A_1080 : vector<16xi32>
    %gather3A_1082 = tpu.vector_load_idx %arg38[%shift_right_arithmetic3A_1081] : memref<16xi32, #tpu.memory_space<vmem>>[vector<16xi32>], vector<16xi32>,
    %add3A_1083 = arith.addi %get3A_1078, %gather3A_1082 : vector<16xi32>
    %swap3A_1084 = arith.constant 48 : index
    %swap3A_1085 = tpu.vector_load %arg11[%swap3A_1084] {strides = array<i32>} : memref<128xi32, #tpu.memory_space<vmem>>, vector<16xi32>,
    tpu.vector_store %arg11[%swap3A_1084], %add3A_1083 {strides = array<i32>} : memref<128xi32, #tpu.memory_space<vmem>>, vector<16xi32>,
    %iota3A_1086 = tpu.iota {dimensions = array<i32: 0>} : vector<16xi32>
    %add3A_1087 = arith.constant 640 : i32
    %add3A_1088 = arith.addi %mul3A_2, %add3A_1087 : i32
    %add3A_1089 = arith.constant 48 : i32
    %add3A_1090 = arith.addi %add3A_1088, %add3A_1089 : i32
    %add3A_1091 = vector.broadcast %add3A_1090 : i32 to vector<16xi32>
    %add3A_1092 = arith.addi %iota3A_1086, %add3A_1091 : vector<16xi32>
    %shift_right_arithmetic3A_1093 = arith.constant 2 : i32
    %shift_right_arithmetic3A_1094 = vector.broadcast %shift_right_arithmetic3A_1093 : i32 to vector<16xi32>
    %shift_right_arithmetic3A_1095 = arith.shrsi %add3A_1092, %shift_right_arithmetic3A_1094 : vector<16xi32>
    %swap3A_1096 = arith.constant 48 : index
    %swap3A_1097 = tpu.vector_load %arg27[%swap3A_1096] {strides = array<i32>} : memref<128xi32, #tpu.memory_space<vmem>>, vector<16xi32>,
    tpu.vector_store %arg27[%swap3A_1096], %shift_right_arithmetic3A_1095 {strides = array<i32>} : memref<128xi32, #tpu.memory_space<vmem>>, vector<16xi32>,
    %get3A_1098 = arith.constant 5 : i32
    %get3A_1099 = arith.constant 0 : i32
    %get3A_1100 = arith.index_cast %get3A_1098 : i32 to index
    %get3A_1101 = arith.index_cast %get3A_1099 : i32 to index
    %get3A_1102 = arith.constant 64 : index
    %get3A_1103 = tpu.vector_load %arg5[%get3A_1100, %get3A_1101, %get3A_1102] {strides = array<i32>} : memref<16x1x128xi32, #tpu.memory_space<vmem>>, vector<16xi32>,
    %shift_right_arithmetic3A_1104 = arith.constant 14 : i32
    %shift_right_arithmetic3A_1105 = vector.broadcast %shift_right_arithmetic3A_1104 : i32 to vector<16xi32>
    %shift_right_arithmetic3A_1106 = arith.shrsi %get3A_1103, %shift_right_arithmetic3A_1105 : vector<16xi32>
    %gather3A_1107 = tpu.vector_load_idx %arg38[%shift_right_arithmetic3A_1106] : memref<16xi32, #tpu.memory_space<vmem>>[vector<16xi32>], vector<16xi32>,
    %add3A_1108 = arith.addi %get3A_1103, %gather3A_1107 : vector<16xi32>
    %swap3A_1109 = arith.constant 64 : index
    %swap3A_1110 = tpu.vector_load %arg11[%swap3A_1109] {strides = array<i32>} : memref<128xi32, #tpu.memory_space<vmem>>, vector<16xi32>,
    tpu.vector_store %arg11[%swap3A_1109], %add3A_1108 {strides = array<i32>} : memref<128xi32, #tpu.memory_space<vmem>>, vector<16xi32>,
    %iota3A_1111 = tpu.iota {dimensions = array<i32: 0>} : vector<16xi32>
    %add3A_1112 = arith.constant 640 : i32
    %add3A_1113 = arith.addi %mul3A_2, %add3A_1112 : i32
    %add3A_1114 = arith.constant 64 : i32
    %add3A_1115 = arith.addi %add3A_1113, %add3A_1114 : i32
    %add3A_1116 = vector.broadcast %add3A_1115 : i32 to vector<16xi32>
    %add3A_1117 = arith.addi %iota3A_1111, %add3A_1116 : vector<16xi32>
    %shift_right_arithmetic3A_1118 = arith.constant 2 : i32
    %shift_right_arithmetic3A_1119 = vector.broadcast %shift_right_arithmetic3A_1118 : i32 to vector<16xi32>
    %shift_right_arithmetic3A_1120 = arith.shrsi %add3A_1117, %shift_right_arithmetic3A_1119 : vector<16xi32>
    %swap3A_1121 = arith.constant 64 : index
    %swap3A_1122 = tpu.vector_load %arg27[%swap3A_1121] {strides = array<i32>} : memref<128xi32, #tpu.memory_space<vmem>>, vector<16xi32>,
    tpu.vector_store %arg27[%swap3A_1121], %shift_right_arithmetic3A_1120 {strides = array<i32>} : memref<128xi32, #tpu.memory_space<vmem>>, vector<16xi32>,
    %get3A_1123 = arith.constant 5 : i32
    %get3A_1124 = arith.constant 0 : i32
    %get3A_1125 = arith.index_cast %get3A_1123 : i32 to index
    %get3A_1126 = arith.index_cast %get3A_1124 : i32 to index
    %get3A_1127 = arith.constant 80 : index
    %get3A_1128 = tpu.vector_load %arg5[%get3A_1125, %get3A_1126, %get3A_1127] {strides = array<i32>} : memref<16x1x128xi32, #tpu.memory_space<vmem>>, vector<16xi32>,
    %shift_right_arithmetic3A_1129 = arith.constant 14 : i32
    %shift_right_arithmetic3A_1130 = vector.broadcast %shift_right_arithmetic3A_1129 : i32 to vector<16xi32>
    %shift_right_arithmetic3A_1131 = arith.shrsi %get3A_1128, %shift_right_arithmetic3A_1130 : vector<16xi32>
    %gather3A_1132 = tpu.vector_load_idx %arg38[%shift_right_arithmetic3A_1131] : memref<16xi32, #tpu.memory_space<vmem>>[vector<16xi32>], vector<16xi32>,
    %add3A_1133 = arith.addi %get3A_1128, %gather3A_1132 : vector<16xi32>
    %swap3A_1134 = arith.constant 80 : index
    %swap3A_1135 = tpu.vector_load %arg11[%swap3A_1134] {strides = array<i32>} : memref<128xi32, #tpu.memory_space<vmem>>, vector<16xi32>,
    tpu.vector_store %arg11[%swap3A_1134], %add3A_1133 {strides = array<i32>} : memref<128xi32, #tpu.memory_space<vmem>>, vector<16xi32>,
    %iota3A_1136 = tpu.iota {dimensions = array<i32: 0>} : vector<16xi32>
    %add3A_1137 = arith.constant 640 : i32
    %add3A_1138 = arith.addi %mul3A_2, %add3A_1137 : i32
    %add3A_1139 = arith.constant 80 : i32
    %add3A_1140 = arith.addi %add3A_1138, %add3A_1139 : i32
    %add3A_1141 = vector.broadcast %add3A_1140 : i32 to vector<16xi32>
    %add3A_1142 = arith.addi %iota3A_1136, %add3A_1141 : vector<16xi32>
    %shift_right_arithmetic3A_1143 = arith.constant 2 : i32
    %shift_right_arithmetic3A_1144 = vector.broadcast %shift_right_arithmetic3A_1143 : i32 to vector<16xi32>
    %shift_right_arithmetic3A_1145 = arith.shrsi %add3A_1142, %shift_right_arithmetic3A_1144 : vector<16xi32>
    %swap3A_1146 = arith.constant 80 : index
    %swap3A_1147 = tpu.vector_load %arg27[%swap3A_1146] {strides = array<i32>} : memref<128xi32, #tpu.memory_space<vmem>>, vector<16xi32>,
    tpu.vector_store %arg27[%swap3A_1146], %shift_right_arithmetic3A_1145 {strides = array<i32>} : memref<128xi32, #tpu.memory_space<vmem>>, vector<16xi32>,
    %get3A_1148 = arith.constant 5 : i32
    %get3A_1149 = arith.constant 0 : i32
    %get3A_1150 = arith.index_cast %get3A_1148 : i32 to index
    %get3A_1151 = arith.index_cast %get3A_1149 : i32 to index
    %get3A_1152 = arith.constant 96 : index
    %get3A_1153 = tpu.vector_load %arg5[%get3A_1150, %get3A_1151, %get3A_1152] {strides = array<i32>} : memref<16x1x128xi32, #tpu.memory_space<vmem>>, vector<16xi32>,
    %shift_right_arithmetic3A_1154 = arith.constant 14 : i32
    %shift_right_arithmetic3A_1155 = vector.broadcast %shift_right_arithmetic3A_1154 : i32 to vector<16xi32>
    %shift_right_arithmetic3A_1156 = arith.shrsi %get3A_1153, %shift_right_arithmetic3A_1155 : vector<16xi32>
    %gather3A_1157 = tpu.vector_load_idx %arg38[%shift_right_arithmetic3A_1156] : memref<16xi32, #tpu.memory_space<vmem>>[vector<16xi32>], vector<16xi32>,
    %add3A_1158 = arith.addi %get3A_1153, %gather3A_1157 : vector<16xi32>
    %swap3A_1159 = arith.constant 96 : index
    %swap3A_1160 = tpu.vector_load %arg11[%swap3A_1159] {strides = array<i32>} : memref<128xi32, #tpu.memory_space<vmem>>, vector<16xi32>,
    tpu.vector_store %arg11[%swap3A_1159], %add3A_1158 {strides = array<i32>} : memref<128xi32, #tpu.memory_space<vmem>>, vector<16xi32>,
    %iota3A_1161 = tpu.iota {dimensions = array<i32: 0>} : vector<16xi32>
    %add3A_1162 = arith.constant 640 : i32
    %add3A_1163 = arith.addi %mul3A_2, %add3A_1162 : i32
    %add3A_1164 = arith.constant 96 : i32
    %add3A_1165 = arith.addi %add3A_1163, %add3A_1164 : i32
    %add3A_1166 = vector.broadcast %add3A_1165 : i32 to vector<16xi32>
    %add3A_1167 = arith.addi %iota3A_1161, %add3A_1166 : vector<16xi32>
    %shift_right_arithmetic3A_1168 = arith.constant 2 : i32
    %shift_right_arithmetic3A_1169 = vector.broadcast %shift_right_arithmetic3A_1168 : i32 to vector<16xi32>
    %shift_right_arithmetic3A_1170 = arith.shrsi %add3A_1167, %shift_right_arithmetic3A_1169 : vector<16xi32>
    %swap3A_1171 = arith.constant 96 : index
    %swap3A_1172 = tpu.vector_load %arg27[%swap3A_1171] {strides = array<i32>} : memref<128xi32, #tpu.memory_space<vmem>>, vector<16xi32>,
    tpu.vector_store %arg27[%swap3A_1171], %shift_right_arithmetic3A_1170 {strides = array<i32>} : memref<128xi32, #tpu.memory_space<vmem>>, vector<16xi32>,
    %get3A_1173 = arith.constant 5 : i32
    %get3A_1174 = arith.constant 0 : i32
    %get3A_1175 = arith.index_cast %get3A_1173 : i32 to index
    %get3A_1176 = arith.index_cast %get3A_1174 : i32 to index
    %get3A_1177 = arith.constant 112 : index
    %get3A_1178 = tpu.vector_load %arg5[%get3A_1175, %get3A_1176, %get3A_1177] {strides = array<i32>} : memref<16x1x128xi32, #tpu.memory_space<vmem>>, vector<16xi32>,
    %shift_right_arithmetic3A_1179 = arith.constant 14 : i32
    %shift_right_arithmetic3A_1180 = vector.broadcast %shift_right_arithmetic3A_1179 : i32 to vector<16xi32>
    %shift_right_arithmetic3A_1181 = arith.shrsi %get3A_1178, %shift_right_arithmetic3A_1180 : vector<16xi32>
    %gather3A_1182 = tpu.vector_load_idx %arg38[%shift_right_arithmetic3A_1181] : memref<16xi32, #tpu.memory_space<vmem>>[vector<16xi32>], vector<16xi32>,
    %add3A_1183 = arith.addi %get3A_1178, %gather3A_1182 : vector<16xi32>
    %swap3A_1184 = arith.constant 112 : index
    %swap3A_1185 = tpu.vector_load %arg11[%swap3A_1184] {strides = array<i32>} : memref<128xi32, #tpu.memory_space<vmem>>, vector<16xi32>,
    tpu.vector_store %arg11[%swap3A_1184], %add3A_1183 {strides = array<i32>} : memref<128xi32, #tpu.memory_space<vmem>>, vector<16xi32>,
    %iota3A_1186 = tpu.iota {dimensions = array<i32: 0>} : vector<16xi32>
    %add3A_1187 = arith.constant 640 : i32
    %add3A_1188 = arith.addi %mul3A_2, %add3A_1187 : i32
    %add3A_1189 = arith.constant 112 : i32
    %add3A_1190 = arith.addi %add3A_1188, %add3A_1189 : i32
    %add3A_1191 = vector.broadcast %add3A_1190 : i32 to vector<16xi32>
    %add3A_1192 = arith.addi %iota3A_1186, %add3A_1191 : vector<16xi32>
    %shift_right_arithmetic3A_1193 = arith.constant 2 : i32
    %shift_right_arithmetic3A_1194 = vector.broadcast %shift_right_arithmetic3A_1193 : i32 to vector<16xi32>
    %shift_right_arithmetic3A_1195 = arith.shrsi %add3A_1192, %shift_right_arithmetic3A_1194 : vector<16xi32>
    %swap3A_1196 = arith.constant 112 : index
    %swap3A_1197 = tpu.vector_load %arg27[%swap3A_1196] {strides = array<i32>} : memref<128xi32, #tpu.memory_space<vmem>>, vector<16xi32>,
    tpu.vector_store %arg27[%swap3A_1196], %shift_right_arithmetic3A_1195 {strides = array<i32>} : memref<128xi32, #tpu.memory_space<vmem>>, vector<16xi32>,
    %get3A_1198 = arith.constant 6 : i32
    %get3A_1199 = arith.constant 0 : i32
    %get3A_1200 = arith.index_cast %get3A_1198 : i32 to index
    %get3A_1201 = arith.index_cast %get3A_1199 : i32 to index
    %get3A_1202 = arith.constant 0 : index
    %get3A_1203 = tpu.vector_load %arg5[%get3A_1200, %get3A_1201, %get3A_1202] {strides = array<i32>} : memref<16x1x128xi32, #tpu.memory_space<vmem>>, vector<16xi32>,
    %shift_right_arithmetic3A_1204 = arith.constant 14 : i32
    %shift_right_arithmetic3A_1205 = vector.broadcast %shift_right_arithmetic3A_1204 : i32 to vector<16xi32>
    %shift_right_arithmetic3A_1206 = arith.shrsi %get3A_1203, %shift_right_arithmetic3A_1205 : vector<16xi32>
    %gather3A_1207 = tpu.vector_load_idx %arg38[%shift_right_arithmetic3A_1206] : memref<16xi32, #tpu.memory_space<vmem>>[vector<16xi32>], vector<16xi32>,
    %add3A_1208 = arith.addi %get3A_1203, %gather3A_1207 : vector<16xi32>
    %swap3A_1209 = arith.constant 0 : index
    %swap3A_1210 = tpu.vector_load %arg12[%swap3A_1209] {strides = array<i32>} : memref<128xi32, #tpu.memory_space<vmem>>, vector<16xi32>,
    tpu.vector_store %arg12[%swap3A_1209], %add3A_1208 {strides = array<i32>} : memref<128xi32, #tpu.memory_space<vmem>>, vector<16xi32>,
    %iota3A_1211 = tpu.iota {dimensions = array<i32: 0>} : vector<16xi32>
    %add3A_1212 = arith.constant 768 : i32
    %add3A_1213 = arith.addi %mul3A_2, %add3A_1212 : i32
    %add3A_1214 = arith.constant 0 : i32
    %add3A_1215 = arith.addi %add3A_1213, %add3A_1214 : i32
    %add3A_1216 = vector.broadcast %add3A_1215 : i32 to vector<16xi32>
    %add3A_1217 = arith.addi %iota3A_1211, %add3A_1216 : vector<16xi32>
    %shift_right_arithmetic3A_1218 = arith.constant 2 : i32
    %shift_right_arithmetic3A_1219 = vector.broadcast %shift_right_arithmetic3A_1218 : i32 to vector<16xi32>
    %shift_right_arithmetic3A_1220 = arith.shrsi %add3A_1217, %shift_right_arithmetic3A_1219 : vector<16xi32>
    %swap3A_1221 = arith.constant 0 : index
    %swap3A_1222 = tpu.vector_load %arg28[%swap3A_1221] {strides = array<i32>} : memref<128xi32, #tpu.memory_space<vmem>>, vector<16xi32>,
    tpu.vector_store %arg28[%swap3A_1221], %shift_right_arithmetic3A_1220 {strides = array<i32>} : memref<128xi32, #tpu.memory_space<vmem>>, vector<16xi32>,
    %get3A_1223 = arith.constant 6 : i32
    %get3A_1224 = arith.constant 0 : i32
    %get3A_1225 = arith.index_cast %get3A_1223 : i32 to index
    %get3A_1226 = arith.index_cast %get3A_1224 : i32 to index
    %get3A_1227 = arith.constant 16 : index
    %get3A_1228 = tpu.vector_load %arg5[%get3A_1225, %get3A_1226, %get3A_1227] {strides = array<i32>} : memref<16x1x128xi32, #tpu.memory_space<vmem>>, vector<16xi32>,
    %shift_right_arithmetic3A_1229 = arith.constant 14 : i32
    %shift_right_arithmetic3A_1230 = vector.broadcast %shift_right_arithmetic3A_1229 : i32 to vector<16xi32>
    %shift_right_arithmetic3A_1231 = arith.shrsi %get3A_1228, %shift_right_arithmetic3A_1230 : vector<16xi32>
    %gather3A_1232 = tpu.vector_load_idx %arg38[%shift_right_arithmetic3A_1231] : memref<16xi32, #tpu.memory_space<vmem>>[vector<16xi32>], vector<16xi32>,
    %add3A_1233 = arith.addi %get3A_1228, %gather3A_1232 : vector<16xi32>
    %swap3A_1234 = arith.constant 16 : index
    %swap3A_1235 = tpu.vector_load %arg12[%swap3A_1234] {strides = array<i32>} : memref<128xi32, #tpu.memory_space<vmem>>, vector<16xi32>,
    tpu.vector_store %arg12[%swap3A_1234], %add3A_1233 {strides = array<i32>} : memref<128xi32, #tpu.memory_space<vmem>>, vector<16xi32>,
    %iota3A_1236 = tpu.iota {dimensions = array<i32: 0>} : vector<16xi32>
    %add3A_1237 = arith.constant 768 : i32
    %add3A_1238 = arith.addi %mul3A_2, %add3A_1237 : i32
    %add3A_1239 = arith.constant 16 : i32
    %add3A_1240 = arith.addi %add3A_1238, %add3A_1239 : i32
    %add3A_1241 = vector.broadcast %add3A_1240 : i32 to vector<16xi32>
    %add3A_1242 = arith.addi %iota3A_1236, %add3A_1241 : vector<16xi32>
    %shift_right_arithmetic3A_1243 = arith.constant 2 : i32
    %shift_right_arithmetic3A_1244 = vector.broadcast %shift_right_arithmetic3A_1243 : i32 to vector<16xi32>
    %shift_right_arithmetic3A_1245 = arith.shrsi %add3A_1242, %shift_right_arithmetic3A_1244 : vector<16xi32>
    %swap3A_1246 = arith.constant 16 : index
    %swap3A_1247 = tpu.vector_load %arg28[%swap3A_1246] {strides = array<i32>} : memref<128xi32, #tpu.memory_space<vmem>>, vector<16xi32>,
    tpu.vector_store %arg28[%swap3A_1246], %shift_right_arithmetic3A_1245 {strides = array<i32>} : memref<128xi32, #tpu.memory_space<vmem>>, vector<16xi32>,
    %get3A_1248 = arith.constant 6 : i32
    %get3A_1249 = arith.constant 0 : i32
    %get3A_1250 = arith.index_cast %get3A_1248 : i32 to index
    %get3A_1251 = arith.index_cast %get3A_1249 : i32 to index
    %get3A_1252 = arith.constant 32 : index
    %get3A_1253 = tpu.vector_load %arg5[%get3A_1250, %get3A_1251, %get3A_1252] {strides = array<i32>} : memref<16x1x128xi32, #tpu.memory_space<vmem>>, vector<16xi32>,
    %shift_right_arithmetic3A_1254 = arith.constant 14 : i32
    %shift_right_arithmetic3A_1255 = vector.broadcast %shift_right_arithmetic3A_1254 : i32 to vector<16xi32>
    %shift_right_arithmetic3A_1256 = arith.shrsi %get3A_1253, %shift_right_arithmetic3A_1255 : vector<16xi32>
    %gather3A_1257 = tpu.vector_load_idx %arg38[%shift_right_arithmetic3A_1256] : memref<16xi32, #tpu.memory_space<vmem>>[vector<16xi32>], vector<16xi32>,
    %add3A_1258 = arith.addi %get3A_1253, %gather3A_1257 : vector<16xi32>
    %swap3A_1259 = arith.constant 32 : index
    %swap3A_1260 = tpu.vector_load %arg12[%swap3A_1259] {strides = array<i32>} : memref<128xi32, #tpu.memory_space<vmem>>, vector<16xi32>,
    tpu.vector_store %arg12[%swap3A_1259], %add3A_1258 {strides = array<i32>} : memref<128xi32, #tpu.memory_space<vmem>>, vector<16xi32>,
    %iota3A_1261 = tpu.iota {dimensions = array<i32: 0>} : vector<16xi32>
    %add3A_1262 = arith.constant 768 : i32
    %add3A_1263 = arith.addi %mul3A_2, %add3A_1262 : i32
    %add3A_1264 = arith.constant 32 : i32
    %add3A_1265 = arith.addi %add3A_1263, %add3A_1264 : i32
    %add3A_1266 = vector.broadcast %add3A_1265 : i32 to vector<16xi32>
    %add3A_1267 = arith.addi %iota3A_1261, %add3A_1266 : vector<16xi32>
    %shift_right_arithmetic3A_1268 = arith.constant 2 : i32
    %shift_right_arithmetic3A_1269 = vector.broadcast %shift_right_arithmetic3A_1268 : i32 to vector<16xi32>
    %shift_right_arithmetic3A_1270 = arith.shrsi %add3A_1267, %shift_right_arithmetic3A_1269 : vector<16xi32>
    %swap3A_1271 = arith.constant 32 : index
    %swap3A_1272 = tpu.vector_load %arg28[%swap3A_1271] {strides = array<i32>} : memref<128xi32, #tpu.memory_space<vmem>>, vector<16xi32>,
    tpu.vector_store %arg28[%swap3A_1271], %shift_right_arithmetic3A_1270 {strides = array<i32>} : memref<128xi32, #tpu.memory_space<vmem>>, vector<16xi32>,
    %get3A_1273 = arith.constant 6 : i32
    %get3A_1274 = arith.constant 0 : i32
    %get3A_1275 = arith.index_cast %get3A_1273 : i32 to index
    %get3A_1276 = arith.index_cast %get3A_1274 : i32 to index
    %get3A_1277 = arith.constant 48 : index
    %get3A_1278 = tpu.vector_load %arg5[%get3A_1275, %get3A_1276, %get3A_1277] {strides = array<i32>} : memref<16x1x128xi32, #tpu.memory_space<vmem>>, vector<16xi32>,
    %shift_right_arithmetic3A_1279 = arith.constant 14 : i32
    %shift_right_arithmetic3A_1280 = vector.broadcast %shift_right_arithmetic3A_1279 : i32 to vector<16xi32>
    %shift_right_arithmetic3A_1281 = arith.shrsi %get3A_1278, %shift_right_arithmetic3A_1280 : vector<16xi32>
    %gather3A_1282 = tpu.vector_load_idx %arg38[%shift_right_arithmetic3A_1281] : memref<16xi32, #tpu.memory_space<vmem>>[vector<16xi32>], vector<16xi32>,
    %add3A_1283 = arith.addi %get3A_1278, %gather3A_1282 : vector<16xi32>
    %swap3A_1284 = arith.constant 48 : index
    %swap3A_1285 = tpu.vector_load %arg12[%swap3A_1284] {strides = array<i32>} : memref<128xi32, #tpu.memory_space<vmem>>, vector<16xi32>,
    tpu.vector_store %arg12[%swap3A_1284], %add3A_1283 {strides = array<i32>} : memref<128xi32, #tpu.memory_space<vmem>>, vector<16xi32>,
    %iota3A_1286 = tpu.iota {dimensions = array<i32: 0>} : vector<16xi32>
    %add3A_1287 = arith.constant 768 : i32
    %add3A_1288 = arith.addi %mul3A_2, %add3A_1287 : i32
    %add3A_1289 = arith.constant 48 : i32
    %add3A_1290 = arith.addi %add3A_1288, %add3A_1289 : i32
    %add3A_1291 = vector.broadcast %add3A_1290 : i32 to vector<16xi32>
    %add3A_1292 = arith.addi %iota3A_1286, %add3A_1291 : vector<16xi32>
    %shift_right_arithmetic3A_1293 = arith.constant 2 : i32
    %shift_right_arithmetic3A_1294 = vector.broadcast %shift_right_arithmetic3A_1293 : i32 to vector<16xi32>
    %shift_right_arithmetic3A_1295 = arith.shrsi %add3A_1292, %shift_right_arithmetic3A_1294 : vector<16xi32>
    %swap3A_1296 = arith.constant 48 : index
    %swap3A_1297 = tpu.vector_load %arg28[%swap3A_1296] {strides = array<i32>} : memref<128xi32, #tpu.memory_space<vmem>>, vector<16xi32>,
    tpu.vector_store %arg28[%swap3A_1296], %shift_right_arithmetic3A_1295 {strides = array<i32>} : memref<128xi32, #tpu.memory_space<vmem>>, vector<16xi32>,
    %get3A_1298 = arith.constant 6 : i32
    %get3A_1299 = arith.constant 0 : i32
    %get3A_1300 = arith.index_cast %get3A_1298 : i32 to index
    %get3A_1301 = arith.index_cast %get3A_1299 : i32 to index
    %get3A_1302 = arith.constant 64 : index
    %get3A_1303 = tpu.vector_load %arg5[%get3A_1300, %get3A_1301, %get3A_1302] {strides = array<i32>} : memref<16x1x128xi32, #tpu.memory_space<vmem>>, vector<16xi32>,
    %shift_right_arithmetic3A_1304 = arith.constant 14 : i32
    %shift_right_arithmetic3A_1305 = vector.broadcast %shift_right_arithmetic3A_1304 : i32 to vector<16xi32>
    %shift_right_arithmetic3A_1306 = arith.shrsi %get3A_1303, %shift_right_arithmetic3A_1305 : vector<16xi32>
    %gather3A_1307 = tpu.vector_load_idx %arg38[%shift_right_arithmetic3A_1306] : memref<16xi32, #tpu.memory_space<vmem>>[vector<16xi32>], vector<16xi32>,
    %add3A_1308 = arith.addi %get3A_1303, %gather3A_1307 : vector<16xi32>
    %swap3A_1309 = arith.constant 64 : index
    %swap3A_1310 = tpu.vector_load %arg12[%swap3A_1309] {strides = array<i32>} : memref<128xi32, #tpu.memory_space<vmem>>, vector<16xi32>,
    tpu.vector_store %arg12[%swap3A_1309], %add3A_1308 {strides = array<i32>} : memref<128xi32, #tpu.memory_space<vmem>>, vector<16xi32>,
    %iota3A_1311 = tpu.iota {dimensions = array<i32: 0>} : vector<16xi32>
    %add3A_1312 = arith.constant 768 : i32
    %add3A_1313 = arith.addi %mul3A_2, %add3A_1312 : i32
    %add3A_1314 = arith.constant 64 : i32
    %add3A_1315 = arith.addi %add3A_1313, %add3A_1314 : i32
    %add3A_1316 = vector.broadcast %add3A_1315 : i32 to vector<16xi32>
    %add3A_1317 = arith.addi %iota3A_1311, %add3A_1316 : vector<16xi32>
    %shift_right_arithmetic3A_1318 = arith.constant 2 : i32
    %shift_right_arithmetic3A_1319 = vector.broadcast %shift_right_arithmetic3A_1318 : i32 to vector<16xi32>
    %shift_right_arithmetic3A_1320 = arith.shrsi %add3A_1317, %shift_right_arithmetic3A_1319 : vector<16xi32>
    %swap3A_1321 = arith.constant 64 : index
    %swap3A_1322 = tpu.vector_load %arg28[%swap3A_1321] {strides = array<i32>} : memref<128xi32, #tpu.memory_space<vmem>>, vector<16xi32>,
    tpu.vector_store %arg28[%swap3A_1321], %shift_right_arithmetic3A_1320 {strides = array<i32>} : memref<128xi32, #tpu.memory_space<vmem>>, vector<16xi32>,
    %get3A_1323 = arith.constant 6 : i32
    %get3A_1324 = arith.constant 0 : i32
    %get3A_1325 = arith.index_cast %get3A_1323 : i32 to index
    %get3A_1326 = arith.index_cast %get3A_1324 : i32 to index
    %get3A_1327 = arith.constant 80 : index
    %get3A_1328 = tpu.vector_load %arg5[%get3A_1325, %get3A_1326, %get3A_1327] {strides = array<i32>} : memref<16x1x128xi32, #tpu.memory_space<vmem>>, vector<16xi32>,
    %shift_right_arithmetic3A_1329 = arith.constant 14 : i32
    %shift_right_arithmetic3A_1330 = vector.broadcast %shift_right_arithmetic3A_1329 : i32 to vector<16xi32>
    %shift_right_arithmetic3A_1331 = arith.shrsi %get3A_1328, %shift_right_arithmetic3A_1330 : vector<16xi32>
    %gather3A_1332 = tpu.vector_load_idx %arg38[%shift_right_arithmetic3A_1331] : memref<16xi32, #tpu.memory_space<vmem>>[vector<16xi32>], vector<16xi32>,
    %add3A_1333 = arith.addi %get3A_1328, %gather3A_1332 : vector<16xi32>
    %swap3A_1334 = arith.constant 80 : index
    %swap3A_1335 = tpu.vector_load %arg12[%swap3A_1334] {strides = array<i32>} : memref<128xi32, #tpu.memory_space<vmem>>, vector<16xi32>,
    tpu.vector_store %arg12[%swap3A_1334], %add3A_1333 {strides = array<i32>} : memref<128xi32, #tpu.memory_space<vmem>>, vector<16xi32>,
    %iota3A_1336 = tpu.iota {dimensions = array<i32: 0>} : vector<16xi32>
    %add3A_1337 = arith.constant 768 : i32
    %add3A_1338 = arith.addi %mul3A_2, %add3A_1337 : i32
    %add3A_1339 = arith.constant 80 : i32
    %add3A_1340 = arith.addi %add3A_1338, %add3A_1339 : i32
    %add3A_1341 = vector.broadcast %add3A_1340 : i32 to vector<16xi32>
    %add3A_1342 = arith.addi %iota3A_1336, %add3A_1341 : vector<16xi32>
    %shift_right_arithmetic3A_1343 = arith.constant 2 : i32
    %shift_right_arithmetic3A_1344 = vector.broadcast %shift_right_arithmetic3A_1343 : i32 to vector<16xi32>
    %shift_right_arithmetic3A_1345 = arith.shrsi %add3A_1342, %shift_right_arithmetic3A_1344 : vector<16xi32>
    %swap3A_1346 = arith.constant 80 : index
    %swap3A_1347 = tpu.vector_load %arg28[%swap3A_1346] {strides = array<i32>} : memref<128xi32, #tpu.memory_space<vmem>>, vector<16xi32>,
    tpu.vector_store %arg28[%swap3A_1346], %shift_right_arithmetic3A_1345 {strides = array<i32>} : memref<128xi32, #tpu.memory_space<vmem>>, vector<16xi32>,
    %get3A_1348 = arith.constant 6 : i32
    %get3A_1349 = arith.constant 0 : i32
    %get3A_1350 = arith.index_cast %get3A_1348 : i32 to index
    %get3A_1351 = arith.index_cast %get3A_1349 : i32 to index
    %get3A_1352 = arith.constant 96 : index
    %get3A_1353 = tpu.vector_load %arg5[%get3A_1350, %get3A_1351, %get3A_1352] {strides = array<i32>} : memref<16x1x128xi32, #tpu.memory_space<vmem>>, vector<16xi32>,
    %shift_right_arithmetic3A_1354 = arith.constant 14 : i32
    %shift_right_arithmetic3A_1355 = vector.broadcast %shift_right_arithmetic3A_1354 : i32 to vector<16xi32>
    %shift_right_arithmetic3A_1356 = arith.shrsi %get3A_1353, %shift_right_arithmetic3A_1355 : vector<16xi32>
    %gather3A_1357 = tpu.vector_load_idx %arg38[%shift_right_arithmetic3A_1356] : memref<16xi32, #tpu.memory_space<vmem>>[vector<16xi32>], vector<16xi32>,
    %add3A_1358 = arith.addi %get3A_1353, %gather3A_1357 : vector<16xi32>
    %swap3A_1359 = arith.constant 96 : index
    %swap3A_1360 = tpu.vector_load %arg12[%swap3A_1359] {strides = array<i32>} : memref<128xi32, #tpu.memory_space<vmem>>, vector<16xi32>,
    tpu.vector_store %arg12[%swap3A_1359], %add3A_1358 {strides = array<i32>} : memref<128xi32, #tpu.memory_space<vmem>>, vector<16xi32>,
    %iota3A_1361 = tpu.iota {dimensions = array<i32: 0>} : vector<16xi32>
    %add3A_1362 = arith.constant 768 : i32
    %add3A_1363 = arith.addi %mul3A_2, %add3A_1362 : i32
    %add3A_1364 = arith.constant 96 : i32
    %add3A_1365 = arith.addi %add3A_1363, %add3A_1364 : i32
    %add3A_1366 = vector.broadcast %add3A_1365 : i32 to vector<16xi32>
    %add3A_1367 = arith.addi %iota3A_1361, %add3A_1366 : vector<16xi32>
    %shift_right_arithmetic3A_1368 = arith.constant 2 : i32
    %shift_right_arithmetic3A_1369 = vector.broadcast %shift_right_arithmetic3A_1368 : i32 to vector<16xi32>
    %shift_right_arithmetic3A_1370 = arith.shrsi %add3A_1367, %shift_right_arithmetic3A_1369 : vector<16xi32>
    %swap3A_1371 = arith.constant 96 : index
    %swap3A_1372 = tpu.vector_load %arg28[%swap3A_1371] {strides = array<i32>} : memref<128xi32, #tpu.memory_space<vmem>>, vector<16xi32>,
    tpu.vector_store %arg28[%swap3A_1371], %shift_right_arithmetic3A_1370 {strides = array<i32>} : memref<128xi32, #tpu.memory_space<vmem>>, vector<16xi32>,
    %get3A_1373 = arith.constant 6 : i32
    %get3A_1374 = arith.constant 0 : i32
    %get3A_1375 = arith.index_cast %get3A_1373 : i32 to index
    %get3A_1376 = arith.index_cast %get3A_1374 : i32 to index
    %get3A_1377 = arith.constant 112 : index
    %get3A_1378 = tpu.vector_load %arg5[%get3A_1375, %get3A_1376, %get3A_1377] {strides = array<i32>} : memref<16x1x128xi32, #tpu.memory_space<vmem>>, vector<16xi32>,
    %shift_right_arithmetic3A_1379 = arith.constant 14 : i32
    %shift_right_arithmetic3A_1380 = vector.broadcast %shift_right_arithmetic3A_1379 : i32 to vector<16xi32>
    %shift_right_arithmetic3A_1381 = arith.shrsi %get3A_1378, %shift_right_arithmetic3A_1380 : vector<16xi32>
    %gather3A_1382 = tpu.vector_load_idx %arg38[%shift_right_arithmetic3A_1381] : memref<16xi32, #tpu.memory_space<vmem>>[vector<16xi32>], vector<16xi32>,
    %add3A_1383 = arith.addi %get3A_1378, %gather3A_1382 : vector<16xi32>
    %swap3A_1384 = arith.constant 112 : index
    %swap3A_1385 = tpu.vector_load %arg12[%swap3A_1384] {strides = array<i32>} : memref<128xi32, #tpu.memory_space<vmem>>, vector<16xi32>,
    tpu.vector_store %arg12[%swap3A_1384], %add3A_1383 {strides = array<i32>} : memref<128xi32, #tpu.memory_space<vmem>>, vector<16xi32>,
    %iota3A_1386 = tpu.iota {dimensions = array<i32: 0>} : vector<16xi32>
    %add3A_1387 = arith.constant 768 : i32
    %add3A_1388 = arith.addi %mul3A_2, %add3A_1387 : i32
    %add3A_1389 = arith.constant 112 : i32
    %add3A_1390 = arith.addi %add3A_1388, %add3A_1389 : i32
    %add3A_1391 = vector.broadcast %add3A_1390 : i32 to vector<16xi32>
    %add3A_1392 = arith.addi %iota3A_1386, %add3A_1391 : vector<16xi32>
    %shift_right_arithmetic3A_1393 = arith.constant 2 : i32
    %shift_right_arithmetic3A_1394 = vector.broadcast %shift_right_arithmetic3A_1393 : i32 to vector<16xi32>
    %shift_right_arithmetic3A_1395 = arith.shrsi %add3A_1392, %shift_right_arithmetic3A_1394 : vector<16xi32>
    %swap3A_1396 = arith.constant 112 : index
    %swap3A_1397 = tpu.vector_load %arg28[%swap3A_1396] {strides = array<i32>} : memref<128xi32, #tpu.memory_space<vmem>>, vector<16xi32>,
    tpu.vector_store %arg28[%swap3A_1396], %shift_right_arithmetic3A_1395 {strides = array<i32>} : memref<128xi32, #tpu.memory_space<vmem>>, vector<16xi32>,
    %get3A_1398 = arith.constant 7 : i32
    %get3A_1399 = arith.constant 0 : i32
    %get3A_1400 = arith.index_cast %get3A_1398 : i32 to index
    %get3A_1401 = arith.index_cast %get3A_1399 : i32 to index
    %get3A_1402 = arith.constant 0 : index
    %get3A_1403 = tpu.vector_load %arg5[%get3A_1400, %get3A_1401, %get3A_1402] {strides = array<i32>} : memref<16x1x128xi32, #tpu.memory_space<vmem>>, vector<16xi32>,
    %shift_right_arithmetic3A_1404 = arith.constant 14 : i32
    %shift_right_arithmetic3A_1405 = vector.broadcast %shift_right_arithmetic3A_1404 : i32 to vector<16xi32>
    %shift_right_arithmetic3A_1406 = arith.shrsi %get3A_1403, %shift_right_arithmetic3A_1405 : vector<16xi32>
    %gather3A_1407 = tpu.vector_load_idx %arg38[%shift_right_arithmetic3A_1406] : memref<16xi32, #tpu.memory_space<vmem>>[vector<16xi32>], vector<16xi32>,
    %add3A_1408 = arith.addi %get3A_1403, %gather3A_1407 : vector<16xi32>
    %swap3A_1409 = arith.constant 0 : index
    %swap3A_1410 = tpu.vector_load %arg13[%swap3A_1409] {strides = array<i32>} : memref<128xi32, #tpu.memory_space<vmem>>, vector<16xi32>,
    tpu.vector_store %arg13[%swap3A_1409], %add3A_1408 {strides = array<i32>} : memref<128xi32, #tpu.memory_space<vmem>>, vector<16xi32>,
    %iota3A_1411 = tpu.iota {dimensions = array<i32: 0>} : vector<16xi32>
    %add3A_1412 = arith.constant 896 : i32
    %add3A_1413 = arith.addi %mul3A_2, %add3A_1412 : i32
    %add3A_1414 = arith.constant 0 : i32
    %add3A_1415 = arith.addi %add3A_1413, %add3A_1414 : i32
    %add3A_1416 = vector.broadcast %add3A_1415 : i32 to vector<16xi32>
    %add3A_1417 = arith.addi %iota3A_1411, %add3A_1416 : vector<16xi32>
    %shift_right_arithmetic3A_1418 = arith.constant 2 : i32
    %shift_right_arithmetic3A_1419 = vector.broadcast %shift_right_arithmetic3A_1418 : i32 to vector<16xi32>
    %shift_right_arithmetic3A_1420 = arith.shrsi %add3A_1417, %shift_right_arithmetic3A_1419 : vector<16xi32>
    %swap3A_1421 = arith.constant 0 : index
    %swap3A_1422 = tpu.vector_load %arg29[%swap3A_1421] {strides = array<i32>} : memref<128xi32, #tpu.memory_space<vmem>>, vector<16xi32>,
    tpu.vector_store %arg29[%swap3A_1421], %shift_right_arithmetic3A_1420 {strides = array<i32>} : memref<128xi32, #tpu.memory_space<vmem>>, vector<16xi32>,
    %get3A_1423 = arith.constant 7 : i32
    %get3A_1424 = arith.constant 0 : i32
    %get3A_1425 = arith.index_cast %get3A_1423 : i32 to index
    %get3A_1426 = arith.index_cast %get3A_1424 : i32 to index
    %get3A_1427 = arith.constant 16 : index
    %get3A_1428 = tpu.vector_load %arg5[%get3A_1425, %get3A_1426, %get3A_1427] {strides = array<i32>} : memref<16x1x128xi32, #tpu.memory_space<vmem>>, vector<16xi32>,
    %shift_right_arithmetic3A_1429 = arith.constant 14 : i32
    %shift_right_arithmetic3A_1430 = vector.broadcast %shift_right_arithmetic3A_1429 : i32 to vector<16xi32>
    %shift_right_arithmetic3A_1431 = arith.shrsi %get3A_1428, %shift_right_arithmetic3A_1430 : vector<16xi32>
    %gather3A_1432 = tpu.vector_load_idx %arg38[%shift_right_arithmetic3A_1431] : memref<16xi32, #tpu.memory_space<vmem>>[vector<16xi32>], vector<16xi32>,
    %add3A_1433 = arith.addi %get3A_1428, %gather3A_1432 : vector<16xi32>
    %swap3A_1434 = arith.constant 16 : index
    %swap3A_1435 = tpu.vector_load %arg13[%swap3A_1434] {strides = array<i32>} : memref<128xi32, #tpu.memory_space<vmem>>, vector<16xi32>,
    tpu.vector_store %arg13[%swap3A_1434], %add3A_1433 {strides = array<i32>} : memref<128xi32, #tpu.memory_space<vmem>>, vector<16xi32>,
    %iota3A_1436 = tpu.iota {dimensions = array<i32: 0>} : vector<16xi32>
    %add3A_1437 = arith.constant 896 : i32
    %add3A_1438 = arith.addi %mul3A_2, %add3A_1437 : i32
    %add3A_1439 = arith.constant 16 : i32
    %add3A_1440 = arith.addi %add3A_1438, %add3A_1439 : i32
    %add3A_1441 = vector.broadcast %add3A_1440 : i32 to vector<16xi32>
    %add3A_1442 = arith.addi %iota3A_1436, %add3A_1441 : vector<16xi32>
    %shift_right_arithmetic3A_1443 = arith.constant 2 : i32
    %shift_right_arithmetic3A_1444 = vector.broadcast %shift_right_arithmetic3A_1443 : i32 to vector<16xi32>
    %shift_right_arithmetic3A_1445 = arith.shrsi %add3A_1442, %shift_right_arithmetic3A_1444 : vector<16xi32>
    %swap3A_1446 = arith.constant 16 : index
    %swap3A_1447 = tpu.vector_load %arg29[%swap3A_1446] {strides = array<i32>} : memref<128xi32, #tpu.memory_space<vmem>>, vector<16xi32>,
    tpu.vector_store %arg29[%swap3A_1446], %shift_right_arithmetic3A_1445 {strides = array<i32>} : memref<128xi32, #tpu.memory_space<vmem>>, vector<16xi32>,
    %get3A_1448 = arith.constant 7 : i32
    %get3A_1449 = arith.constant 0 : i32
    %get3A_1450 = arith.index_cast %get3A_1448 : i32 to index
    %get3A_1451 = arith.index_cast %get3A_1449 : i32 to index
    %get3A_1452 = arith.constant 32 : index
    %get3A_1453 = tpu.vector_load %arg5[%get3A_1450, %get3A_1451, %get3A_1452] {strides = array<i32>} : memref<16x1x128xi32, #tpu.memory_space<vmem>>, vector<16xi32>,
    %shift_right_arithmetic3A_1454 = arith.constant 14 : i32
    %shift_right_arithmetic3A_1455 = vector.broadcast %shift_right_arithmetic3A_1454 : i32 to vector<16xi32>
    %shift_right_arithmetic3A_1456 = arith.shrsi %get3A_1453, %shift_right_arithmetic3A_1455 : vector<16xi32>
    %gather3A_1457 = tpu.vector_load_idx %arg38[%shift_right_arithmetic3A_1456] : memref<16xi32, #tpu.memory_space<vmem>>[vector<16xi32>], vector<16xi32>,
    %add3A_1458 = arith.addi %get3A_1453, %gather3A_1457 : vector<16xi32>
    %swap3A_1459 = arith.constant 32 : index
    %swap3A_1460 = tpu.vector_load %arg13[%swap3A_1459] {strides = array<i32>} : memref<128xi32, #tpu.memory_space<vmem>>, vector<16xi32>,
    tpu.vector_store %arg13[%swap3A_1459], %add3A_1458 {strides = array<i32>} : memref<128xi32, #tpu.memory_space<vmem>>, vector<16xi32>,
    %iota3A_1461 = tpu.iota {dimensions = array<i32: 0>} : vector<16xi32>
    %add3A_1462 = arith.constant 896 : i32
    %add3A_1463 = arith.addi %mul3A_2, %add3A_1462 : i32
    %add3A_1464 = arith.constant 32 : i32
    %add3A_1465 = arith.addi %add3A_1463, %add3A_1464 : i32
    %add3A_1466 = vector.broadcast %add3A_1465 : i32 to vector<16xi32>
    %add3A_1467 = arith.addi %iota3A_1461, %add3A_1466 : vector<16xi32>
    %shift_right_arithmetic3A_1468 = arith.constant 2 : i32
    %shift_right_arithmetic3A_1469 = vector.broadcast %shift_right_arithmetic3A_1468 : i32 to vector<16xi32>
    %shift_right_arithmetic3A_1470 = arith.shrsi %add3A_1467, %shift_right_arithmetic3A_1469 : vector<16xi32>
    %swap3A_1471 = arith.constant 32 : index
    %swap3A_1472 = tpu.vector_load %arg29[%swap3A_1471] {strides = array<i32>} : memref<128xi32, #tpu.memory_space<vmem>>, vector<16xi32>,
    tpu.vector_store %arg29[%swap3A_1471], %shift_right_arithmetic3A_1470 {strides = array<i32>} : memref<128xi32, #tpu.memory_space<vmem>>, vector<16xi32>,
    %get3A_1473 = arith.constant 7 : i32
    %get3A_1474 = arith.constant 0 : i32
    %get3A_1475 = arith.index_cast %get3A_1473 : i32 to index
    %get3A_1476 = arith.index_cast %get3A_1474 : i32 to index
    %get3A_1477 = arith.constant 48 : index
    %get3A_1478 = tpu.vector_load %arg5[%get3A_1475, %get3A_1476, %get3A_1477] {strides = array<i32>} : memref<16x1x128xi32, #tpu.memory_space<vmem>>, vector<16xi32>,
    %shift_right_arithmetic3A_1479 = arith.constant 14 : i32
    %shift_right_arithmetic3A_1480 = vector.broadcast %shift_right_arithmetic3A_1479 : i32 to vector<16xi32>
    %shift_right_arithmetic3A_1481 = arith.shrsi %get3A_1478, %shift_right_arithmetic3A_1480 : vector<16xi32>
    %gather3A_1482 = tpu.vector_load_idx %arg38[%shift_right_arithmetic3A_1481] : memref<16xi32, #tpu.memory_space<vmem>>[vector<16xi32>], vector<16xi32>,
    %add3A_1483 = arith.addi %get3A_1478, %gather3A_1482 : vector<16xi32>
    %swap3A_1484 = arith.constant 48 : index
    %swap3A_1485 = tpu.vector_load %arg13[%swap3A_1484] {strides = array<i32>} : memref<128xi32, #tpu.memory_space<vmem>>, vector<16xi32>,
    tpu.vector_store %arg13[%swap3A_1484], %add3A_1483 {strides = array<i32>} : memref<128xi32, #tpu.memory_space<vmem>>, vector<16xi32>,
    %iota3A_1486 = tpu.iota {dimensions = array<i32: 0>} : vector<16xi32>
    %add3A_1487 = arith.constant 896 : i32
    %add3A_1488 = arith.addi %mul3A_2, %add3A_1487 : i32
    %add3A_1489 = arith.constant 48 : i32
    %add3A_1490 = arith.addi %add3A_1488, %add3A_1489 : i32
    %add3A_1491 = vector.broadcast %add3A_1490 : i32 to vector<16xi32>
    %add3A_1492 = arith.addi %iota3A_1486, %add3A_1491 : vector<16xi32>
    %shift_right_arithmetic3A_1493 = arith.constant 2 : i32
    %shift_right_arithmetic3A_1494 = vector.broadcast %shift_right_arithmetic3A_1493 : i32 to vector<16xi32>
    %shift_right_arithmetic3A_1495 = arith.shrsi %add3A_1492, %shift_right_arithmetic3A_1494 : vector<16xi32>
    %swap3A_1496 = arith.constant 48 : index
    %swap3A_1497 = tpu.vector_load %arg29[%swap3A_1496] {strides = array<i32>} : memref<128xi32, #tpu.memory_space<vmem>>, vector<16xi32>,
    tpu.vector_store %arg29[%swap3A_1496], %shift_right_arithmetic3A_1495 {strides = array<i32>} : memref<128xi32, #tpu.memory_space<vmem>>, vector<16xi32>,
    %get3A_1498 = arith.constant 7 : i32
    %get3A_1499 = arith.constant 0 : i32
    %get3A_1500 = arith.index_cast %get3A_1498 : i32 to index
    %get3A_1501 = arith.index_cast %get3A_1499 : i32 to index
    %get3A_1502 = arith.constant 64 : index
    %get3A_1503 = tpu.vector_load %arg5[%get3A_1500, %get3A_1501, %get3A_1502] {strides = array<i32>} : memref<16x1x128xi32, #tpu.memory_space<vmem>>, vector<16xi32>,
    %shift_right_arithmetic3A_1504 = arith.constant 14 : i32
    %shift_right_arithmetic3A_1505 = vector.broadcast %shift_right_arithmetic3A_1504 : i32 to vector<16xi32>
    %shift_right_arithmetic3A_1506 = arith.shrsi %get3A_1503, %shift_right_arithmetic3A_1505 : vector<16xi32>
    %gather3A_1507 = tpu.vector_load_idx %arg38[%shift_right_arithmetic3A_1506] : memref<16xi32, #tpu.memory_space<vmem>>[vector<16xi32>], vector<16xi32>,
    %add3A_1508 = arith.addi %get3A_1503, %gather3A_1507 : vector<16xi32>
    %swap3A_1509 = arith.constant 64 : index
    %swap3A_1510 = tpu.vector_load %arg13[%swap3A_1509] {strides = array<i32>} : memref<128xi32, #tpu.memory_space<vmem>>, vector<16xi32>,
    tpu.vector_store %arg13[%swap3A_1509], %add3A_1508 {strides = array<i32>} : memref<128xi32, #tpu.memory_space<vmem>>, vector<16xi32>,
    %iota3A_1511 = tpu.iota {dimensions = array<i32: 0>} : vector<16xi32>
    %add3A_1512 = arith.constant 896 : i32
    %add3A_1513 = arith.addi %mul3A_2, %add3A_1512 : i32
    %add3A_1514 = arith.constant 64 : i32
    %add3A_1515 = arith.addi %add3A_1513, %add3A_1514 : i32
    %add3A_1516 = vector.broadcast %add3A_1515 : i32 to vector<16xi32>
    %add3A_1517 = arith.addi %iota3A_1511, %add3A_1516 : vector<16xi32>
    %shift_right_arithmetic3A_1518 = arith.constant 2 : i32
    %shift_right_arithmetic3A_1519 = vector.broadcast %shift_right_arithmetic3A_1518 : i32 to vector<16xi32>
    %shift_right_arithmetic3A_1520 = arith.shrsi %add3A_1517, %shift_right_arithmetic3A_1519 : vector<16xi32>
    %swap3A_1521 = arith.constant 64 : index
    %swap3A_1522 = tpu.vector_load %arg29[%swap3A_1521] {strides = array<i32>} : memref<128xi32, #tpu.memory_space<vmem>>, vector<16xi32>,
    tpu.vector_store %arg29[%swap3A_1521], %shift_right_arithmetic3A_1520 {strides = array<i32>} : memref<128xi32, #tpu.memory_space<vmem>>, vector<16xi32>,
    %get3A_1523 = arith.constant 7 : i32
    %get3A_1524 = arith.constant 0 : i32
    %get3A_1525 = arith.index_cast %get3A_1523 : i32 to index
    %get3A_1526 = arith.index_cast %get3A_1524 : i32 to index
    %get3A_1527 = arith.constant 80 : index
    %get3A_1528 = tpu.vector_load %arg5[%get3A_1525, %get3A_1526, %get3A_1527] {strides = array<i32>} : memref<16x1x128xi32, #tpu.memory_space<vmem>>, vector<16xi32>,
    %shift_right_arithmetic3A_1529 = arith.constant 14 : i32
    %shift_right_arithmetic3A_1530 = vector.broadcast %shift_right_arithmetic3A_1529 : i32 to vector<16xi32>
    %shift_right_arithmetic3A_1531 = arith.shrsi %get3A_1528, %shift_right_arithmetic3A_1530 : vector<16xi32>
    %gather3A_1532 = tpu.vector_load_idx %arg38[%shift_right_arithmetic3A_1531] : memref<16xi32, #tpu.memory_space<vmem>>[vector<16xi32>], vector<16xi32>,
    %add3A_1533 = arith.addi %get3A_1528, %gather3A_1532 : vector<16xi32>
    %swap3A_1534 = arith.constant 80 : index
    %swap3A_1535 = tpu.vector_load %arg13[%swap3A_1534] {strides = array<i32>} : memref<128xi32, #tpu.memory_space<vmem>>, vector<16xi32>,
    tpu.vector_store %arg13[%swap3A_1534], %add3A_1533 {strides = array<i32>} : memref<128xi32, #tpu.memory_space<vmem>>, vector<16xi32>,
    %iota3A_1536 = tpu.iota {dimensions = array<i32: 0>} : vector<16xi32>
    %add3A_1537 = arith.constant 896 : i32
    %add3A_1538 = arith.addi %mul3A_2, %add3A_1537 : i32
    %add3A_1539 = arith.constant 80 : i32
    %add3A_1540 = arith.addi %add3A_1538, %add3A_1539 : i32
    %add3A_1541 = vector.broadcast %add3A_1540 : i32 to vector<16xi32>
    %add3A_1542 = arith.addi %iota3A_1536, %add3A_1541 : vector<16xi32>
    %shift_right_arithmetic3A_1543 = arith.constant 2 : i32
    %shift_right_arithmetic3A_1544 = vector.broadcast %shift_right_arithmetic3A_1543 : i32 to vector<16xi32>
    %shift_right_arithmetic3A_1545 = arith.shrsi %add3A_1542, %shift_right_arithmetic3A_1544 : vector<16xi32>
    %swap3A_1546 = arith.constant 80 : index
    %swap3A_1547 = tpu.vector_load %arg29[%swap3A_1546] {strides = array<i32>} : memref<128xi32, #tpu.memory_space<vmem>>, vector<16xi32>,
    tpu.vector_store %arg29[%swap3A_1546], %shift_right_arithmetic3A_1545 {strides = array<i32>} : memref<128xi32, #tpu.memory_space<vmem>>, vector<16xi32>,
    %get3A_1548 = arith.constant 7 : i32
    %get3A_1549 = arith.constant 0 : i32
    %get3A_1550 = arith.index_cast %get3A_1548 : i32 to index
    %get3A_1551 = arith.index_cast %get3A_1549 : i32 to index
    %get3A_1552 = arith.constant 96 : index
    %get3A_1553 = tpu.vector_load %arg5[%get3A_1550, %get3A_1551, %get3A_1552] {strides = array<i32>} : memref<16x1x128xi32, #tpu.memory_space<vmem>>, vector<16xi32>,
    %shift_right_arithmetic3A_1554 = arith.constant 14 : i32
    %shift_right_arithmetic3A_1555 = vector.broadcast %shift_right_arithmetic3A_1554 : i32 to vector<16xi32>
    %shift_right_arithmetic3A_1556 = arith.shrsi %get3A_1553, %shift_right_arithmetic3A_1555 : vector<16xi32>
    %gather3A_1557 = tpu.vector_load_idx %arg38[%shift_right_arithmetic3A_1556] : memref<16xi32, #tpu.memory_space<vmem>>[vector<16xi32>], vector<16xi32>,
    %add3A_1558 = arith.addi %get3A_1553, %gather3A_1557 : vector<16xi32>
    %swap3A_1559 = arith.constant 96 : index
    %swap3A_1560 = tpu.vector_load %arg13[%swap3A_1559] {strides = array<i32>} : memref<128xi32, #tpu.memory_space<vmem>>, vector<16xi32>,
    tpu.vector_store %arg13[%swap3A_1559], %add3A_1558 {strides = array<i32>} : memref<128xi32, #tpu.memory_space<vmem>>, vector<16xi32>,
    %iota3A_1561 = tpu.iota {dimensions = array<i32: 0>} : vector<16xi32>
    %add3A_1562 = arith.constant 896 : i32
    %add3A_1563 = arith.addi %mul3A_2, %add3A_1562 : i32
    %add3A_1564 = arith.constant 96 : i32
    %add3A_1565 = arith.addi %add3A_1563, %add3A_1564 : i32
    %add3A_1566 = vector.broadcast %add3A_1565 : i32 to vector<16xi32>
    %add3A_1567 = arith.addi %iota3A_1561, %add3A_1566 : vector<16xi32>
    %shift_right_arithmetic3A_1568 = arith.constant 2 : i32
    %shift_right_arithmetic3A_1569 = vector.broadcast %shift_right_arithmetic3A_1568 : i32 to vector<16xi32>
    %shift_right_arithmetic3A_1570 = arith.shrsi %add3A_1567, %shift_right_arithmetic3A_1569 : vector<16xi32>
    %swap3A_1571 = arith.constant 96 : index
    %swap3A_1572 = tpu.vector_load %arg29[%swap3A_1571] {strides = array<i32>} : memref<128xi32, #tpu.memory_space<vmem>>, vector<16xi32>,
    tpu.vector_store %arg29[%swap3A_1571], %shift_right_arithmetic3A_1570 {strides = array<i32>} : memref<128xi32, #tpu.memory_space<vmem>>, vector<16xi32>,
    %get3A_1573 = arith.constant 7 : i32
    %get3A_1574 = arith.constant 0 : i32
    %get3A_1575 = arith.index_cast %get3A_1573 : i32 to index
    %get3A_1576 = arith.index_cast %get3A_1574 : i32 to index
    %get3A_1577 = arith.constant 112 : index
    %get3A_1578 = tpu.vector_load %arg5[%get3A_1575, %get3A_1576, %get3A_1577] {strides = array<i32>} : memref<16x1x128xi32, #tpu.memory_space<vmem>>, vector<16xi32>,
    %shift_right_arithmetic3A_1579 = arith.constant 14 : i32
    %shift_right_arithmetic3A_1580 = vector.broadcast %shift_right_arithmetic3A_1579 : i32 to vector<16xi32>
    %shift_right_arithmetic3A_1581 = arith.shrsi %get3A_1578, %shift_right_arithmetic3A_1580 : vector<16xi32>
    %gather3A_1582 = tpu.vector_load_idx %arg38[%shift_right_arithmetic3A_1581] : memref<16xi32, #tpu.memory_space<vmem>>[vector<16xi32>], vector<16xi32>,
    %add3A_1583 = arith.addi %get3A_1578, %gather3A_1582 : vector<16xi32>
    %swap3A_1584 = arith.constant 112 : index
    %swap3A_1585 = tpu.vector_load %arg13[%swap3A_1584] {strides = array<i32>} : memref<128xi32, #tpu.memory_space<vmem>>, vector<16xi32>,
    tpu.vector_store %arg13[%swap3A_1584], %add3A_1583 {strides = array<i32>} : memref<128xi32, #tpu.memory_space<vmem>>, vector<16xi32>,
    %iota3A_1586 = tpu.iota {dimensions = array<i32: 0>} : vector<16xi32>
    %add3A_1587 = arith.constant 896 : i32
    %add3A_1588 = arith.addi %mul3A_2, %add3A_1587 : i32
    %add3A_1589 = arith.constant 112 : i32
    %add3A_1590 = arith.addi %add3A_1588, %add3A_1589 : i32
    %add3A_1591 = vector.broadcast %add3A_1590 : i32 to vector<16xi32>
    %add3A_1592 = arith.addi %iota3A_1586, %add3A_1591 : vector<16xi32>
    %shift_right_arithmetic3A_1593 = arith.constant 2 : i32
    %shift_right_arithmetic3A_1594 = vector.broadcast %shift_right_arithmetic3A_1593 : i32 to vector<16xi32>
    %shift_right_arithmetic3A_1595 = arith.shrsi %add3A_1592, %shift_right_arithmetic3A_1594 : vector<16xi32>
    %swap3A_1596 = arith.constant 112 : index
    %swap3A_1597 = tpu.vector_load %arg29[%swap3A_1596] {strides = array<i32>} : memref<128xi32, #tpu.memory_space<vmem>>, vector<16xi32>,
    tpu.vector_store %arg29[%swap3A_1596], %shift_right_arithmetic3A_1595 {strides = array<i32>} : memref<128xi32, #tpu.memory_space<vmem>>, vector<16xi32>,
    %get3A_1598 = arith.constant 8 : i32
    %get3A_1599 = arith.constant 0 : i32
    %get3A_1600 = arith.index_cast %get3A_1598 : i32 to index
    %get3A_1601 = arith.index_cast %get3A_1599 : i32 to index
    %get3A_1602 = arith.constant 0 : index
    %get3A_1603 = tpu.vector_load %arg5[%get3A_1600, %get3A_1601, %get3A_1602] {strides = array<i32>} : memref<16x1x128xi32, #tpu.memory_space<vmem>>, vector<16xi32>,
    %shift_right_arithmetic3A_1604 = arith.constant 14 : i32
    %shift_right_arithmetic3A_1605 = vector.broadcast %shift_right_arithmetic3A_1604 : i32 to vector<16xi32>
    %shift_right_arithmetic3A_1606 = arith.shrsi %get3A_1603, %shift_right_arithmetic3A_1605 : vector<16xi32>
    %gather3A_1607 = tpu.vector_load_idx %arg38[%shift_right_arithmetic3A_1606] : memref<16xi32, #tpu.memory_space<vmem>>[vector<16xi32>], vector<16xi32>,
    %add3A_1608 = arith.addi %get3A_1603, %gather3A_1607 : vector<16xi32>
    %swap3A_1609 = arith.constant 0 : index
    %swap3A_1610 = tpu.vector_load %arg14[%swap3A_1609] {strides = array<i32>} : memref<128xi32, #tpu.memory_space<vmem>>, vector<16xi32>,
    tpu.vector_store %arg14[%swap3A_1609], %add3A_1608 {strides = array<i32>} : memref<128xi32, #tpu.memory_space<vmem>>, vector<16xi32>,
    %iota3A_1611 = tpu.iota {dimensions = array<i32: 0>} : vector<16xi32>
    %add3A_1612 = arith.constant 1024 : i32
    %add3A_1613 = arith.addi %mul3A_2, %add3A_1612 : i32
    %add3A_1614 = arith.constant 0 : i32
    %add3A_1615 = arith.addi %add3A_1613, %add3A_1614 : i32
    %add3A_1616 = vector.broadcast %add3A_1615 : i32 to vector<16xi32>
    %add3A_1617 = arith.addi %iota3A_1611, %add3A_1616 : vector<16xi32>
    %shift_right_arithmetic3A_1618 = arith.constant 2 : i32
    %shift_right_arithmetic3A_1619 = vector.broadcast %shift_right_arithmetic3A_1618 : i32 to vector<16xi32>
    %shift_right_arithmetic3A_1620 = arith.shrsi %add3A_1617, %shift_right_arithmetic3A_1619 : vector<16xi32>
    %swap3A_1621 = arith.constant 0 : index
    %swap3A_1622 = tpu.vector_load %arg30[%swap3A_1621] {strides = array<i32>} : memref<128xi32, #tpu.memory_space<vmem>>, vector<16xi32>,
    tpu.vector_store %arg30[%swap3A_1621], %shift_right_arithmetic3A_1620 {strides = array<i32>} : memref<128xi32, #tpu.memory_space<vmem>>, vector<16xi32>,
    %get3A_1623 = arith.constant 8 : i32
    %get3A_1624 = arith.constant 0 : i32
    %get3A_1625 = arith.index_cast %get3A_1623 : i32 to index
    %get3A_1626 = arith.index_cast %get3A_1624 : i32 to index
    %get3A_1627 = arith.constant 16 : index
    %get3A_1628 = tpu.vector_load %arg5[%get3A_1625, %get3A_1626, %get3A_1627] {strides = array<i32>} : memref<16x1x128xi32, #tpu.memory_space<vmem>>, vector<16xi32>,
    %shift_right_arithmetic3A_1629 = arith.constant 14 : i32
    %shift_right_arithmetic3A_1630 = vector.broadcast %shift_right_arithmetic3A_1629 : i32 to vector<16xi32>
    %shift_right_arithmetic3A_1631 = arith.shrsi %get3A_1628, %shift_right_arithmetic3A_1630 : vector<16xi32>
    %gather3A_1632 = tpu.vector_load_idx %arg38[%shift_right_arithmetic3A_1631] : memref<16xi32, #tpu.memory_space<vmem>>[vector<16xi32>], vector<16xi32>,
    %add3A_1633 = arith.addi %get3A_1628, %gather3A_1632 : vector<16xi32>
    %swap3A_1634 = arith.constant 16 : index
    %swap3A_1635 = tpu.vector_load %arg14[%swap3A_1634] {strides = array<i32>} : memref<128xi32, #tpu.memory_space<vmem>>, vector<16xi32>,
    tpu.vector_store %arg14[%swap3A_1634], %add3A_1633 {strides = array<i32>} : memref<128xi32, #tpu.memory_space<vmem>>, vector<16xi32>,
    %iota3A_1636 = tpu.iota {dimensions = array<i32: 0>} : vector<16xi32>
    %add3A_1637 = arith.constant 1024 : i32
    %add3A_1638 = arith.addi %mul3A_2, %add3A_1637 : i32
    %add3A_1639 = arith.constant 16 : i32
    %add3A_1640 = arith.addi %add3A_1638, %add3A_1639 : i32
    %add3A_1641 = vector.broadcast %add3A_1640 : i32 to vector<16xi32>
    %add3A_1642 = arith.addi %iota3A_1636, %add3A_1641 : vector<16xi32>
    %shift_right_arithmetic3A_1643 = arith.constant 2 : i32
    %shift_right_arithmetic3A_1644 = vector.broadcast %shift_right_arithmetic3A_1643 : i32 to vector<16xi32>
    %shift_right_arithmetic3A_1645 = arith.shrsi %add3A_1642, %shift_right_arithmetic3A_1644 : vector<16xi32>
    %swap3A_1646 = arith.constant 16 : index
    %swap3A_1647 = tpu.vector_load %arg30[%swap3A_1646] {strides = array<i32>} : memref<128xi32, #tpu.memory_space<vmem>>, vector<16xi32>,
    tpu.vector_store %arg30[%swap3A_1646], %shift_right_arithmetic3A_1645 {strides = array<i32>} : memref<128xi32, #tpu.memory_space<vmem>>, vector<16xi32>,
    %get3A_1648 = arith.constant 8 : i32
    %get3A_1649 = arith.constant 0 : i32
    %get3A_1650 = arith.index_cast %get3A_1648 : i32 to index
    %get3A_1651 = arith.index_cast %get3A_1649 : i32 to index
    %get3A_1652 = arith.constant 32 : index
    %get3A_1653 = tpu.vector_load %arg5[%get3A_1650, %get3A_1651, %get3A_1652] {strides = array<i32>} : memref<16x1x128xi32, #tpu.memory_space<vmem>>, vector<16xi32>,
    %shift_right_arithmetic3A_1654 = arith.constant 14 : i32
    %shift_right_arithmetic3A_1655 = vector.broadcast %shift_right_arithmetic3A_1654 : i32 to vector<16xi32>
    %shift_right_arithmetic3A_1656 = arith.shrsi %get3A_1653, %shift_right_arithmetic3A_1655 : vector<16xi32>
    %gather3A_1657 = tpu.vector_load_idx %arg38[%shift_right_arithmetic3A_1656] : memref<16xi32, #tpu.memory_space<vmem>>[vector<16xi32>], vector<16xi32>,
    %add3A_1658 = arith.addi %get3A_1653, %gather3A_1657 : vector<16xi32>
    %swap3A_1659 = arith.constant 32 : index
    %swap3A_1660 = tpu.vector_load %arg14[%swap3A_1659] {strides = array<i32>} : memref<128xi32, #tpu.memory_space<vmem>>, vector<16xi32>,
    tpu.vector_store %arg14[%swap3A_1659], %add3A_1658 {strides = array<i32>} : memref<128xi32, #tpu.memory_space<vmem>>, vector<16xi32>,
    %iota3A_1661 = tpu.iota {dimensions = array<i32: 0>} : vector<16xi32>
    %add3A_1662 = arith.constant 1024 : i32
    %add3A_1663 = arith.addi %mul3A_2, %add3A_1662 : i32
    %add3A_1664 = arith.constant 32 : i32
    %add3A_1665 = arith.addi %add3A_1663, %add3A_1664 : i32
    %add3A_1666 = vector.broadcast %add3A_1665 : i32 to vector<16xi32>
    %add3A_1667 = arith.addi %iota3A_1661, %add3A_1666 : vector<16xi32>
    %shift_right_arithmetic3A_1668 = arith.constant 2 : i32
    %shift_right_arithmetic3A_1669 = vector.broadcast %shift_right_arithmetic3A_1668 : i32 to vector<16xi32>
    %shift_right_arithmetic3A_1670 = arith.shrsi %add3A_1667, %shift_right_arithmetic3A_1669 : vector<16xi32>
    %swap3A_1671 = arith.constant 32 : index
    %swap3A_1672 = tpu.vector_load %arg30[%swap3A_1671] {strides = array<i32>} : memref<128xi32, #tpu.memory_space<vmem>>, vector<16xi32>,
    tpu.vector_store %arg30[%swap3A_1671], %shift_right_arithmetic3A_1670 {strides = array<i32>} : memref<128xi32, #tpu.memory_space<vmem>>, vector<16xi32>,
    %get3A_1673 = arith.constant 8 : i32
    %get3A_1674 = arith.constant 0 : i32
    %get3A_1675 = arith.index_cast %get3A_1673 : i32 to index
    %get3A_1676 = arith.index_cast %get3A_1674 : i32 to index
    %get3A_1677 = arith.constant 48 : index
    %get3A_1678 = tpu.vector_load %arg5[%get3A_1675, %get3A_1676, %get3A_1677] {strides = array<i32>} : memref<16x1x128xi32, #tpu.memory_space<vmem>>, vector<16xi32>,
    %shift_right_arithmetic3A_1679 = arith.constant 14 : i32
    %shift_right_arithmetic3A_1680 = vector.broadcast %shift_right_arithmetic3A_1679 : i32 to vector<16xi32>
    %shift_right_arithmetic3A_1681 = arith.shrsi %get3A_1678, %shift_right_arithmetic3A_1680 : vector<16xi32>
    %gather3A_1682 = tpu.vector_load_idx %arg38[%shift_right_arithmetic3A_1681] : memref<16xi32, #tpu.memory_space<vmem>>[vector<16xi32>], vector<16xi32>,
    %add3A_1683 = arith.addi %get3A_1678, %gather3A_1682 : vector<16xi32>
    %swap3A_1684 = arith.constant 48 : index
    %swap3A_1685 = tpu.vector_load %arg14[%swap3A_1684] {strides = array<i32>} : memref<128xi32, #tpu.memory_space<vmem>>, vector<16xi32>,
    tpu.vector_store %arg14[%swap3A_1684], %add3A_1683 {strides = array<i32>} : memref<128xi32, #tpu.memory_space<vmem>>, vector<16xi32>,
    %iota3A_1686 = tpu.iota {dimensions = array<i32: 0>} : vector<16xi32>
    %add3A_1687 = arith.constant 1024 : i32
    %add3A_1688 = arith.addi %mul3A_2, %add3A_1687 : i32
    %add3A_1689 = arith.constant 48 : i32
    %add3A_1690 = arith.addi %add3A_1688, %add3A_1689 : i32
    %add3A_1691 = vector.broadcast %add3A_1690 : i32 to vector<16xi32>
    %add3A_1692 = arith.addi %iota3A_1686, %add3A_1691 : vector<16xi32>
    %shift_right_arithmetic3A_1693 = arith.constant 2 : i32
    %shift_right_arithmetic3A_1694 = vector.broadcast %shift_right_arithmetic3A_1693 : i32 to vector<16xi32>
    %shift_right_arithmetic3A_1695 = arith.shrsi %add3A_1692, %shift_right_arithmetic3A_1694 : vector<16xi32>
    %swap3A_1696 = arith.constant 48 : index
    %swap3A_1697 = tpu.vector_load %arg30[%swap3A_1696] {strides = array<i32>} : memref<128xi32, #tpu.memory_space<vmem>>, vector<16xi32>,
    tpu.vector_store %arg30[%swap3A_1696], %shift_right_arithmetic3A_1695 {strides = array<i32>} : memref<128xi32, #tpu.memory_space<vmem>>, vector<16xi32>,
    %get3A_1698 = arith.constant 8 : i32
    %get3A_1699 = arith.constant 0 : i32
    %get3A_1700 = arith.index_cast %get3A_1698 : i32 to index
    %get3A_1701 = arith.index_cast %get3A_1699 : i32 to index
    %get3A_1702 = arith.constant 64 : index
    %get3A_1703 = tpu.vector_load %arg5[%get3A_1700, %get3A_1701, %get3A_1702] {strides = array<i32>} : memref<16x1x128xi32, #tpu.memory_space<vmem>>, vector<16xi32>,
    %shift_right_arithmetic3A_1704 = arith.constant 14 : i32
    %shift_right_arithmetic3A_1705 = vector.broadcast %shift_right_arithmetic3A_1704 : i32 to vector<16xi32>
    %shift_right_arithmetic3A_1706 = arith.shrsi %get3A_1703, %shift_right_arithmetic3A_1705 : vector<16xi32>
    %gather3A_1707 = tpu.vector_load_idx %arg38[%shift_right_arithmetic3A_1706] : memref<16xi32, #tpu.memory_space<vmem>>[vector<16xi32>], vector<16xi32>,
    %add3A_1708 = arith.addi %get3A_1703, %gather3A_1707 : vector<16xi32>
    %swap3A_1709 = arith.constant 64 : index
    %swap3A_1710 = tpu.vector_load %arg14[%swap3A_1709] {strides = array<i32>} : memref<128xi32, #tpu.memory_space<vmem>>, vector<16xi32>,
    tpu.vector_store %arg14[%swap3A_1709], %add3A_1708 {strides = array<i32>} : memref<128xi32, #tpu.memory_space<vmem>>, vector<16xi32>,
    %iota3A_1711 = tpu.iota {dimensions = array<i32: 0>} : vector<16xi32>
    %add3A_1712 = arith.constant 1024 : i32
    %add3A_1713 = arith.addi %mul3A_2, %add3A_1712 : i32
    %add3A_1714 = arith.constant 64 : i32
    %add3A_1715 = arith.addi %add3A_1713, %add3A_1714 : i32
    %add3A_1716 = vector.broadcast %add3A_1715 : i32 to vector<16xi32>
    %add3A_1717 = arith.addi %iota3A_1711, %add3A_1716 : vector<16xi32>
    %shift_right_arithmetic3A_1718 = arith.constant 2 : i32
    %shift_right_arithmetic3A_1719 = vector.broadcast %shift_right_arithmetic3A_1718 : i32 to vector<16xi32>
    %shift_right_arithmetic3A_1720 = arith.shrsi %add3A_1717, %shift_right_arithmetic3A_1719 : vector<16xi32>
    %swap3A_1721 = arith.constant 64 : index
    %swap3A_1722 = tpu.vector_load %arg30[%swap3A_1721] {strides = array<i32>} : memref<128xi32, #tpu.memory_space<vmem>>, vector<16xi32>,
    tpu.vector_store %arg30[%swap3A_1721], %shift_right_arithmetic3A_1720 {strides = array<i32>} : memref<128xi32, #tpu.memory_space<vmem>>, vector<16xi32>,
    %get3A_1723 = arith.constant 8 : i32
    %get3A_1724 = arith.constant 0 : i32
    %get3A_1725 = arith.index_cast %get3A_1723 : i32 to index
    %get3A_1726 = arith.index_cast %get3A_1724 : i32 to index
    %get3A_1727 = arith.constant 80 : index
    %get3A_1728 = tpu.vector_load %arg5[%get3A_1725, %get3A_1726, %get3A_1727] {strides = array<i32>} : memref<16x1x128xi32, #tpu.memory_space<vmem>>, vector<16xi32>,
    %shift_right_arithmetic3A_1729 = arith.constant 14 : i32
    %shift_right_arithmetic3A_1730 = vector.broadcast %shift_right_arithmetic3A_1729 : i32 to vector<16xi32>
    %shift_right_arithmetic3A_1731 = arith.shrsi %get3A_1728, %shift_right_arithmetic3A_1730 : vector<16xi32>
    %gather3A_1732 = tpu.vector_load_idx %arg38[%shift_right_arithmetic3A_1731] : memref<16xi32, #tpu.memory_space<vmem>>[vector<16xi32>], vector<16xi32>,
    %add3A_1733 = arith.addi %get3A_1728, %gather3A_1732 : vector<16xi32>
    %swap3A_1734 = arith.constant 80 : index
    %swap3A_1735 = tpu.vector_load %arg14[%swap3A_1734] {strides = array<i32>} : memref<128xi32, #tpu.memory_space<vmem>>, vector<16xi32>,
    tpu.vector_store %arg14[%swap3A_1734], %add3A_1733 {strides = array<i32>} : memref<128xi32, #tpu.memory_space<vmem>>, vector<16xi32>,
    %iota3A_1736 = tpu.iota {dimensions = array<i32: 0>} : vector<16xi32>
    %add3A_1737 = arith.constant 1024 : i32
    %add3A_1738 = arith.addi %mul3A_2, %add3A_1737 : i32
    %add3A_1739 = arith.constant 80 : i32
    %add3A_1740 = arith.addi %add3A_1738, %add3A_1739 : i32
    %add3A_1741 = vector.broadcast %add3A_1740 : i32 to vector<16xi32>
    %add3A_1742 = arith.addi %iota3A_1736, %add3A_1741 : vector<16xi32>
    %shift_right_arithmetic3A_1743 = arith.constant 2 : i32
    %shift_right_arithmetic3A_1744 = vector.broadcast %shift_right_arithmetic3A_1743 : i32 to vector<16xi32>
    %shift_right_arithmetic3A_1745 = arith.shrsi %add3A_1742, %shift_right_arithmetic3A_1744 : vector<16xi32>
    %swap3A_1746 = arith.constant 80 : index
    %swap3A_1747 = tpu.vector_load %arg30[%swap3A_1746] {strides = array<i32>} : memref<128xi32, #tpu.memory_space<vmem>>, vector<16xi32>,
    tpu.vector_store %arg30[%swap3A_1746], %shift_right_arithmetic3A_1745 {strides = array<i32>} : memref<128xi32, #tpu.memory_space<vmem>>, vector<16xi32>,
    %get3A_1748 = arith.constant 8 : i32
    %get3A_1749 = arith.constant 0 : i32
    %get3A_1750 = arith.index_cast %get3A_1748 : i32 to index
    %get3A_1751 = arith.index_cast %get3A_1749 : i32 to index
    %get3A_1752 = arith.constant 96 : index
    %get3A_1753 = tpu.vector_load %arg5[%get3A_1750, %get3A_1751, %get3A_1752] {strides = array<i32>} : memref<16x1x128xi32, #tpu.memory_space<vmem>>, vector<16xi32>,
    %shift_right_arithmetic3A_1754 = arith.constant 14 : i32
    %shift_right_arithmetic3A_1755 = vector.broadcast %shift_right_arithmetic3A_1754 : i32 to vector<16xi32>
    %shift_right_arithmetic3A_1756 = arith.shrsi %get3A_1753, %shift_right_arithmetic3A_1755 : vector<16xi32>
    %gather3A_1757 = tpu.vector_load_idx %arg38[%shift_right_arithmetic3A_1756] : memref<16xi32, #tpu.memory_space<vmem>>[vector<16xi32>], vector<16xi32>,
    %add3A_1758 = arith.addi %get3A_1753, %gather3A_1757 : vector<16xi32>
    %swap3A_1759 = arith.constant 96 : index
    %swap3A_1760 = tpu.vector_load %arg14[%swap3A_1759] {strides = array<i32>} : memref<128xi32, #tpu.memory_space<vmem>>, vector<16xi32>,
    tpu.vector_store %arg14[%swap3A_1759], %add3A_1758 {strides = array<i32>} : memref<128xi32, #tpu.memory_space<vmem>>, vector<16xi32>,
    %iota3A_1761 = tpu.iota {dimensions = array<i32: 0>} : vector<16xi32>
    %add3A_1762 = arith.constant 1024 : i32
    %add3A_1763 = arith.addi %mul3A_2, %add3A_1762 : i32
    %add3A_1764 = arith.constant 96 : i32
    %add3A_1765 = arith.addi %add3A_1763, %add3A_1764 : i32
    %add3A_1766 = vector.broadcast %add3A_1765 : i32 to vector<16xi32>
    %add3A_1767 = arith.addi %iota3A_1761, %add3A_1766 : vector<16xi32>
    %shift_right_arithmetic3A_1768 = arith.constant 2 : i32
    %shift_right_arithmetic3A_1769 = vector.broadcast %shift_right_arithmetic3A_1768 : i32 to vector<16xi32>
    %shift_right_arithmetic3A_1770 = arith.shrsi %add3A_1767, %shift_right_arithmetic3A_1769 : vector<16xi32>
    %swap3A_1771 = arith.constant 96 : index
    %swap3A_1772 = tpu.vector_load %arg30[%swap3A_1771] {strides = array<i32>} : memref<128xi32, #tpu.memory_space<vmem>>, vector<16xi32>,
    tpu.vector_store %arg30[%swap3A_1771], %shift_right_arithmetic3A_1770 {strides = array<i32>} : memref<128xi32, #tpu.memory_space<vmem>>, vector<16xi32>,
    %get3A_1773 = arith.constant 8 : i32
    %get3A_1774 = arith.constant 0 : i32
    %get3A_1775 = arith.index_cast %get3A_1773 : i32 to index
    %get3A_1776 = arith.index_cast %get3A_1774 : i32 to index
    %get3A_1777 = arith.constant 112 : index
    %get3A_1778 = tpu.vector_load %arg5[%get3A_1775, %get3A_1776, %get3A_1777] {strides = array<i32>} : memref<16x1x128xi32, #tpu.memory_space<vmem>>, vector<16xi32>,
    %shift_right_arithmetic3A_1779 = arith.constant 14 : i32
    %shift_right_arithmetic3A_1780 = vector.broadcast %shift_right_arithmetic3A_1779 : i32 to vector<16xi32>
    %shift_right_arithmetic3A_1781 = arith.shrsi %get3A_1778, %shift_right_arithmetic3A_1780 : vector<16xi32>
    %gather3A_1782 = tpu.vector_load_idx %arg38[%shift_right_arithmetic3A_1781] : memref<16xi32, #tpu.memory_space<vmem>>[vector<16xi32>], vector<16xi32>,
    %add3A_1783 = arith.addi %get3A_1778, %gather3A_1782 : vector<16xi32>
    %swap3A_1784 = arith.constant 112 : index
    %swap3A_1785 = tpu.vector_load %arg14[%swap3A_1784] {strides = array<i32>} : memref<128xi32, #tpu.memory_space<vmem>>, vector<16xi32>,
    tpu.vector_store %arg14[%swap3A_1784], %add3A_1783 {strides = array<i32>} : memref<128xi32, #tpu.memory_space<vmem>>, vector<16xi32>,
    %iota3A_1786 = tpu.iota {dimensions = array<i32: 0>} : vector<16xi32>
    %add3A_1787 = arith.constant 1024 : i32
    %add3A_1788 = arith.addi %mul3A_2, %add3A_1787 : i32
    %add3A_1789 = arith.constant 112 : i32
    %add3A_1790 = arith.addi %add3A_1788, %add3A_1789 : i32
    %add3A_1791 = vector.broadcast %add3A_1790 : i32 to vector<16xi32>
    %add3A_1792 = arith.addi %iota3A_1786, %add3A_1791 : vector<16xi32>
    %shift_right_arithmetic3A_1793 = arith.constant 2 : i32
    %shift_right_arithmetic3A_1794 = vector.broadcast %shift_right_arithmetic3A_1793 : i32 to vector<16xi32>
    %shift_right_arithmetic3A_1795 = arith.shrsi %add3A_1792, %shift_right_arithmetic3A_1794 : vector<16xi32>
    %swap3A_1796 = arith.constant 112 : index
    %swap3A_1797 = tpu.vector_load %arg30[%swap3A_1796] {strides = array<i32>} : memref<128xi32, #tpu.memory_space<vmem>>, vector<16xi32>,
    tpu.vector_store %arg30[%swap3A_1796], %shift_right_arithmetic3A_1795 {strides = array<i32>} : memref<128xi32, #tpu.memory_space<vmem>>, vector<16xi32>,
    %get3A_1798 = arith.constant 9 : i32
    %get3A_1799 = arith.constant 0 : i32
    %get3A_1800 = arith.index_cast %get3A_1798 : i32 to index
    %get3A_1801 = arith.index_cast %get3A_1799 : i32 to index
    %get3A_1802 = arith.constant 0 : index
    %get3A_1803 = tpu.vector_load %arg5[%get3A_1800, %get3A_1801, %get3A_1802] {strides = array<i32>} : memref<16x1x128xi32, #tpu.memory_space<vmem>>, vector<16xi32>,
    %shift_right_arithmetic3A_1804 = arith.constant 14 : i32
    %shift_right_arithmetic3A_1805 = vector.broadcast %shift_right_arithmetic3A_1804 : i32 to vector<16xi32>
    %shift_right_arithmetic3A_1806 = arith.shrsi %get3A_1803, %shift_right_arithmetic3A_1805 : vector<16xi32>
    %gather3A_1807 = tpu.vector_load_idx %arg38[%shift_right_arithmetic3A_1806] : memref<16xi32, #tpu.memory_space<vmem>>[vector<16xi32>], vector<16xi32>,
    %add3A_1808 = arith.addi %get3A_1803, %gather3A_1807 : vector<16xi32>
    %swap3A_1809 = arith.constant 0 : index
    %swap3A_1810 = tpu.vector_load %arg15[%swap3A_1809] {strides = array<i32>} : memref<128xi32, #tpu.memory_space<vmem>>, vector<16xi32>,
    tpu.vector_store %arg15[%swap3A_1809], %add3A_1808 {strides = array<i32>} : memref<128xi32, #tpu.memory_space<vmem>>, vector<16xi32>,
    %iota3A_1811 = tpu.iota {dimensions = array<i32: 0>} : vector<16xi32>
    %add3A_1812 = arith.constant 1152 : i32
    %add3A_1813 = arith.addi %mul3A_2, %add3A_1812 : i32
    %add3A_1814 = arith.constant 0 : i32
    %add3A_1815 = arith.addi %add3A_1813, %add3A_1814 : i32
    %add3A_1816 = vector.broadcast %add3A_1815 : i32 to vector<16xi32>
    %add3A_1817 = arith.addi %iota3A_1811, %add3A_1816 : vector<16xi32>
    %shift_right_arithmetic3A_1818 = arith.constant 2 : i32
    %shift_right_arithmetic3A_1819 = vector.broadcast %shift_right_arithmetic3A_1818 : i32 to vector<16xi32>
    %shift_right_arithmetic3A_1820 = arith.shrsi %add3A_1817, %shift_right_arithmetic3A_1819 : vector<16xi32>
    %swap3A_1821 = arith.constant 0 : index
    %swap3A_1822 = tpu.vector_load %arg31[%swap3A_1821] {strides = array<i32>} : memref<128xi32, #tpu.memory_space<vmem>>, vector<16xi32>,
    tpu.vector_store %arg31[%swap3A_1821], %shift_right_arithmetic3A_1820 {strides = array<i32>} : memref<128xi32, #tpu.memory_space<vmem>>, vector<16xi32>,
    %get3A_1823 = arith.constant 9 : i32
    %get3A_1824 = arith.constant 0 : i32
    %get3A_1825 = arith.index_cast %get3A_1823 : i32 to index
    %get3A_1826 = arith.index_cast %get3A_1824 : i32 to index
    %get3A_1827 = arith.constant 16 : index
    %get3A_1828 = tpu.vector_load %arg5[%get3A_1825, %get3A_1826, %get3A_1827] {strides = array<i32>} : memref<16x1x128xi32, #tpu.memory_space<vmem>>, vector<16xi32>,
    %shift_right_arithmetic3A_1829 = arith.constant 14 : i32
    %shift_right_arithmetic3A_1830 = vector.broadcast %shift_right_arithmetic3A_1829 : i32 to vector<16xi32>
    %shift_right_arithmetic3A_1831 = arith.shrsi %get3A_1828, %shift_right_arithmetic3A_1830 : vector<16xi32>
    %gather3A_1832 = tpu.vector_load_idx %arg38[%shift_right_arithmetic3A_1831] : memref<16xi32, #tpu.memory_space<vmem>>[vector<16xi32>], vector<16xi32>,
    %add3A_1833 = arith.addi %get3A_1828, %gather3A_1832 : vector<16xi32>
    %swap3A_1834 = arith.constant 16 : index
    %swap3A_1835 = tpu.vector_load %arg15[%swap3A_1834] {strides = array<i32>} : memref<128xi32, #tpu.memory_space<vmem>>, vector<16xi32>,
    tpu.vector_store %arg15[%swap3A_1834], %add3A_1833 {strides = array<i32>} : memref<128xi32, #tpu.memory_space<vmem>>, vector<16xi32>,
    %iota3A_1836 = tpu.iota {dimensions = array<i32: 0>} : vector<16xi32>
    %add3A_1837 = arith.constant 1152 : i32
    %add3A_1838 = arith.addi %mul3A_2, %add3A_1837 : i32
    %add3A_1839 = arith.constant 16 : i32
    %add3A_1840 = arith.addi %add3A_1838, %add3A_1839 : i32
    %add3A_1841 = vector.broadcast %add3A_1840 : i32 to vector<16xi32>
    %add3A_1842 = arith.addi %iota3A_1836, %add3A_1841 : vector<16xi32>
    %shift_right_arithmetic3A_1843 = arith.constant 2 : i32
    %shift_right_arithmetic3A_1844 = vector.broadcast %shift_right_arithmetic3A_1843 : i32 to vector<16xi32>
    %shift_right_arithmetic3A_1845 = arith.shrsi %add3A_1842, %shift_right_arithmetic3A_1844 : vector<16xi32>
    %swap3A_1846 = arith.constant 16 : index
    %swap3A_1847 = tpu.vector_load %arg31[%swap3A_1846] {strides = array<i32>} : memref<128xi32, #tpu.memory_space<vmem>>, vector<16xi32>,
    tpu.vector_store %arg31[%swap3A_1846], %shift_right_arithmetic3A_1845 {strides = array<i32>} : memref<128xi32, #tpu.memory_space<vmem>>, vector<16xi32>,
    %get3A_1848 = arith.constant 9 : i32
    %get3A_1849 = arith.constant 0 : i32
    %get3A_1850 = arith.index_cast %get3A_1848 : i32 to index
    %get3A_1851 = arith.index_cast %get3A_1849 : i32 to index
    %get3A_1852 = arith.constant 32 : index
    %get3A_1853 = tpu.vector_load %arg5[%get3A_1850, %get3A_1851, %get3A_1852] {strides = array<i32>} : memref<16x1x128xi32, #tpu.memory_space<vmem>>, vector<16xi32>,
    %shift_right_arithmetic3A_1854 = arith.constant 14 : i32
    %shift_right_arithmetic3A_1855 = vector.broadcast %shift_right_arithmetic3A_1854 : i32 to vector<16xi32>
    %shift_right_arithmetic3A_1856 = arith.shrsi %get3A_1853, %shift_right_arithmetic3A_1855 : vector<16xi32>
    %gather3A_1857 = tpu.vector_load_idx %arg38[%shift_right_arithmetic3A_1856] : memref<16xi32, #tpu.memory_space<vmem>>[vector<16xi32>], vector<16xi32>,
    %add3A_1858 = arith.addi %get3A_1853, %gather3A_1857 : vector<16xi32>
    %swap3A_1859 = arith.constant 32 : index
    %swap3A_1860 = tpu.vector_load %arg15[%swap3A_1859] {strides = array<i32>} : memref<128xi32, #tpu.memory_space<vmem>>, vector<16xi32>,
    tpu.vector_store %arg15[%swap3A_1859], %add3A_1858 {strides = array<i32>} : memref<128xi32, #tpu.memory_space<vmem>>, vector<16xi32>,
    %iota3A_1861 = tpu.iota {dimensions = array<i32: 0>} : vector<16xi32>
    %add3A_1862 = arith.constant 1152 : i32
    %add3A_1863 = arith.addi %mul3A_2, %add3A_1862 : i32
    %add3A_1864 = arith.constant 32 : i32
    %add3A_1865 = arith.addi %add3A_1863, %add3A_1864 : i32
    %add3A_1866 = vector.broadcast %add3A_1865 : i32 to vector<16xi32>
    %add3A_1867 = arith.addi %iota3A_1861, %add3A_1866 : vector<16xi32>
    %shift_right_arithmetic3A_1868 = arith.constant 2 : i32
    %shift_right_arithmetic3A_1869 = vector.broadcast %shift_right_arithmetic3A_1868 : i32 to vector<16xi32>
    %shift_right_arithmetic3A_1870 = arith.shrsi %add3A_1867, %shift_right_arithmetic3A_1869 : vector<16xi32>
    %swap3A_1871 = arith.constant 32 : index
    %swap3A_1872 = tpu.vector_load %arg31[%swap3A_1871] {strides = array<i32>} : memref<128xi32, #tpu.memory_space<vmem>>, vector<16xi32>,
    tpu.vector_store %arg31[%swap3A_1871], %shift_right_arithmetic3A_1870 {strides = array<i32>} : memref<128xi32, #tpu.memory_space<vmem>>, vector<16xi32>,
    %get3A_1873 = arith.constant 9 : i32
    %get3A_1874 = arith.constant 0 : i32
    %get3A_1875 = arith.index_cast %get3A_1873 : i32 to index
    %get3A_1876 = arith.index_cast %get3A_1874 : i32 to index
    %get3A_1877 = arith.constant 48 : index
    %get3A_1878 = tpu.vector_load %arg5[%get3A_1875, %get3A_1876, %get3A_1877] {strides = array<i32>} : memref<16x1x128xi32, #tpu.memory_space<vmem>>, vector<16xi32>,
    %shift_right_arithmetic3A_1879 = arith.constant 14 : i32
    %shift_right_arithmetic3A_1880 = vector.broadcast %shift_right_arithmetic3A_1879 : i32 to vector<16xi32>
    %shift_right_arithmetic3A_1881 = arith.shrsi %get3A_1878, %shift_right_arithmetic3A_1880 : vector<16xi32>
    %gather3A_1882 = tpu.vector_load_idx %arg38[%shift_right_arithmetic3A_1881] : memref<16xi32, #tpu.memory_space<vmem>>[vector<16xi32>], vector<16xi32>,
    %add3A_1883 = arith.addi %get3A_1878, %gather3A_1882 : vector<16xi32>
    %swap3A_1884 = arith.constant 48 : index
    %swap3A_1885 = tpu.vector_load %arg15[%swap3A_1884] {strides = array<i32>} : memref<128xi32, #tpu.memory_space<vmem>>, vector<16xi32>,
    tpu.vector_store %arg15[%swap3A_1884], %add3A_1883 {strides = array<i32>} : memref<128xi32, #tpu.memory_space<vmem>>, vector<16xi32>,
    %iota3A_1886 = tpu.iota {dimensions = array<i32: 0>} : vector<16xi32>
    %add3A_1887 = arith.constant 1152 : i32
    %add3A_1888 = arith.addi %mul3A_2, %add3A_1887 : i32
    %add3A_1889 = arith.constant 48 : i32
    %add3A_1890 = arith.addi %add3A_1888, %add3A_1889 : i32
    %add3A_1891 = vector.broadcast %add3A_1890 : i32 to vector<16xi32>
    %add3A_1892 = arith.addi %iota3A_1886, %add3A_1891 : vector<16xi32>
    %shift_right_arithmetic3A_1893 = arith.constant 2 : i32
    %shift_right_arithmetic3A_1894 = vector.broadcast %shift_right_arithmetic3A_1893 : i32 to vector<16xi32>
    %shift_right_arithmetic3A_1895 = arith.shrsi %add3A_1892, %shift_right_arithmetic3A_1894 : vector<16xi32>
    %swap3A_1896 = arith.constant 48 : index
    %swap3A_1897 = tpu.vector_load %arg31[%swap3A_1896] {strides = array<i32>} : memref<128xi32, #tpu.memory_space<vmem>>, vector<16xi32>,
    tpu.vector_store %arg31[%swap3A_1896], %shift_right_arithmetic3A_1895 {strides = array<i32>} : memref<128xi32, #tpu.memory_space<vmem>>, vector<16xi32>,
    %get3A_1898 = arith.constant 9 : i32
    %get3A_1899 = arith.constant 0 : i32
    %get3A_1900 = arith.index_cast %get3A_1898 : i32 to index
    %get3A_1901 = arith.index_cast %get3A_1899 : i32 to index
    %get3A_1902 = arith.constant 64 : index
    %get3A_1903 = tpu.vector_load %arg5[%get3A_1900, %get3A_1901, %get3A_1902] {strides = array<i32>} : memref<16x1x128xi32, #tpu.memory_space<vmem>>, vector<16xi32>,
    %shift_right_arithmetic3A_1904 = arith.constant 14 : i32
    %shift_right_arithmetic3A_1905 = vector.broadcast %shift_right_arithmetic3A_1904 : i32 to vector<16xi32>
    %shift_right_arithmetic3A_1906 = arith.shrsi %get3A_1903, %shift_right_arithmetic3A_1905 : vector<16xi32>
    %gather3A_1907 = tpu.vector_load_idx %arg38[%shift_right_arithmetic3A_1906] : memref<16xi32, #tpu.memory_space<vmem>>[vector<16xi32>], vector<16xi32>,
    %add3A_1908 = arith.addi %get3A_1903, %gather3A_1907 : vector<16xi32>
    %swap3A_1909 = arith.constant 64 : index
    %swap3A_1910 = tpu.vector_load %arg15[%swap3A_1909] {strides = array<i32>} : memref<128xi32, #tpu.memory_space<vmem>>, vector<16xi32>,
    tpu.vector_store %arg15[%swap3A_1909], %add3A_1908 {strides = array<i32>} : memref<128xi32, #tpu.memory_space<vmem>>, vector<16xi32>,
    %iota3A_1911 = tpu.iota {dimensions = array<i32: 0>} : vector<16xi32>
    %add3A_1912 = arith.constant 1152 : i32
    %add3A_1913 = arith.addi %mul3A_2, %add3A_1912 : i32
    %add3A_1914 = arith.constant 64 : i32
    %add3A_1915 = arith.addi %add3A_1913, %add3A_1914 : i32
    %add3A_1916 = vector.broadcast %add3A_1915 : i32 to vector<16xi32>
    %add3A_1917 = arith.addi %iota3A_1911, %add3A_1916 : vector<16xi32>
    %shift_right_arithmetic3A_1918 = arith.constant 2 : i32
    %shift_right_arithmetic3A_1919 = vector.broadcast %shift_right_arithmetic3A_1918 : i32 to vector<16xi32>
    %shift_right_arithmetic3A_1920 = arith.shrsi %add3A_1917, %shift_right_arithmetic3A_1919 : vector<16xi32>
    %swap3A_1921 = arith.constant 64 : index
    %swap3A_1922 = tpu.vector_load %arg31[%swap3A_1921] {strides = array<i32>} : memref<128xi32, #tpu.memory_space<vmem>>, vector<16xi32>,
    tpu.vector_store %arg31[%swap3A_1921], %shift_right_arithmetic3A_1920 {strides = array<i32>} : memref<128xi32, #tpu.memory_space<vmem>>, vector<16xi32>,
    %get3A_1923 = arith.constant 9 : i32
    %get3A_1924 = arith.constant 0 : i32
    %get3A_1925 = arith.index_cast %get3A_1923 : i32 to index
    %get3A_1926 = arith.index_cast %get3A_1924 : i32 to index
    %get3A_1927 = arith.constant 80 : index
    %get3A_1928 = tpu.vector_load %arg5[%get3A_1925, %get3A_1926, %get3A_1927] {strides = array<i32>} : memref<16x1x128xi32, #tpu.memory_space<vmem>>, vector<16xi32>,
    %shift_right_arithmetic3A_1929 = arith.constant 14 : i32
    %shift_right_arithmetic3A_1930 = vector.broadcast %shift_right_arithmetic3A_1929 : i32 to vector<16xi32>
    %shift_right_arithmetic3A_1931 = arith.shrsi %get3A_1928, %shift_right_arithmetic3A_1930 : vector<16xi32>
    %gather3A_1932 = tpu.vector_load_idx %arg38[%shift_right_arithmetic3A_1931] : memref<16xi32, #tpu.memory_space<vmem>>[vector<16xi32>], vector<16xi32>,
    %add3A_1933 = arith.addi %get3A_1928, %gather3A_1932 : vector<16xi32>
    %swap3A_1934 = arith.constant 80 : index
    %swap3A_1935 = tpu.vector_load %arg15[%swap3A_1934] {strides = array<i32>} : memref<128xi32, #tpu.memory_space<vmem>>, vector<16xi32>,
    tpu.vector_store %arg15[%swap3A_1934], %add3A_1933 {strides = array<i32>} : memref<128xi32, #tpu.memory_space<vmem>>, vector<16xi32>,
    %iota3A_1936 = tpu.iota {dimensions = array<i32: 0>} : vector<16xi32>
    %add3A_1937 = arith.constant 1152 : i32
    %add3A_1938 = arith.addi %mul3A_2, %add3A_1937 : i32
    %add3A_1939 = arith.constant 80 : i32
    %add3A_1940 = arith.addi %add3A_1938, %add3A_1939 : i32
    %add3A_1941 = vector.broadcast %add3A_1940 : i32 to vector<16xi32>
    %add3A_1942 = arith.addi %iota3A_1936, %add3A_1941 : vector<16xi32>
    %shift_right_arithmetic3A_1943 = arith.constant 2 : i32
    %shift_right_arithmetic3A_1944 = vector.broadcast %shift_right_arithmetic3A_1943 : i32 to vector<16xi32>
    %shift_right_arithmetic3A_1945 = arith.shrsi %add3A_1942, %shift_right_arithmetic3A_1944 : vector<16xi32>
    %swap3A_1946 = arith.constant 80 : index
    %swap3A_1947 = tpu.vector_load %arg31[%swap3A_1946] {strides = array<i32>} : memref<128xi32, #tpu.memory_space<vmem>>, vector<16xi32>,
    tpu.vector_store %arg31[%swap3A_1946], %shift_right_arithmetic3A_1945 {strides = array<i32>} : memref<128xi32, #tpu.memory_space<vmem>>, vector<16xi32>,
    %get3A_1948 = arith.constant 9 : i32
    %get3A_1949 = arith.constant 0 : i32
    %get3A_1950 = arith.index_cast %get3A_1948 : i32 to index
    %get3A_1951 = arith.index_cast %get3A_1949 : i32 to index
    %get3A_1952 = arith.constant 96 : index
    %get3A_1953 = tpu.vector_load %arg5[%get3A_1950, %get3A_1951, %get3A_1952] {strides = array<i32>} : memref<16x1x128xi32, #tpu.memory_space<vmem>>, vector<16xi32>,
    %shift_right_arithmetic3A_1954 = arith.constant 14 : i32
    %shift_right_arithmetic3A_1955 = vector.broadcast %shift_right_arithmetic3A_1954 : i32 to vector<16xi32>
    %shift_right_arithmetic3A_1956 = arith.shrsi %get3A_1953, %shift_right_arithmetic3A_1955 : vector<16xi32>
    %gather3A_1957 = tpu.vector_load_idx %arg38[%shift_right_arithmetic3A_1956] : memref<16xi32, #tpu.memory_space<vmem>>[vector<16xi32>], vector<16xi32>,
    %add3A_1958 = arith.addi %get3A_1953, %gather3A_1957 : vector<16xi32>
    %swap3A_1959 = arith.constant 96 : index
    %swap3A_1960 = tpu.vector_load %arg15[%swap3A_1959] {strides = array<i32>} : memref<128xi32, #tpu.memory_space<vmem>>, vector<16xi32>,
    tpu.vector_store %arg15[%swap3A_1959], %add3A_1958 {strides = array<i32>} : memref<128xi32, #tpu.memory_space<vmem>>, vector<16xi32>,
    %iota3A_1961 = tpu.iota {dimensions = array<i32: 0>} : vector<16xi32>
    %add3A_1962 = arith.constant 1152 : i32
    %add3A_1963 = arith.addi %mul3A_2, %add3A_1962 : i32
    %add3A_1964 = arith.constant 96 : i32
    %add3A_1965 = arith.addi %add3A_1963, %add3A_1964 : i32
    %add3A_1966 = vector.broadcast %add3A_1965 : i32 to vector<16xi32>
    %add3A_1967 = arith.addi %iota3A_1961, %add3A_1966 : vector<16xi32>
    %shift_right_arithmetic3A_1968 = arith.constant 2 : i32
    %shift_right_arithmetic3A_1969 = vector.broadcast %shift_right_arithmetic3A_1968 : i32 to vector<16xi32>
    %shift_right_arithmetic3A_1970 = arith.shrsi %add3A_1967, %shift_right_arithmetic3A_1969 : vector<16xi32>
    %swap3A_1971 = arith.constant 96 : index
    %swap3A_1972 = tpu.vector_load %arg31[%swap3A_1971] {strides = array<i32>} : memref<128xi32, #tpu.memory_space<vmem>>, vector<16xi32>,
    tpu.vector_store %arg31[%swap3A_1971], %shift_right_arithmetic3A_1970 {strides = array<i32>} : memref<128xi32, #tpu.memory_space<vmem>>, vector<16xi32>,
    %get3A_1973 = arith.constant 9 : i32
    %get3A_1974 = arith.constant 0 : i32
    %get3A_1975 = arith.index_cast %get3A_1973 : i32 to index
    %get3A_1976 = arith.index_cast %get3A_1974 : i32 to index
    %get3A_1977 = arith.constant 112 : index
    %get3A_1978 = tpu.vector_load %arg5[%get3A_1975, %get3A_1976, %get3A_1977] {strides = array<i32>} : memref<16x1x128xi32, #tpu.memory_space<vmem>>, vector<16xi32>,
    %shift_right_arithmetic3A_1979 = arith.constant 14 : i32
    %shift_right_arithmetic3A_1980 = vector.broadcast %shift_right_arithmetic3A_1979 : i32 to vector<16xi32>
    %shift_right_arithmetic3A_1981 = arith.shrsi %get3A_1978, %shift_right_arithmetic3A_1980 : vector<16xi32>
    %gather3A_1982 = tpu.vector_load_idx %arg38[%shift_right_arithmetic3A_1981] : memref<16xi32, #tpu.memory_space<vmem>>[vector<16xi32>], vector<16xi32>,
    %add3A_1983 = arith.addi %get3A_1978, %gather3A_1982 : vector<16xi32>
    %swap3A_1984 = arith.constant 112 : index
    %swap3A_1985 = tpu.vector_load %arg15[%swap3A_1984] {strides = array<i32>} : memref<128xi32, #tpu.memory_space<vmem>>, vector<16xi32>,
    tpu.vector_store %arg15[%swap3A_1984], %add3A_1983 {strides = array<i32>} : memref<128xi32, #tpu.memory_space<vmem>>, vector<16xi32>,
    %iota3A_1986 = tpu.iota {dimensions = array<i32: 0>} : vector<16xi32>
    %add3A_1987 = arith.constant 1152 : i32
    %add3A_1988 = arith.addi %mul3A_2, %add3A_1987 : i32
    %add3A_1989 = arith.constant 112 : i32
    %add3A_1990 = arith.addi %add3A_1988, %add3A_1989 : i32
    %add3A_1991 = vector.broadcast %add3A_1990 : i32 to vector<16xi32>
    %add3A_1992 = arith.addi %iota3A_1986, %add3A_1991 : vector<16xi32>
    %shift_right_arithmetic3A_1993 = arith.constant 2 : i32
    %shift_right_arithmetic3A_1994 = vector.broadcast %shift_right_arithmetic3A_1993 : i32 to vector<16xi32>
    %shift_right_arithmetic3A_1995 = arith.shrsi %add3A_1992, %shift_right_arithmetic3A_1994 : vector<16xi32>
    %swap3A_1996 = arith.constant 112 : index
    %swap3A_1997 = tpu.vector_load %arg31[%swap3A_1996] {strides = array<i32>} : memref<128xi32, #tpu.memory_space<vmem>>, vector<16xi32>,
    tpu.vector_store %arg31[%swap3A_1996], %shift_right_arithmetic3A_1995 {strides = array<i32>} : memref<128xi32, #tpu.memory_space<vmem>>, vector<16xi32>,
    %get3A_1998 = arith.constant 10 : i32
    %get3A_1999 = arith.constant 0 : i32
    %get3A_2000 = arith.index_cast %get3A_1998 : i32 to index
    %get3A_2001 = arith.index_cast %get3A_1999 : i32 to index
    %get3A_2002 = arith.constant 0 : index
    %get3A_2003 = tpu.vector_load %arg5[%get3A_2000, %get3A_2001, %get3A_2002] {strides = array<i32>} : memref<16x1x128xi32, #tpu.memory_space<vmem>>, vector<16xi32>,
    %shift_right_arithmetic3A_2004 = arith.constant 14 : i32
    %shift_right_arithmetic3A_2005 = vector.broadcast %shift_right_arithmetic3A_2004 : i32 to vector<16xi32>
    %shift_right_arithmetic3A_2006 = arith.shrsi %get3A_2003, %shift_right_arithmetic3A_2005 : vector<16xi32>
    %gather3A_2007 = tpu.vector_load_idx %arg38[%shift_right_arithmetic3A_2006] : memref<16xi32, #tpu.memory_space<vmem>>[vector<16xi32>], vector<16xi32>,
    %add3A_2008 = arith.addi %get3A_2003, %gather3A_2007 : vector<16xi32>
    %swap3A_2009 = arith.constant 0 : index
    %swap3A_2010 = tpu.vector_load %arg16[%swap3A_2009] {strides = array<i32>} : memref<128xi32, #tpu.memory_space<vmem>>, vector<16xi32>,
    tpu.vector_store %arg16[%swap3A_2009], %add3A_2008 {strides = array<i32>} : memref<128xi32, #tpu.memory_space<vmem>>, vector<16xi32>,
    %iota3A_2011 = tpu.iota {dimensions = array<i32: 0>} : vector<16xi32>
    %add3A_2012 = arith.constant 1280 : i32
    %add3A_2013 = arith.addi %mul3A_2, %add3A_2012 : i32
    %add3A_2014 = arith.constant 0 : i32
    %add3A_2015 = arith.addi %add3A_2013, %add3A_2014 : i32
    %add3A_2016 = vector.broadcast %add3A_2015 : i32 to vector<16xi32>
    %add3A_2017 = arith.addi %iota3A_2011, %add3A_2016 : vector<16xi32>
    %shift_right_arithmetic3A_2018 = arith.constant 2 : i32
    %shift_right_arithmetic3A_2019 = vector.broadcast %shift_right_arithmetic3A_2018 : i32 to vector<16xi32>
    %shift_right_arithmetic3A_2020 = arith.shrsi %add3A_2017, %shift_right_arithmetic3A_2019 : vector<16xi32>
    %swap3A_2021 = arith.constant 0 : index
    %swap3A_2022 = tpu.vector_load %arg32[%swap3A_2021] {strides = array<i32>} : memref<128xi32, #tpu.memory_space<vmem>>, vector<16xi32>,
    tpu.vector_store %arg32[%swap3A_2021], %shift_right_arithmetic3A_2020 {strides = array<i32>} : memref<128xi32, #tpu.memory_space<vmem>>, vector<16xi32>,
    %get3A_2023 = arith.constant 10 : i32
    %get3A_2024 = arith.constant 0 : i32
    %get3A_2025 = arith.index_cast %get3A_2023 : i32 to index
    %get3A_2026 = arith.index_cast %get3A_2024 : i32 to index
    %get3A_2027 = arith.constant 16 : index
    %get3A_2028 = tpu.vector_load %arg5[%get3A_2025, %get3A_2026, %get3A_2027] {strides = array<i32>} : memref<16x1x128xi32, #tpu.memory_space<vmem>>, vector<16xi32>,
    %shift_right_arithmetic3A_2029 = arith.constant 14 : i32
    %shift_right_arithmetic3A_2030 = vector.broadcast %shift_right_arithmetic3A_2029 : i32 to vector<16xi32>
    %shift_right_arithmetic3A_2031 = arith.shrsi %get3A_2028, %shift_right_arithmetic3A_2030 : vector<16xi32>
    %gather3A_2032 = tpu.vector_load_idx %arg38[%shift_right_arithmetic3A_2031] : memref<16xi32, #tpu.memory_space<vmem>>[vector<16xi32>], vector<16xi32>,
    %add3A_2033 = arith.addi %get3A_2028, %gather3A_2032 : vector<16xi32>
    %swap3A_2034 = arith.constant 16 : index
    %swap3A_2035 = tpu.vector_load %arg16[%swap3A_2034] {strides = array<i32>} : memref<128xi32, #tpu.memory_space<vmem>>, vector<16xi32>,
    tpu.vector_store %arg16[%swap3A_2034], %add3A_2033 {strides = array<i32>} : memref<128xi32, #tpu.memory_space<vmem>>, vector<16xi32>,
    %iota3A_2036 = tpu.iota {dimensions = array<i32: 0>} : vector<16xi32>
    %add3A_2037 = arith.constant 1280 : i32
    %add3A_2038 = arith.addi %mul3A_2, %add3A_2037 : i32
    %add3A_2039 = arith.constant 16 : i32
    %add3A_2040 = arith.addi %add3A_2038, %add3A_2039 : i32
    %add3A_2041 = vector.broadcast %add3A_2040 : i32 to vector<16xi32>
    %add3A_2042 = arith.addi %iota3A_2036, %add3A_2041 : vector<16xi32>
    %shift_right_arithmetic3A_2043 = arith.constant 2 : i32
    %shift_right_arithmetic3A_2044 = vector.broadcast %shift_right_arithmetic3A_2043 : i32 to vector<16xi32>
    %shift_right_arithmetic3A_2045 = arith.shrsi %add3A_2042, %shift_right_arithmetic3A_2044 : vector<16xi32>
    %swap3A_2046 = arith.constant 16 : index
    %swap3A_2047 = tpu.vector_load %arg32[%swap3A_2046] {strides = array<i32>} : memref<128xi32, #tpu.memory_space<vmem>>, vector<16xi32>,
    tpu.vector_store %arg32[%swap3A_2046], %shift_right_arithmetic3A_2045 {strides = array<i32>} : memref<128xi32, #tpu.memory_space<vmem>>, vector<16xi32>,
    %get3A_2048 = arith.constant 10 : i32
    %get3A_2049 = arith.constant 0 : i32
    %get3A_2050 = arith.index_cast %get3A_2048 : i32 to index
    %get3A_2051 = arith.index_cast %get3A_2049 : i32 to index
    %get3A_2052 = arith.constant 32 : index
    %get3A_2053 = tpu.vector_load %arg5[%get3A_2050, %get3A_2051, %get3A_2052] {strides = array<i32>} : memref<16x1x128xi32, #tpu.memory_space<vmem>>, vector<16xi32>,
    %shift_right_arithmetic3A_2054 = arith.constant 14 : i32
    %shift_right_arithmetic3A_2055 = vector.broadcast %shift_right_arithmetic3A_2054 : i32 to vector<16xi32>
    %shift_right_arithmetic3A_2056 = arith.shrsi %get3A_2053, %shift_right_arithmetic3A_2055 : vector<16xi32>
    %gather3A_2057 = tpu.vector_load_idx %arg38[%shift_right_arithmetic3A_2056] : memref<16xi32, #tpu.memory_space<vmem>>[vector<16xi32>], vector<16xi32>,
    %add3A_2058 = arith.addi %get3A_2053, %gather3A_2057 : vector<16xi32>
    %swap3A_2059 = arith.constant 32 : index
    %swap3A_2060 = tpu.vector_load %arg16[%swap3A_2059] {strides = array<i32>} : memref<128xi32, #tpu.memory_space<vmem>>, vector<16xi32>,
    tpu.vector_store %arg16[%swap3A_2059], %add3A_2058 {strides = array<i32>} : memref<128xi32, #tpu.memory_space<vmem>>, vector<16xi32>,
    %iota3A_2061 = tpu.iota {dimensions = array<i32: 0>} : vector<16xi32>
    %add3A_2062 = arith.constant 1280 : i32
    %add3A_2063 = arith.addi %mul3A_2, %add3A_2062 : i32
    %add3A_2064 = arith.constant 32 : i32
    %add3A_2065 = arith.addi %add3A_2063, %add3A_2064 : i32
    %add3A_2066 = vector.broadcast %add3A_2065 : i32 to vector<16xi32>
    %add3A_2067 = arith.addi %iota3A_2061, %add3A_2066 : vector<16xi32>
    %shift_right_arithmetic3A_2068 = arith.constant 2 : i32
    %shift_right_arithmetic3A_2069 = vector.broadcast %shift_right_arithmetic3A_2068 : i32 to vector<16xi32>
    %shift_right_arithmetic3A_2070 = arith.shrsi %add3A_2067, %shift_right_arithmetic3A_2069 : vector<16xi32>
    %swap3A_2071 = arith.constant 32 : index
    %swap3A_2072 = tpu.vector_load %arg32[%swap3A_2071] {strides = array<i32>} : memref<128xi32, #tpu.memory_space<vmem>>, vector<16xi32>,
    tpu.vector_store %arg32[%swap3A_2071], %shift_right_arithmetic3A_2070 {strides = array<i32>} : memref<128xi32, #tpu.memory_space<vmem>>, vector<16xi32>,
    %get3A_2073 = arith.constant 10 : i32
    %get3A_2074 = arith.constant 0 : i32
    %get3A_2075 = arith.index_cast %get3A_2073 : i32 to index
    %get3A_2076 = arith.index_cast %get3A_2074 : i32 to index
    %get3A_2077 = arith.constant 48 : index
    %get3A_2078 = tpu.vector_load %arg5[%get3A_2075, %get3A_2076, %get3A_2077] {strides = array<i32>} : memref<16x1x128xi32, #tpu.memory_space<vmem>>, vector<16xi32>,
    %shift_right_arithmetic3A_2079 = arith.constant 14 : i32
    %shift_right_arithmetic3A_2080 = vector.broadcast %shift_right_arithmetic3A_2079 : i32 to vector<16xi32>
    %shift_right_arithmetic3A_2081 = arith.shrsi %get3A_2078, %shift_right_arithmetic3A_2080 : vector<16xi32>
    %gather3A_2082 = tpu.vector_load_idx %arg38[%shift_right_arithmetic3A_2081] : memref<16xi32, #tpu.memory_space<vmem>>[vector<16xi32>], vector<16xi32>,
    %add3A_2083 = arith.addi %get3A_2078, %gather3A_2082 : vector<16xi32>
    %swap3A_2084 = arith.constant 48 : index
    %swap3A_2085 = tpu.vector_load %arg16[%swap3A_2084] {strides = array<i32>} : memref<128xi32, #tpu.memory_space<vmem>>, vector<16xi32>,
    tpu.vector_store %arg16[%swap3A_2084], %add3A_2083 {strides = array<i32>} : memref<128xi32, #tpu.memory_space<vmem>>, vector<16xi32>,
    %iota3A_2086 = tpu.iota {dimensions = array<i32: 0>} : vector<16xi32>
    %add3A_2087 = arith.constant 1280 : i32
    %add3A_2088 = arith.addi %mul3A_2, %add3A_2087 : i32
    %add3A_2089 = arith.constant 48 : i32
    %add3A_2090 = arith.addi %add3A_2088, %add3A_2089 : i32
    %add3A_2091 = vector.broadcast %add3A_2090 : i32 to vector<16xi32>
    %add3A_2092 = arith.addi %iota3A_2086, %add3A_2091 : vector<16xi32>
    %shift_right_arithmetic3A_2093 = arith.constant 2 : i32
    %shift_right_arithmetic3A_2094 = vector.broadcast %shift_right_arithmetic3A_2093 : i32 to vector<16xi32>
    %shift_right_arithmetic3A_2095 = arith.shrsi %add3A_2092, %shift_right_arithmetic3A_2094 : vector<16xi32>
    %swap3A_2096 = arith.constant 48 : index
    %swap3A_2097 = tpu.vector_load %arg32[%swap3A_2096] {strides = array<i32>} : memref<128xi32, #tpu.memory_space<vmem>>, vector<16xi32>,
    tpu.vector_store %arg32[%swap3A_2096], %shift_right_arithmetic3A_2095 {strides = array<i32>} : memref<128xi32, #tpu.memory_space<vmem>>, vector<16xi32>,
    %get3A_2098 = arith.constant 10 : i32
    %get3A_2099 = arith.constant 0 : i32
    %get3A_2100 = arith.index_cast %get3A_2098 : i32 to index
    %get3A_2101 = arith.index_cast %get3A_2099 : i32 to index
    %get3A_2102 = arith.constant 64 : index
    %get3A_2103 = tpu.vector_load %arg5[%get3A_2100, %get3A_2101, %get3A_2102] {strides = array<i32>} : memref<16x1x128xi32, #tpu.memory_space<vmem>>, vector<16xi32>,
    %shift_right_arithmetic3A_2104 = arith.constant 14 : i32
    %shift_right_arithmetic3A_2105 = vector.broadcast %shift_right_arithmetic3A_2104 : i32 to vector<16xi32>
    %shift_right_arithmetic3A_2106 = arith.shrsi %get3A_2103, %shift_right_arithmetic3A_2105 : vector<16xi32>
    %gather3A_2107 = tpu.vector_load_idx %arg38[%shift_right_arithmetic3A_2106] : memref<16xi32, #tpu.memory_space<vmem>>[vector<16xi32>], vector<16xi32>,
    %add3A_2108 = arith.addi %get3A_2103, %gather3A_2107 : vector<16xi32>
    %swap3A_2109 = arith.constant 64 : index
    %swap3A_2110 = tpu.vector_load %arg16[%swap3A_2109] {strides = array<i32>} : memref<128xi32, #tpu.memory_space<vmem>>, vector<16xi32>,
    tpu.vector_store %arg16[%swap3A_2109], %add3A_2108 {strides = array<i32>} : memref<128xi32, #tpu.memory_space<vmem>>, vector<16xi32>,
    %iota3A_2111 = tpu.iota {dimensions = array<i32: 0>} : vector<16xi32>
    %add3A_2112 = arith.constant 1280 : i32
    %add3A_2113 = arith.addi %mul3A_2, %add3A_2112 : i32
    %add3A_2114 = arith.constant 64 : i32
    %add3A_2115 = arith.addi %add3A_2113, %add3A_2114 : i32
    %add3A_2116 = vector.broadcast %add3A_2115 : i32 to vector<16xi32>
    %add3A_2117 = arith.addi %iota3A_2111, %add3A_2116 : vector<16xi32>
    %shift_right_arithmetic3A_2118 = arith.constant 2 : i32
    %shift_right_arithmetic3A_2119 = vector.broadcast %shift_right_arithmetic3A_2118 : i32 to vector<16xi32>
    %shift_right_arithmetic3A_2120 = arith.shrsi %add3A_2117, %shift_right_arithmetic3A_2119 : vector<16xi32>
    %swap3A_2121 = arith.constant 64 : index
    %swap3A_2122 = tpu.vector_load %arg32[%swap3A_2121] {strides = array<i32>} : memref<128xi32, #tpu.memory_space<vmem>>, vector<16xi32>,
    tpu.vector_store %arg32[%swap3A_2121], %shift_right_arithmetic3A_2120 {strides = array<i32>} : memref<128xi32, #tpu.memory_space<vmem>>, vector<16xi32>,
    %get3A_2123 = arith.constant 10 : i32
    %get3A_2124 = arith.constant 0 : i32
    %get3A_2125 = arith.index_cast %get3A_2123 : i32 to index
    %get3A_2126 = arith.index_cast %get3A_2124 : i32 to index
    %get3A_2127 = arith.constant 80 : index
    %get3A_2128 = tpu.vector_load %arg5[%get3A_2125, %get3A_2126, %get3A_2127] {strides = array<i32>} : memref<16x1x128xi32, #tpu.memory_space<vmem>>, vector<16xi32>,
    %shift_right_arithmetic3A_2129 = arith.constant 14 : i32
    %shift_right_arithmetic3A_2130 = vector.broadcast %shift_right_arithmetic3A_2129 : i32 to vector<16xi32>
    %shift_right_arithmetic3A_2131 = arith.shrsi %get3A_2128, %shift_right_arithmetic3A_2130 : vector<16xi32>
    %gather3A_2132 = tpu.vector_load_idx %arg38[%shift_right_arithmetic3A_2131] : memref<16xi32, #tpu.memory_space<vmem>>[vector<16xi32>], vector<16xi32>,
    %add3A_2133 = arith.addi %get3A_2128, %gather3A_2132 : vector<16xi32>
    %swap3A_2134 = arith.constant 80 : index
    %swap3A_2135 = tpu.vector_load %arg16[%swap3A_2134] {strides = array<i32>} : memref<128xi32, #tpu.memory_space<vmem>>, vector<16xi32>,
    tpu.vector_store %arg16[%swap3A_2134], %add3A_2133 {strides = array<i32>} : memref<128xi32, #tpu.memory_space<vmem>>, vector<16xi32>,
    %iota3A_2136 = tpu.iota {dimensions = array<i32: 0>} : vector<16xi32>
    %add3A_2137 = arith.constant 1280 : i32
    %add3A_2138 = arith.addi %mul3A_2, %add3A_2137 : i32
    %add3A_2139 = arith.constant 80 : i32
    %add3A_2140 = arith.addi %add3A_2138, %add3A_2139 : i32
    %add3A_2141 = vector.broadcast %add3A_2140 : i32 to vector<16xi32>
    %add3A_2142 = arith.addi %iota3A_2136, %add3A_2141 : vector<16xi32>
    %shift_right_arithmetic3A_2143 = arith.constant 2 : i32
    %shift_right_arithmetic3A_2144 = vector.broadcast %shift_right_arithmetic3A_2143 : i32 to vector<16xi32>
    %shift_right_arithmetic3A_2145 = arith.shrsi %add3A_2142, %shift_right_arithmetic3A_2144 : vector<16xi32>
    %swap3A_2146 = arith.constant 80 : index
    %swap3A_2147 = tpu.vector_load %arg32[%swap3A_2146] {strides = array<i32>} : memref<128xi32, #tpu.memory_space<vmem>>, vector<16xi32>,
    tpu.vector_store %arg32[%swap3A_2146], %shift_right_arithmetic3A_2145 {strides = array<i32>} : memref<128xi32, #tpu.memory_space<vmem>>, vector<16xi32>,
    %get3A_2148 = arith.constant 10 : i32
    %get3A_2149 = arith.constant 0 : i32
    %get3A_2150 = arith.index_cast %get3A_2148 : i32 to index
    %get3A_2151 = arith.index_cast %get3A_2149 : i32 to index
    %get3A_2152 = arith.constant 96 : index
    %get3A_2153 = tpu.vector_load %arg5[%get3A_2150, %get3A_2151, %get3A_2152] {strides = array<i32>} : memref<16x1x128xi32, #tpu.memory_space<vmem>>, vector<16xi32>,
    %shift_right_arithmetic3A_2154 = arith.constant 14 : i32
    %shift_right_arithmetic3A_2155 = vector.broadcast %shift_right_arithmetic3A_2154 : i32 to vector<16xi32>
    %shift_right_arithmetic3A_2156 = arith.shrsi %get3A_2153, %shift_right_arithmetic3A_2155 : vector<16xi32>
    %gather3A_2157 = tpu.vector_load_idx %arg38[%shift_right_arithmetic3A_2156] : memref<16xi32, #tpu.memory_space<vmem>>[vector<16xi32>], vector<16xi32>,
    %add3A_2158 = arith.addi %get3A_2153, %gather3A_2157 : vector<16xi32>
    %swap3A_2159 = arith.constant 96 : index
    %swap3A_2160 = tpu.vector_load %arg16[%swap3A_2159] {strides = array<i32>} : memref<128xi32, #tpu.memory_space<vmem>>, vector<16xi32>,
    tpu.vector_store %arg16[%swap3A_2159], %add3A_2158 {strides = array<i32>} : memref<128xi32, #tpu.memory_space<vmem>>, vector<16xi32>,
    %iota3A_2161 = tpu.iota {dimensions = array<i32: 0>} : vector<16xi32>
    %add3A_2162 = arith.constant 1280 : i32
    %add3A_2163 = arith.addi %mul3A_2, %add3A_2162 : i32
    %add3A_2164 = arith.constant 96 : i32
    %add3A_2165 = arith.addi %add3A_2163, %add3A_2164 : i32
    %add3A_2166 = vector.broadcast %add3A_2165 : i32 to vector<16xi32>
    %add3A_2167 = arith.addi %iota3A_2161, %add3A_2166 : vector<16xi32>
    %shift_right_arithmetic3A_2168 = arith.constant 2 : i32
    %shift_right_arithmetic3A_2169 = vector.broadcast %shift_right_arithmetic3A_2168 : i32 to vector<16xi32>
    %shift_right_arithmetic3A_2170 = arith.shrsi %add3A_2167, %shift_right_arithmetic3A_2169 : vector<16xi32>
    %swap3A_2171 = arith.constant 96 : index
    %swap3A_2172 = tpu.vector_load %arg32[%swap3A_2171] {strides = array<i32>} : memref<128xi32, #tpu.memory_space<vmem>>, vector<16xi32>,
    tpu.vector_store %arg32[%swap3A_2171], %shift_right_arithmetic3A_2170 {strides = array<i32>} : memref<128xi32, #tpu.memory_space<vmem>>, vector<16xi32>,
    %get3A_2173 = arith.constant 10 : i32
    %get3A_2174 = arith.constant 0 : i32
    %get3A_2175 = arith.index_cast %get3A_2173 : i32 to index
    %get3A_2176 = arith.index_cast %get3A_2174 : i32 to index
    %get3A_2177 = arith.constant 112 : index
    %get3A_2178 = tpu.vector_load %arg5[%get3A_2175, %get3A_2176, %get3A_2177] {strides = array<i32>} : memref<16x1x128xi32, #tpu.memory_space<vmem>>, vector<16xi32>,
    %shift_right_arithmetic3A_2179 = arith.constant 14 : i32
    %shift_right_arithmetic3A_2180 = vector.broadcast %shift_right_arithmetic3A_2179 : i32 to vector<16xi32>
    %shift_right_arithmetic3A_2181 = arith.shrsi %get3A_2178, %shift_right_arithmetic3A_2180 : vector<16xi32>
    %gather3A_2182 = tpu.vector_load_idx %arg38[%shift_right_arithmetic3A_2181] : memref<16xi32, #tpu.memory_space<vmem>>[vector<16xi32>], vector<16xi32>,
    %add3A_2183 = arith.addi %get3A_2178, %gather3A_2182 : vector<16xi32>
    %swap3A_2184 = arith.constant 112 : index
    %swap3A_2185 = tpu.vector_load %arg16[%swap3A_2184] {strides = array<i32>} : memref<128xi32, #tpu.memory_space<vmem>>, vector<16xi32>,
    tpu.vector_store %arg16[%swap3A_2184], %add3A_2183 {strides = array<i32>} : memref<128xi32, #tpu.memory_space<vmem>>, vector<16xi32>,
    %iota3A_2186 = tpu.iota {dimensions = array<i32: 0>} : vector<16xi32>
    %add3A_2187 = arith.constant 1280 : i32
    %add3A_2188 = arith.addi %mul3A_2, %add3A_2187 : i32
    %add3A_2189 = arith.constant 112 : i32
    %add3A_2190 = arith.addi %add3A_2188, %add3A_2189 : i32
    %add3A_2191 = vector.broadcast %add3A_2190 : i32 to vector<16xi32>
    %add3A_2192 = arith.addi %iota3A_2186, %add3A_2191 : vector<16xi32>
    %shift_right_arithmetic3A_2193 = arith.constant 2 : i32
    %shift_right_arithmetic3A_2194 = vector.broadcast %shift_right_arithmetic3A_2193 : i32 to vector<16xi32>
    %shift_right_arithmetic3A_2195 = arith.shrsi %add3A_2192, %shift_right_arithmetic3A_2194 : vector<16xi32>
    %swap3A_2196 = arith.constant 112 : index
    %swap3A_2197 = tpu.vector_load %arg32[%swap3A_2196] {strides = array<i32>} : memref<128xi32, #tpu.memory_space<vmem>>, vector<16xi32>,
    tpu.vector_store %arg32[%swap3A_2196], %shift_right_arithmetic3A_2195 {strides = array<i32>} : memref<128xi32, #tpu.memory_space<vmem>>, vector<16xi32>,
    %get3A_2198 = arith.constant 11 : i32
    %get3A_2199 = arith.constant 0 : i32
    %get3A_2200 = arith.index_cast %get3A_2198 : i32 to index
    %get3A_2201 = arith.index_cast %get3A_2199 : i32 to index
    %get3A_2202 = arith.constant 0 : index
    %get3A_2203 = tpu.vector_load %arg5[%get3A_2200, %get3A_2201, %get3A_2202] {strides = array<i32>} : memref<16x1x128xi32, #tpu.memory_space<vmem>>, vector<16xi32>,
    %shift_right_arithmetic3A_2204 = arith.constant 14 : i32
    %shift_right_arithmetic3A_2205 = vector.broadcast %shift_right_arithmetic3A_2204 : i32 to vector<16xi32>
    %shift_right_arithmetic3A_2206 = arith.shrsi %get3A_2203, %shift_right_arithmetic3A_2205 : vector<16xi32>
    %gather3A_2207 = tpu.vector_load_idx %arg38[%shift_right_arithmetic3A_2206] : memref<16xi32, #tpu.memory_space<vmem>>[vector<16xi32>], vector<16xi32>,
    %add3A_2208 = arith.addi %get3A_2203, %gather3A_2207 : vector<16xi32>
    %swap3A_2209 = arith.constant 0 : index
    %swap3A_2210 = tpu.vector_load %arg17[%swap3A_2209] {strides = array<i32>} : memref<128xi32, #tpu.memory_space<vmem>>, vector<16xi32>,
    tpu.vector_store %arg17[%swap3A_2209], %add3A_2208 {strides = array<i32>} : memref<128xi32, #tpu.memory_space<vmem>>, vector<16xi32>,
    %iota3A_2211 = tpu.iota {dimensions = array<i32: 0>} : vector<16xi32>
    %add3A_2212 = arith.constant 1408 : i32
    %add3A_2213 = arith.addi %mul3A_2, %add3A_2212 : i32
    %add3A_2214 = arith.constant 0 : i32
    %add3A_2215 = arith.addi %add3A_2213, %add3A_2214 : i32
    %add3A_2216 = vector.broadcast %add3A_2215 : i32 to vector<16xi32>
    %add3A_2217 = arith.addi %iota3A_2211, %add3A_2216 : vector<16xi32>
    %shift_right_arithmetic3A_2218 = arith.constant 2 : i32
    %shift_right_arithmetic3A_2219 = vector.broadcast %shift_right_arithmetic3A_2218 : i32 to vector<16xi32>
    %shift_right_arithmetic3A_2220 = arith.shrsi %add3A_2217, %shift_right_arithmetic3A_2219 : vector<16xi32>
    %swap3A_2221 = arith.constant 0 : index
    %swap3A_2222 = tpu.vector_load %arg33[%swap3A_2221] {strides = array<i32>} : memref<128xi32, #tpu.memory_space<vmem>>, vector<16xi32>,
    tpu.vector_store %arg33[%swap3A_2221], %shift_right_arithmetic3A_2220 {strides = array<i32>} : memref<128xi32, #tpu.memory_space<vmem>>, vector<16xi32>,
    %get3A_2223 = arith.constant 11 : i32
    %get3A_2224 = arith.constant 0 : i32
    %get3A_2225 = arith.index_cast %get3A_2223 : i32 to index
    %get3A_2226 = arith.index_cast %get3A_2224 : i32 to index
    %get3A_2227 = arith.constant 16 : index
    %get3A_2228 = tpu.vector_load %arg5[%get3A_2225, %get3A_2226, %get3A_2227] {strides = array<i32>} : memref<16x1x128xi32, #tpu.memory_space<vmem>>, vector<16xi32>,
    %shift_right_arithmetic3A_2229 = arith.constant 14 : i32
    %shift_right_arithmetic3A_2230 = vector.broadcast %shift_right_arithmetic3A_2229 : i32 to vector<16xi32>
    %shift_right_arithmetic3A_2231 = arith.shrsi %get3A_2228, %shift_right_arithmetic3A_2230 : vector<16xi32>
    %gather3A_2232 = tpu.vector_load_idx %arg38[%shift_right_arithmetic3A_2231] : memref<16xi32, #tpu.memory_space<vmem>>[vector<16xi32>], vector<16xi32>,
    %add3A_2233 = arith.addi %get3A_2228, %gather3A_2232 : vector<16xi32>
    %swap3A_2234 = arith.constant 16 : index
    %swap3A_2235 = tpu.vector_load %arg17[%swap3A_2234] {strides = array<i32>} : memref<128xi32, #tpu.memory_space<vmem>>, vector<16xi32>,
    tpu.vector_store %arg17[%swap3A_2234], %add3A_2233 {strides = array<i32>} : memref<128xi32, #tpu.memory_space<vmem>>, vector<16xi32>,
    %iota3A_2236 = tpu.iota {dimensions = array<i32: 0>} : vector<16xi32>
    %add3A_2237 = arith.constant 1408 : i32
    %add3A_2238 = arith.addi %mul3A_2, %add3A_2237 : i32
    %add3A_2239 = arith.constant 16 : i32
    %add3A_2240 = arith.addi %add3A_2238, %add3A_2239 : i32
    %add3A_2241 = vector.broadcast %add3A_2240 : i32 to vector<16xi32>
    %add3A_2242 = arith.addi %iota3A_2236, %add3A_2241 : vector<16xi32>
    %shift_right_arithmetic3A_2243 = arith.constant 2 : i32
    %shift_right_arithmetic3A_2244 = vector.broadcast %shift_right_arithmetic3A_2243 : i32 to vector<16xi32>
    %shift_right_arithmetic3A_2245 = arith.shrsi %add3A_2242, %shift_right_arithmetic3A_2244 : vector<16xi32>
    %swap3A_2246 = arith.constant 16 : index
    %swap3A_2247 = tpu.vector_load %arg33[%swap3A_2246] {strides = array<i32>} : memref<128xi32, #tpu.memory_space<vmem>>, vector<16xi32>,
    tpu.vector_store %arg33[%swap3A_2246], %shift_right_arithmetic3A_2245 {strides = array<i32>} : memref<128xi32, #tpu.memory_space<vmem>>, vector<16xi32>,
    %get3A_2248 = arith.constant 11 : i32
    %get3A_2249 = arith.constant 0 : i32
    %get3A_2250 = arith.index_cast %get3A_2248 : i32 to index
    %get3A_2251 = arith.index_cast %get3A_2249 : i32 to index
    %get3A_2252 = arith.constant 32 : index
    %get3A_2253 = tpu.vector_load %arg5[%get3A_2250, %get3A_2251, %get3A_2252] {strides = array<i32>} : memref<16x1x128xi32, #tpu.memory_space<vmem>>, vector<16xi32>,
    %shift_right_arithmetic3A_2254 = arith.constant 14 : i32
    %shift_right_arithmetic3A_2255 = vector.broadcast %shift_right_arithmetic3A_2254 : i32 to vector<16xi32>
    %shift_right_arithmetic3A_2256 = arith.shrsi %get3A_2253, %shift_right_arithmetic3A_2255 : vector<16xi32>
    %gather3A_2257 = tpu.vector_load_idx %arg38[%shift_right_arithmetic3A_2256] : memref<16xi32, #tpu.memory_space<vmem>>[vector<16xi32>], vector<16xi32>,
    %add3A_2258 = arith.addi %get3A_2253, %gather3A_2257 : vector<16xi32>
    %swap3A_2259 = arith.constant 32 : index
    %swap3A_2260 = tpu.vector_load %arg17[%swap3A_2259] {strides = array<i32>} : memref<128xi32, #tpu.memory_space<vmem>>, vector<16xi32>,
    tpu.vector_store %arg17[%swap3A_2259], %add3A_2258 {strides = array<i32>} : memref<128xi32, #tpu.memory_space<vmem>>, vector<16xi32>,
    %iota3A_2261 = tpu.iota {dimensions = array<i32: 0>} : vector<16xi32>
    %add3A_2262 = arith.constant 1408 : i32
    %add3A_2263 = arith.addi %mul3A_2, %add3A_2262 : i32
    %add3A_2264 = arith.constant 32 : i32
    %add3A_2265 = arith.addi %add3A_2263, %add3A_2264 : i32
    %add3A_2266 = vector.broadcast %add3A_2265 : i32 to vector<16xi32>
    %add3A_2267 = arith.addi %iota3A_2261, %add3A_2266 : vector<16xi32>
    %shift_right_arithmetic3A_2268 = arith.constant 2 : i32
    %shift_right_arithmetic3A_2269 = vector.broadcast %shift_right_arithmetic3A_2268 : i32 to vector<16xi32>
    %shift_right_arithmetic3A_2270 = arith.shrsi %add3A_2267, %shift_right_arithmetic3A_2269 : vector<16xi32>
    %swap3A_2271 = arith.constant 32 : index
    %swap3A_2272 = tpu.vector_load %arg33[%swap3A_2271] {strides = array<i32>} : memref<128xi32, #tpu.memory_space<vmem>>, vector<16xi32>,
    tpu.vector_store %arg33[%swap3A_2271], %shift_right_arithmetic3A_2270 {strides = array<i32>} : memref<128xi32, #tpu.memory_space<vmem>>, vector<16xi32>,
    %get3A_2273 = arith.constant 11 : i32
    %get3A_2274 = arith.constant 0 : i32
    %get3A_2275 = arith.index_cast %get3A_2273 : i32 to index
    %get3A_2276 = arith.index_cast %get3A_2274 : i32 to index
    %get3A_2277 = arith.constant 48 : index
    %get3A_2278 = tpu.vector_load %arg5[%get3A_2275, %get3A_2276, %get3A_2277] {strides = array<i32>} : memref<16x1x128xi32, #tpu.memory_space<vmem>>, vector<16xi32>,
    %shift_right_arithmetic3A_2279 = arith.constant 14 : i32
    %shift_right_arithmetic3A_2280 = vector.broadcast %shift_right_arithmetic3A_2279 : i32 to vector<16xi32>
    %shift_right_arithmetic3A_2281 = arith.shrsi %get3A_2278, %shift_right_arithmetic3A_2280 : vector<16xi32>
    %gather3A_2282 = tpu.vector_load_idx %arg38[%shift_right_arithmetic3A_2281] : memref<16xi32, #tpu.memory_space<vmem>>[vector<16xi32>], vector<16xi32>,
    %add3A_2283 = arith.addi %get3A_2278, %gather3A_2282 : vector<16xi32>
    %swap3A_2284 = arith.constant 48 : index
    %swap3A_2285 = tpu.vector_load %arg17[%swap3A_2284] {strides = array<i32>} : memref<128xi32, #tpu.memory_space<vmem>>, vector<16xi32>,
    tpu.vector_store %arg17[%swap3A_2284], %add3A_2283 {strides = array<i32>} : memref<128xi32, #tpu.memory_space<vmem>>, vector<16xi32>,
    %iota3A_2286 = tpu.iota {dimensions = array<i32: 0>} : vector<16xi32>
    %add3A_2287 = arith.constant 1408 : i32
    %add3A_2288 = arith.addi %mul3A_2, %add3A_2287 : i32
    %add3A_2289 = arith.constant 48 : i32
    %add3A_2290 = arith.addi %add3A_2288, %add3A_2289 : i32
    %add3A_2291 = vector.broadcast %add3A_2290 : i32 to vector<16xi32>
    %add3A_2292 = arith.addi %iota3A_2286, %add3A_2291 : vector<16xi32>
    %shift_right_arithmetic3A_2293 = arith.constant 2 : i32
    %shift_right_arithmetic3A_2294 = vector.broadcast %shift_right_arithmetic3A_2293 : i32 to vector<16xi32>
    %shift_right_arithmetic3A_2295 = arith.shrsi %add3A_2292, %shift_right_arithmetic3A_2294 : vector<16xi32>
    %swap3A_2296 = arith.constant 48 : index
    %swap3A_2297 = tpu.vector_load %arg33[%swap3A_2296] {strides = array<i32>} : memref<128xi32, #tpu.memory_space<vmem>>, vector<16xi32>,
    tpu.vector_store %arg33[%swap3A_2296], %shift_right_arithmetic3A_2295 {strides = array<i32>} : memref<128xi32, #tpu.memory_space<vmem>>, vector<16xi32>,
    %get3A_2298 = arith.constant 11 : i32
    %get3A_2299 = arith.constant 0 : i32
    %get3A_2300 = arith.index_cast %get3A_2298 : i32 to index
    %get3A_2301 = arith.index_cast %get3A_2299 : i32 to index
    %get3A_2302 = arith.constant 64 : index
    %get3A_2303 = tpu.vector_load %arg5[%get3A_2300, %get3A_2301, %get3A_2302] {strides = array<i32>} : memref<16x1x128xi32, #tpu.memory_space<vmem>>, vector<16xi32>,
    %shift_right_arithmetic3A_2304 = arith.constant 14 : i32
    %shift_right_arithmetic3A_2305 = vector.broadcast %shift_right_arithmetic3A_2304 : i32 to vector<16xi32>
    %shift_right_arithmetic3A_2306 = arith.shrsi %get3A_2303, %shift_right_arithmetic3A_2305 : vector<16xi32>
    %gather3A_2307 = tpu.vector_load_idx %arg38[%shift_right_arithmetic3A_2306] : memref<16xi32, #tpu.memory_space<vmem>>[vector<16xi32>], vector<16xi32>,
    %add3A_2308 = arith.addi %get3A_2303, %gather3A_2307 : vector<16xi32>
    %swap3A_2309 = arith.constant 64 : index
    %swap3A_2310 = tpu.vector_load %arg17[%swap3A_2309] {strides = array<i32>} : memref<128xi32, #tpu.memory_space<vmem>>, vector<16xi32>,
    tpu.vector_store %arg17[%swap3A_2309], %add3A_2308 {strides = array<i32>} : memref<128xi32, #tpu.memory_space<vmem>>, vector<16xi32>,
    %iota3A_2311 = tpu.iota {dimensions = array<i32: 0>} : vector<16xi32>
    %add3A_2312 = arith.constant 1408 : i32
    %add3A_2313 = arith.addi %mul3A_2, %add3A_2312 : i32
    %add3A_2314 = arith.constant 64 : i32
    %add3A_2315 = arith.addi %add3A_2313, %add3A_2314 : i32
    %add3A_2316 = vector.broadcast %add3A_2315 : i32 to vector<16xi32>
    %add3A_2317 = arith.addi %iota3A_2311, %add3A_2316 : vector<16xi32>
    %shift_right_arithmetic3A_2318 = arith.constant 2 : i32
    %shift_right_arithmetic3A_2319 = vector.broadcast %shift_right_arithmetic3A_2318 : i32 to vector<16xi32>
    %shift_right_arithmetic3A_2320 = arith.shrsi %add3A_2317, %shift_right_arithmetic3A_2319 : vector<16xi32>
    %swap3A_2321 = arith.constant 64 : index
    %swap3A_2322 = tpu.vector_load %arg33[%swap3A_2321] {strides = array<i32>} : memref<128xi32, #tpu.memory_space<vmem>>, vector<16xi32>,
    tpu.vector_store %arg33[%swap3A_2321], %shift_right_arithmetic3A_2320 {strides = array<i32>} : memref<128xi32, #tpu.memory_space<vmem>>, vector<16xi32>,
    %get3A_2323 = arith.constant 11 : i32
    %get3A_2324 = arith.constant 0 : i32
    %get3A_2325 = arith.index_cast %get3A_2323 : i32 to index
    %get3A_2326 = arith.index_cast %get3A_2324 : i32 to index
    %get3A_2327 = arith.constant 80 : index
    %get3A_2328 = tpu.vector_load %arg5[%get3A_2325, %get3A_2326, %get3A_2327] {strides = array<i32>} : memref<16x1x128xi32, #tpu.memory_space<vmem>>, vector<16xi32>,
    %shift_right_arithmetic3A_2329 = arith.constant 14 : i32
    %shift_right_arithmetic3A_2330 = vector.broadcast %shift_right_arithmetic3A_2329 : i32 to vector<16xi32>
    %shift_right_arithmetic3A_2331 = arith.shrsi %get3A_2328, %shift_right_arithmetic3A_2330 : vector<16xi32>
    %gather3A_2332 = tpu.vector_load_idx %arg38[%shift_right_arithmetic3A_2331] : memref<16xi32, #tpu.memory_space<vmem>>[vector<16xi32>], vector<16xi32>,
    %add3A_2333 = arith.addi %get3A_2328, %gather3A_2332 : vector<16xi32>
    %swap3A_2334 = arith.constant 80 : index
    %swap3A_2335 = tpu.vector_load %arg17[%swap3A_2334] {strides = array<i32>} : memref<128xi32, #tpu.memory_space<vmem>>, vector<16xi32>,
    tpu.vector_store %arg17[%swap3A_2334], %add3A_2333 {strides = array<i32>} : memref<128xi32, #tpu.memory_space<vmem>>, vector<16xi32>,
    %iota3A_2336 = tpu.iota {dimensions = array<i32: 0>} : vector<16xi32>
    %add3A_2337 = arith.constant 1408 : i32
    %add3A_2338 = arith.addi %mul3A_2, %add3A_2337 : i32
    %add3A_2339 = arith.constant 80 : i32
    %add3A_2340 = arith.addi %add3A_2338, %add3A_2339 : i32
    %add3A_2341 = vector.broadcast %add3A_2340 : i32 to vector<16xi32>
    %add3A_2342 = arith.addi %iota3A_2336, %add3A_2341 : vector<16xi32>
    %shift_right_arithmetic3A_2343 = arith.constant 2 : i32
    %shift_right_arithmetic3A_2344 = vector.broadcast %shift_right_arithmetic3A_2343 : i32 to vector<16xi32>
    %shift_right_arithmetic3A_2345 = arith.shrsi %add3A_2342, %shift_right_arithmetic3A_2344 : vector<16xi32>
    %swap3A_2346 = arith.constant 80 : index
    %swap3A_2347 = tpu.vector_load %arg33[%swap3A_2346] {strides = array<i32>} : memref<128xi32, #tpu.memory_space<vmem>>, vector<16xi32>,
    tpu.vector_store %arg33[%swap3A_2346], %shift_right_arithmetic3A_2345 {strides = array<i32>} : memref<128xi32, #tpu.memory_space<vmem>>, vector<16xi32>,
    %get3A_2348 = arith.constant 11 : i32
    %get3A_2349 = arith.constant 0 : i32
    %get3A_2350 = arith.index_cast %get3A_2348 : i32 to index
    %get3A_2351 = arith.index_cast %get3A_2349 : i32 to index
    %get3A_2352 = arith.constant 96 : index
    %get3A_2353 = tpu.vector_load %arg5[%get3A_2350, %get3A_2351, %get3A_2352] {strides = array<i32>} : memref<16x1x128xi32, #tpu.memory_space<vmem>>, vector<16xi32>,
    %shift_right_arithmetic3A_2354 = arith.constant 14 : i32
    %shift_right_arithmetic3A_2355 = vector.broadcast %shift_right_arithmetic3A_2354 : i32 to vector<16xi32>
    %shift_right_arithmetic3A_2356 = arith.shrsi %get3A_2353, %shift_right_arithmetic3A_2355 : vector<16xi32>
    %gather3A_2357 = tpu.vector_load_idx %arg38[%shift_right_arithmetic3A_2356] : memref<16xi32, #tpu.memory_space<vmem>>[vector<16xi32>], vector<16xi32>,
    %add3A_2358 = arith.addi %get3A_2353, %gather3A_2357 : vector<16xi32>
    %swap3A_2359 = arith.constant 96 : index
    %swap3A_2360 = tpu.vector_load %arg17[%swap3A_2359] {strides = array<i32>} : memref<128xi32, #tpu.memory_space<vmem>>, vector<16xi32>,
    tpu.vector_store %arg17[%swap3A_2359], %add3A_2358 {strides = array<i32>} : memref<128xi32, #tpu.memory_space<vmem>>, vector<16xi32>,
    %iota3A_2361 = tpu.iota {dimensions = array<i32: 0>} : vector<16xi32>
    %add3A_2362 = arith.constant 1408 : i32
    %add3A_2363 = arith.addi %mul3A_2, %add3A_2362 : i32
    %add3A_2364 = arith.constant 96 : i32
    %add3A_2365 = arith.addi %add3A_2363, %add3A_2364 : i32
    %add3A_2366 = vector.broadcast %add3A_2365 : i32 to vector<16xi32>
    %add3A_2367 = arith.addi %iota3A_2361, %add3A_2366 : vector<16xi32>
    %shift_right_arithmetic3A_2368 = arith.constant 2 : i32
    %shift_right_arithmetic3A_2369 = vector.broadcast %shift_right_arithmetic3A_2368 : i32 to vector<16xi32>
    %shift_right_arithmetic3A_2370 = arith.shrsi %add3A_2367, %shift_right_arithmetic3A_2369 : vector<16xi32>
    %swap3A_2371 = arith.constant 96 : index
    %swap3A_2372 = tpu.vector_load %arg33[%swap3A_2371] {strides = array<i32>} : memref<128xi32, #tpu.memory_space<vmem>>, vector<16xi32>,
    tpu.vector_store %arg33[%swap3A_2371], %shift_right_arithmetic3A_2370 {strides = array<i32>} : memref<128xi32, #tpu.memory_space<vmem>>, vector<16xi32>,
    %get3A_2373 = arith.constant 11 : i32
    %get3A_2374 = arith.constant 0 : i32
    %get3A_2375 = arith.index_cast %get3A_2373 : i32 to index
    %get3A_2376 = arith.index_cast %get3A_2374 : i32 to index
    %get3A_2377 = arith.constant 112 : index
    %get3A_2378 = tpu.vector_load %arg5[%get3A_2375, %get3A_2376, %get3A_2377] {strides = array<i32>} : memref<16x1x128xi32, #tpu.memory_space<vmem>>, vector<16xi32>,
    %shift_right_arithmetic3A_2379 = arith.constant 14 : i32
    %shift_right_arithmetic3A_2380 = vector.broadcast %shift_right_arithmetic3A_2379 : i32 to vector<16xi32>
    %shift_right_arithmetic3A_2381 = arith.shrsi %get3A_2378, %shift_right_arithmetic3A_2380 : vector<16xi32>
    %gather3A_2382 = tpu.vector_load_idx %arg38[%shift_right_arithmetic3A_2381] : memref<16xi32, #tpu.memory_space<vmem>>[vector<16xi32>], vector<16xi32>,
    %add3A_2383 = arith.addi %get3A_2378, %gather3A_2382 : vector<16xi32>
    %swap3A_2384 = arith.constant 112 : index
    %swap3A_2385 = tpu.vector_load %arg17[%swap3A_2384] {strides = array<i32>} : memref<128xi32, #tpu.memory_space<vmem>>, vector<16xi32>,
    tpu.vector_store %arg17[%swap3A_2384], %add3A_2383 {strides = array<i32>} : memref<128xi32, #tpu.memory_space<vmem>>, vector<16xi32>,
    %iota3A_2386 = tpu.iota {dimensions = array<i32: 0>} : vector<16xi32>
    %add3A_2387 = arith.constant 1408 : i32
    %add3A_2388 = arith.addi %mul3A_2, %add3A_2387 : i32
    %add3A_2389 = arith.constant 112 : i32
    %add3A_2390 = arith.addi %add3A_2388, %add3A_2389 : i32
    %add3A_2391 = vector.broadcast %add3A_2390 : i32 to vector<16xi32>
    %add3A_2392 = arith.addi %iota3A_2386, %add3A_2391 : vector<16xi32>
    %shift_right_arithmetic3A_2393 = arith.constant 2 : i32
    %shift_right_arithmetic3A_2394 = vector.broadcast %shift_right_arithmetic3A_2393 : i32 to vector<16xi32>
    %shift_right_arithmetic3A_2395 = arith.shrsi %add3A_2392, %shift_right_arithmetic3A_2394 : vector<16xi32>
    %swap3A_2396 = arith.constant 112 : index
    %swap3A_2397 = tpu.vector_load %arg33[%swap3A_2396] {strides = array<i32>} : memref<128xi32, #tpu.memory_space<vmem>>, vector<16xi32>,
    tpu.vector_store %arg33[%swap3A_2396], %shift_right_arithmetic3A_2395 {strides = array<i32>} : memref<128xi32, #tpu.memory_space<vmem>>, vector<16xi32>,
    %get3A_2398 = arith.constant 12 : i32
    %get3A_2399 = arith.constant 0 : i32
    %get3A_2400 = arith.index_cast %get3A_2398 : i32 to index
    %get3A_2401 = arith.index_cast %get3A_2399 : i32 to index
    %get3A_2402 = arith.constant 0 : index
    %get3A_2403 = tpu.vector_load %arg5[%get3A_2400, %get3A_2401, %get3A_2402] {strides = array<i32>} : memref<16x1x128xi32, #tpu.memory_space<vmem>>, vector<16xi32>,
    %shift_right_arithmetic3A_2404 = arith.constant 14 : i32
    %shift_right_arithmetic3A_2405 = vector.broadcast %shift_right_arithmetic3A_2404 : i32 to vector<16xi32>
    %shift_right_arithmetic3A_2406 = arith.shrsi %get3A_2403, %shift_right_arithmetic3A_2405 : vector<16xi32>
    %gather3A_2407 = tpu.vector_load_idx %arg38[%shift_right_arithmetic3A_2406] : memref<16xi32, #tpu.memory_space<vmem>>[vector<16xi32>], vector<16xi32>,
    %add3A_2408 = arith.addi %get3A_2403, %gather3A_2407 : vector<16xi32>
    %swap3A_2409 = arith.constant 0 : index
    %swap3A_2410 = tpu.vector_load %arg18[%swap3A_2409] {strides = array<i32>} : memref<128xi32, #tpu.memory_space<vmem>>, vector<16xi32>,
    tpu.vector_store %arg18[%swap3A_2409], %add3A_2408 {strides = array<i32>} : memref<128xi32, #tpu.memory_space<vmem>>, vector<16xi32>,
    %iota3A_2411 = tpu.iota {dimensions = array<i32: 0>} : vector<16xi32>
    %add3A_2412 = arith.constant 1536 : i32
    %add3A_2413 = arith.addi %mul3A_2, %add3A_2412 : i32
    %add3A_2414 = arith.constant 0 : i32
    %add3A_2415 = arith.addi %add3A_2413, %add3A_2414 : i32
    %add3A_2416 = vector.broadcast %add3A_2415 : i32 to vector<16xi32>
    %add3A_2417 = arith.addi %iota3A_2411, %add3A_2416 : vector<16xi32>
    %shift_right_arithmetic3A_2418 = arith.constant 2 : i32
    %shift_right_arithmetic3A_2419 = vector.broadcast %shift_right_arithmetic3A_2418 : i32 to vector<16xi32>
    %shift_right_arithmetic3A_2420 = arith.shrsi %add3A_2417, %shift_right_arithmetic3A_2419 : vector<16xi32>
    %swap3A_2421 = arith.constant 0 : index
    %swap3A_2422 = tpu.vector_load %arg34[%swap3A_2421] {strides = array<i32>} : memref<128xi32, #tpu.memory_space<vmem>>, vector<16xi32>,
    tpu.vector_store %arg34[%swap3A_2421], %shift_right_arithmetic3A_2420 {strides = array<i32>} : memref<128xi32, #tpu.memory_space<vmem>>, vector<16xi32>,
    %get3A_2423 = arith.constant 12 : i32
    %get3A_2424 = arith.constant 0 : i32
    %get3A_2425 = arith.index_cast %get3A_2423 : i32 to index
    %get3A_2426 = arith.index_cast %get3A_2424 : i32 to index
    %get3A_2427 = arith.constant 16 : index
    %get3A_2428 = tpu.vector_load %arg5[%get3A_2425, %get3A_2426, %get3A_2427] {strides = array<i32>} : memref<16x1x128xi32, #tpu.memory_space<vmem>>, vector<16xi32>,
    %shift_right_arithmetic3A_2429 = arith.constant 14 : i32
    %shift_right_arithmetic3A_2430 = vector.broadcast %shift_right_arithmetic3A_2429 : i32 to vector<16xi32>
    %shift_right_arithmetic3A_2431 = arith.shrsi %get3A_2428, %shift_right_arithmetic3A_2430 : vector<16xi32>
    %gather3A_2432 = tpu.vector_load_idx %arg38[%shift_right_arithmetic3A_2431] : memref<16xi32, #tpu.memory_space<vmem>>[vector<16xi32>], vector<16xi32>,
    %add3A_2433 = arith.addi %get3A_2428, %gather3A_2432 : vector<16xi32>
    %swap3A_2434 = arith.constant 16 : index
    %swap3A_2435 = tpu.vector_load %arg18[%swap3A_2434] {strides = array<i32>} : memref<128xi32, #tpu.memory_space<vmem>>, vector<16xi32>,
    tpu.vector_store %arg18[%swap3A_2434], %add3A_2433 {strides = array<i32>} : memref<128xi32, #tpu.memory_space<vmem>>, vector<16xi32>,
    %iota3A_2436 = tpu.iota {dimensions = array<i32: 0>} : vector<16xi32>
    %add3A_2437 = arith.constant 1536 : i32
    %add3A_2438 = arith.addi %mul3A_2, %add3A_2437 : i32
    %add3A_2439 = arith.constant 16 : i32
    %add3A_2440 = arith.addi %add3A_2438, %add3A_2439 : i32
    %add3A_2441 = vector.broadcast %add3A_2440 : i32 to vector<16xi32>
    %add3A_2442 = arith.addi %iota3A_2436, %add3A_2441 : vector<16xi32>
    %shift_right_arithmetic3A_2443 = arith.constant 2 : i32
    %shift_right_arithmetic3A_2444 = vector.broadcast %shift_right_arithmetic3A_2443 : i32 to vector<16xi32>
    %shift_right_arithmetic3A_2445 = arith.shrsi %add3A_2442, %shift_right_arithmetic3A_2444 : vector<16xi32>
    %swap3A_2446 = arith.constant 16 : index
    %swap3A_2447 = tpu.vector_load %arg34[%swap3A_2446] {strides = array<i32>} : memref<128xi32, #tpu.memory_space<vmem>>, vector<16xi32>,
    tpu.vector_store %arg34[%swap3A_2446], %shift_right_arithmetic3A_2445 {strides = array<i32>} : memref<128xi32, #tpu.memory_space<vmem>>, vector<16xi32>,
    %get3A_2448 = arith.constant 12 : i32
    %get3A_2449 = arith.constant 0 : i32
    %get3A_2450 = arith.index_cast %get3A_2448 : i32 to index
    %get3A_2451 = arith.index_cast %get3A_2449 : i32 to index
    %get3A_2452 = arith.constant 32 : index
    %get3A_2453 = tpu.vector_load %arg5[%get3A_2450, %get3A_2451, %get3A_2452] {strides = array<i32>} : memref<16x1x128xi32, #tpu.memory_space<vmem>>, vector<16xi32>,
    %shift_right_arithmetic3A_2454 = arith.constant 14 : i32
    %shift_right_arithmetic3A_2455 = vector.broadcast %shift_right_arithmetic3A_2454 : i32 to vector<16xi32>
    %shift_right_arithmetic3A_2456 = arith.shrsi %get3A_2453, %shift_right_arithmetic3A_2455 : vector<16xi32>
    %gather3A_2457 = tpu.vector_load_idx %arg38[%shift_right_arithmetic3A_2456] : memref<16xi32, #tpu.memory_space<vmem>>[vector<16xi32>], vector<16xi32>,
    %add3A_2458 = arith.addi %get3A_2453, %gather3A_2457 : vector<16xi32>
    %swap3A_2459 = arith.constant 32 : index
    %swap3A_2460 = tpu.vector_load %arg18[%swap3A_2459] {strides = array<i32>} : memref<128xi32, #tpu.memory_space<vmem>>, vector<16xi32>,
    tpu.vector_store %arg18[%swap3A_2459], %add3A_2458 {strides = array<i32>} : memref<128xi32, #tpu.memory_space<vmem>>, vector<16xi32>,
    %iota3A_2461 = tpu.iota {dimensions = array<i32: 0>} : vector<16xi32>
    %add3A_2462 = arith.constant 1536 : i32
    %add3A_2463 = arith.addi %mul3A_2, %add3A_2462 : i32
    %add3A_2464 = arith.constant 32 : i32
    %add3A_2465 = arith.addi %add3A_2463, %add3A_2464 : i32
    %add3A_2466 = vector.broadcast %add3A_2465 : i32 to vector<16xi32>
    %add3A_2467 = arith.addi %iota3A_2461, %add3A_2466 : vector<16xi32>
    %shift_right_arithmetic3A_2468 = arith.constant 2 : i32
    %shift_right_arithmetic3A_2469 = vector.broadcast %shift_right_arithmetic3A_2468 : i32 to vector<16xi32>
    %shift_right_arithmetic3A_2470 = arith.shrsi %add3A_2467, %shift_right_arithmetic3A_2469 : vector<16xi32>
    %swap3A_2471 = arith.constant 32 : index
    %swap3A_2472 = tpu.vector_load %arg34[%swap3A_2471] {strides = array<i32>} : memref<128xi32, #tpu.memory_space<vmem>>, vector<16xi32>,
    tpu.vector_store %arg34[%swap3A_2471], %shift_right_arithmetic3A_2470 {strides = array<i32>} : memref<128xi32, #tpu.memory_space<vmem>>, vector<16xi32>,
    %get3A_2473 = arith.constant 12 : i32
    %get3A_2474 = arith.constant 0 : i32
    %get3A_2475 = arith.index_cast %get3A_2473 : i32 to index
    %get3A_2476 = arith.index_cast %get3A_2474 : i32 to index
    %get3A_2477 = arith.constant 48 : index
    %get3A_2478 = tpu.vector_load %arg5[%get3A_2475, %get3A_2476, %get3A_2477] {strides = array<i32>} : memref<16x1x128xi32, #tpu.memory_space<vmem>>, vector<16xi32>,
    %shift_right_arithmetic3A_2479 = arith.constant 14 : i32
    %shift_right_arithmetic3A_2480 = vector.broadcast %shift_right_arithmetic3A_2479 : i32 to vector<16xi32>
    %shift_right_arithmetic3A_2481 = arith.shrsi %get3A_2478, %shift_right_arithmetic3A_2480 : vector<16xi32>
    %gather3A_2482 = tpu.vector_load_idx %arg38[%shift_right_arithmetic3A_2481] : memref<16xi32, #tpu.memory_space<vmem>>[vector<16xi32>], vector<16xi32>,
    %add3A_2483 = arith.addi %get3A_2478, %gather3A_2482 : vector<16xi32>
    %swap3A_2484 = arith.constant 48 : index
    %swap3A_2485 = tpu.vector_load %arg18[%swap3A_2484] {strides = array<i32>} : memref<128xi32, #tpu.memory_space<vmem>>, vector<16xi32>,
    tpu.vector_store %arg18[%swap3A_2484], %add3A_2483 {strides = array<i32>} : memref<128xi32, #tpu.memory_space<vmem>>, vector<16xi32>,
    %iota3A_2486 = tpu.iota {dimensions = array<i32: 0>} : vector<16xi32>
    %add3A_2487 = arith.constant 1536 : i32
    %add3A_2488 = arith.addi %mul3A_2, %add3A_2487 : i32
    %add3A_2489 = arith.constant 48 : i32
    %add3A_2490 = arith.addi %add3A_2488, %add3A_2489 : i32
    %add3A_2491 = vector.broadcast %add3A_2490 : i32 to vector<16xi32>
    %add3A_2492 = arith.addi %iota3A_2486, %add3A_2491 : vector<16xi32>
    %shift_right_arithmetic3A_2493 = arith.constant 2 : i32
    %shift_right_arithmetic3A_2494 = vector.broadcast %shift_right_arithmetic3A_2493 : i32 to vector<16xi32>
    %shift_right_arithmetic3A_2495 = arith.shrsi %add3A_2492, %shift_right_arithmetic3A_2494 : vector<16xi32>
    %swap3A_2496 = arith.constant 48 : index
    %swap3A_2497 = tpu.vector_load %arg34[%swap3A_2496] {strides = array<i32>} : memref<128xi32, #tpu.memory_space<vmem>>, vector<16xi32>,
    tpu.vector_store %arg34[%swap3A_2496], %shift_right_arithmetic3A_2495 {strides = array<i32>} : memref<128xi32, #tpu.memory_space<vmem>>, vector<16xi32>,
    %get3A_2498 = arith.constant 12 : i32
    %get3A_2499 = arith.constant 0 : i32
    %get3A_2500 = arith.index_cast %get3A_2498 : i32 to index
    %get3A_2501 = arith.index_cast %get3A_2499 : i32 to index
    %get3A_2502 = arith.constant 64 : index
    %get3A_2503 = tpu.vector_load %arg5[%get3A_2500, %get3A_2501, %get3A_2502] {strides = array<i32>} : memref<16x1x128xi32, #tpu.memory_space<vmem>>, vector<16xi32>,
    %shift_right_arithmetic3A_2504 = arith.constant 14 : i32
    %shift_right_arithmetic3A_2505 = vector.broadcast %shift_right_arithmetic3A_2504 : i32 to vector<16xi32>
    %shift_right_arithmetic3A_2506 = arith.shrsi %get3A_2503, %shift_right_arithmetic3A_2505 : vector<16xi32>
    %gather3A_2507 = tpu.vector_load_idx %arg38[%shift_right_arithmetic3A_2506] : memref<16xi32, #tpu.memory_space<vmem>>[vector<16xi32>], vector<16xi32>,
    %add3A_2508 = arith.addi %get3A_2503, %gather3A_2507 : vector<16xi32>
    %swap3A_2509 = arith.constant 64 : index
    %swap3A_2510 = tpu.vector_load %arg18[%swap3A_2509] {strides = array<i32>} : memref<128xi32, #tpu.memory_space<vmem>>, vector<16xi32>,
    tpu.vector_store %arg18[%swap3A_2509], %add3A_2508 {strides = array<i32>} : memref<128xi32, #tpu.memory_space<vmem>>, vector<16xi32>,
    %iota3A_2511 = tpu.iota {dimensions = array<i32: 0>} : vector<16xi32>
    %add3A_2512 = arith.constant 1536 : i32
    %add3A_2513 = arith.addi %mul3A_2, %add3A_2512 : i32
    %add3A_2514 = arith.constant 64 : i32
    %add3A_2515 = arith.addi %add3A_2513, %add3A_2514 : i32
    %add3A_2516 = vector.broadcast %add3A_2515 : i32 to vector<16xi32>
    %add3A_2517 = arith.addi %iota3A_2511, %add3A_2516 : vector<16xi32>
    %shift_right_arithmetic3A_2518 = arith.constant 2 : i32
    %shift_right_arithmetic3A_2519 = vector.broadcast %shift_right_arithmetic3A_2518 : i32 to vector<16xi32>
    %shift_right_arithmetic3A_2520 = arith.shrsi %add3A_2517, %shift_right_arithmetic3A_2519 : vector<16xi32>
    %swap3A_2521 = arith.constant 64 : index
    %swap3A_2522 = tpu.vector_load %arg34[%swap3A_2521] {strides = array<i32>} : memref<128xi32, #tpu.memory_space<vmem>>, vector<16xi32>,
    tpu.vector_store %arg34[%swap3A_2521], %shift_right_arithmetic3A_2520 {strides = array<i32>} : memref<128xi32, #tpu.memory_space<vmem>>, vector<16xi32>,
    %get3A_2523 = arith.constant 12 : i32
    %get3A_2524 = arith.constant 0 : i32
    %get3A_2525 = arith.index_cast %get3A_2523 : i32 to index
    %get3A_2526 = arith.index_cast %get3A_2524 : i32 to index
    %get3A_2527 = arith.constant 80 : index
    %get3A_2528 = tpu.vector_load %arg5[%get3A_2525, %get3A_2526, %get3A_2527] {strides = array<i32>} : memref<16x1x128xi32, #tpu.memory_space<vmem>>, vector<16xi32>,
    %shift_right_arithmetic3A_2529 = arith.constant 14 : i32
    %shift_right_arithmetic3A_2530 = vector.broadcast %shift_right_arithmetic3A_2529 : i32 to vector<16xi32>
    %shift_right_arithmetic3A_2531 = arith.shrsi %get3A_2528, %shift_right_arithmetic3A_2530 : vector<16xi32>
    %gather3A_2532 = tpu.vector_load_idx %arg38[%shift_right_arithmetic3A_2531] : memref<16xi32, #tpu.memory_space<vmem>>[vector<16xi32>], vector<16xi32>,
    %add3A_2533 = arith.addi %get3A_2528, %gather3A_2532 : vector<16xi32>
    %swap3A_2534 = arith.constant 80 : index
    %swap3A_2535 = tpu.vector_load %arg18[%swap3A_2534] {strides = array<i32>} : memref<128xi32, #tpu.memory_space<vmem>>, vector<16xi32>,
    tpu.vector_store %arg18[%swap3A_2534], %add3A_2533 {strides = array<i32>} : memref<128xi32, #tpu.memory_space<vmem>>, vector<16xi32>,
    %iota3A_2536 = tpu.iota {dimensions = array<i32: 0>} : vector<16xi32>
    %add3A_2537 = arith.constant 1536 : i32
    %add3A_2538 = arith.addi %mul3A_2, %add3A_2537 : i32
    %add3A_2539 = arith.constant 80 : i32
    %add3A_2540 = arith.addi %add3A_2538, %add3A_2539 : i32
    %add3A_2541 = vector.broadcast %add3A_2540 : i32 to vector<16xi32>
    %add3A_2542 = arith.addi %iota3A_2536, %add3A_2541 : vector<16xi32>
    %shift_right_arithmetic3A_2543 = arith.constant 2 : i32
    %shift_right_arithmetic3A_2544 = vector.broadcast %shift_right_arithmetic3A_2543 : i32 to vector<16xi32>
    %shift_right_arithmetic3A_2545 = arith.shrsi %add3A_2542, %shift_right_arithmetic3A_2544 : vector<16xi32>
    %swap3A_2546 = arith.constant 80 : index
    %swap3A_2547 = tpu.vector_load %arg34[%swap3A_2546] {strides = array<i32>} : memref<128xi32, #tpu.memory_space<vmem>>, vector<16xi32>,
    tpu.vector_store %arg34[%swap3A_2546], %shift_right_arithmetic3A_2545 {strides = array<i32>} : memref<128xi32, #tpu.memory_space<vmem>>, vector<16xi32>,
    %get3A_2548 = arith.constant 12 : i32
    %get3A_2549 = arith.constant 0 : i32
    %get3A_2550 = arith.index_cast %get3A_2548 : i32 to index
    %get3A_2551 = arith.index_cast %get3A_2549 : i32 to index
    %get3A_2552 = arith.constant 96 : index
    %get3A_2553 = tpu.vector_load %arg5[%get3A_2550, %get3A_2551, %get3A_2552] {strides = array<i32>} : memref<16x1x128xi32, #tpu.memory_space<vmem>>, vector<16xi32>,
    %shift_right_arithmetic3A_2554 = arith.constant 14 : i32
    %shift_right_arithmetic3A_2555 = vector.broadcast %shift_right_arithmetic3A_2554 : i32 to vector<16xi32>
    %shift_right_arithmetic3A_2556 = arith.shrsi %get3A_2553, %shift_right_arithmetic3A_2555 : vector<16xi32>
    %gather3A_2557 = tpu.vector_load_idx %arg38[%shift_right_arithmetic3A_2556] : memref<16xi32, #tpu.memory_space<vmem>>[vector<16xi32>], vector<16xi32>,
    %add3A_2558 = arith.addi %get3A_2553, %gather3A_2557 : vector<16xi32>
    %swap3A_2559 = arith.constant 96 : index
    %swap3A_2560 = tpu.vector_load %arg18[%swap3A_2559] {strides = array<i32>} : memref<128xi32, #tpu.memory_space<vmem>>, vector<16xi32>,
    tpu.vector_store %arg18[%swap3A_2559], %add3A_2558 {strides = array<i32>} : memref<128xi32, #tpu.memory_space<vmem>>, vector<16xi32>,
    %iota3A_2561 = tpu.iota {dimensions = array<i32: 0>} : vector<16xi32>
    %add3A_2562 = arith.constant 1536 : i32
    %add3A_2563 = arith.addi %mul3A_2, %add3A_2562 : i32
    %add3A_2564 = arith.constant 96 : i32
    %add3A_2565 = arith.addi %add3A_2563, %add3A_2564 : i32
    %add3A_2566 = vector.broadcast %add3A_2565 : i32 to vector<16xi32>
    %add3A_2567 = arith.addi %iota3A_2561, %add3A_2566 : vector<16xi32>
    %shift_right_arithmetic3A_2568 = arith.constant 2 : i32
    %shift_right_arithmetic3A_2569 = vector.broadcast %shift_right_arithmetic3A_2568 : i32 to vector<16xi32>
    %shift_right_arithmetic3A_2570 = arith.shrsi %add3A_2567, %shift_right_arithmetic3A_2569 : vector<16xi32>
    %swap3A_2571 = arith.constant 96 : index
    %swap3A_2572 = tpu.vector_load %arg34[%swap3A_2571] {strides = array<i32>} : memref<128xi32, #tpu.memory_space<vmem>>, vector<16xi32>,
    tpu.vector_store %arg34[%swap3A_2571], %shift_right_arithmetic3A_2570 {strides = array<i32>} : memref<128xi32, #tpu.memory_space<vmem>>, vector<16xi32>,
    %get3A_2573 = arith.constant 12 : i32
    %get3A_2574 = arith.constant 0 : i32
    %get3A_2575 = arith.index_cast %get3A_2573 : i32 to index
    %get3A_2576 = arith.index_cast %get3A_2574 : i32 to index
    %get3A_2577 = arith.constant 112 : index
    %get3A_2578 = tpu.vector_load %arg5[%get3A_2575, %get3A_2576, %get3A_2577] {strides = array<i32>} : memref<16x1x128xi32, #tpu.memory_space<vmem>>, vector<16xi32>,
    %shift_right_arithmetic3A_2579 = arith.constant 14 : i32
    %shift_right_arithmetic3A_2580 = vector.broadcast %shift_right_arithmetic3A_2579 : i32 to vector<16xi32>
    %shift_right_arithmetic3A_2581 = arith.shrsi %get3A_2578, %shift_right_arithmetic3A_2580 : vector<16xi32>
    %gather3A_2582 = tpu.vector_load_idx %arg38[%shift_right_arithmetic3A_2581] : memref<16xi32, #tpu.memory_space<vmem>>[vector<16xi32>], vector<16xi32>,
    %add3A_2583 = arith.addi %get3A_2578, %gather3A_2582 : vector<16xi32>
    %swap3A_2584 = arith.constant 112 : index
    %swap3A_2585 = tpu.vector_load %arg18[%swap3A_2584] {strides = array<i32>} : memref<128xi32, #tpu.memory_space<vmem>>, vector<16xi32>,
    tpu.vector_store %arg18[%swap3A_2584], %add3A_2583 {strides = array<i32>} : memref<128xi32, #tpu.memory_space<vmem>>, vector<16xi32>,
    %iota3A_2586 = tpu.iota {dimensions = array<i32: 0>} : vector<16xi32>
    %add3A_2587 = arith.constant 1536 : i32
    %add3A_2588 = arith.addi %mul3A_2, %add3A_2587 : i32
    %add3A_2589 = arith.constant 112 : i32
    %add3A_2590 = arith.addi %add3A_2588, %add3A_2589 : i32
    %add3A_2591 = vector.broadcast %add3A_2590 : i32 to vector<16xi32>
    %add3A_2592 = arith.addi %iota3A_2586, %add3A_2591 : vector<16xi32>
    %shift_right_arithmetic3A_2593 = arith.constant 2 : i32
    %shift_right_arithmetic3A_2594 = vector.broadcast %shift_right_arithmetic3A_2593 : i32 to vector<16xi32>
    %shift_right_arithmetic3A_2595 = arith.shrsi %add3A_2592, %shift_right_arithmetic3A_2594 : vector<16xi32>
    %swap3A_2596 = arith.constant 112 : index
    %swap3A_2597 = tpu.vector_load %arg34[%swap3A_2596] {strides = array<i32>} : memref<128xi32, #tpu.memory_space<vmem>>, vector<16xi32>,
    tpu.vector_store %arg34[%swap3A_2596], %shift_right_arithmetic3A_2595 {strides = array<i32>} : memref<128xi32, #tpu.memory_space<vmem>>, vector<16xi32>,
    %get3A_2598 = arith.constant 13 : i32
    %get3A_2599 = arith.constant 0 : i32
    %get3A_2600 = arith.index_cast %get3A_2598 : i32 to index
    %get3A_2601 = arith.index_cast %get3A_2599 : i32 to index
    %get3A_2602 = arith.constant 0 : index
    %get3A_2603 = tpu.vector_load %arg5[%get3A_2600, %get3A_2601, %get3A_2602] {strides = array<i32>} : memref<16x1x128xi32, #tpu.memory_space<vmem>>, vector<16xi32>,
    %shift_right_arithmetic3A_2604 = arith.constant 14 : i32
    %shift_right_arithmetic3A_2605 = vector.broadcast %shift_right_arithmetic3A_2604 : i32 to vector<16xi32>
    %shift_right_arithmetic3A_2606 = arith.shrsi %get3A_2603, %shift_right_arithmetic3A_2605 : vector<16xi32>
    %gather3A_2607 = tpu.vector_load_idx %arg38[%shift_right_arithmetic3A_2606] : memref<16xi32, #tpu.memory_space<vmem>>[vector<16xi32>], vector<16xi32>,
    %add3A_2608 = arith.addi %get3A_2603, %gather3A_2607 : vector<16xi32>
    %swap3A_2609 = arith.constant 0 : index
    %swap3A_2610 = tpu.vector_load %arg19[%swap3A_2609] {strides = array<i32>} : memref<128xi32, #tpu.memory_space<vmem>>, vector<16xi32>,
    tpu.vector_store %arg19[%swap3A_2609], %add3A_2608 {strides = array<i32>} : memref<128xi32, #tpu.memory_space<vmem>>, vector<16xi32>,
    %iota3A_2611 = tpu.iota {dimensions = array<i32: 0>} : vector<16xi32>
    %add3A_2612 = arith.constant 1664 : i32
    %add3A_2613 = arith.addi %mul3A_2, %add3A_2612 : i32
    %add3A_2614 = arith.constant 0 : i32
    %add3A_2615 = arith.addi %add3A_2613, %add3A_2614 : i32
    %add3A_2616 = vector.broadcast %add3A_2615 : i32 to vector<16xi32>
    %add3A_2617 = arith.addi %iota3A_2611, %add3A_2616 : vector<16xi32>
    %shift_right_arithmetic3A_2618 = arith.constant 2 : i32
    %shift_right_arithmetic3A_2619 = vector.broadcast %shift_right_arithmetic3A_2618 : i32 to vector<16xi32>
    %shift_right_arithmetic3A_2620 = arith.shrsi %add3A_2617, %shift_right_arithmetic3A_2619 : vector<16xi32>
    %swap3A_2621 = arith.constant 0 : index
    %swap3A_2622 = tpu.vector_load %arg35[%swap3A_2621] {strides = array<i32>} : memref<128xi32, #tpu.memory_space<vmem>>, vector<16xi32>,
    tpu.vector_store %arg35[%swap3A_2621], %shift_right_arithmetic3A_2620 {strides = array<i32>} : memref<128xi32, #tpu.memory_space<vmem>>, vector<16xi32>,
    %get3A_2623 = arith.constant 13 : i32
    %get3A_2624 = arith.constant 0 : i32
    %get3A_2625 = arith.index_cast %get3A_2623 : i32 to index
    %get3A_2626 = arith.index_cast %get3A_2624 : i32 to index
    %get3A_2627 = arith.constant 16 : index
    %get3A_2628 = tpu.vector_load %arg5[%get3A_2625, %get3A_2626, %get3A_2627] {strides = array<i32>} : memref<16x1x128xi32, #tpu.memory_space<vmem>>, vector<16xi32>,
    %shift_right_arithmetic3A_2629 = arith.constant 14 : i32
    %shift_right_arithmetic3A_2630 = vector.broadcast %shift_right_arithmetic3A_2629 : i32 to vector<16xi32>
    %shift_right_arithmetic3A_2631 = arith.shrsi %get3A_2628, %shift_right_arithmetic3A_2630 : vector<16xi32>
    %gather3A_2632 = tpu.vector_load_idx %arg38[%shift_right_arithmetic3A_2631] : memref<16xi32, #tpu.memory_space<vmem>>[vector<16xi32>], vector<16xi32>,
    %add3A_2633 = arith.addi %get3A_2628, %gather3A_2632 : vector<16xi32>
    %swap3A_2634 = arith.constant 16 : index
    %swap3A_2635 = tpu.vector_load %arg19[%swap3A_2634] {strides = array<i32>} : memref<128xi32, #tpu.memory_space<vmem>>, vector<16xi32>,
    tpu.vector_store %arg19[%swap3A_2634], %add3A_2633 {strides = array<i32>} : memref<128xi32, #tpu.memory_space<vmem>>, vector<16xi32>,
    %iota3A_2636 = tpu.iota {dimensions = array<i32: 0>} : vector<16xi32>
    %add3A_2637 = arith.constant 1664 : i32
    %add3A_2638 = arith.addi %mul3A_2, %add3A_2637 : i32
    %add3A_2639 = arith.constant 16 : i32
    %add3A_2640 = arith.addi %add3A_2638, %add3A_2639 : i32
    %add3A_2641 = vector.broadcast %add3A_2640 : i32 to vector<16xi32>
    %add3A_2642 = arith.addi %iota3A_2636, %add3A_2641 : vector<16xi32>
    %shift_right_arithmetic3A_2643 = arith.constant 2 : i32
    %shift_right_arithmetic3A_2644 = vector.broadcast %shift_right_arithmetic3A_2643 : i32 to vector<16xi32>
    %shift_right_arithmetic3A_2645 = arith.shrsi %add3A_2642, %shift_right_arithmetic3A_2644 : vector<16xi32>
    %swap3A_2646 = arith.constant 16 : index
    %swap3A_2647 = tpu.vector_load %arg35[%swap3A_2646] {strides = array<i32>} : memref<128xi32, #tpu.memory_space<vmem>>, vector<16xi32>,
    tpu.vector_store %arg35[%swap3A_2646], %shift_right_arithmetic3A_2645 {strides = array<i32>} : memref<128xi32, #tpu.memory_space<vmem>>, vector<16xi32>,
    %get3A_2648 = arith.constant 13 : i32
    %get3A_2649 = arith.constant 0 : i32
    %get3A_2650 = arith.index_cast %get3A_2648 : i32 to index
    %get3A_2651 = arith.index_cast %get3A_2649 : i32 to index
    %get3A_2652 = arith.constant 32 : index
    %get3A_2653 = tpu.vector_load %arg5[%get3A_2650, %get3A_2651, %get3A_2652] {strides = array<i32>} : memref<16x1x128xi32, #tpu.memory_space<vmem>>, vector<16xi32>,
    %shift_right_arithmetic3A_2654 = arith.constant 14 : i32
    %shift_right_arithmetic3A_2655 = vector.broadcast %shift_right_arithmetic3A_2654 : i32 to vector<16xi32>
    %shift_right_arithmetic3A_2656 = arith.shrsi %get3A_2653, %shift_right_arithmetic3A_2655 : vector<16xi32>
    %gather3A_2657 = tpu.vector_load_idx %arg38[%shift_right_arithmetic3A_2656] : memref<16xi32, #tpu.memory_space<vmem>>[vector<16xi32>], vector<16xi32>,
    %add3A_2658 = arith.addi %get3A_2653, %gather3A_2657 : vector<16xi32>
    %swap3A_2659 = arith.constant 32 : index
    %swap3A_2660 = tpu.vector_load %arg19[%swap3A_2659] {strides = array<i32>} : memref<128xi32, #tpu.memory_space<vmem>>, vector<16xi32>,
    tpu.vector_store %arg19[%swap3A_2659], %add3A_2658 {strides = array<i32>} : memref<128xi32, #tpu.memory_space<vmem>>, vector<16xi32>,
    %iota3A_2661 = tpu.iota {dimensions = array<i32: 0>} : vector<16xi32>
    %add3A_2662 = arith.constant 1664 : i32
    %add3A_2663 = arith.addi %mul3A_2, %add3A_2662 : i32
    %add3A_2664 = arith.constant 32 : i32
    %add3A_2665 = arith.addi %add3A_2663, %add3A_2664 : i32
    %add3A_2666 = vector.broadcast %add3A_2665 : i32 to vector<16xi32>
    %add3A_2667 = arith.addi %iota3A_2661, %add3A_2666 : vector<16xi32>
    %shift_right_arithmetic3A_2668 = arith.constant 2 : i32
    %shift_right_arithmetic3A_2669 = vector.broadcast %shift_right_arithmetic3A_2668 : i32 to vector<16xi32>
    %shift_right_arithmetic3A_2670 = arith.shrsi %add3A_2667, %shift_right_arithmetic3A_2669 : vector<16xi32>
    %swap3A_2671 = arith.constant 32 : index
    %swap3A_2672 = tpu.vector_load %arg35[%swap3A_2671] {strides = array<i32>} : memref<128xi32, #tpu.memory_space<vmem>>, vector<16xi32>,
    tpu.vector_store %arg35[%swap3A_2671], %shift_right_arithmetic3A_2670 {strides = array<i32>} : memref<128xi32, #tpu.memory_space<vmem>>, vector<16xi32>,
    %get3A_2673 = arith.constant 13 : i32
    %get3A_2674 = arith.constant 0 : i32
    %get3A_2675 = arith.index_cast %get3A_2673 : i32 to index
    %get3A_2676 = arith.index_cast %get3A_2674 : i32 to index
    %get3A_2677 = arith.constant 48 : index
    %get3A_2678 = tpu.vector_load %arg5[%get3A_2675, %get3A_2676, %get3A_2677] {strides = array<i32>} : memref<16x1x128xi32, #tpu.memory_space<vmem>>, vector<16xi32>,
    %shift_right_arithmetic3A_2679 = arith.constant 14 : i32
    %shift_right_arithmetic3A_2680 = vector.broadcast %shift_right_arithmetic3A_2679 : i32 to vector<16xi32>
    %shift_right_arithmetic3A_2681 = arith.shrsi %get3A_2678, %shift_right_arithmetic3A_2680 : vector<16xi32>
    %gather3A_2682 = tpu.vector_load_idx %arg38[%shift_right_arithmetic3A_2681] : memref<16xi32, #tpu.memory_space<vmem>>[vector<16xi32>], vector<16xi32>,
    %add3A_2683 = arith.addi %get3A_2678, %gather3A_2682 : vector<16xi32>
    %swap3A_2684 = arith.constant 48 : index
    %swap3A_2685 = tpu.vector_load %arg19[%swap3A_2684] {strides = array<i32>} : memref<128xi32, #tpu.memory_space<vmem>>, vector<16xi32>,
    tpu.vector_store %arg19[%swap3A_2684], %add3A_2683 {strides = array<i32>} : memref<128xi32, #tpu.memory_space<vmem>>, vector<16xi32>,
    %iota3A_2686 = tpu.iota {dimensions = array<i32: 0>} : vector<16xi32>
    %add3A_2687 = arith.constant 1664 : i32
    %add3A_2688 = arith.addi %mul3A_2, %add3A_2687 : i32
    %add3A_2689 = arith.constant 48 : i32
    %add3A_2690 = arith.addi %add3A_2688, %add3A_2689 : i32
    %add3A_2691 = vector.broadcast %add3A_2690 : i32 to vector<16xi32>
    %add3A_2692 = arith.addi %iota3A_2686, %add3A_2691 : vector<16xi32>
    %shift_right_arithmetic3A_2693 = arith.constant 2 : i32
    %shift_right_arithmetic3A_2694 = vector.broadcast %shift_right_arithmetic3A_2693 : i32 to vector<16xi32>
    %shift_right_arithmetic3A_2695 = arith.shrsi %add3A_2692, %shift_right_arithmetic3A_2694 : vector<16xi32>
    %swap3A_2696 = arith.constant 48 : index
    %swap3A_2697 = tpu.vector_load %arg35[%swap3A_2696] {strides = array<i32>} : memref<128xi32, #tpu.memory_space<vmem>>, vector<16xi32>,
    tpu.vector_store %arg35[%swap3A_2696], %shift_right_arithmetic3A_2695 {strides = array<i32>} : memref<128xi32, #tpu.memory_space<vmem>>, vector<16xi32>,
    %get3A_2698 = arith.constant 13 : i32
    %get3A_2699 = arith.constant 0 : i32
    %get3A_2700 = arith.index_cast %get3A_2698 : i32 to index
    %get3A_2701 = arith.index_cast %get3A_2699 : i32 to index
    %get3A_2702 = arith.constant 64 : index
    %get3A_2703 = tpu.vector_load %arg5[%get3A_2700, %get3A_2701, %get3A_2702] {strides = array<i32>} : memref<16x1x128xi32, #tpu.memory_space<vmem>>, vector<16xi32>,
    %shift_right_arithmetic3A_2704 = arith.constant 14 : i32
    %shift_right_arithmetic3A_2705 = vector.broadcast %shift_right_arithmetic3A_2704 : i32 to vector<16xi32>
    %shift_right_arithmetic3A_2706 = arith.shrsi %get3A_2703, %shift_right_arithmetic3A_2705 : vector<16xi32>
    %gather3A_2707 = tpu.vector_load_idx %arg38[%shift_right_arithmetic3A_2706] : memref<16xi32, #tpu.memory_space<vmem>>[vector<16xi32>], vector<16xi32>,
    %add3A_2708 = arith.addi %get3A_2703, %gather3A_2707 : vector<16xi32>
    %swap3A_2709 = arith.constant 64 : index
    %swap3A_2710 = tpu.vector_load %arg19[%swap3A_2709] {strides = array<i32>} : memref<128xi32, #tpu.memory_space<vmem>>, vector<16xi32>,
    tpu.vector_store %arg19[%swap3A_2709], %add3A_2708 {strides = array<i32>} : memref<128xi32, #tpu.memory_space<vmem>>, vector<16xi32>,
    %iota3A_2711 = tpu.iota {dimensions = array<i32: 0>} : vector<16xi32>
    %add3A_2712 = arith.constant 1664 : i32
    %add3A_2713 = arith.addi %mul3A_2, %add3A_2712 : i32
    %add3A_2714 = arith.constant 64 : i32
    %add3A_2715 = arith.addi %add3A_2713, %add3A_2714 : i32
    %add3A_2716 = vector.broadcast %add3A_2715 : i32 to vector<16xi32>
    %add3A_2717 = arith.addi %iota3A_2711, %add3A_2716 : vector<16xi32>
    %shift_right_arithmetic3A_2718 = arith.constant 2 : i32
    %shift_right_arithmetic3A_2719 = vector.broadcast %shift_right_arithmetic3A_2718 : i32 to vector<16xi32>
    %shift_right_arithmetic3A_2720 = arith.shrsi %add3A_2717, %shift_right_arithmetic3A_2719 : vector<16xi32>
    %swap3A_2721 = arith.constant 64 : index
    %swap3A_2722 = tpu.vector_load %arg35[%swap3A_2721] {strides = array<i32>} : memref<128xi32, #tpu.memory_space<vmem>>, vector<16xi32>,
    tpu.vector_store %arg35[%swap3A_2721], %shift_right_arithmetic3A_2720 {strides = array<i32>} : memref<128xi32, #tpu.memory_space<vmem>>, vector<16xi32>,
    %get3A_2723 = arith.constant 13 : i32
    %get3A_2724 = arith.constant 0 : i32
    %get3A_2725 = arith.index_cast %get3A_2723 : i32 to index
    %get3A_2726 = arith.index_cast %get3A_2724 : i32 to index
    %get3A_2727 = arith.constant 80 : index
    %get3A_2728 = tpu.vector_load %arg5[%get3A_2725, %get3A_2726, %get3A_2727] {strides = array<i32>} : memref<16x1x128xi32, #tpu.memory_space<vmem>>, vector<16xi32>,
    %shift_right_arithmetic3A_2729 = arith.constant 14 : i32
    %shift_right_arithmetic3A_2730 = vector.broadcast %shift_right_arithmetic3A_2729 : i32 to vector<16xi32>
    %shift_right_arithmetic3A_2731 = arith.shrsi %get3A_2728, %shift_right_arithmetic3A_2730 : vector<16xi32>
    %gather3A_2732 = tpu.vector_load_idx %arg38[%shift_right_arithmetic3A_2731] : memref<16xi32, #tpu.memory_space<vmem>>[vector<16xi32>], vector<16xi32>,
    %add3A_2733 = arith.addi %get3A_2728, %gather3A_2732 : vector<16xi32>
    %swap3A_2734 = arith.constant 80 : index
    %swap3A_2735 = tpu.vector_load %arg19[%swap3A_2734] {strides = array<i32>} : memref<128xi32, #tpu.memory_space<vmem>>, vector<16xi32>,
    tpu.vector_store %arg19[%swap3A_2734], %add3A_2733 {strides = array<i32>} : memref<128xi32, #tpu.memory_space<vmem>>, vector<16xi32>,
    %iota3A_2736 = tpu.iota {dimensions = array<i32: 0>} : vector<16xi32>
    %add3A_2737 = arith.constant 1664 : i32
    %add3A_2738 = arith.addi %mul3A_2, %add3A_2737 : i32
    %add3A_2739 = arith.constant 80 : i32
    %add3A_2740 = arith.addi %add3A_2738, %add3A_2739 : i32
    %add3A_2741 = vector.broadcast %add3A_2740 : i32 to vector<16xi32>
    %add3A_2742 = arith.addi %iota3A_2736, %add3A_2741 : vector<16xi32>
    %shift_right_arithmetic3A_2743 = arith.constant 2 : i32
    %shift_right_arithmetic3A_2744 = vector.broadcast %shift_right_arithmetic3A_2743 : i32 to vector<16xi32>
    %shift_right_arithmetic3A_2745 = arith.shrsi %add3A_2742, %shift_right_arithmetic3A_2744 : vector<16xi32>
    %swap3A_2746 = arith.constant 80 : index
    %swap3A_2747 = tpu.vector_load %arg35[%swap3A_2746] {strides = array<i32>} : memref<128xi32, #tpu.memory_space<vmem>>, vector<16xi32>,
    tpu.vector_store %arg35[%swap3A_2746], %shift_right_arithmetic3A_2745 {strides = array<i32>} : memref<128xi32, #tpu.memory_space<vmem>>, vector<16xi32>,
    %get3A_2748 = arith.constant 13 : i32
    %get3A_2749 = arith.constant 0 : i32
    %get3A_2750 = arith.index_cast %get3A_2748 : i32 to index
    %get3A_2751 = arith.index_cast %get3A_2749 : i32 to index
    %get3A_2752 = arith.constant 96 : index
    %get3A_2753 = tpu.vector_load %arg5[%get3A_2750, %get3A_2751, %get3A_2752] {strides = array<i32>} : memref<16x1x128xi32, #tpu.memory_space<vmem>>, vector<16xi32>,
    %shift_right_arithmetic3A_2754 = arith.constant 14 : i32
    %shift_right_arithmetic3A_2755 = vector.broadcast %shift_right_arithmetic3A_2754 : i32 to vector<16xi32>
    %shift_right_arithmetic3A_2756 = arith.shrsi %get3A_2753, %shift_right_arithmetic3A_2755 : vector<16xi32>
    %gather3A_2757 = tpu.vector_load_idx %arg38[%shift_right_arithmetic3A_2756] : memref<16xi32, #tpu.memory_space<vmem>>[vector<16xi32>], vector<16xi32>,
    %add3A_2758 = arith.addi %get3A_2753, %gather3A_2757 : vector<16xi32>
    %swap3A_2759 = arith.constant 96 : index
    %swap3A_2760 = tpu.vector_load %arg19[%swap3A_2759] {strides = array<i32>} : memref<128xi32, #tpu.memory_space<vmem>>, vector<16xi32>,
    tpu.vector_store %arg19[%swap3A_2759], %add3A_2758 {strides = array<i32>} : memref<128xi32, #tpu.memory_space<vmem>>, vector<16xi32>,
    %iota3A_2761 = tpu.iota {dimensions = array<i32: 0>} : vector<16xi32>
    %add3A_2762 = arith.constant 1664 : i32
    %add3A_2763 = arith.addi %mul3A_2, %add3A_2762 : i32
    %add3A_2764 = arith.constant 96 : i32
    %add3A_2765 = arith.addi %add3A_2763, %add3A_2764 : i32
    %add3A_2766 = vector.broadcast %add3A_2765 : i32 to vector<16xi32>
    %add3A_2767 = arith.addi %iota3A_2761, %add3A_2766 : vector<16xi32>
    %shift_right_arithmetic3A_2768 = arith.constant 2 : i32
    %shift_right_arithmetic3A_2769 = vector.broadcast %shift_right_arithmetic3A_2768 : i32 to vector<16xi32>
    %shift_right_arithmetic3A_2770 = arith.shrsi %add3A_2767, %shift_right_arithmetic3A_2769 : vector<16xi32>
    %swap3A_2771 = arith.constant 96 : index
    %swap3A_2772 = tpu.vector_load %arg35[%swap3A_2771] {strides = array<i32>} : memref<128xi32, #tpu.memory_space<vmem>>, vector<16xi32>,
    tpu.vector_store %arg35[%swap3A_2771], %shift_right_arithmetic3A_2770 {strides = array<i32>} : memref<128xi32, #tpu.memory_space<vmem>>, vector<16xi32>,
    %get3A_2773 = arith.constant 13 : i32
    %get3A_2774 = arith.constant 0 : i32
    %get3A_2775 = arith.index_cast %get3A_2773 : i32 to index
    %get3A_2776 = arith.index_cast %get3A_2774 : i32 to index
    %get3A_2777 = arith.constant 112 : index
    %get3A_2778 = tpu.vector_load %arg5[%get3A_2775, %get3A_2776, %get3A_2777] {strides = array<i32>} : memref<16x1x128xi32, #tpu.memory_space<vmem>>, vector<16xi32>,
    %shift_right_arithmetic3A_2779 = arith.constant 14 : i32
    %shift_right_arithmetic3A_2780 = vector.broadcast %shift_right_arithmetic3A_2779 : i32 to vector<16xi32>
    %shift_right_arithmetic3A_2781 = arith.shrsi %get3A_2778, %shift_right_arithmetic3A_2780 : vector<16xi32>
    %gather3A_2782 = tpu.vector_load_idx %arg38[%shift_right_arithmetic3A_2781] : memref<16xi32, #tpu.memory_space<vmem>>[vector<16xi32>], vector<16xi32>,
    %add3A_2783 = arith.addi %get3A_2778, %gather3A_2782 : vector<16xi32>
    %swap3A_2784 = arith.constant 112 : index
    %swap3A_2785 = tpu.vector_load %arg19[%swap3A_2784] {strides = array<i32>} : memref<128xi32, #tpu.memory_space<vmem>>, vector<16xi32>,
    tpu.vector_store %arg19[%swap3A_2784], %add3A_2783 {strides = array<i32>} : memref<128xi32, #tpu.memory_space<vmem>>, vector<16xi32>,
    %iota3A_2786 = tpu.iota {dimensions = array<i32: 0>} : vector<16xi32>
    %add3A_2787 = arith.constant 1664 : i32
    %add3A_2788 = arith.addi %mul3A_2, %add3A_2787 : i32
    %add3A_2789 = arith.constant 112 : i32
    %add3A_2790 = arith.addi %add3A_2788, %add3A_2789 : i32
    %add3A_2791 = vector.broadcast %add3A_2790 : i32 to vector<16xi32>
    %add3A_2792 = arith.addi %iota3A_2786, %add3A_2791 : vector<16xi32>
    %shift_right_arithmetic3A_2793 = arith.constant 2 : i32
    %shift_right_arithmetic3A_2794 = vector.broadcast %shift_right_arithmetic3A_2793 : i32 to vector<16xi32>
    %shift_right_arithmetic3A_2795 = arith.shrsi %add3A_2792, %shift_right_arithmetic3A_2794 : vector<16xi32>
    %swap3A_2796 = arith.constant 112 : index
    %swap3A_2797 = tpu.vector_load %arg35[%swap3A_2796] {strides = array<i32>} : memref<128xi32, #tpu.memory_space<vmem>>, vector<16xi32>,
    tpu.vector_store %arg35[%swap3A_2796], %shift_right_arithmetic3A_2795 {strides = array<i32>} : memref<128xi32, #tpu.memory_space<vmem>>, vector<16xi32>,
    %get3A_2798 = arith.constant 14 : i32
    %get3A_2799 = arith.constant 0 : i32
    %get3A_2800 = arith.index_cast %get3A_2798 : i32 to index
    %get3A_2801 = arith.index_cast %get3A_2799 : i32 to index
    %get3A_2802 = arith.constant 0 : index
    %get3A_2803 = tpu.vector_load %arg5[%get3A_2800, %get3A_2801, %get3A_2802] {strides = array<i32>} : memref<16x1x128xi32, #tpu.memory_space<vmem>>, vector<16xi32>,
    %shift_right_arithmetic3A_2804 = arith.constant 14 : i32
    %shift_right_arithmetic3A_2805 = vector.broadcast %shift_right_arithmetic3A_2804 : i32 to vector<16xi32>
    %shift_right_arithmetic3A_2806 = arith.shrsi %get3A_2803, %shift_right_arithmetic3A_2805 : vector<16xi32>
    %gather3A_2807 = tpu.vector_load_idx %arg38[%shift_right_arithmetic3A_2806] : memref<16xi32, #tpu.memory_space<vmem>>[vector<16xi32>], vector<16xi32>,
    %add3A_2808 = arith.addi %get3A_2803, %gather3A_2807 : vector<16xi32>
    %swap3A_2809 = arith.constant 0 : index
    %swap3A_2810 = tpu.vector_load %arg20[%swap3A_2809] {strides = array<i32>} : memref<128xi32, #tpu.memory_space<vmem>>, vector<16xi32>,
    tpu.vector_store %arg20[%swap3A_2809], %add3A_2808 {strides = array<i32>} : memref<128xi32, #tpu.memory_space<vmem>>, vector<16xi32>,
    %iota3A_2811 = tpu.iota {dimensions = array<i32: 0>} : vector<16xi32>
    %add3A_2812 = arith.constant 1792 : i32
    %add3A_2813 = arith.addi %mul3A_2, %add3A_2812 : i32
    %add3A_2814 = arith.constant 0 : i32
    %add3A_2815 = arith.addi %add3A_2813, %add3A_2814 : i32
    %add3A_2816 = vector.broadcast %add3A_2815 : i32 to vector<16xi32>
    %add3A_2817 = arith.addi %iota3A_2811, %add3A_2816 : vector<16xi32>
    %shift_right_arithmetic3A_2818 = arith.constant 2 : i32
    %shift_right_arithmetic3A_2819 = vector.broadcast %shift_right_arithmetic3A_2818 : i32 to vector<16xi32>
    %shift_right_arithmetic3A_2820 = arith.shrsi %add3A_2817, %shift_right_arithmetic3A_2819 : vector<16xi32>
    %swap3A_2821 = arith.constant 0 : index
    %swap3A_2822 = tpu.vector_load %arg36[%swap3A_2821] {strides = array<i32>} : memref<128xi32, #tpu.memory_space<vmem>>, vector<16xi32>,
    tpu.vector_store %arg36[%swap3A_2821], %shift_right_arithmetic3A_2820 {strides = array<i32>} : memref<128xi32, #tpu.memory_space<vmem>>, vector<16xi32>,
    %get3A_2823 = arith.constant 14 : i32
    %get3A_2824 = arith.constant 0 : i32
    %get3A_2825 = arith.index_cast %get3A_2823 : i32 to index
    %get3A_2826 = arith.index_cast %get3A_2824 : i32 to index
    %get3A_2827 = arith.constant 16 : index
    %get3A_2828 = tpu.vector_load %arg5[%get3A_2825, %get3A_2826, %get3A_2827] {strides = array<i32>} : memref<16x1x128xi32, #tpu.memory_space<vmem>>, vector<16xi32>,
    %shift_right_arithmetic3A_2829 = arith.constant 14 : i32
    %shift_right_arithmetic3A_2830 = vector.broadcast %shift_right_arithmetic3A_2829 : i32 to vector<16xi32>
    %shift_right_arithmetic3A_2831 = arith.shrsi %get3A_2828, %shift_right_arithmetic3A_2830 : vector<16xi32>
    %gather3A_2832 = tpu.vector_load_idx %arg38[%shift_right_arithmetic3A_2831] : memref<16xi32, #tpu.memory_space<vmem>>[vector<16xi32>], vector<16xi32>,
    %add3A_2833 = arith.addi %get3A_2828, %gather3A_2832 : vector<16xi32>
    %swap3A_2834 = arith.constant 16 : index
    %swap3A_2835 = tpu.vector_load %arg20[%swap3A_2834] {strides = array<i32>} : memref<128xi32, #tpu.memory_space<vmem>>, vector<16xi32>,
    tpu.vector_store %arg20[%swap3A_2834], %add3A_2833 {strides = array<i32>} : memref<128xi32, #tpu.memory_space<vmem>>, vector<16xi32>,
    %iota3A_2836 = tpu.iota {dimensions = array<i32: 0>} : vector<16xi32>
    %add3A_2837 = arith.constant 1792 : i32
    %add3A_2838 = arith.addi %mul3A_2, %add3A_2837 : i32
    %add3A_2839 = arith.constant 16 : i32
    %add3A_2840 = arith.addi %add3A_2838, %add3A_2839 : i32
    %add3A_2841 = vector.broadcast %add3A_2840 : i32 to vector<16xi32>
    %add3A_2842 = arith.addi %iota3A_2836, %add3A_2841 : vector<16xi32>
    %shift_right_arithmetic3A_2843 = arith.constant 2 : i32
    %shift_right_arithmetic3A_2844 = vector.broadcast %shift_right_arithmetic3A_2843 : i32 to vector<16xi32>
    %shift_right_arithmetic3A_2845 = arith.shrsi %add3A_2842, %shift_right_arithmetic3A_2844 : vector<16xi32>
    %swap3A_2846 = arith.constant 16 : index
    %swap3A_2847 = tpu.vector_load %arg36[%swap3A_2846] {strides = array<i32>} : memref<128xi32, #tpu.memory_space<vmem>>, vector<16xi32>,
    tpu.vector_store %arg36[%swap3A_2846], %shift_right_arithmetic3A_2845 {strides = array<i32>} : memref<128xi32, #tpu.memory_space<vmem>>, vector<16xi32>,
    %get3A_2848 = arith.constant 14 : i32
    %get3A_2849 = arith.constant 0 : i32
    %get3A_2850 = arith.index_cast %get3A_2848 : i32 to index
    %get3A_2851 = arith.index_cast %get3A_2849 : i32 to index
    %get3A_2852 = arith.constant 32 : index
    %get3A_2853 = tpu.vector_load %arg5[%get3A_2850, %get3A_2851, %get3A_2852] {strides = array<i32>} : memref<16x1x128xi32, #tpu.memory_space<vmem>>, vector<16xi32>,
    %shift_right_arithmetic3A_2854 = arith.constant 14 : i32
    %shift_right_arithmetic3A_2855 = vector.broadcast %shift_right_arithmetic3A_2854 : i32 to vector<16xi32>
    %shift_right_arithmetic3A_2856 = arith.shrsi %get3A_2853, %shift_right_arithmetic3A_2855 : vector<16xi32>
    %gather3A_2857 = tpu.vector_load_idx %arg38[%shift_right_arithmetic3A_2856] : memref<16xi32, #tpu.memory_space<vmem>>[vector<16xi32>], vector<16xi32>,
    %add3A_2858 = arith.addi %get3A_2853, %gather3A_2857 : vector<16xi32>
    %swap3A_2859 = arith.constant 32 : index
    %swap3A_2860 = tpu.vector_load %arg20[%swap3A_2859] {strides = array<i32>} : memref<128xi32, #tpu.memory_space<vmem>>, vector<16xi32>,
    tpu.vector_store %arg20[%swap3A_2859], %add3A_2858 {strides = array<i32>} : memref<128xi32, #tpu.memory_space<vmem>>, vector<16xi32>,
    %iota3A_2861 = tpu.iota {dimensions = array<i32: 0>} : vector<16xi32>
    %add3A_2862 = arith.constant 1792 : i32
    %add3A_2863 = arith.addi %mul3A_2, %add3A_2862 : i32
    %add3A_2864 = arith.constant 32 : i32
    %add3A_2865 = arith.addi %add3A_2863, %add3A_2864 : i32
    %add3A_2866 = vector.broadcast %add3A_2865 : i32 to vector<16xi32>
    %add3A_2867 = arith.addi %iota3A_2861, %add3A_2866 : vector<16xi32>
    %shift_right_arithmetic3A_2868 = arith.constant 2 : i32
    %shift_right_arithmetic3A_2869 = vector.broadcast %shift_right_arithmetic3A_2868 : i32 to vector<16xi32>
    %shift_right_arithmetic3A_2870 = arith.shrsi %add3A_2867, %shift_right_arithmetic3A_2869 : vector<16xi32>
    %swap3A_2871 = arith.constant 32 : index
    %swap3A_2872 = tpu.vector_load %arg36[%swap3A_2871] {strides = array<i32>} : memref<128xi32, #tpu.memory_space<vmem>>, vector<16xi32>,
    tpu.vector_store %arg36[%swap3A_2871], %shift_right_arithmetic3A_2870 {strides = array<i32>} : memref<128xi32, #tpu.memory_space<vmem>>, vector<16xi32>,
    %get3A_2873 = arith.constant 14 : i32
    %get3A_2874 = arith.constant 0 : i32
    %get3A_2875 = arith.index_cast %get3A_2873 : i32 to index
    %get3A_2876 = arith.index_cast %get3A_2874 : i32 to index
    %get3A_2877 = arith.constant 48 : index
    %get3A_2878 = tpu.vector_load %arg5[%get3A_2875, %get3A_2876, %get3A_2877] {strides = array<i32>} : memref<16x1x128xi32, #tpu.memory_space<vmem>>, vector<16xi32>,
    %shift_right_arithmetic3A_2879 = arith.constant 14 : i32
    %shift_right_arithmetic3A_2880 = vector.broadcast %shift_right_arithmetic3A_2879 : i32 to vector<16xi32>
    %shift_right_arithmetic3A_2881 = arith.shrsi %get3A_2878, %shift_right_arithmetic3A_2880 : vector<16xi32>
    %gather3A_2882 = tpu.vector_load_idx %arg38[%shift_right_arithmetic3A_2881] : memref<16xi32, #tpu.memory_space<vmem>>[vector<16xi32>], vector<16xi32>,
    %add3A_2883 = arith.addi %get3A_2878, %gather3A_2882 : vector<16xi32>
    %swap3A_2884 = arith.constant 48 : index
    %swap3A_2885 = tpu.vector_load %arg20[%swap3A_2884] {strides = array<i32>} : memref<128xi32, #tpu.memory_space<vmem>>, vector<16xi32>,
    tpu.vector_store %arg20[%swap3A_2884], %add3A_2883 {strides = array<i32>} : memref<128xi32, #tpu.memory_space<vmem>>, vector<16xi32>,
    %iota3A_2886 = tpu.iota {dimensions = array<i32: 0>} : vector<16xi32>
    %add3A_2887 = arith.constant 1792 : i32
    %add3A_2888 = arith.addi %mul3A_2, %add3A_2887 : i32
    %add3A_2889 = arith.constant 48 : i32
    %add3A_2890 = arith.addi %add3A_2888, %add3A_2889 : i32
    %add3A_2891 = vector.broadcast %add3A_2890 : i32 to vector<16xi32>
    %add3A_2892 = arith.addi %iota3A_2886, %add3A_2891 : vector<16xi32>
    %shift_right_arithmetic3A_2893 = arith.constant 2 : i32
    %shift_right_arithmetic3A_2894 = vector.broadcast %shift_right_arithmetic3A_2893 : i32 to vector<16xi32>
    %shift_right_arithmetic3A_2895 = arith.shrsi %add3A_2892, %shift_right_arithmetic3A_2894 : vector<16xi32>
    %swap3A_2896 = arith.constant 48 : index
    %swap3A_2897 = tpu.vector_load %arg36[%swap3A_2896] {strides = array<i32>} : memref<128xi32, #tpu.memory_space<vmem>>, vector<16xi32>,
    tpu.vector_store %arg36[%swap3A_2896], %shift_right_arithmetic3A_2895 {strides = array<i32>} : memref<128xi32, #tpu.memory_space<vmem>>, vector<16xi32>,
    %get3A_2898 = arith.constant 14 : i32
    %get3A_2899 = arith.constant 0 : i32
    %get3A_2900 = arith.index_cast %get3A_2898 : i32 to index
    %get3A_2901 = arith.index_cast %get3A_2899 : i32 to index
    %get3A_2902 = arith.constant 64 : index
    %get3A_2903 = tpu.vector_load %arg5[%get3A_2900, %get3A_2901, %get3A_2902] {strides = array<i32>} : memref<16x1x128xi32, #tpu.memory_space<vmem>>, vector<16xi32>,
    %shift_right_arithmetic3A_2904 = arith.constant 14 : i32
    %shift_right_arithmetic3A_2905 = vector.broadcast %shift_right_arithmetic3A_2904 : i32 to vector<16xi32>
    %shift_right_arithmetic3A_2906 = arith.shrsi %get3A_2903, %shift_right_arithmetic3A_2905 : vector<16xi32>
    %gather3A_2907 = tpu.vector_load_idx %arg38[%shift_right_arithmetic3A_2906] : memref<16xi32, #tpu.memory_space<vmem>>[vector<16xi32>], vector<16xi32>,
    %add3A_2908 = arith.addi %get3A_2903, %gather3A_2907 : vector<16xi32>
    %swap3A_2909 = arith.constant 64 : index
    %swap3A_2910 = tpu.vector_load %arg20[%swap3A_2909] {strides = array<i32>} : memref<128xi32, #tpu.memory_space<vmem>>, vector<16xi32>,
    tpu.vector_store %arg20[%swap3A_2909], %add3A_2908 {strides = array<i32>} : memref<128xi32, #tpu.memory_space<vmem>>, vector<16xi32>,
    %iota3A_2911 = tpu.iota {dimensions = array<i32: 0>} : vector<16xi32>
    %add3A_2912 = arith.constant 1792 : i32
    %add3A_2913 = arith.addi %mul3A_2, %add3A_2912 : i32
    %add3A_2914 = arith.constant 64 : i32
    %add3A_2915 = arith.addi %add3A_2913, %add3A_2914 : i32
    %add3A_2916 = vector.broadcast %add3A_2915 : i32 to vector<16xi32>
    %add3A_2917 = arith.addi %iota3A_2911, %add3A_2916 : vector<16xi32>
    %shift_right_arithmetic3A_2918 = arith.constant 2 : i32
    %shift_right_arithmetic3A_2919 = vector.broadcast %shift_right_arithmetic3A_2918 : i32 to vector<16xi32>
    %shift_right_arithmetic3A_2920 = arith.shrsi %add3A_2917, %shift_right_arithmetic3A_2919 : vector<16xi32>
    %swap3A_2921 = arith.constant 64 : index
    %swap3A_2922 = tpu.vector_load %arg36[%swap3A_2921] {strides = array<i32>} : memref<128xi32, #tpu.memory_space<vmem>>, vector<16xi32>,
    tpu.vector_store %arg36[%swap3A_2921], %shift_right_arithmetic3A_2920 {strides = array<i32>} : memref<128xi32, #tpu.memory_space<vmem>>, vector<16xi32>,
    %get3A_2923 = arith.constant 14 : i32
    %get3A_2924 = arith.constant 0 : i32
    %get3A_2925 = arith.index_cast %get3A_2923 : i32 to index
    %get3A_2926 = arith.index_cast %get3A_2924 : i32 to index
    %get3A_2927 = arith.constant 80 : index
    %get3A_2928 = tpu.vector_load %arg5[%get3A_2925, %get3A_2926, %get3A_2927] {strides = array<i32>} : memref<16x1x128xi32, #tpu.memory_space<vmem>>, vector<16xi32>,
    %shift_right_arithmetic3A_2929 = arith.constant 14 : i32
    %shift_right_arithmetic3A_2930 = vector.broadcast %shift_right_arithmetic3A_2929 : i32 to vector<16xi32>
    %shift_right_arithmetic3A_2931 = arith.shrsi %get3A_2928, %shift_right_arithmetic3A_2930 : vector<16xi32>
    %gather3A_2932 = tpu.vector_load_idx %arg38[%shift_right_arithmetic3A_2931] : memref<16xi32, #tpu.memory_space<vmem>>[vector<16xi32>], vector<16xi32>,
    %add3A_2933 = arith.addi %get3A_2928, %gather3A_2932 : vector<16xi32>
    %swap3A_2934 = arith.constant 80 : index
    %swap3A_2935 = tpu.vector_load %arg20[%swap3A_2934] {strides = array<i32>} : memref<128xi32, #tpu.memory_space<vmem>>, vector<16xi32>,
    tpu.vector_store %arg20[%swap3A_2934], %add3A_2933 {strides = array<i32>} : memref<128xi32, #tpu.memory_space<vmem>>, vector<16xi32>,
    %iota3A_2936 = tpu.iota {dimensions = array<i32: 0>} : vector<16xi32>
    %add3A_2937 = arith.constant 1792 : i32
    %add3A_2938 = arith.addi %mul3A_2, %add3A_2937 : i32
    %add3A_2939 = arith.constant 80 : i32
    %add3A_2940 = arith.addi %add3A_2938, %add3A_2939 : i32
    %add3A_2941 = vector.broadcast %add3A_2940 : i32 to vector<16xi32>
    %add3A_2942 = arith.addi %iota3A_2936, %add3A_2941 : vector<16xi32>
    %shift_right_arithmetic3A_2943 = arith.constant 2 : i32
    %shift_right_arithmetic3A_2944 = vector.broadcast %shift_right_arithmetic3A_2943 : i32 to vector<16xi32>
    %shift_right_arithmetic3A_2945 = arith.shrsi %add3A_2942, %shift_right_arithmetic3A_2944 : vector<16xi32>
    %swap3A_2946 = arith.constant 80 : index
    %swap3A_2947 = tpu.vector_load %arg36[%swap3A_2946] {strides = array<i32>} : memref<128xi32, #tpu.memory_space<vmem>>, vector<16xi32>,
    tpu.vector_store %arg36[%swap3A_2946], %shift_right_arithmetic3A_2945 {strides = array<i32>} : memref<128xi32, #tpu.memory_space<vmem>>, vector<16xi32>,
    %get3A_2948 = arith.constant 14 : i32
    %get3A_2949 = arith.constant 0 : i32
    %get3A_2950 = arith.index_cast %get3A_2948 : i32 to index
    %get3A_2951 = arith.index_cast %get3A_2949 : i32 to index
    %get3A_2952 = arith.constant 96 : index
    %get3A_2953 = tpu.vector_load %arg5[%get3A_2950, %get3A_2951, %get3A_2952] {strides = array<i32>} : memref<16x1x128xi32, #tpu.memory_space<vmem>>, vector<16xi32>,
    %shift_right_arithmetic3A_2954 = arith.constant 14 : i32
    %shift_right_arithmetic3A_2955 = vector.broadcast %shift_right_arithmetic3A_2954 : i32 to vector<16xi32>
    %shift_right_arithmetic3A_2956 = arith.shrsi %get3A_2953, %shift_right_arithmetic3A_2955 : vector<16xi32>
    %gather3A_2957 = tpu.vector_load_idx %arg38[%shift_right_arithmetic3A_2956] : memref<16xi32, #tpu.memory_space<vmem>>[vector<16xi32>], vector<16xi32>,
    %add3A_2958 = arith.addi %get3A_2953, %gather3A_2957 : vector<16xi32>
    %swap3A_2959 = arith.constant 96 : index
    %swap3A_2960 = tpu.vector_load %arg20[%swap3A_2959] {strides = array<i32>} : memref<128xi32, #tpu.memory_space<vmem>>, vector<16xi32>,
    tpu.vector_store %arg20[%swap3A_2959], %add3A_2958 {strides = array<i32>} : memref<128xi32, #tpu.memory_space<vmem>>, vector<16xi32>,
    %iota3A_2961 = tpu.iota {dimensions = array<i32: 0>} : vector<16xi32>
    %add3A_2962 = arith.constant 1792 : i32
    %add3A_2963 = arith.addi %mul3A_2, %add3A_2962 : i32
    %add3A_2964 = arith.constant 96 : i32
    %add3A_2965 = arith.addi %add3A_2963, %add3A_2964 : i32
    %add3A_2966 = vector.broadcast %add3A_2965 : i32 to vector<16xi32>
    %add3A_2967 = arith.addi %iota3A_2961, %add3A_2966 : vector<16xi32>
    %shift_right_arithmetic3A_2968 = arith.constant 2 : i32
    %shift_right_arithmetic3A_2969 = vector.broadcast %shift_right_arithmetic3A_2968 : i32 to vector<16xi32>
    %shift_right_arithmetic3A_2970 = arith.shrsi %add3A_2967, %shift_right_arithmetic3A_2969 : vector<16xi32>
    %swap3A_2971 = arith.constant 96 : index
    %swap3A_2972 = tpu.vector_load %arg36[%swap3A_2971] {strides = array<i32>} : memref<128xi32, #tpu.memory_space<vmem>>, vector<16xi32>,
    tpu.vector_store %arg36[%swap3A_2971], %shift_right_arithmetic3A_2970 {strides = array<i32>} : memref<128xi32, #tpu.memory_space<vmem>>, vector<16xi32>,
    %get3A_2973 = arith.constant 14 : i32
    %get3A_2974 = arith.constant 0 : i32
    %get3A_2975 = arith.index_cast %get3A_2973 : i32 to index
    %get3A_2976 = arith.index_cast %get3A_2974 : i32 to index
    %get3A_2977 = arith.constant 112 : index
    %get3A_2978 = tpu.vector_load %arg5[%get3A_2975, %get3A_2976, %get3A_2977] {strides = array<i32>} : memref<16x1x128xi32, #tpu.memory_space<vmem>>, vector<16xi32>,
    %shift_right_arithmetic3A_2979 = arith.constant 14 : i32
    %shift_right_arithmetic3A_2980 = vector.broadcast %shift_right_arithmetic3A_2979 : i32 to vector<16xi32>
    %shift_right_arithmetic3A_2981 = arith.shrsi %get3A_2978, %shift_right_arithmetic3A_2980 : vector<16xi32>
    %gather3A_2982 = tpu.vector_load_idx %arg38[%shift_right_arithmetic3A_2981] : memref<16xi32, #tpu.memory_space<vmem>>[vector<16xi32>], vector<16xi32>,
    %add3A_2983 = arith.addi %get3A_2978, %gather3A_2982 : vector<16xi32>
    %swap3A_2984 = arith.constant 112 : index
    %swap3A_2985 = tpu.vector_load %arg20[%swap3A_2984] {strides = array<i32>} : memref<128xi32, #tpu.memory_space<vmem>>, vector<16xi32>,
    tpu.vector_store %arg20[%swap3A_2984], %add3A_2983 {strides = array<i32>} : memref<128xi32, #tpu.memory_space<vmem>>, vector<16xi32>,
    %iota3A_2986 = tpu.iota {dimensions = array<i32: 0>} : vector<16xi32>
    %add3A_2987 = arith.constant 1792 : i32
    %add3A_2988 = arith.addi %mul3A_2, %add3A_2987 : i32
    %add3A_2989 = arith.constant 112 : i32
    %add3A_2990 = arith.addi %add3A_2988, %add3A_2989 : i32
    %add3A_2991 = vector.broadcast %add3A_2990 : i32 to vector<16xi32>
    %add3A_2992 = arith.addi %iota3A_2986, %add3A_2991 : vector<16xi32>
    %shift_right_arithmetic3A_2993 = arith.constant 2 : i32
    %shift_right_arithmetic3A_2994 = vector.broadcast %shift_right_arithmetic3A_2993 : i32 to vector<16xi32>
    %shift_right_arithmetic3A_2995 = arith.shrsi %add3A_2992, %shift_right_arithmetic3A_2994 : vector<16xi32>
    %swap3A_2996 = arith.constant 112 : index
    %swap3A_2997 = tpu.vector_load %arg36[%swap3A_2996] {strides = array<i32>} : memref<128xi32, #tpu.memory_space<vmem>>, vector<16xi32>,
    tpu.vector_store %arg36[%swap3A_2996], %shift_right_arithmetic3A_2995 {strides = array<i32>} : memref<128xi32, #tpu.memory_space<vmem>>, vector<16xi32>,
    %get3A_2998 = arith.constant 15 : i32
    %get3A_2999 = arith.constant 0 : i32
    %get3A_3000 = arith.index_cast %get3A_2998 : i32 to index
    %get3A_3001 = arith.index_cast %get3A_2999 : i32 to index
    %get3A_3002 = arith.constant 0 : index
    %get3A_3003 = tpu.vector_load %arg5[%get3A_3000, %get3A_3001, %get3A_3002] {strides = array<i32>} : memref<16x1x128xi32, #tpu.memory_space<vmem>>, vector<16xi32>,
    %shift_right_arithmetic3A_3004 = arith.constant 14 : i32
    %shift_right_arithmetic3A_3005 = vector.broadcast %shift_right_arithmetic3A_3004 : i32 to vector<16xi32>
    %shift_right_arithmetic3A_3006 = arith.shrsi %get3A_3003, %shift_right_arithmetic3A_3005 : vector<16xi32>
    %gather3A_3007 = tpu.vector_load_idx %arg38[%shift_right_arithmetic3A_3006] : memref<16xi32, #tpu.memory_space<vmem>>[vector<16xi32>], vector<16xi32>,
    %add3A_3008 = arith.addi %get3A_3003, %gather3A_3007 : vector<16xi32>
    %swap3A_3009 = arith.constant 0 : index
    %swap3A_3010 = tpu.vector_load %arg21[%swap3A_3009] {strides = array<i32>} : memref<128xi32, #tpu.memory_space<vmem>>, vector<16xi32>,
    tpu.vector_store %arg21[%swap3A_3009], %add3A_3008 {strides = array<i32>} : memref<128xi32, #tpu.memory_space<vmem>>, vector<16xi32>,
    %iota3A_3011 = tpu.iota {dimensions = array<i32: 0>} : vector<16xi32>
    %add3A_3012 = arith.constant 1920 : i32
    %add3A_3013 = arith.addi %mul3A_2, %add3A_3012 : i32
    %add3A_3014 = arith.constant 0 : i32
    %add3A_3015 = arith.addi %add3A_3013, %add3A_3014 : i32
    %add3A_3016 = vector.broadcast %add3A_3015 : i32 to vector<16xi32>
    %add3A_3017 = arith.addi %iota3A_3011, %add3A_3016 : vector<16xi32>
    %shift_right_arithmetic3A_3018 = arith.constant 2 : i32
    %shift_right_arithmetic3A_3019 = vector.broadcast %shift_right_arithmetic3A_3018 : i32 to vector<16xi32>
    %shift_right_arithmetic3A_3020 = arith.shrsi %add3A_3017, %shift_right_arithmetic3A_3019 : vector<16xi32>
    %swap3A_3021 = arith.constant 0 : index
    %swap3A_3022 = tpu.vector_load %arg37[%swap3A_3021] {strides = array<i32>} : memref<128xi32, #tpu.memory_space<vmem>>, vector<16xi32>,
    tpu.vector_store %arg37[%swap3A_3021], %shift_right_arithmetic3A_3020 {strides = array<i32>} : memref<128xi32, #tpu.memory_space<vmem>>, vector<16xi32>,
    %get3A_3023 = arith.constant 15 : i32
    %get3A_3024 = arith.constant 0 : i32
    %get3A_3025 = arith.index_cast %get3A_3023 : i32 to index
    %get3A_3026 = arith.index_cast %get3A_3024 : i32 to index
    %get3A_3027 = arith.constant 16 : index
    %get3A_3028 = tpu.vector_load %arg5[%get3A_3025, %get3A_3026, %get3A_3027] {strides = array<i32>} : memref<16x1x128xi32, #tpu.memory_space<vmem>>, vector<16xi32>,
    %shift_right_arithmetic3A_3029 = arith.constant 14 : i32
    %shift_right_arithmetic3A_3030 = vector.broadcast %shift_right_arithmetic3A_3029 : i32 to vector<16xi32>
    %shift_right_arithmetic3A_3031 = arith.shrsi %get3A_3028, %shift_right_arithmetic3A_3030 : vector<16xi32>
    %gather3A_3032 = tpu.vector_load_idx %arg38[%shift_right_arithmetic3A_3031] : memref<16xi32, #tpu.memory_space<vmem>>[vector<16xi32>], vector<16xi32>,
    %add3A_3033 = arith.addi %get3A_3028, %gather3A_3032 : vector<16xi32>
    %swap3A_3034 = arith.constant 16 : index
    %swap3A_3035 = tpu.vector_load %arg21[%swap3A_3034] {strides = array<i32>} : memref<128xi32, #tpu.memory_space<vmem>>, vector<16xi32>,
    tpu.vector_store %arg21[%swap3A_3034], %add3A_3033 {strides = array<i32>} : memref<128xi32, #tpu.memory_space<vmem>>, vector<16xi32>,
    %iota3A_3036 = tpu.iota {dimensions = array<i32: 0>} : vector<16xi32>
    %add3A_3037 = arith.constant 1920 : i32
    %add3A_3038 = arith.addi %mul3A_2, %add3A_3037 : i32
    %add3A_3039 = arith.constant 16 : i32
    %add3A_3040 = arith.addi %add3A_3038, %add3A_3039 : i32
    %add3A_3041 = vector.broadcast %add3A_3040 : i32 to vector<16xi32>
    %add3A_3042 = arith.addi %iota3A_3036, %add3A_3041 : vector<16xi32>
    %shift_right_arithmetic3A_3043 = arith.constant 2 : i32
    %shift_right_arithmetic3A_3044 = vector.broadcast %shift_right_arithmetic3A_3043 : i32 to vector<16xi32>
    %shift_right_arithmetic3A_3045 = arith.shrsi %add3A_3042, %shift_right_arithmetic3A_3044 : vector<16xi32>
    %swap3A_3046 = arith.constant 16 : index
    %swap3A_3047 = tpu.vector_load %arg37[%swap3A_3046] {strides = array<i32>} : memref<128xi32, #tpu.memory_space<vmem>>, vector<16xi32>,
    tpu.vector_store %arg37[%swap3A_3046], %shift_right_arithmetic3A_3045 {strides = array<i32>} : memref<128xi32, #tpu.memory_space<vmem>>, vector<16xi32>,
    %get3A_3048 = arith.constant 15 : i32
    %get3A_3049 = arith.constant 0 : i32
    %get3A_3050 = arith.index_cast %get3A_3048 : i32 to index
    %get3A_3051 = arith.index_cast %get3A_3049 : i32 to index
    %get3A_3052 = arith.constant 32 : index
    %get3A_3053 = tpu.vector_load %arg5[%get3A_3050, %get3A_3051, %get3A_3052] {strides = array<i32>} : memref<16x1x128xi32, #tpu.memory_space<vmem>>, vector<16xi32>,
    %shift_right_arithmetic3A_3054 = arith.constant 14 : i32
    %shift_right_arithmetic3A_3055 = vector.broadcast %shift_right_arithmetic3A_3054 : i32 to vector<16xi32>
    %shift_right_arithmetic3A_3056 = arith.shrsi %get3A_3053, %shift_right_arithmetic3A_3055 : vector<16xi32>
    %gather3A_3057 = tpu.vector_load_idx %arg38[%shift_right_arithmetic3A_3056] : memref<16xi32, #tpu.memory_space<vmem>>[vector<16xi32>], vector<16xi32>,
    %add3A_3058 = arith.addi %get3A_3053, %gather3A_3057 : vector<16xi32>
    %swap3A_3059 = arith.constant 32 : index
    %swap3A_3060 = tpu.vector_load %arg21[%swap3A_3059] {strides = array<i32>} : memref<128xi32, #tpu.memory_space<vmem>>, vector<16xi32>,
    tpu.vector_store %arg21[%swap3A_3059], %add3A_3058 {strides = array<i32>} : memref<128xi32, #tpu.memory_space<vmem>>, vector<16xi32>,
    %iota3A_3061 = tpu.iota {dimensions = array<i32: 0>} : vector<16xi32>
    %add3A_3062 = arith.constant 1920 : i32
    %add3A_3063 = arith.addi %mul3A_2, %add3A_3062 : i32
    %add3A_3064 = arith.constant 32 : i32
    %add3A_3065 = arith.addi %add3A_3063, %add3A_3064 : i32
    %add3A_3066 = vector.broadcast %add3A_3065 : i32 to vector<16xi32>
    %add3A_3067 = arith.addi %iota3A_3061, %add3A_3066 : vector<16xi32>
    %shift_right_arithmetic3A_3068 = arith.constant 2 : i32
    %shift_right_arithmetic3A_3069 = vector.broadcast %shift_right_arithmetic3A_3068 : i32 to vector<16xi32>
    %shift_right_arithmetic3A_3070 = arith.shrsi %add3A_3067, %shift_right_arithmetic3A_3069 : vector<16xi32>
    %swap3A_3071 = arith.constant 32 : index
    %swap3A_3072 = tpu.vector_load %arg37[%swap3A_3071] {strides = array<i32>} : memref<128xi32, #tpu.memory_space<vmem>>, vector<16xi32>,
    tpu.vector_store %arg37[%swap3A_3071], %shift_right_arithmetic3A_3070 {strides = array<i32>} : memref<128xi32, #tpu.memory_space<vmem>>, vector<16xi32>,
    %get3A_3073 = arith.constant 15 : i32
    %get3A_3074 = arith.constant 0 : i32
    %get3A_3075 = arith.index_cast %get3A_3073 : i32 to index
    %get3A_3076 = arith.index_cast %get3A_3074 : i32 to index
    %get3A_3077 = arith.constant 48 : index
    %get3A_3078 = tpu.vector_load %arg5[%get3A_3075, %get3A_3076, %get3A_3077] {strides = array<i32>} : memref<16x1x128xi32, #tpu.memory_space<vmem>>, vector<16xi32>,
    %shift_right_arithmetic3A_3079 = arith.constant 14 : i32
    %shift_right_arithmetic3A_3080 = vector.broadcast %shift_right_arithmetic3A_3079 : i32 to vector<16xi32>
    %shift_right_arithmetic3A_3081 = arith.shrsi %get3A_3078, %shift_right_arithmetic3A_3080 : vector<16xi32>
    %gather3A_3082 = tpu.vector_load_idx %arg38[%shift_right_arithmetic3A_3081] : memref<16xi32, #tpu.memory_space<vmem>>[vector<16xi32>], vector<16xi32>,
    %add3A_3083 = arith.addi %get3A_3078, %gather3A_3082 : vector<16xi32>
    %swap3A_3084 = arith.constant 48 : index
    %swap3A_3085 = tpu.vector_load %arg21[%swap3A_3084] {strides = array<i32>} : memref<128xi32, #tpu.memory_space<vmem>>, vector<16xi32>,
    tpu.vector_store %arg21[%swap3A_3084], %add3A_3083 {strides = array<i32>} : memref<128xi32, #tpu.memory_space<vmem>>, vector<16xi32>,
    %iota3A_3086 = tpu.iota {dimensions = array<i32: 0>} : vector<16xi32>
    %add3A_3087 = arith.constant 1920 : i32
    %add3A_3088 = arith.addi %mul3A_2, %add3A_3087 : i32
    %add3A_3089 = arith.constant 48 : i32
    %add3A_3090 = arith.addi %add3A_3088, %add3A_3089 : i32
    %add3A_3091 = vector.broadcast %add3A_3090 : i32 to vector<16xi32>
    %add3A_3092 = arith.addi %iota3A_3086, %add3A_3091 : vector<16xi32>
    %shift_right_arithmetic3A_3093 = arith.constant 2 : i32
    %shift_right_arithmetic3A_3094 = vector.broadcast %shift_right_arithmetic3A_3093 : i32 to vector<16xi32>
    %shift_right_arithmetic3A_3095 = arith.shrsi %add3A_3092, %shift_right_arithmetic3A_3094 : vector<16xi32>
    %swap3A_3096 = arith.constant 48 : index
    %swap3A_3097 = tpu.vector_load %arg37[%swap3A_3096] {strides = array<i32>} : memref<128xi32, #tpu.memory_space<vmem>>, vector<16xi32>,
    tpu.vector_store %arg37[%swap3A_3096], %shift_right_arithmetic3A_3095 {strides = array<i32>} : memref<128xi32, #tpu.memory_space<vmem>>, vector<16xi32>,
    %get3A_3098 = arith.constant 15 : i32
    %get3A_3099 = arith.constant 0 : i32
    %get3A_3100 = arith.index_cast %get3A_3098 : i32 to index
    %get3A_3101 = arith.index_cast %get3A_3099 : i32 to index
    %get3A_3102 = arith.constant 64 : index
    %get3A_3103 = tpu.vector_load %arg5[%get3A_3100, %get3A_3101, %get3A_3102] {strides = array<i32>} : memref<16x1x128xi32, #tpu.memory_space<vmem>>, vector<16xi32>,
    %shift_right_arithmetic3A_3104 = arith.constant 14 : i32
    %shift_right_arithmetic3A_3105 = vector.broadcast %shift_right_arithmetic3A_3104 : i32 to vector<16xi32>
    %shift_right_arithmetic3A_3106 = arith.shrsi %get3A_3103, %shift_right_arithmetic3A_3105 : vector<16xi32>
    %gather3A_3107 = tpu.vector_load_idx %arg38[%shift_right_arithmetic3A_3106] : memref<16xi32, #tpu.memory_space<vmem>>[vector<16xi32>], vector<16xi32>,
    %add3A_3108 = arith.addi %get3A_3103, %gather3A_3107 : vector<16xi32>
    %swap3A_3109 = arith.constant 64 : index
    %swap3A_3110 = tpu.vector_load %arg21[%swap3A_3109] {strides = array<i32>} : memref<128xi32, #tpu.memory_space<vmem>>, vector<16xi32>,
    tpu.vector_store %arg21[%swap3A_3109], %add3A_3108 {strides = array<i32>} : memref<128xi32, #tpu.memory_space<vmem>>, vector<16xi32>,
    %iota3A_3111 = tpu.iota {dimensions = array<i32: 0>} : vector<16xi32>
    %add3A_3112 = arith.constant 1920 : i32
    %add3A_3113 = arith.addi %mul3A_2, %add3A_3112 : i32
    %add3A_3114 = arith.constant 64 : i32
    %add3A_3115 = arith.addi %add3A_3113, %add3A_3114 : i32
    %add3A_3116 = vector.broadcast %add3A_3115 : i32 to vector<16xi32>
    %add3A_3117 = arith.addi %iota3A_3111, %add3A_3116 : vector<16xi32>
    %shift_right_arithmetic3A_3118 = arith.constant 2 : i32
    %shift_right_arithmetic3A_3119 = vector.broadcast %shift_right_arithmetic3A_3118 : i32 to vector<16xi32>
    %shift_right_arithmetic3A_3120 = arith.shrsi %add3A_3117, %shift_right_arithmetic3A_3119 : vector<16xi32>
    %swap3A_3121 = arith.constant 64 : index
    %swap3A_3122 = tpu.vector_load %arg37[%swap3A_3121] {strides = array<i32>} : memref<128xi32, #tpu.memory_space<vmem>>, vector<16xi32>,
    tpu.vector_store %arg37[%swap3A_3121], %shift_right_arithmetic3A_3120 {strides = array<i32>} : memref<128xi32, #tpu.memory_space<vmem>>, vector<16xi32>,
    %get3A_3123 = arith.constant 15 : i32
    %get3A_3124 = arith.constant 0 : i32
    %get3A_3125 = arith.index_cast %get3A_3123 : i32 to index
    %get3A_3126 = arith.index_cast %get3A_3124 : i32 to index
    %get3A_3127 = arith.constant 80 : index
    %get3A_3128 = tpu.vector_load %arg5[%get3A_3125, %get3A_3126, %get3A_3127] {strides = array<i32>} : memref<16x1x128xi32, #tpu.memory_space<vmem>>, vector<16xi32>,
    %shift_right_arithmetic3A_3129 = arith.constant 14 : i32
    %shift_right_arithmetic3A_3130 = vector.broadcast %shift_right_arithmetic3A_3129 : i32 to vector<16xi32>
    %shift_right_arithmetic3A_3131 = arith.shrsi %get3A_3128, %shift_right_arithmetic3A_3130 : vector<16xi32>
    %gather3A_3132 = tpu.vector_load_idx %arg38[%shift_right_arithmetic3A_3131] : memref<16xi32, #tpu.memory_space<vmem>>[vector<16xi32>], vector<16xi32>,
    %add3A_3133 = arith.addi %get3A_3128, %gather3A_3132 : vector<16xi32>
    %swap3A_3134 = arith.constant 80 : index
    %swap3A_3135 = tpu.vector_load %arg21[%swap3A_3134] {strides = array<i32>} : memref<128xi32, #tpu.memory_space<vmem>>, vector<16xi32>,
    tpu.vector_store %arg21[%swap3A_3134], %add3A_3133 {strides = array<i32>} : memref<128xi32, #tpu.memory_space<vmem>>, vector<16xi32>,
    %iota3A_3136 = tpu.iota {dimensions = array<i32: 0>} : vector<16xi32>
    %add3A_3137 = arith.constant 1920 : i32
    %add3A_3138 = arith.addi %mul3A_2, %add3A_3137 : i32
    %add3A_3139 = arith.constant 80 : i32
    %add3A_3140 = arith.addi %add3A_3138, %add3A_3139 : i32
    %add3A_3141 = vector.broadcast %add3A_3140 : i32 to vector<16xi32>
    %add3A_3142 = arith.addi %iota3A_3136, %add3A_3141 : vector<16xi32>
    %shift_right_arithmetic3A_3143 = arith.constant 2 : i32
    %shift_right_arithmetic3A_3144 = vector.broadcast %shift_right_arithmetic3A_3143 : i32 to vector<16xi32>
    %shift_right_arithmetic3A_3145 = arith.shrsi %add3A_3142, %shift_right_arithmetic3A_3144 : vector<16xi32>
    %swap3A_3146 = arith.constant 80 : index
    %swap3A_3147 = tpu.vector_load %arg37[%swap3A_3146] {strides = array<i32>} : memref<128xi32, #tpu.memory_space<vmem>>, vector<16xi32>,
    tpu.vector_store %arg37[%swap3A_3146], %shift_right_arithmetic3A_3145 {strides = array<i32>} : memref<128xi32, #tpu.memory_space<vmem>>, vector<16xi32>,
    %get3A_3148 = arith.constant 15 : i32
    %get3A_3149 = arith.constant 0 : i32
    %get3A_3150 = arith.index_cast %get3A_3148 : i32 to index
    %get3A_3151 = arith.index_cast %get3A_3149 : i32 to index
    %get3A_3152 = arith.constant 96 : index
    %get3A_3153 = tpu.vector_load %arg5[%get3A_3150, %get3A_3151, %get3A_3152] {strides = array<i32>} : memref<16x1x128xi32, #tpu.memory_space<vmem>>, vector<16xi32>,
    %shift_right_arithmetic3A_3154 = arith.constant 14 : i32
    %shift_right_arithmetic3A_3155 = vector.broadcast %shift_right_arithmetic3A_3154 : i32 to vector<16xi32>
    %shift_right_arithmetic3A_3156 = arith.shrsi %get3A_3153, %shift_right_arithmetic3A_3155 : vector<16xi32>
    %gather3A_3157 = tpu.vector_load_idx %arg38[%shift_right_arithmetic3A_3156] : memref<16xi32, #tpu.memory_space<vmem>>[vector<16xi32>], vector<16xi32>,
    %add3A_3158 = arith.addi %get3A_3153, %gather3A_3157 : vector<16xi32>
    %swap3A_3159 = arith.constant 96 : index
    %swap3A_3160 = tpu.vector_load %arg21[%swap3A_3159] {strides = array<i32>} : memref<128xi32, #tpu.memory_space<vmem>>, vector<16xi32>,
    tpu.vector_store %arg21[%swap3A_3159], %add3A_3158 {strides = array<i32>} : memref<128xi32, #tpu.memory_space<vmem>>, vector<16xi32>,
    %iota3A_3161 = tpu.iota {dimensions = array<i32: 0>} : vector<16xi32>
    %add3A_3162 = arith.constant 1920 : i32
    %add3A_3163 = arith.addi %mul3A_2, %add3A_3162 : i32
    %add3A_3164 = arith.constant 96 : i32
    %add3A_3165 = arith.addi %add3A_3163, %add3A_3164 : i32
    %add3A_3166 = vector.broadcast %add3A_3165 : i32 to vector<16xi32>
    %add3A_3167 = arith.addi %iota3A_3161, %add3A_3166 : vector<16xi32>
    %shift_right_arithmetic3A_3168 = arith.constant 2 : i32
    %shift_right_arithmetic3A_3169 = vector.broadcast %shift_right_arithmetic3A_3168 : i32 to vector<16xi32>
    %shift_right_arithmetic3A_3170 = arith.shrsi %add3A_3167, %shift_right_arithmetic3A_3169 : vector<16xi32>
    %swap3A_3171 = arith.constant 96 : index
    %swap3A_3172 = tpu.vector_load %arg37[%swap3A_3171] {strides = array<i32>} : memref<128xi32, #tpu.memory_space<vmem>>, vector<16xi32>,
    tpu.vector_store %arg37[%swap3A_3171], %shift_right_arithmetic3A_3170 {strides = array<i32>} : memref<128xi32, #tpu.memory_space<vmem>>, vector<16xi32>,
    %get3A_3173 = arith.constant 15 : i32
    %get3A_3174 = arith.constant 0 : i32
    %get3A_3175 = arith.index_cast %get3A_3173 : i32 to index
    %get3A_3176 = arith.index_cast %get3A_3174 : i32 to index
    %get3A_3177 = arith.constant 112 : index
    %get3A_3178 = tpu.vector_load %arg5[%get3A_3175, %get3A_3176, %get3A_3177] {strides = array<i32>} : memref<16x1x128xi32, #tpu.memory_space<vmem>>, vector<16xi32>,
    %shift_right_arithmetic3A_3179 = arith.constant 14 : i32
    %shift_right_arithmetic3A_3180 = vector.broadcast %shift_right_arithmetic3A_3179 : i32 to vector<16xi32>
    %shift_right_arithmetic3A_3181 = arith.shrsi %get3A_3178, %shift_right_arithmetic3A_3180 : vector<16xi32>
    %gather3A_3182 = tpu.vector_load_idx %arg38[%shift_right_arithmetic3A_3181] : memref<16xi32, #tpu.memory_space<vmem>>[vector<16xi32>], vector<16xi32>,
    %add3A_3183 = arith.addi %get3A_3178, %gather3A_3182 : vector<16xi32>
    %swap3A_3184 = arith.constant 112 : index
    %swap3A_3185 = tpu.vector_load %arg21[%swap3A_3184] {strides = array<i32>} : memref<128xi32, #tpu.memory_space<vmem>>, vector<16xi32>,
    tpu.vector_store %arg21[%swap3A_3184], %add3A_3183 {strides = array<i32>} : memref<128xi32, #tpu.memory_space<vmem>>, vector<16xi32>,
    %iota3A_3186 = tpu.iota {dimensions = array<i32: 0>} : vector<16xi32>
    %add3A_3187 = arith.constant 1920 : i32
    %add3A_3188 = arith.addi %mul3A_2, %add3A_3187 : i32
    %add3A_3189 = arith.constant 112 : i32
    %add3A_3190 = arith.addi %add3A_3188, %add3A_3189 : i32
    %add3A_3191 = vector.broadcast %add3A_3190 : i32 to vector<16xi32>
    %add3A_3192 = arith.addi %iota3A_3186, %add3A_3191 : vector<16xi32>
    %shift_right_arithmetic3A_3193 = arith.constant 2 : i32
    %shift_right_arithmetic3A_3194 = vector.broadcast %shift_right_arithmetic3A_3193 : i32 to vector<16xi32>
    %shift_right_arithmetic3A_3195 = arith.shrsi %add3A_3192, %shift_right_arithmetic3A_3194 : vector<16xi32>
    %swap3A_3196 = arith.constant 112 : index
    %swap3A_3197 = tpu.vector_load %arg37[%swap3A_3196] {strides = array<i32>} : memref<128xi32, #tpu.memory_space<vmem>>, vector<16xi32>,
    tpu.vector_store %arg37[%swap3A_3196], %shift_right_arithmetic3A_3195 {strides = array<i32>} : memref<128xi32, #tpu.memory_space<vmem>>, vector<16xi32>,
    %dma_start3A = arith.constant 0 : i32
    %dma_start3A_3198 = tpu.memref_slice %arg4[%dma_start3A] : memref<73728xi32, #tpu.memory_space<hbm>> -> memref<73728xi32, #tpu.memory_space<hbm>>
    tpu.enqueue_indirect_dma source(%arg22 : memref<128xi32, #tpu.memory_space<vmem>>) target(%dma_start3A_3198 : memref<73728xi32, #tpu.memory_space<hbm>>) offsets(%arg6 : memref<128xi32, #tpu.memory_space<vmem>>) semaphore(%arg39 : memref<!tpu.dma_semaphore, #tpu.memory_space<semaphore_mem>>)
    %dma_start3A_3199 = arith.constant 0 : i32
    %dma_start3A_3200 = tpu.memref_slice %arg4[%dma_start3A_3199] : memref<73728xi32, #tpu.memory_space<hbm>> -> memref<73728xi32, #tpu.memory_space<hbm>>
    tpu.enqueue_indirect_dma source(%arg23 : memref<128xi32, #tpu.memory_space<vmem>>) target(%dma_start3A_3200 : memref<73728xi32, #tpu.memory_space<hbm>>) offsets(%arg7 : memref<128xi32, #tpu.memory_space<vmem>>) semaphore(%arg39 : memref<!tpu.dma_semaphore, #tpu.memory_space<semaphore_mem>>)
    %dma_start3A_3201 = arith.constant 0 : i32
    %dma_start3A_3202 = tpu.memref_slice %arg4[%dma_start3A_3201] : memref<73728xi32, #tpu.memory_space<hbm>> -> memref<73728xi32, #tpu.memory_space<hbm>>
    tpu.enqueue_indirect_dma source(%arg24 : memref<128xi32, #tpu.memory_space<vmem>>) target(%dma_start3A_3202 : memref<73728xi32, #tpu.memory_space<hbm>>) offsets(%arg8 : memref<128xi32, #tpu.memory_space<vmem>>) semaphore(%arg39 : memref<!tpu.dma_semaphore, #tpu.memory_space<semaphore_mem>>)
    %dma_start3A_3203 = arith.constant 0 : i32
    %dma_start3A_3204 = tpu.memref_slice %arg4[%dma_start3A_3203] : memref<73728xi32, #tpu.memory_space<hbm>> -> memref<73728xi32, #tpu.memory_space<hbm>>
    tpu.enqueue_indirect_dma source(%arg25 : memref<128xi32, #tpu.memory_space<vmem>>) target(%dma_start3A_3204 : memref<73728xi32, #tpu.memory_space<hbm>>) offsets(%arg9 : memref<128xi32, #tpu.memory_space<vmem>>) semaphore(%arg39 : memref<!tpu.dma_semaphore, #tpu.memory_space<semaphore_mem>>)
    %dma_start3A_3205 = arith.constant 0 : i32
    %dma_start3A_3206 = tpu.memref_slice %arg4[%dma_start3A_3205] : memref<73728xi32, #tpu.memory_space<hbm>> -> memref<73728xi32, #tpu.memory_space<hbm>>
    tpu.enqueue_indirect_dma source(%arg26 : memref<128xi32, #tpu.memory_space<vmem>>) target(%dma_start3A_3206 : memref<73728xi32, #tpu.memory_space<hbm>>) offsets(%arg10 : memref<128xi32, #tpu.memory_space<vmem>>) semaphore(%arg39 : memref<!tpu.dma_semaphore, #tpu.memory_space<semaphore_mem>>)
    %dma_start3A_3207 = arith.constant 0 : i32
    %dma_start3A_3208 = tpu.memref_slice %arg4[%dma_start3A_3207] : memref<73728xi32, #tpu.memory_space<hbm>> -> memref<73728xi32, #tpu.memory_space<hbm>>
    tpu.enqueue_indirect_dma source(%arg27 : memref<128xi32, #tpu.memory_space<vmem>>) target(%dma_start3A_3208 : memref<73728xi32, #tpu.memory_space<hbm>>) offsets(%arg11 : memref<128xi32, #tpu.memory_space<vmem>>) semaphore(%arg39 : memref<!tpu.dma_semaphore, #tpu.memory_space<semaphore_mem>>)
    %dma_start3A_3209 = arith.constant 0 : i32
    %dma_start3A_3210 = tpu.memref_slice %arg4[%dma_start3A_3209] : memref<73728xi32, #tpu.memory_space<hbm>> -> memref<73728xi32, #tpu.memory_space<hbm>>
    tpu.enqueue_indirect_dma source(%arg28 : memref<128xi32, #tpu.memory_space<vmem>>) target(%dma_start3A_3210 : memref<73728xi32, #tpu.memory_space<hbm>>) offsets(%arg12 : memref<128xi32, #tpu.memory_space<vmem>>) semaphore(%arg39 : memref<!tpu.dma_semaphore, #tpu.memory_space<semaphore_mem>>)
    %dma_start3A_3211 = arith.constant 0 : i32
    %dma_start3A_3212 = tpu.memref_slice %arg4[%dma_start3A_3211] : memref<73728xi32, #tpu.memory_space<hbm>> -> memref<73728xi32, #tpu.memory_space<hbm>>
    tpu.enqueue_indirect_dma source(%arg29 : memref<128xi32, #tpu.memory_space<vmem>>) target(%dma_start3A_3212 : memref<73728xi32, #tpu.memory_space<hbm>>) offsets(%arg13 : memref<128xi32, #tpu.memory_space<vmem>>) semaphore(%arg39 : memref<!tpu.dma_semaphore, #tpu.memory_space<semaphore_mem>>)
    %dma_start3A_3213 = arith.constant 0 : i32
    %dma_start3A_3214 = tpu.memref_slice %arg4[%dma_start3A_3213] : memref<73728xi32, #tpu.memory_space<hbm>> -> memref<73728xi32, #tpu.memory_space<hbm>>
    tpu.enqueue_indirect_dma source(%arg30 : memref<128xi32, #tpu.memory_space<vmem>>) target(%dma_start3A_3214 : memref<73728xi32, #tpu.memory_space<hbm>>) offsets(%arg14 : memref<128xi32, #tpu.memory_space<vmem>>) semaphore(%arg39 : memref<!tpu.dma_semaphore, #tpu.memory_space<semaphore_mem>>)
    %dma_start3A_3215 = arith.constant 0 : i32
    %dma_start3A_3216 = tpu.memref_slice %arg4[%dma_start3A_3215] : memref<73728xi32, #tpu.memory_space<hbm>> -> memref<73728xi32, #tpu.memory_space<hbm>>
    tpu.enqueue_indirect_dma source(%arg31 : memref<128xi32, #tpu.memory_space<vmem>>) target(%dma_start3A_3216 : memref<73728xi32, #tpu.memory_space<hbm>>) offsets(%arg15 : memref<128xi32, #tpu.memory_space<vmem>>) semaphore(%arg39 : memref<!tpu.dma_semaphore, #tpu.memory_space<semaphore_mem>>)
    %dma_start3A_3217 = arith.constant 0 : i32
    %dma_start3A_3218 = tpu.memref_slice %arg4[%dma_start3A_3217] : memref<73728xi32, #tpu.memory_space<hbm>> -> memref<73728xi32, #tpu.memory_space<hbm>>
    tpu.enqueue_indirect_dma source(%arg32 : memref<128xi32, #tpu.memory_space<vmem>>) target(%dma_start3A_3218 : memref<73728xi32, #tpu.memory_space<hbm>>) offsets(%arg16 : memref<128xi32, #tpu.memory_space<vmem>>) semaphore(%arg39 : memref<!tpu.dma_semaphore, #tpu.memory_space<semaphore_mem>>)
    %dma_start3A_3219 = arith.constant 0 : i32
    %dma_start3A_3220 = tpu.memref_slice %arg4[%dma_start3A_3219] : memref<73728xi32, #tpu.memory_space<hbm>> -> memref<73728xi32, #tpu.memory_space<hbm>>
    tpu.enqueue_indirect_dma source(%arg33 : memref<128xi32, #tpu.memory_space<vmem>>) target(%dma_start3A_3220 : memref<73728xi32, #tpu.memory_space<hbm>>) offsets(%arg17 : memref<128xi32, #tpu.memory_space<vmem>>) semaphore(%arg39 : memref<!tpu.dma_semaphore, #tpu.memory_space<semaphore_mem>>)
    %dma_start3A_3221 = arith.constant 0 : i32
    %dma_start3A_3222 = tpu.memref_slice %arg4[%dma_start3A_3221] : memref<73728xi32, #tpu.memory_space<hbm>> -> memref<73728xi32, #tpu.memory_space<hbm>>
    tpu.enqueue_indirect_dma source(%arg34 : memref<128xi32, #tpu.memory_space<vmem>>) target(%dma_start3A_3222 : memref<73728xi32, #tpu.memory_space<hbm>>) offsets(%arg18 : memref<128xi32, #tpu.memory_space<vmem>>) semaphore(%arg39 : memref<!tpu.dma_semaphore, #tpu.memory_space<semaphore_mem>>)
    %dma_start3A_3223 = arith.constant 0 : i32
    %dma_start3A_3224 = tpu.memref_slice %arg4[%dma_start3A_3223] : memref<73728xi32, #tpu.memory_space<hbm>> -> memref<73728xi32, #tpu.memory_space<hbm>>
    tpu.enqueue_indirect_dma source(%arg35 : memref<128xi32, #tpu.memory_space<vmem>>) target(%dma_start3A_3224 : memref<73728xi32, #tpu.memory_space<hbm>>) offsets(%arg19 : memref<128xi32, #tpu.memory_space<vmem>>) semaphore(%arg39 : memref<!tpu.dma_semaphore, #tpu.memory_space<semaphore_mem>>)
    %dma_start3A_3225 = arith.constant 0 : i32
    %dma_start3A_3226 = tpu.memref_slice %arg4[%dma_start3A_3225] : memref<73728xi32, #tpu.memory_space<hbm>> -> memref<73728xi32, #tpu.memory_space<hbm>>
    tpu.enqueue_indirect_dma source(%arg36 : memref<128xi32, #tpu.memory_space<vmem>>) target(%dma_start3A_3226 : memref<73728xi32, #tpu.memory_space<hbm>>) offsets(%arg20 : memref<128xi32, #tpu.memory_space<vmem>>) semaphore(%arg39 : memref<!tpu.dma_semaphore, #tpu.memory_space<semaphore_mem>>)
    %dma_start3A_3227 = arith.constant 0 : i32
    %dma_start3A_3228 = tpu.memref_slice %arg4[%dma_start3A_3227] : memref<73728xi32, #tpu.memory_space<hbm>> -> memref<73728xi32, #tpu.memory_space<hbm>>
    tpu.enqueue_indirect_dma source(%arg37 : memref<128xi32, #tpu.memory_space<vmem>>) target(%dma_start3A_3228 : memref<73728xi32, #tpu.memory_space<hbm>>) offsets(%arg21 : memref<128xi32, #tpu.memory_space<vmem>>) semaphore(%arg39 : memref<!tpu.dma_semaphore, #tpu.memory_space<semaphore_mem>>)
    %dma_wait3A = arith.constant 0 : i32
    %dma_wait3A_3229 = tpu.memref_slice %arg4[%dma_wait3A] : memref<73728xi32, #tpu.memory_space<hbm>> -> memref<73728xi32, #tpu.memory_space<hbm>>
    tpu.wait_indirect_dma semaphore(%arg39 : memref<!tpu.dma_semaphore, #tpu.memory_space<semaphore_mem>>) src(%arg22 : memref<128xi32, #tpu.memory_space<vmem>>) dst(%dma_wait3A_3229 : memref<73728xi32, #tpu.memory_space<hbm>>)
    %dma_wait3A_3230 = arith.constant 0 : i32
    %dma_wait3A_3231 = tpu.memref_slice %arg4[%dma_wait3A_3230] : memref<73728xi32, #tpu.memory_space<hbm>> -> memref<73728xi32, #tpu.memory_space<hbm>>
    tpu.wait_indirect_dma semaphore(%arg39 : memref<!tpu.dma_semaphore, #tpu.memory_space<semaphore_mem>>) src(%arg23 : memref<128xi32, #tpu.memory_space<vmem>>) dst(%dma_wait3A_3231 : memref<73728xi32, #tpu.memory_space<hbm>>)
    %dma_wait3A_3232 = arith.constant 0 : i32
    %dma_wait3A_3233 = tpu.memref_slice %arg4[%dma_wait3A_3232] : memref<73728xi32, #tpu.memory_space<hbm>> -> memref<73728xi32, #tpu.memory_space<hbm>>
    tpu.wait_indirect_dma semaphore(%arg39 : memref<!tpu.dma_semaphore, #tpu.memory_space<semaphore_mem>>) src(%arg24 : memref<128xi32, #tpu.memory_space<vmem>>) dst(%dma_wait3A_3233 : memref<73728xi32, #tpu.memory_space<hbm>>)
    %dma_wait3A_3234 = arith.constant 0 : i32
    %dma_wait3A_3235 = tpu.memref_slice %arg4[%dma_wait3A_3234] : memref<73728xi32, #tpu.memory_space<hbm>> -> memref<73728xi32, #tpu.memory_space<hbm>>
    tpu.wait_indirect_dma semaphore(%arg39 : memref<!tpu.dma_semaphore, #tpu.memory_space<semaphore_mem>>) src(%arg25 : memref<128xi32, #tpu.memory_space<vmem>>) dst(%dma_wait3A_3235 : memref<73728xi32, #tpu.memory_space<hbm>>)
    %dma_wait3A_3236 = arith.constant 0 : i32
    %dma_wait3A_3237 = tpu.memref_slice %arg4[%dma_wait3A_3236] : memref<73728xi32, #tpu.memory_space<hbm>> -> memref<73728xi32, #tpu.memory_space<hbm>>
    tpu.wait_indirect_dma semaphore(%arg39 : memref<!tpu.dma_semaphore, #tpu.memory_space<semaphore_mem>>) src(%arg26 : memref<128xi32, #tpu.memory_space<vmem>>) dst(%dma_wait3A_3237 : memref<73728xi32, #tpu.memory_space<hbm>>)
    %dma_wait3A_3238 = arith.constant 0 : i32
    %dma_wait3A_3239 = tpu.memref_slice %arg4[%dma_wait3A_3238] : memref<73728xi32, #tpu.memory_space<hbm>> -> memref<73728xi32, #tpu.memory_space<hbm>>
    tpu.wait_indirect_dma semaphore(%arg39 : memref<!tpu.dma_semaphore, #tpu.memory_space<semaphore_mem>>) src(%arg27 : memref<128xi32, #tpu.memory_space<vmem>>) dst(%dma_wait3A_3239 : memref<73728xi32, #tpu.memory_space<hbm>>)
    %dma_wait3A_3240 = arith.constant 0 : i32
    %dma_wait3A_3241 = tpu.memref_slice %arg4[%dma_wait3A_3240] : memref<73728xi32, #tpu.memory_space<hbm>> -> memref<73728xi32, #tpu.memory_space<hbm>>
    tpu.wait_indirect_dma semaphore(%arg39 : memref<!tpu.dma_semaphore, #tpu.memory_space<semaphore_mem>>) src(%arg28 : memref<128xi32, #tpu.memory_space<vmem>>) dst(%dma_wait3A_3241 : memref<73728xi32, #tpu.memory_space<hbm>>)
    %dma_wait3A_3242 = arith.constant 0 : i32
    %dma_wait3A_3243 = tpu.memref_slice %arg4[%dma_wait3A_3242] : memref<73728xi32, #tpu.memory_space<hbm>> -> memref<73728xi32, #tpu.memory_space<hbm>>
    tpu.wait_indirect_dma semaphore(%arg39 : memref<!tpu.dma_semaphore, #tpu.memory_space<semaphore_mem>>) src(%arg29 : memref<128xi32, #tpu.memory_space<vmem>>) dst(%dma_wait3A_3243 : memref<73728xi32, #tpu.memory_space<hbm>>)
    %dma_wait3A_3244 = arith.constant 0 : i32
    %dma_wait3A_3245 = tpu.memref_slice %arg4[%dma_wait3A_3244] : memref<73728xi32, #tpu.memory_space<hbm>> -> memref<73728xi32, #tpu.memory_space<hbm>>
    tpu.wait_indirect_dma semaphore(%arg39 : memref<!tpu.dma_semaphore, #tpu.memory_space<semaphore_mem>>) src(%arg30 : memref<128xi32, #tpu.memory_space<vmem>>) dst(%dma_wait3A_3245 : memref<73728xi32, #tpu.memory_space<hbm>>)
    %dma_wait3A_3246 = arith.constant 0 : i32
    %dma_wait3A_3247 = tpu.memref_slice %arg4[%dma_wait3A_3246] : memref<73728xi32, #tpu.memory_space<hbm>> -> memref<73728xi32, #tpu.memory_space<hbm>>
    tpu.wait_indirect_dma semaphore(%arg39 : memref<!tpu.dma_semaphore, #tpu.memory_space<semaphore_mem>>) src(%arg31 : memref<128xi32, #tpu.memory_space<vmem>>) dst(%dma_wait3A_3247 : memref<73728xi32, #tpu.memory_space<hbm>>)
    %dma_wait3A_3248 = arith.constant 0 : i32
    %dma_wait3A_3249 = tpu.memref_slice %arg4[%dma_wait3A_3248] : memref<73728xi32, #tpu.memory_space<hbm>> -> memref<73728xi32, #tpu.memory_space<hbm>>
    tpu.wait_indirect_dma semaphore(%arg39 : memref<!tpu.dma_semaphore, #tpu.memory_space<semaphore_mem>>) src(%arg32 : memref<128xi32, #tpu.memory_space<vmem>>) dst(%dma_wait3A_3249 : memref<73728xi32, #tpu.memory_space<hbm>>)
    %dma_wait3A_3250 = arith.constant 0 : i32
    %dma_wait3A_3251 = tpu.memref_slice %arg4[%dma_wait3A_3250] : memref<73728xi32, #tpu.memory_space<hbm>> -> memref<73728xi32, #tpu.memory_space<hbm>>
    tpu.wait_indirect_dma semaphore(%arg39 : memref<!tpu.dma_semaphore, #tpu.memory_space<semaphore_mem>>) src(%arg33 : memref<128xi32, #tpu.memory_space<vmem>>) dst(%dma_wait3A_3251 : memref<73728xi32, #tpu.memory_space<hbm>>)
    %dma_wait3A_3252 = arith.constant 0 : i32
    %dma_wait3A_3253 = tpu.memref_slice %arg4[%dma_wait3A_3252] : memref<73728xi32, #tpu.memory_space<hbm>> -> memref<73728xi32, #tpu.memory_space<hbm>>
    tpu.wait_indirect_dma semaphore(%arg39 : memref<!tpu.dma_semaphore, #tpu.memory_space<semaphore_mem>>) src(%arg34 : memref<128xi32, #tpu.memory_space<vmem>>) dst(%dma_wait3A_3253 : memref<73728xi32, #tpu.memory_space<hbm>>)
    %dma_wait3A_3254 = arith.constant 0 : i32
    %dma_wait3A_3255 = tpu.memref_slice %arg4[%dma_wait3A_3254] : memref<73728xi32, #tpu.memory_space<hbm>> -> memref<73728xi32, #tpu.memory_space<hbm>>
    tpu.wait_indirect_dma semaphore(%arg39 : memref<!tpu.dma_semaphore, #tpu.memory_space<semaphore_mem>>) src(%arg35 : memref<128xi32, #tpu.memory_space<vmem>>) dst(%dma_wait3A_3255 : memref<73728xi32, #tpu.memory_space<hbm>>)
    %dma_wait3A_3256 = arith.constant 0 : i32
    %dma_wait3A_3257 = tpu.memref_slice %arg4[%dma_wait3A_3256] : memref<73728xi32, #tpu.memory_space<hbm>> -> memref<73728xi32, #tpu.memory_space<hbm>>
    tpu.wait_indirect_dma semaphore(%arg39 : memref<!tpu.dma_semaphore, #tpu.memory_space<semaphore_mem>>) src(%arg36 : memref<128xi32, #tpu.memory_space<vmem>>) dst(%dma_wait3A_3257 : memref<73728xi32, #tpu.memory_space<hbm>>)
    %dma_wait3A_3258 = arith.constant 0 : i32
    %dma_wait3A_3259 = tpu.memref_slice %arg4[%dma_wait3A_3258] : memref<73728xi32, #tpu.memory_space<hbm>> -> memref<73728xi32, #tpu.memory_space<hbm>>
    tpu.wait_indirect_dma semaphore(%arg39 : memref<!tpu.dma_semaphore, #tpu.memory_space<semaphore_mem>>) src(%arg37 : memref<128xi32, #tpu.memory_space<vmem>>) dst(%dma_wait3A_3259 : memref<73728xi32, #tpu.memory_space<hbm>>)
    return
  }
}

module attributes {stable_mosaic.version = 14 : i64} {
  func.func @_gate_kernel(%arg0: i32, %arg1: memref<512x32xf32, #tpu.memory_space<vmem>>, %arg2: memref<512x1xf32, #tpu.memory_space<vmem>>, %arg3: memref<512x128xf32, #tpu.memory_space<vmem>>, %arg4: memref<16x32xf32, #tpu.memory_space<vmem>>, %arg5: memref<1x32xf32, #tpu.memory_space<vmem>>, %arg6: memref<32x16xf32, #tpu.memory_space<vmem>>, %arg7: memref<1x16xf32, #tpu.memory_space<vmem>>, %arg8: memref<176x128xf32, #tpu.memory_space<vmem>>, %arg9: memref<1x128xf32, #tpu.memory_space<vmem>>, %arg10: memref<128x16xf32, #tpu.memory_space<vmem>>, %arg11: memref<1x16xf32, #tpu.memory_space<vmem>>, %arg12: memref<512x16xf32, #tpu.memory_space<vmem>>, %arg13: memref<512x4xi32, #tpu.memory_space<vmem>>, %arg14: memref<512x4xf32, #tpu.memory_space<vmem>>, %arg15: memref<1x16xf32, #tpu.memory_space<vmem>>, %arg16: memref<1x1xf32, #tpu.memory_space<vmem>>) attributes {dimension_semantics = [#tpu.dimension_semantics<arbitrary>], iteration_bounds = array<i64: 32>, scalar_prefetch = 0 : i64, scratch_operands = 0 : i64, tpu.core_type = #tpu.core_type<tc>, window_params = [{transform_indices = @transform_0, window_bounds = array<i64: 512, 32>}, {transform_indices = @transform_1, window_bounds = array<i64: 512, 1>}, {transform_indices = @transform_2, window_bounds = array<i64: 512, 128>}, {pipeline_mode = #tpu.pipeline_mode<synchronous>, transform_indices = @transform_3, window_bounds = array<i64: 16, 32>}, {pipeline_mode = #tpu.pipeline_mode<synchronous>, transform_indices = @transform_4, window_bounds = array<i64: 1, 32>}, {pipeline_mode = #tpu.pipeline_mode<synchronous>, transform_indices = @transform_5, window_bounds = array<i64: 32, 16>}, {pipeline_mode = #tpu.pipeline_mode<synchronous>, transform_indices = @transform_6, window_bounds = array<i64: 1, 16>}, {pipeline_mode = #tpu.pipeline_mode<synchronous>, transform_indices = @transform_7, window_bounds = array<i64: 176, 128>}, {pipeline_mode = #tpu.pipeline_mode<synchronous>, transform_indices = @transform_8, window_bounds = array<i64: 1, 128>}, {pipeline_mode = #tpu.pipeline_mode<synchronous>, transform_indices = @transform_9, window_bounds = array<i64: 128, 16>}, {pipeline_mode = #tpu.pipeline_mode<synchronous>, transform_indices = @transform_10, window_bounds = array<i64: 1, 16>}, {transform_indices = @transform_11, window_bounds = array<i64: 512, 16>}, {transform_indices = @transform_12, window_bounds = array<i64: 512, 4>}, {transform_indices = @transform_13, window_bounds = array<i64: 512, 4>}, {pipeline_mode = #tpu.pipeline_mode<synchronous>, transform_indices = @transform_14, window_bounds = array<i64: 1, 16>}, {pipeline_mode = #tpu.pipeline_mode<synchronous>, transform_indices = @transform_15, window_bounds = array<i64: 1, 1>}]} {
    %get3A = arith.constant 0 : index
    %get3A_0 = arith.constant 0 : index
    %get3A_1 = vector.load %arg1[%get3A, %get3A_0] : memref<512x32xf32, #tpu.memory_space<vmem>>, vector<512x32xf32>
    %get3A_2 = arith.constant 0 : index
    %get3A_3 = arith.constant 0 : index
    %get3A_4 = vector.load %arg3[%get3A_2, %get3A_3] : memref<512x128xf32, #tpu.memory_space<vmem>>, vector<512x128xf32>
    %get3A_5 = arith.constant 0 : index
    %get3A_6 = arith.constant 0 : index
    %get3A_7 = vector.load %arg2[%get3A_5, %get3A_6] : memref<512x1xf32, #tpu.memory_space<vmem>>, vector<512x1xf32>
    %iota3A = tpu.iota {dimensions = array<i32: 1>} : vector<1x8xi32>
    %convert_element_type3A = arith.sitofp %iota3A : vector<1x8xi32> to vector<1x8xf32>
    %mul3A = arith.constant -1.31576288 : f32
    %mul3A_8 = vector.broadcast %mul3A : f32 to vector<1x8xf32>
    %mul3A_9 = arith.mulf %convert_element_type3A, %mul3A_8 : vector<1x8xf32>
    %exp3A = math.exp %mul3A_9 : vector<1x8xf32>
    %mul3A_10 = vector.broadcast %get3A_7 : vector<512x1xf32> to vector<512x8xf32>
    %mul3A_11 = vector.broadcast %exp3A : vector<1x8xf32> to vector<512x8xf32>
    %mul3A_12 = arith.mulf %mul3A_10, %mul3A_11 : vector<512x8xf32>
    %sin3A = math.sin %mul3A_12 : vector<512x8xf32>
    %cos3A = math.cos %mul3A_12 : vector<512x8xf32>
    %get3A_13 = arith.constant 0 : index
    %get3A_14 = arith.constant 0 : index
    %get3A_15 = vector.load %arg4[%get3A_13, %get3A_14] : memref<16x32xf32, #tpu.memory_space<vmem>>, vector<8x32xf32>
    %dot_general3A = arith.constant dense<0.000000e+00> : vector<512x32xf32>
    %dot_general3A_16 = tpu.matmul %sin3A, %get3A_15, %dot_general3A {dimension_numbers = #tpu.dot_dimension_numbers<[1], [0], [0], [1], [0, 0, 1, 1], [], []>, transpose_lhs_hint = false} : vector<512x8xf32>, vector<8x32xf32>, vector<512x32xf32> -> vector<512x32xf32>
    %get3A_17 = arith.constant 8 : index
    %get3A_18 = arith.constant 0 : index
    %get3A_19 = vector.load %arg4[%get3A_17, %get3A_18] : memref<16x32xf32, #tpu.memory_space<vmem>>, vector<8x32xf32>
    %dot_general3A_20 = arith.constant dense<0.000000e+00> : vector<512x32xf32>
    %dot_general3A_21 = tpu.matmul %cos3A, %get3A_19, %dot_general3A_20 {dimension_numbers = #tpu.dot_dimension_numbers<[1], [0], [0], [1], [0, 0, 1, 1], [], []>, transpose_lhs_hint = false} : vector<512x8xf32>, vector<8x32xf32>, vector<512x32xf32> -> vector<512x32xf32>
    %add3A = arith.addf %dot_general3A_16, %dot_general3A_21 : vector<512x32xf32>
    %get3A_22 = arith.constant 0 : index
    %get3A_23 = arith.constant 0 : index
    %get3A_24 = vector.load %arg5[%get3A_22, %get3A_23] : memref<1x32xf32, #tpu.memory_space<vmem>>, vector<1x32xf32>
    %add3A_25 = vector.broadcast %get3A_24 : vector<1x32xf32> to vector<512x32xf32>
    %add3A_26 = arith.addf %add3A, %add3A_25 : vector<512x32xf32>
    %min3A = arith.constant 3.000000e+01 : f32
    %min3A_27 = vector.broadcast %min3A : f32 to vector<512x32xf32>
    %min3A_28 = arith.minimumf %add3A_26, %min3A_27 : vector<512x32xf32>
    %exp3A_29 = math.exp %min3A_28 : vector<512x32xf32>
    %add3A_30 = arith.constant 2.000000e+00 : f32
    %add3A_31 = vector.broadcast %add3A_30 : f32 to vector<512x32xf32>
    %add3A_32 = arith.addf %exp3A_29, %add3A_31 : vector<512x32xf32>
    %mul3A_33 = arith.mulf %exp3A_29, %add3A_32 : vector<512x32xf32>
    %add3A_34 = arith.constant 2.000000e+00 : f32
    %add3A_35 = vector.broadcast %add3A_34 : f32 to vector<512x32xf32>
    %add3A_36 = arith.addf %mul3A_33, %add3A_35 : vector<512x32xf32>
    %div3A = arith.divf %mul3A_33, %add3A_36 : vector<512x32xf32>
    %mul3A_37 = arith.mulf %add3A_26, %div3A : vector<512x32xf32>
    %get3A_38 = arith.constant 0 : index
    %get3A_39 = arith.constant 0 : index
    %get3A_40 = vector.load %arg6[%get3A_38, %get3A_39] : memref<32x16xf32, #tpu.memory_space<vmem>>, vector<32x16xf32>
    %dot_general3A_41 = arith.constant dense<0.000000e+00> : vector<512x16xf32>
    %dot_general3A_42 = tpu.matmul %mul3A_37, %get3A_40, %dot_general3A_41 {dimension_numbers = #tpu.dot_dimension_numbers<[1], [0], [0], [1], [0, 0, 1, 1], [], []>, transpose_lhs_hint = false} : vector<512x32xf32>, vector<32x16xf32>, vector<512x16xf32> -> vector<512x16xf32>
    %get3A_43 = arith.constant 0 : index
    %get3A_44 = arith.constant 0 : index
    %get3A_45 = vector.load %arg7[%get3A_43, %get3A_44] : memref<1x16xf32, #tpu.memory_space<vmem>>, vector<1x16xf32>
    %add3A_46 = vector.broadcast %get3A_45 : vector<1x16xf32> to vector<512x16xf32>
    %add3A_47 = arith.addf %dot_general3A_42, %add3A_46 : vector<512x16xf32>
    %swap3A = arith.constant 0 : index
    %swap3A_48 = arith.constant 0 : index
    %swap3A_49 = vector.load %arg12[%swap3A, %swap3A_48] : memref<512x16xf32, #tpu.memory_space<vmem>>, vector<512x16xf32>
    tpu.vector_store %arg12[%swap3A, %swap3A_48], %add3A_47 {strides = array<i32>} : memref<512x16xf32, #tpu.memory_space<vmem>>, vector<512x16xf32>,
    %get3A_50 = arith.constant 0 : index
    %get3A_51 = arith.constant 0 : index
    %get3A_52 = vector.load %arg8[%get3A_50, %get3A_51] : memref<176x128xf32, #tpu.memory_space<vmem>>, vector<32x128xf32>
    %dot_general3A_53 = arith.constant dense<0.000000e+00> : vector<512x128xf32>
    %dot_general3A_54 = tpu.matmul %get3A_1, %get3A_52, %dot_general3A_53 {dimension_numbers = #tpu.dot_dimension_numbers<[1], [0], [0], [1], [0, 0, 1, 1], [], []>, transpose_lhs_hint = false} : vector<512x32xf32>, vector<32x128xf32>, vector<512x128xf32> -> vector<512x128xf32>
    %get3A_55 = arith.constant 32 : index
    %get3A_56 = arith.constant 0 : index
    %get3A_57 = vector.load %arg8[%get3A_55, %get3A_56] : memref<176x128xf32, #tpu.memory_space<vmem>>, vector<16x128xf32>
    %dot_general3A_58 = arith.constant dense<0.000000e+00> : vector<512x128xf32>
    %dot_general3A_59 = tpu.matmul %add3A_47, %get3A_57, %dot_general3A_58 {dimension_numbers = #tpu.dot_dimension_numbers<[1], [0], [0], [1], [0, 0, 1, 1], [], []>, transpose_lhs_hint = false} : vector<512x16xf32>, vector<16x128xf32>, vector<512x128xf32> -> vector<512x128xf32>
    %add3A_60 = arith.addf %dot_general3A_54, %dot_general3A_59 : vector<512x128xf32>
    %get3A_61 = arith.constant 48 : index
    %get3A_62 = arith.constant 0 : index
    %get3A_63 = vector.load %arg8[%get3A_61, %get3A_62] : memref<176x128xf32, #tpu.memory_space<vmem>>, vector<128x128xf32>
    %dot_general3A_64 = arith.constant dense<0.000000e+00> : vector<512x128xf32>
    %dot_general3A_65 = tpu.matmul %get3A_4, %get3A_63, %dot_general3A_64 {dimension_numbers = #tpu.dot_dimension_numbers<[1], [0], [0], [1], [0, 0, 1, 1], [], []>, transpose_lhs_hint = false} : vector<512x128xf32>, vector<128x128xf32>, vector<512x128xf32> -> vector<512x128xf32>
    %add3A_66 = arith.addf %add3A_60, %dot_general3A_65 : vector<512x128xf32>
    %get3A_67 = arith.constant 0 : index
    %get3A_68 = arith.constant 0 : index
    %get3A_69 = vector.load %arg9[%get3A_67, %get3A_68] : memref<1x128xf32, #tpu.memory_space<vmem>>, vector<1x128xf32>
    %add3A_70 = vector.broadcast %get3A_69 : vector<1x128xf32> to vector<512x128xf32>
    %add3A_71 = arith.addf %add3A_66, %add3A_70 : vector<512x128xf32>
    %max3A = arith.constant 0.000000e+00 : f32
    %max3A_72 = vector.broadcast %max3A : f32 to vector<512x128xf32>
    %max3A_73 = arith.maximumf %add3A_71, %max3A_72 : vector<512x128xf32>
    %get3A_74 = arith.constant 0 : index
    %get3A_75 = arith.constant 0 : index
    %get3A_76 = vector.load %arg10[%get3A_74, %get3A_75] : memref<128x16xf32, #tpu.memory_space<vmem>>, vector<128x16xf32>
    %dot_general3A_77 = arith.constant dense<0.000000e+00> : vector<512x16xf32>
    %dot_general3A_78 = tpu.matmul %max3A_73, %get3A_76, %dot_general3A_77 {dimension_numbers = #tpu.dot_dimension_numbers<[1], [0], [0], [1], [0, 0, 1, 1], [], []>, transpose_lhs_hint = false} : vector<512x128xf32>, vector<128x16xf32>, vector<512x16xf32> -> vector<512x16xf32>
    %get3A_79 = arith.constant 0 : index
    %get3A_80 = arith.constant 0 : index
    %get3A_81 = vector.load %arg11[%get3A_79, %get3A_80] : memref<1x16xf32, #tpu.memory_space<vmem>>, vector<1x16xf32>
    %add3A_82 = vector.broadcast %get3A_81 : vector<1x16xf32> to vector<512x16xf32>
    %add3A_83 = arith.addf %dot_general3A_78, %add3A_82 : vector<512x16xf32>
    %reduce_max3A = arith.constant dense<0xFF800000> : vector<512xf32>
    %reduce_max3A_84 = vector.multi_reduction <maximumf>, %add3A_83, %reduce_max3A [1] : vector<512x16xf32> to vector<512xf32>
    %broadcast_in_dim3A = vector.shape_cast %reduce_max3A_84 : vector<512xf32> to vector<512x1xf32>
    %sub3A = vector.broadcast %broadcast_in_dim3A : vector<512x1xf32> to vector<512x16xf32>
    %sub3A_85 = arith.subf %add3A_83, %sub3A : vector<512x16xf32>
    %exp3A_86 = math.exp %sub3A_85 : vector<512x16xf32>
    %reduce_sum3A = arith.constant dense<0.000000e+00> : vector<512xf32>
    %reduce_sum3A_87 = vector.multi_reduction <add>, %exp3A_86, %reduce_sum3A [1] : vector<512x16xf32> to vector<512xf32>
    %broadcast_in_dim3A_88 = vector.shape_cast %reduce_sum3A_87 : vector<512xf32> to vector<512x1xf32>
    %div3A_89 = vector.broadcast %broadcast_in_dim3A_88 : vector<512x1xf32> to vector<512x16xf32>
    %div3A_90 = arith.divf %exp3A_86, %div3A_89 : vector<512x16xf32>
    %iota3A_91 = tpu.iota {dimensions = array<i32: 1>} : vector<512x16xi32>
    %broadcast_in_dim3A_92 = arith.constant 0.000000e+00 : f32
    %broadcast_in_dim3A_93 = vector.broadcast %broadcast_in_dim3A_92 : f32 to vector<512x16xf32>
    %broadcast_in_dim3A_94 = arith.constant 0.000000e+00 : f32
    %broadcast_in_dim3A_95 = vector.broadcast %broadcast_in_dim3A_94 : f32 to vector<512x1xf32>
    %reduce_max3A_96 = arith.constant dense<0xFF800000> : vector<512xf32>
    %reduce_max3A_97 = vector.multi_reduction <maximumf>, %div3A_90, %reduce_max3A_96 [1] : vector<512x16xf32> to vector<512xf32>
    %broadcast_in_dim3A_98 = vector.shape_cast %reduce_max3A_97 : vector<512xf32> to vector<512x1xf32>
    %eq3A = vector.broadcast %broadcast_in_dim3A_98 : vector<512x1xf32> to vector<512x16xf32>
    %eq3A_99 = arith.cmpf oeq, %div3A_90, %eq3A : vector<512x16xf32>
    %jit3A = arith.constant 16 : i32
    %broadcast_in_dim3A_100 = vector.broadcast %jit3A : i32 to vector<512x16xi32>
    %select_n3A = arith.select %eq3A_99, %iota3A_91, %broadcast_in_dim3A_100 : vector<512x16xi1>, vector<512x16xi32>
    %reduce_min3A = arith.constant dense<2147483647> : vector<512xi32>
    %reduce_min3A_101 = vector.multi_reduction <minsi>, %select_n3A, %reduce_min3A [1] : vector<512x16xi32> to vector<512xi32>
    %broadcast_in_dim3A_102 = vector.shape_cast %reduce_min3A_101 : vector<512xi32> to vector<512x1xi32>
    %eq3A_103 = vector.broadcast %broadcast_in_dim3A_102 : vector<512x1xi32> to vector<512x16xi32>
    %eq3A_104 = arith.cmpi eq, %iota3A_91, %eq3A_103 : vector<512x16xi32>
    %jit3A_105 = arith.constant 1.000000e+00 : f32
    %jit3A_106 = arith.constant 0.000000e+00 : f32
    %broadcast_in_dim3A_107 = vector.broadcast %jit3A_105 : f32 to vector<512x16xf32>
    %broadcast_in_dim3A_108 = vector.broadcast %jit3A_106 : f32 to vector<512x16xf32>
    %select_n3A_109 = arith.select %eq3A_104, %broadcast_in_dim3A_107, %broadcast_in_dim3A_108 : vector<512x16xi1>, vector<512x16xf32>
    %add3A_110 = arith.addf %broadcast_in_dim3A_93, %select_n3A_109 : vector<512x16xf32>
    %add3A_111 = arith.addf %broadcast_in_dim3A_95, %broadcast_in_dim3A_98 : vector<512x1xf32>
    %jit3A_112 = arith.constant -1.000000e+00 : f32
    %broadcast_in_dim3A_113 = vector.broadcast %jit3A_112 : f32 to vector<512x16xf32>
    %select_n3A_114 = arith.select %eq3A_104, %broadcast_in_dim3A_113, %div3A_90 : vector<512x16xi1>, vector<512x16xf32>
    %reduce_max3A_115 = arith.constant dense<0xFF800000> : vector<512xf32>
    %reduce_max3A_116 = vector.multi_reduction <maximumf>, %select_n3A_114, %reduce_max3A_115 [1] : vector<512x16xf32> to vector<512xf32>
    %broadcast_in_dim3A_117 = vector.shape_cast %reduce_max3A_116 : vector<512xf32> to vector<512x1xf32>
    %eq3A_118 = vector.broadcast %broadcast_in_dim3A_117 : vector<512x1xf32> to vector<512x16xf32>
    %eq3A_119 = arith.cmpf oeq, %select_n3A_114, %eq3A_118 : vector<512x16xf32>
    %jit3A_120 = arith.constant 16 : i32
    %broadcast_in_dim3A_121 = vector.broadcast %jit3A_120 : i32 to vector<512x16xi32>
    %select_n3A_122 = arith.select %eq3A_119, %iota3A_91, %broadcast_in_dim3A_121 : vector<512x16xi1>, vector<512x16xi32>
    %reduce_min3A_123 = arith.constant dense<2147483647> : vector<512xi32>
    %reduce_min3A_124 = vector.multi_reduction <minsi>, %select_n3A_122, %reduce_min3A_123 [1] : vector<512x16xi32> to vector<512xi32>
    %broadcast_in_dim3A_125 = vector.shape_cast %reduce_min3A_124 : vector<512xi32> to vector<512x1xi32>
    %eq3A_126 = vector.broadcast %broadcast_in_dim3A_125 : vector<512x1xi32> to vector<512x16xi32>
    %eq3A_127 = arith.cmpi eq, %iota3A_91, %eq3A_126 : vector<512x16xi32>
    %jit3A_128 = arith.constant 1.000000e+00 : f32
    %jit3A_129 = arith.constant 0.000000e+00 : f32
    %broadcast_in_dim3A_130 = vector.broadcast %jit3A_128 : f32 to vector<512x16xf32>
    %broadcast_in_dim3A_131 = vector.broadcast %jit3A_129 : f32 to vector<512x16xf32>
    %select_n3A_132 = arith.select %eq3A_127, %broadcast_in_dim3A_130, %broadcast_in_dim3A_131 : vector<512x16xi1>, vector<512x16xf32>
    %add3A_133 = arith.addf %add3A_110, %select_n3A_132 : vector<512x16xf32>
    %add3A_134 = arith.addf %add3A_111, %broadcast_in_dim3A_117 : vector<512x1xf32>
    %jit3A_135 = arith.constant -1.000000e+00 : f32
    %broadcast_in_dim3A_136 = vector.broadcast %jit3A_135 : f32 to vector<512x16xf32>
    %select_n3A_137 = arith.select %eq3A_127, %broadcast_in_dim3A_136, %select_n3A_114 : vector<512x16xi1>, vector<512x16xf32>
    %reduce_max3A_138 = arith.constant dense<0xFF800000> : vector<512xf32>
    %reduce_max3A_139 = vector.multi_reduction <maximumf>, %select_n3A_137, %reduce_max3A_138 [1] : vector<512x16xf32> to vector<512xf32>
    %broadcast_in_dim3A_140 = vector.shape_cast %reduce_max3A_139 : vector<512xf32> to vector<512x1xf32>
    %eq3A_141 = vector.broadcast %broadcast_in_dim3A_140 : vector<512x1xf32> to vector<512x16xf32>
    %eq3A_142 = arith.cmpf oeq, %select_n3A_137, %eq3A_141 : vector<512x16xf32>
    %jit3A_143 = arith.constant 16 : i32
    %broadcast_in_dim3A_144 = vector.broadcast %jit3A_143 : i32 to vector<512x16xi32>
    %select_n3A_145 = arith.select %eq3A_142, %iota3A_91, %broadcast_in_dim3A_144 : vector<512x16xi1>, vector<512x16xi32>
    %reduce_min3A_146 = arith.constant dense<2147483647> : vector<512xi32>
    %reduce_min3A_147 = vector.multi_reduction <minsi>, %select_n3A_145, %reduce_min3A_146 [1] : vector<512x16xi32> to vector<512xi32>
    %broadcast_in_dim3A_148 = vector.shape_cast %reduce_min3A_147 : vector<512xi32> to vector<512x1xi32>
    %eq3A_149 = vector.broadcast %broadcast_in_dim3A_148 : vector<512x1xi32> to vector<512x16xi32>
    %eq3A_150 = arith.cmpi eq, %iota3A_91, %eq3A_149 : vector<512x16xi32>
    %jit3A_151 = arith.constant 1.000000e+00 : f32
    %jit3A_152 = arith.constant 0.000000e+00 : f32
    %broadcast_in_dim3A_153 = vector.broadcast %jit3A_151 : f32 to vector<512x16xf32>
    %broadcast_in_dim3A_154 = vector.broadcast %jit3A_152 : f32 to vector<512x16xf32>
    %select_n3A_155 = arith.select %eq3A_150, %broadcast_in_dim3A_153, %broadcast_in_dim3A_154 : vector<512x16xi1>, vector<512x16xf32>
    %add3A_156 = arith.addf %add3A_133, %select_n3A_155 : vector<512x16xf32>
    %add3A_157 = arith.addf %add3A_134, %broadcast_in_dim3A_140 : vector<512x1xf32>
    %jit3A_158 = arith.constant -1.000000e+00 : f32
    %broadcast_in_dim3A_159 = vector.broadcast %jit3A_158 : f32 to vector<512x16xf32>
    %select_n3A_160 = arith.select %eq3A_150, %broadcast_in_dim3A_159, %select_n3A_137 : vector<512x16xi1>, vector<512x16xf32>
    %reduce_max3A_161 = arith.constant dense<0xFF800000> : vector<512xf32>
    %reduce_max3A_162 = vector.multi_reduction <maximumf>, %select_n3A_160, %reduce_max3A_161 [1] : vector<512x16xf32> to vector<512xf32>
    %broadcast_in_dim3A_163 = vector.shape_cast %reduce_max3A_162 : vector<512xf32> to vector<512x1xf32>
    %eq3A_164 = vector.broadcast %broadcast_in_dim3A_163 : vector<512x1xf32> to vector<512x16xf32>
    %eq3A_165 = arith.cmpf oeq, %select_n3A_160, %eq3A_164 : vector<512x16xf32>
    %jit3A_166 = arith.constant 16 : i32
    %broadcast_in_dim3A_167 = vector.broadcast %jit3A_166 : i32 to vector<512x16xi32>
    %select_n3A_168 = arith.select %eq3A_165, %iota3A_91, %broadcast_in_dim3A_167 : vector<512x16xi1>, vector<512x16xi32>
    %reduce_min3A_169 = arith.constant dense<2147483647> : vector<512xi32>
    %reduce_min3A_170 = vector.multi_reduction <minsi>, %select_n3A_168, %reduce_min3A_169 [1] : vector<512x16xi32> to vector<512xi32>
    %broadcast_in_dim3A_171 = vector.shape_cast %reduce_min3A_170 : vector<512xi32> to vector<512x1xi32>
    %eq3A_172 = vector.broadcast %broadcast_in_dim3A_171 : vector<512x1xi32> to vector<512x16xi32>
    %eq3A_173 = arith.cmpi eq, %iota3A_91, %eq3A_172 : vector<512x16xi32>
    %jit3A_174 = arith.constant 1.000000e+00 : f32
    %jit3A_175 = arith.constant 0.000000e+00 : f32
    %broadcast_in_dim3A_176 = vector.broadcast %jit3A_174 : f32 to vector<512x16xf32>
    %broadcast_in_dim3A_177 = vector.broadcast %jit3A_175 : f32 to vector<512x16xf32>
    %select_n3A_178 = arith.select %eq3A_173, %broadcast_in_dim3A_176, %broadcast_in_dim3A_177 : vector<512x16xi1>, vector<512x16xf32>
    %add3A_179 = arith.addf %add3A_156, %select_n3A_178 : vector<512x16xf32>
    %add3A_180 = arith.addf %add3A_157, %broadcast_in_dim3A_163 : vector<512x1xf32>
    %eq3A_181 = arith.constant 0 : i32
    %eq3A_182 = arith.cmpi eq, %arg0, %eq3A_181 : i32
    %convert_element_type3A_183 = arith.extui %eq3A_182 : i1 to i32
    %cond3A = arith.constant 0 : i32
    %cond3A_184 = arith.cmpi ne, %convert_element_type3A_183, %cond3A : i32
    scf.if %cond3A_184 {
      %broadcast_in_dim3A_274 = arith.constant 0.000000e+00 : f32
      %broadcast_in_dim3A_275 = vector.broadcast %broadcast_in_dim3A_274 : f32 to vector<1x16xf32>
      %swap3A_276 = arith.constant 0 : index
      %swap3A_277 = arith.constant 0 : index
      %swap3A_278 = vector.load %arg15[%swap3A_276, %swap3A_277] : memref<1x16xf32, #tpu.memory_space<vmem>>, vector<1x16xf32>
      tpu.vector_store %arg15[%swap3A_276, %swap3A_277], %broadcast_in_dim3A_275 {strides = array<i32>} : memref<1x16xf32, #tpu.memory_space<vmem>>, vector<1x16xf32>,
      %broadcast_in_dim3A_279 = arith.constant 0.000000e+00 : f32
      %broadcast_in_dim3A_280 = vector.broadcast %broadcast_in_dim3A_279 : f32 to vector<1x1xf32>
      %swap3A_281 = arith.constant 0 : index
      %swap3A_282 = arith.constant 0 : index
      %swap3A_283 = vector.load %arg16[%swap3A_281, %swap3A_282] : memref<1x1xf32, #tpu.memory_space<vmem>>, vector<1x1xf32>
      tpu.vector_store %arg16[%swap3A_281, %swap3A_282], %broadcast_in_dim3A_280 {strides = array<i32>} : memref<1x1xf32, #tpu.memory_space<vmem>>, vector<1x1xf32>,
    } else {
    }
    %iota3A_185 = tpu.iota {dimensions = array<i32: 0>} : vector<512x512xi32>
    %iota3A_186 = tpu.iota {dimensions = array<i32: 1>} : vector<512x512xi32>
    %gt3A = arith.cmpi sgt, %iota3A_185, %iota3A_186 : vector<512x512xi32>
    %jit3A_187 = arith.constant 1.000000e+00 : f32
    %jit3A_188 = arith.constant 0.000000e+00 : f32
    %broadcast_in_dim3A_189 = vector.broadcast %jit3A_187 : f32 to vector<512x512xf32>
    %broadcast_in_dim3A_190 = vector.broadcast %jit3A_188 : f32 to vector<512x512xf32>
    %select_n3A_191 = arith.select %gt3A, %broadcast_in_dim3A_189, %broadcast_in_dim3A_190 : vector<512x512xi1>, vector<512x512xf32>
    %dot_general3A_192 = arith.constant dense<0.000000e+00> : vector<512x16xf32>
    %dot_general3A_193 = tpu.matmul %select_n3A_191, %add3A_179, %dot_general3A_192 {dimension_numbers = #tpu.dot_dimension_numbers<[1], [0], [0], [1], [0, 0, 1, 1], [], []>, transpose_lhs_hint = false} : vector<512x512xf32>, vector<512x16xf32>, vector<512x16xf32> -> vector<512x16xf32>
    %get3A_194 = arith.constant 0 : index
    %get3A_195 = arith.constant 0 : index
    %get3A_196 = vector.load %arg15[%get3A_194, %get3A_195] : memref<1x16xf32, #tpu.memory_space<vmem>>, vector<1x16xf32>
    %add3A_197 = vector.broadcast %get3A_196 : vector<1x16xf32> to vector<512x16xf32>
    %add3A_198 = arith.addf %dot_general3A_193, %add3A_197 : vector<512x16xf32>
    %convert_element_type3A_199 = arith.sitofp %iota3A_91 : vector<512x16xi32> to vector<512x16xf32>
    %mul3A_200 = arith.constant 1.638400e+04 : f32
    %mul3A_201 = vector.broadcast %mul3A_200 : f32 to vector<512x16xf32>
    %mul3A_202 = arith.mulf %convert_element_type3A_199, %mul3A_201 : vector<512x16xf32>
    %add3A_203 = arith.addf %mul3A_202, %add3A_198 : vector<512x16xf32>
    %add3A_204 = arith.constant 9.99999971E-10 : f32
    %add3A_205 = vector.broadcast %add3A_204 : f32 to vector<512x1xf32>
    %add3A_206 = arith.addf %add3A_180, %add3A_205 : vector<512x1xf32>
    %div3A_207 = arith.constant 1.000000e+00 : f32
    %div3A_208 = vector.broadcast %div3A_207 : f32 to vector<512x1xf32>
    %div3A_209 = arith.divf %div3A_208, %add3A_206 : vector<512x1xf32>
    %jit3A_210 = arith.constant 0.000000e+00 : f32
    %broadcast_in_dim3A_211 = vector.broadcast %jit3A_210 : f32 to vector<512x16xf32>
    %select_n3A_212 = arith.select %eq3A_104, %add3A_203, %broadcast_in_dim3A_211 : vector<512x16xi1>, vector<512x16xf32>
    %reduce_sum3A_213 = arith.constant dense<0.000000e+00> : vector<512xf32>
    %reduce_sum3A_214 = vector.multi_reduction <add>, %select_n3A_212, %reduce_sum3A_213 [1] : vector<512x16xf32> to vector<512xf32>
    %broadcast_in_dim3A_215 = vector.shape_cast %reduce_sum3A_214 : vector<512xf32> to vector<512x1xf32>
    %mul3A_216 = arith.mulf %broadcast_in_dim3A_98, %div3A_209 : vector<512x1xf32>
    %jit3A_217 = arith.constant 0.000000e+00 : f32
    %broadcast_in_dim3A_218 = vector.broadcast %jit3A_217 : f32 to vector<512x16xf32>
    %select_n3A_219 = arith.select %eq3A_127, %add3A_203, %broadcast_in_dim3A_218 : vector<512x16xi1>, vector<512x16xf32>
    %reduce_sum3A_220 = arith.constant dense<0.000000e+00> : vector<512xf32>
    %reduce_sum3A_221 = vector.multi_reduction <add>, %select_n3A_219, %reduce_sum3A_220 [1] : vector<512x16xf32> to vector<512xf32>
    %broadcast_in_dim3A_222 = vector.shape_cast %reduce_sum3A_221 : vector<512xf32> to vector<512x1xf32>
    %mul3A_223 = arith.mulf %broadcast_in_dim3A_117, %div3A_209 : vector<512x1xf32>
    %jit3A_224 = arith.constant 0.000000e+00 : f32
    %broadcast_in_dim3A_225 = vector.broadcast %jit3A_224 : f32 to vector<512x16xf32>
    %select_n3A_226 = arith.select %eq3A_150, %add3A_203, %broadcast_in_dim3A_225 : vector<512x16xi1>, vector<512x16xf32>
    %reduce_sum3A_227 = arith.constant dense<0.000000e+00> : vector<512xf32>
    %reduce_sum3A_228 = vector.multi_reduction <add>, %select_n3A_226, %reduce_sum3A_227 [1] : vector<512x16xf32> to vector<512xf32>
    %broadcast_in_dim3A_229 = vector.shape_cast %reduce_sum3A_228 : vector<512xf32> to vector<512x1xf32>
    %mul3A_230 = arith.mulf %broadcast_in_dim3A_140, %div3A_209 : vector<512x1xf32>
    %jit3A_231 = arith.constant 0.000000e+00 : f32
    %broadcast_in_dim3A_232 = vector.broadcast %jit3A_231 : f32 to vector<512x16xf32>
    %select_n3A_233 = arith.select %eq3A_173, %add3A_203, %broadcast_in_dim3A_232 : vector<512x16xi1>, vector<512x16xf32>
    %reduce_sum3A_234 = arith.constant dense<0.000000e+00> : vector<512xf32>
    %reduce_sum3A_235 = vector.multi_reduction <add>, %select_n3A_233, %reduce_sum3A_234 [1] : vector<512x16xf32> to vector<512xf32>
    %broadcast_in_dim3A_236 = vector.shape_cast %reduce_sum3A_235 : vector<512xf32> to vector<512x1xf32>
    %mul3A_237 = arith.mulf %broadcast_in_dim3A_163, %div3A_209 : vector<512x1xf32>
    %concatenate3A = tpu.concatenate %broadcast_in_dim3A_215, %broadcast_in_dim3A_222, %broadcast_in_dim3A_229, %broadcast_in_dim3A_236 in 1 : vector<512x1xf32>, vector<512x1xf32>, vector<512x1xf32>, vector<512x1xf32> -> vector<512x4xf32>
    %convert_element_type3A_238 = arith.fptosi %concatenate3A : vector<512x4xf32> to vector<512x4xi32>
    %swap3A_239 = arith.constant 0 : index
    %swap3A_240 = arith.constant 0 : index
    %swap3A_241 = vector.load %arg13[%swap3A_239, %swap3A_240] : memref<512x4xi32, #tpu.memory_space<vmem>>, vector<512x4xi32>
    tpu.vector_store %arg13[%swap3A_239, %swap3A_240], %convert_element_type3A_238 {strides = array<i32>} : memref<512x4xi32, #tpu.memory_space<vmem>>, vector<512x4xi32>,
    %concatenate3A_242 = tpu.concatenate %mul3A_216, %mul3A_223, %mul3A_230, %mul3A_237 in 1 : vector<512x1xf32>, vector<512x1xf32>, vector<512x1xf32>, vector<512x1xf32> -> vector<512x4xf32>
    %swap3A_243 = arith.constant 0 : index
    %swap3A_244 = arith.constant 0 : index
    %swap3A_245 = vector.load %arg14[%swap3A_243, %swap3A_244] : memref<512x4xf32, #tpu.memory_space<vmem>>, vector<512x4xf32>
    tpu.vector_store %arg14[%swap3A_243, %swap3A_244], %concatenate3A_242 {strides = array<i32>} : memref<512x4xf32, #tpu.memory_space<vmem>>, vector<512x4xf32>,
    %get3A_246 = arith.constant 0 : index
    %get3A_247 = arith.constant 0 : index
    %get3A_248 = vector.load %arg15[%get3A_246, %get3A_247] : memref<1x16xf32, #tpu.memory_space<vmem>>, vector<1x16xf32>
    %reduce_sum3A_249 = arith.constant dense<0.000000e+00> : vector<16xf32>
    %reduce_sum3A_250 = vector.multi_reduction <add>, %add3A_179, %reduce_sum3A_249 [0] : vector<512x16xf32> to vector<16xf32>
    %broadcast_in_dim3A_251 = vector.shape_cast %reduce_sum3A_250 : vector<16xf32> to vector<1x16xf32>
    %add3A_252 = arith.addf %get3A_248, %broadcast_in_dim3A_251 : vector<1x16xf32>
    %swap3A_253 = arith.constant 0 : index
    %swap3A_254 = arith.constant 0 : index
    %swap3A_255 = vector.load %arg15[%swap3A_253, %swap3A_254] : memref<1x16xf32, #tpu.memory_space<vmem>>, vector<1x16xf32>
    tpu.vector_store %arg15[%swap3A_253, %swap3A_254], %add3A_252 {strides = array<i32>} : memref<1x16xf32, #tpu.memory_space<vmem>>, vector<1x16xf32>,
    %get3A_256 = arith.constant 0 : index
    %get3A_257 = arith.constant 0 : index
    %get3A_258 = vector.load %arg16[%get3A_256, %get3A_257] : memref<1x1xf32, #tpu.memory_space<vmem>>, vector<1x1xf32>
    %add3A_259 = arith.constant 9.99999971E-10 : f32
    %add3A_260 = vector.broadcast %add3A_259 : f32 to vector<512x16xf32>
    %add3A_261 = arith.addf %div3A_90, %add3A_260 : vector<512x16xf32>
    %log3A = math.log %add3A_261 : vector<512x16xf32>
    %mul3A_262 = arith.mulf %div3A_90, %log3A : vector<512x16xf32>
    %neg3A = arith.constant 0.000000e+00 : f32
    %neg3A_263 = vector.broadcast %neg3A : f32 to vector<512x16xf32>
    %neg3A_264 = arith.subf %neg3A_263, %mul3A_262 : vector<512x16xf32>
    %reduce_sum3A_265 = vector.shape_cast %neg3A_264 : vector<512x16xf32> to vector<1x512x16xf32>
    %reduce_sum3A_266 = arith.constant dense<0.000000e+00> : vector<1xf32>
    %reduce_sum3A_267 = vector.multi_reduction <add>, %reduce_sum3A_265, %reduce_sum3A_266 [1, 2] : vector<1x512x16xf32> to vector<1xf32>
    %reduce_sum3A_268 = vector.shape_cast %reduce_sum3A_267 : vector<1xf32> to vector<1x1x1xf32>
    %reduce_sum3A_269 = vector.extract %reduce_sum3A_268[0, 0, 0] : f32 from vector<1x1x1xf32>
    %reshape3A = vector.broadcast %reduce_sum3A_269 : f32 to vector<1x1xf32>
    %add3A_270 = arith.addf %get3A_258, %reshape3A : vector<1x1xf32>
    %swap3A_271 = arith.constant 0 : index
    %swap3A_272 = arith.constant 0 : index
    %swap3A_273 = vector.load %arg16[%swap3A_271, %swap3A_272] : memref<1x1xf32, #tpu.memory_space<vmem>>, vector<1x1xf32>
    tpu.vector_store %arg16[%swap3A_271, %swap3A_272], %add3A_270 {strides = array<i32>} : memref<1x1xf32, #tpu.memory_space<vmem>>, vector<1x1xf32>,
    return
  }
  func.func @transform_0(%arg0: i32) -> (i32, i32) {
    %c0_i32 = arith.constant 0 : i32
    %c0_i32_0 = arith.constant 0 : i32
    return %arg0, %c0_i32 : i32, i32
  }
  func.func @transform_1(%arg0: i32) -> (i32, i32) {
    %c0_i32 = arith.constant 0 : i32
    %c0_i32_0 = arith.constant 0 : i32
    return %arg0, %c0_i32 : i32, i32
  }
  func.func @transform_2(%arg0: i32) -> (i32, i32) {
    %c0_i32 = arith.constant 0 : i32
    %c0_i32_0 = arith.constant 0 : i32
    return %arg0, %c0_i32 : i32, i32
  }
  func.func @transform_3(%arg0: i32) -> (i32, i32) {
    %c0_i32 = arith.constant 0 : i32
    %c0_i32_0 = arith.constant 0 : i32
    %c0_i32_1 = arith.constant 0 : i32
    return %c0_i32, %c0_i32_0 : i32, i32
  }
  func.func @transform_4(%arg0: i32) -> (i32, i32) {
    %c0_i32 = arith.constant 0 : i32
    %c0_i32_0 = arith.constant 0 : i32
    %c0_i32_1 = arith.constant 0 : i32
    return %c0_i32, %c0_i32_0 : i32, i32
  }
  func.func @transform_5(%arg0: i32) -> (i32, i32) {
    %c0_i32 = arith.constant 0 : i32
    %c0_i32_0 = arith.constant 0 : i32
    %c0_i32_1 = arith.constant 0 : i32
    return %c0_i32, %c0_i32_0 : i32, i32
  }
  func.func @transform_6(%arg0: i32) -> (i32, i32) {
    %c0_i32 = arith.constant 0 : i32
    %c0_i32_0 = arith.constant 0 : i32
    %c0_i32_1 = arith.constant 0 : i32
    return %c0_i32, %c0_i32_0 : i32, i32
  }
  func.func @transform_7(%arg0: i32) -> (i32, i32) {
    %c0_i32 = arith.constant 0 : i32
    %c0_i32_0 = arith.constant 0 : i32
    %c0_i32_1 = arith.constant 0 : i32
    return %c0_i32, %c0_i32_0 : i32, i32
  }
  func.func @transform_8(%arg0: i32) -> (i32, i32) {
    %c0_i32 = arith.constant 0 : i32
    %c0_i32_0 = arith.constant 0 : i32
    %c0_i32_1 = arith.constant 0 : i32
    return %c0_i32, %c0_i32_0 : i32, i32
  }
  func.func @transform_9(%arg0: i32) -> (i32, i32) {
    %c0_i32 = arith.constant 0 : i32
    %c0_i32_0 = arith.constant 0 : i32
    %c0_i32_1 = arith.constant 0 : i32
    return %c0_i32, %c0_i32_0 : i32, i32
  }
  func.func @transform_10(%arg0: i32) -> (i32, i32) {
    %c0_i32 = arith.constant 0 : i32
    %c0_i32_0 = arith.constant 0 : i32
    %c0_i32_1 = arith.constant 0 : i32
    return %c0_i32, %c0_i32_0 : i32, i32
  }
  func.func @transform_11(%arg0: i32) -> (i32, i32) {
    %c0_i32 = arith.constant 0 : i32
    %c0_i32_0 = arith.constant 0 : i32
    return %arg0, %c0_i32 : i32, i32
  }
  func.func @transform_12(%arg0: i32) -> (i32, i32) {
    %c0_i32 = arith.constant 0 : i32
    %c0_i32_0 = arith.constant 0 : i32
    return %arg0, %c0_i32 : i32, i32
  }
  func.func @transform_13(%arg0: i32) -> (i32, i32) {
    %c0_i32 = arith.constant 0 : i32
    %c0_i32_0 = arith.constant 0 : i32
    return %arg0, %c0_i32 : i32, i32
  }
  func.func @transform_14(%arg0: i32) -> (i32, i32) {
    %c0_i32 = arith.constant 0 : i32
    %c0_i32_0 = arith.constant 0 : i32
    %c0_i32_1 = arith.constant 0 : i32
    return %c0_i32, %c0_i32_0 : i32, i32
  }
  func.func @transform_15(%arg0: i32) -> (i32, i32) {
    %c0_i32 = arith.constant 0 : i32
    %c0_i32_0 = arith.constant 0 : i32
    %c0_i32_1 = arith.constant 0 : i32
    return %c0_i32, %c0_i32_0 : i32, i32
  }
}

module attributes {stable_mosaic.version = 14 : i64} {
  func.func @_expert_kernel(%arg0: i32, %arg1: memref<144xi32, #tpu.memory_space<smem>>, %arg2: memref<512x176xf32, #tpu.memory_space<vmem>>, %arg3: memref<1x176x128xf32, #tpu.memory_space<vmem>>, %arg4: memref<1x1x128xf32, #tpu.memory_space<vmem>>, %arg5: memref<1x128x128xf32, #tpu.memory_space<vmem>>, %arg6: memref<1x1x128xf32, #tpu.memory_space<vmem>>, %arg7: memref<1x128x128xf32, #tpu.memory_space<vmem>>, %arg8: memref<1x1x128xf32, #tpu.memory_space<vmem>>, %arg9: memref<128x32xf32, #tpu.memory_space<vmem>>, %arg10: memref<512x32xf32, #tpu.memory_space<vmem>>) attributes {dimension_semantics = [#tpu.dimension_semantics<arbitrary>], iteration_bounds = array<i64: 144>, scalar_prefetch = 1 : i64, scratch_operands = 0 : i64, tpu.core_type = #tpu.core_type<tc>, window_params = [{transform_indices = @transform_0, window_bounds = array<i64: 512, 176>}, {transform_indices = @transform_1, window_bounds = array<i64: 1, 176, 128>}, {transform_indices = @transform_2, window_bounds = array<i64: 1, 1, 128>}, {transform_indices = @transform_3, window_bounds = array<i64: 1, 128, 128>}, {transform_indices = @transform_4, window_bounds = array<i64: 1, 1, 128>}, {transform_indices = @transform_5, window_bounds = array<i64: 1, 128, 128>}, {transform_indices = @transform_6, window_bounds = array<i64: 1, 1, 128>}, {pipeline_mode = #tpu.pipeline_mode<synchronous>, transform_indices = @transform_7, window_bounds = array<i64: 128, 32>}, {transform_indices = @transform_8, window_bounds = array<i64: 512, 32>}]} {
    %get3A = arith.constant 0 : index
    %get3A_0 = arith.constant 0 : index
    %get3A_1 = vector.load %arg2[%get3A, %get3A_0] : memref<512x176xf32, #tpu.memory_space<vmem>>, vector<512x176xf32>
    %get3A_2 = arith.constant 0 : index
    %get3A_3 = arith.constant 0 : index
    %get3A_4 = arith.constant 0 : index
    %get3A_5 = vector.load %arg3[%get3A_2, %get3A_3, %get3A_4] : memref<1x176x128xf32, #tpu.memory_space<vmem>>, vector<1x176x128xf32>
    %get3A_6 = vector.shape_cast %get3A_5 : vector<1x176x128xf32> to vector<176x128xf32>
    %dot_general3A = arith.constant dense<0.000000e+00> : vector<512x128xf32>
    %dot_general3A_7 = tpu.matmul %get3A_1, %get3A_6, %dot_general3A {dimension_numbers = #tpu.dot_dimension_numbers<[1], [0], [0], [1], [0, 0, 1, 1], [], []>, transpose_lhs_hint = false} : vector<512x176xf32>, vector<176x128xf32>, vector<512x128xf32> -> vector<512x128xf32>
    %get3A_8 = arith.constant 0 : index
    %get3A_9 = arith.constant 0 : index
    %get3A_10 = arith.constant 0 : index
    %get3A_11 = vector.load %arg4[%get3A_8, %get3A_9, %get3A_10] : memref<1x1x128xf32, #tpu.memory_space<vmem>>, vector<1x1x128xf32>
    %get3A_12 = vector.shape_cast %get3A_11 : vector<1x1x128xf32> to vector<1x128xf32>
    %add3A = vector.broadcast %get3A_12 : vector<1x128xf32> to vector<512x128xf32>
    %add3A_13 = arith.addf %dot_general3A_7, %add3A : vector<512x128xf32>
    %min3A = arith.constant 3.000000e+01 : f32
    %min3A_14 = vector.broadcast %min3A : f32 to vector<512x128xf32>
    %min3A_15 = arith.minimumf %add3A_13, %min3A_14 : vector<512x128xf32>
    %exp3A = math.exp %min3A_15 : vector<512x128xf32>
    %add3A_16 = arith.constant 2.000000e+00 : f32
    %add3A_17 = vector.broadcast %add3A_16 : f32 to vector<512x128xf32>
    %add3A_18 = arith.addf %exp3A, %add3A_17 : vector<512x128xf32>
    %mul3A = arith.mulf %exp3A, %add3A_18 : vector<512x128xf32>
    %add3A_19 = arith.constant 2.000000e+00 : f32
    %add3A_20 = vector.broadcast %add3A_19 : f32 to vector<512x128xf32>
    %add3A_21 = arith.addf %mul3A, %add3A_20 : vector<512x128xf32>
    %div3A = arith.divf %mul3A, %add3A_21 : vector<512x128xf32>
    %mul3A_22 = arith.mulf %add3A_13, %div3A : vector<512x128xf32>
    %get3A_23 = arith.constant 0 : index
    %get3A_24 = arith.constant 0 : index
    %get3A_25 = arith.constant 0 : index
    %get3A_26 = vector.load %arg5[%get3A_23, %get3A_24, %get3A_25] : memref<1x128x128xf32, #tpu.memory_space<vmem>>, vector<1x128x128xf32>
    %get3A_27 = vector.shape_cast %get3A_26 : vector<1x128x128xf32> to vector<128x128xf32>
    %dot_general3A_28 = arith.constant dense<0.000000e+00> : vector<512x128xf32>
    %dot_general3A_29 = tpu.matmul %mul3A_22, %get3A_27, %dot_general3A_28 {dimension_numbers = #tpu.dot_dimension_numbers<[1], [0], [0], [1], [0, 0, 1, 1], [], []>, transpose_lhs_hint = false} : vector<512x128xf32>, vector<128x128xf32>, vector<512x128xf32> -> vector<512x128xf32>
    %get3A_30 = arith.constant 0 : index
    %get3A_31 = arith.constant 0 : index
    %get3A_32 = arith.constant 0 : index
    %get3A_33 = vector.load %arg6[%get3A_30, %get3A_31, %get3A_32] : memref<1x1x128xf32, #tpu.memory_space<vmem>>, vector<1x1x128xf32>
    %get3A_34 = vector.shape_cast %get3A_33 : vector<1x1x128xf32> to vector<1x128xf32>
    %add3A_35 = vector.broadcast %get3A_34 : vector<1x128xf32> to vector<512x128xf32>
    %add3A_36 = arith.addf %dot_general3A_29, %add3A_35 : vector<512x128xf32>
    %min3A_37 = arith.constant 3.000000e+01 : f32
    %min3A_38 = vector.broadcast %min3A_37 : f32 to vector<512x128xf32>
    %min3A_39 = arith.minimumf %add3A_36, %min3A_38 : vector<512x128xf32>
    %exp3A_40 = math.exp %min3A_39 : vector<512x128xf32>
    %add3A_41 = arith.constant 2.000000e+00 : f32
    %add3A_42 = vector.broadcast %add3A_41 : f32 to vector<512x128xf32>
    %add3A_43 = arith.addf %exp3A_40, %add3A_42 : vector<512x128xf32>
    %mul3A_44 = arith.mulf %exp3A_40, %add3A_43 : vector<512x128xf32>
    %add3A_45 = arith.constant 2.000000e+00 : f32
    %add3A_46 = vector.broadcast %add3A_45 : f32 to vector<512x128xf32>
    %add3A_47 = arith.addf %mul3A_44, %add3A_46 : vector<512x128xf32>
    %div3A_48 = arith.divf %mul3A_44, %add3A_47 : vector<512x128xf32>
    %mul3A_49 = arith.mulf %add3A_36, %div3A_48 : vector<512x128xf32>
    %get3A_50 = arith.constant 0 : index
    %get3A_51 = arith.constant 0 : index
    %get3A_52 = arith.constant 0 : index
    %get3A_53 = vector.load %arg7[%get3A_50, %get3A_51, %get3A_52] : memref<1x128x128xf32, #tpu.memory_space<vmem>>, vector<1x128x128xf32>
    %get3A_54 = vector.shape_cast %get3A_53 : vector<1x128x128xf32> to vector<128x128xf32>
    %dot_general3A_55 = arith.constant dense<0.000000e+00> : vector<512x128xf32>
    %dot_general3A_56 = tpu.matmul %mul3A_49, %get3A_54, %dot_general3A_55 {dimension_numbers = #tpu.dot_dimension_numbers<[1], [0], [0], [1], [0, 0, 1, 1], [], []>, transpose_lhs_hint = false} : vector<512x128xf32>, vector<128x128xf32>, vector<512x128xf32> -> vector<512x128xf32>
    %get3A_57 = arith.constant 0 : index
    %get3A_58 = arith.constant 0 : index
    %get3A_59 = arith.constant 0 : index
    %get3A_60 = vector.load %arg8[%get3A_57, %get3A_58, %get3A_59] : memref<1x1x128xf32, #tpu.memory_space<vmem>>, vector<1x1x128xf32>
    %get3A_61 = vector.shape_cast %get3A_60 : vector<1x1x128xf32> to vector<1x128xf32>
    %add3A_62 = vector.broadcast %get3A_61 : vector<1x128xf32> to vector<512x128xf32>
    %add3A_63 = arith.addf %dot_general3A_56, %add3A_62 : vector<512x128xf32>
    %min3A_64 = arith.constant 3.000000e+01 : f32
    %min3A_65 = vector.broadcast %min3A_64 : f32 to vector<512x128xf32>
    %min3A_66 = arith.minimumf %add3A_63, %min3A_65 : vector<512x128xf32>
    %exp3A_67 = math.exp %min3A_66 : vector<512x128xf32>
    %add3A_68 = arith.constant 2.000000e+00 : f32
    %add3A_69 = vector.broadcast %add3A_68 : f32 to vector<512x128xf32>
    %add3A_70 = arith.addf %exp3A_67, %add3A_69 : vector<512x128xf32>
    %mul3A_71 = arith.mulf %exp3A_67, %add3A_70 : vector<512x128xf32>
    %add3A_72 = arith.constant 2.000000e+00 : f32
    %add3A_73 = vector.broadcast %add3A_72 : f32 to vector<512x128xf32>
    %add3A_74 = arith.addf %mul3A_71, %add3A_73 : vector<512x128xf32>
    %div3A_75 = arith.divf %mul3A_71, %add3A_74 : vector<512x128xf32>
    %mul3A_76 = arith.mulf %add3A_63, %div3A_75 : vector<512x128xf32>
    %get3A_77 = arith.constant 0 : index
    %get3A_78 = arith.constant 0 : index
    %get3A_79 = vector.load %arg9[%get3A_77, %get3A_78] : memref<128x32xf32, #tpu.memory_space<vmem>>, vector<128x32xf32>
    %dot_general3A_80 = arith.constant dense<0.000000e+00> : vector<512x32xf32>
    %dot_general3A_81 = tpu.matmul %mul3A_76, %get3A_79, %dot_general3A_80 {dimension_numbers = #tpu.dot_dimension_numbers<[1], [0], [0], [1], [0, 0, 1, 1], [], []>, transpose_lhs_hint = false} : vector<512x128xf32>, vector<128x32xf32>, vector<512x32xf32> -> vector<512x32xf32>
    %swap3A = arith.constant 0 : index
    %swap3A_82 = arith.constant 0 : index
    %swap3A_83 = vector.load %arg10[%swap3A, %swap3A_82] : memref<512x32xf32, #tpu.memory_space<vmem>>, vector<512x32xf32>
    tpu.vector_store %arg10[%swap3A, %swap3A_82], %dot_general3A_81 {strides = array<i32>} : memref<512x32xf32, #tpu.memory_space<vmem>>, vector<512x32xf32>,
    return
  }
  func.func @transform_0(%arg0: i32, %arg1: memref<144xi32, #tpu.memory_space<smem>>) -> (i32, i32) {
    %c0_i32 = arith.constant 0 : i32
    %c0_i32_0 = arith.constant 0 : i32
    return %arg0, %c0_i32 : i32, i32
  }
  func.func @transform_1(%arg0: i32, %arg1: memref<144xi32, #tpu.memory_space<smem>>) -> (i32, i32, i32) {
    %get3A = arith.index_cast %arg0 : i32 to index
    %get3A_0 = memref.load %arg1[%get3A] : memref<144xi32, #tpu.memory_space<smem>>
    %c0_i32 = arith.constant 0 : i32
    %c0_i32_1 = arith.constant 0 : i32
    %c0_i32_2 = arith.constant 0 : i32
    return %get3A_0, %c0_i32, %c0_i32_1 : i32, i32, i32
  }
  func.func @transform_2(%arg0: i32, %arg1: memref<144xi32, #tpu.memory_space<smem>>) -> (i32, i32, i32) {
    %get3A = arith.index_cast %arg0 : i32 to index
    %get3A_0 = memref.load %arg1[%get3A] : memref<144xi32, #tpu.memory_space<smem>>
    %c0_i32 = arith.constant 0 : i32
    %c0_i32_1 = arith.constant 0 : i32
    %c0_i32_2 = arith.constant 0 : i32
    return %get3A_0, %c0_i32, %c0_i32_1 : i32, i32, i32
  }
  func.func @transform_3(%arg0: i32, %arg1: memref<144xi32, #tpu.memory_space<smem>>) -> (i32, i32, i32) {
    %get3A = arith.index_cast %arg0 : i32 to index
    %get3A_0 = memref.load %arg1[%get3A] : memref<144xi32, #tpu.memory_space<smem>>
    %c0_i32 = arith.constant 0 : i32
    %c0_i32_1 = arith.constant 0 : i32
    %c0_i32_2 = arith.constant 0 : i32
    return %get3A_0, %c0_i32, %c0_i32_1 : i32, i32, i32
  }
  func.func @transform_4(%arg0: i32, %arg1: memref<144xi32, #tpu.memory_space<smem>>) -> (i32, i32, i32) {
    %get3A = arith.index_cast %arg0 : i32 to index
    %get3A_0 = memref.load %arg1[%get3A] : memref<144xi32, #tpu.memory_space<smem>>
    %c0_i32 = arith.constant 0 : i32
    %c0_i32_1 = arith.constant 0 : i32
    %c0_i32_2 = arith.constant 0 : i32
    return %get3A_0, %c0_i32, %c0_i32_1 : i32, i32, i32
  }
  func.func @transform_5(%arg0: i32, %arg1: memref<144xi32, #tpu.memory_space<smem>>) -> (i32, i32, i32) {
    %get3A = arith.index_cast %arg0 : i32 to index
    %get3A_0 = memref.load %arg1[%get3A] : memref<144xi32, #tpu.memory_space<smem>>
    %c0_i32 = arith.constant 0 : i32
    %c0_i32_1 = arith.constant 0 : i32
    %c0_i32_2 = arith.constant 0 : i32
    return %get3A_0, %c0_i32, %c0_i32_1 : i32, i32, i32
  }
  func.func @transform_6(%arg0: i32, %arg1: memref<144xi32, #tpu.memory_space<smem>>) -> (i32, i32, i32) {
    %get3A = arith.index_cast %arg0 : i32 to index
    %get3A_0 = memref.load %arg1[%get3A] : memref<144xi32, #tpu.memory_space<smem>>
    %c0_i32 = arith.constant 0 : i32
    %c0_i32_1 = arith.constant 0 : i32
    %c0_i32_2 = arith.constant 0 : i32
    return %get3A_0, %c0_i32, %c0_i32_1 : i32, i32, i32
  }
  func.func @transform_7(%arg0: i32, %arg1: memref<144xi32, #tpu.memory_space<smem>>) -> (i32, i32) {
    %c0_i32 = arith.constant 0 : i32
    %c0_i32_0 = arith.constant 0 : i32
    %c0_i32_1 = arith.constant 0 : i32
    return %c0_i32, %c0_i32_0 : i32, i32
  }
  func.func @transform_8(%arg0: i32, %arg1: memref<144xi32, #tpu.memory_space<smem>>) -> (i32, i32) {
    %c0_i32 = arith.constant 0 : i32
    %c0_i32_0 = arith.constant 0 : i32
    return %arg0, %c0_i32 : i32, i32
  }
}

</mosaic_0001>

<sc_bundles>
// kernel: gather_offload_async_start
scs
__scs_entry_jumppad:
0x0: {  	(pc) =	sbr.rel $0x88, $3  }
0x1: {  	(tag) =	ssettag $0x0;
	lr =	simm.s32 $0x1  }
0x2: {  	[smem:$0x3F8E] =	sst lr;
	_ =	strace $0xD0000000  }
0x3: {  	_ = 	snop  }
0x4: {  	_ = 	snop  }
0x5: {  	_ = 	snop  }
0x6: {  	_ = 	snop  }
0x7: {  	_ = 	snop  }
__scs_overlays_trampoline_lowered:
0x8: {  	[smem:$0x3F9D] =	sst s0  }
0x9: {  	[smem:$0x3F9E] =	sst s1  }
0xa: {  	[smem:$0x3F9F] =	sst s2  }
0xb: {  	[smem:$0x3FA0] =	sst s3  }
0xc: {  	[smem:$0x3FA1] =	sst s4  }
0xd: {  	[smem:$0x3FA2] =	sst s5  }
0xe: {  	[smem:$0x3FA3] =	sst s6  }
0xf: {  	[smem:$0x3FA4] =	sst s7  }
0x10: {  	[smem:$0x3FA5] =	sst s8  }
0x11: {  	[smem:$0x3FA6] =	sst s9;
	s0 =	simm.s32 @!p0 $0x0  }
0x12: {  	s1 =	sld [smem:$0x3F8C];
	s0 =	simm.s32 @p0 $0x1  }
0x13: {  	[smem:$0x3FA7] =	sst s0;
	s0 =	simm.s32 @!p1 $0x0  }
0x14: {  	s2 =	sld [smem:$0x3F8B];
	s0 =	simm.s32 @p1 $0x1  }
0x15: {  	[smem:$0x3FA8] =	sst s0;
	s0 =	simm.s32 @!p2 $0x0  }
0x16: {  	s3 =	sld [smem:$0x3FDB];
	s0 =	simm.s32 @p2 $0x1  }
0x17: {  	s4 =	simm.s32 $0x1BF5;
	[smem:$0x3FAA] =	sst s0  }
0x18: {  	s0 =	sld [smem:$0x3F8D];
	_ =	swait.ge [sflag:s4], $0x0  }
0x19: {  	s7 =	sld [smem:$0x3F8E]  }
0x1a: {  	s8 =	sadd.s32 $0xFFFFE003, lr  }
0x1b: {  	s9 =	sadd.s32 $0xFFFFFEF7, lr;
	s5 =	simm.s32 $0xFFFFFFFF;
	p2 =	slt.u32 s8, $0xFFFFF086  }
0x1c: {  	p1 =	slt.u32 s9, $0xF7A;
	s5 =	simm.s32 @!p2 $0x0  }
0x1d: {  	s5 =	simm.s32 @p1 $0x1;
	p0 =	seq.s32 s7, s2  }
0x1e: {  	s7 =	smul.u32 @!p0 $0xF7A, s2;
	p2 =	seq.s32 @!p0 s5, $0x0  }
0x1f: {  	s9 =	smul.u32 $0xF7A, s1;
	s8 =	simm.s32 @!p0 $0x1BF5;
	p2 =	por !p2, p0  }
0x20: {  	[sflag:s8] =	ssyncset.s32 @!p0 $0xFFFFF086;
	s6 =	sadd.s32 @!p0 s3, s7;
	s7 =	simm.s32 @!p0 $0x108  }
0x21: {  	s3 =	sadd.s32 s3, s9;
	s6 =	sadd.s32 @!p0 $0x88, s6;
	s7 =	simm.s32 @p2 $0x1082  }
0x22: {  	[simem:s7], [sflag:s8] =	dma.local @!p0 [hbm:s6], $0xF7A  }
0x23: {  	s9 =	sor.u32 $0xD0000000, s2;
	s6 =	simm.s32 $0x108;
	_ =	swait.ge @!p0 [sflag:s8], $0x0  }
0x24: {  	s3 =	sadd.s32 $0x88, s3;
	s6 =	simm.s32 @!p1 $0x1082;
	[sflag:s4] =	ssyncset.s32 $0xFFFFF086  }
0x25: {  	[simem:s6], [sflag:s4] =	dma.local [hbm:s3], $0xF7A  }
0x26: {  	[smem:$0x3F8E] =	sst s1;
	(tag) =	ssettag s2;
	_ =	strace s9  }
0x27: {  	s1 =	sld [smem:$0x3F9E]  }
0x28: {  	s2 =	sld [smem:$0x3F9F]  }
0x29: {  	s4 =	sld [smem:$0x3FA1]  }
0x2a: {  	p0 =	seq.s32 s5, $0x0;
	s5 =	sld [smem:$0x3FA2]  }
0x2b: {  	s6 =	sld [smem:$0x3FA3]  }
0x2c: {  	s7 =	sld [smem:$0x3FA4]  }
0x2d: {  	s3 =	simm.s32 $0x108;
	s8 =	sld [smem:$0x3FA5]  }
0x2e: {  	s3 =	simm.s32 @!p0 $0x1082;
	s9 =	sld [smem:$0x3FA6]  }
0x2f: {  	lr =	sadd.s32 s0, s3;
	s0 =	sld [smem:$0x3F9D]  }
0x30: {  	s3 =	sld [smem:$0x3FA0]  }
0x31: {  	[smem:$0x3FA9] =	sst s10  }
0x32: {  	s10 =	sld [smem:$0x3FA7];
	_ =	sdelay $0x3  }
0x33: {  	p0 =	seq.s32 s10, $0x1;
	s10 =	sld [smem:$0x3FA9];
	_ =	sdelay $0x3  }
0x34: {  	[smem:$0x3FA9] =	sst s10  }
0x35: {  	s10 =	sld [smem:$0x3FA8];
	_ =	sdelay $0x3  }
0x36: {  	p1 =	seq.s32 s10, $0x1;
	s10 =	sld [smem:$0x3FA9];
	_ =	sdelay $0x3  }
0x37: {  	[smem:$0x3FA9] =	sst s10  }
0x38: {  	s10 =	sld [smem:$0x3FAA]  }
0x39: {  	_ = 	snop;
	(pc) =	sbr.ind lr, $3  }
0x3a: {  	_ = 	snop  }
0x3b: {  	_ = 	snop  }
0x3c: {  	p2 =	seq.s32 s10, $0x1;
	s10 =	sld [smem:$0x3FA9]  }
0x3d: {  	_ =	shalt  }
0x3e: {  	_ =	shalt  }
0x3f: {  	_ =	shalt  }
0x40: {  	_ =	shalt  }
0x41: {  	_ =	shalt  }
0x42: {  	_ =	shalt  }
0x43: {  	_ =	shalt  }
0x44: {  	_ =	shalt  }
0x45: {  	_ =	shalt  }
0x46: {  	_ =	shalt  }
0x47: {  	_ =	shalt  }
0x48: {  	_ =	shalt  }
0x49: {  	_ =	shalt  }
0x4a: {  	_ =	shalt  }
0x4b: {  	_ =	shalt  }
0x4c: {  	_ =	shalt  }
0x4d: {  	_ =	shalt  }
0x4e: {  	_ =	shalt  }
0x4f: {  	_ =	shalt  }
0x50: {  	_ =	shalt  }
0x51: {  	_ =	shalt  }
0x52: {  	_ =	shalt  }
0x53: {  	_ =	shalt  }
0x54: {  	_ =	shalt  }
0x55: {  	_ =	shalt  }
0x56: {  	_ =	shalt  }
0x57: {  	_ =	shalt  }
0x58: {  	_ =	shalt  }
0x59: {  	_ =	shalt  }
0x5a: {  	_ =	shalt  }
0x5b: {  	_ =	shalt  }
0x5c: {  	_ =	shalt  }
0x5d: {  	_ =	shalt  }
0x5e: {  	_ =	shalt  }
0x5f: {  	_ =	shalt  }
0x60: {  	_ =	shalt  }
0x61: {  	_ =	shalt  }
0x62: {  	_ =	shalt  }
0x63: {  	_ =	shalt  }
0x64: {  	_ =	shalt  }
0x65: {  	_ =	shalt  }
0x66: {  	_ =	shalt  }
0x67: {  	_ =	shalt  }
0x68: {  	_ =	shalt  }
0x69: {  	_ =	shalt  }
0x6a: {  	_ =	shalt  }
0x6b: {  	_ =	shalt  }
0x6c: {  	_ =	shalt  }
0x6d: {  	_ =	shalt  }
0x6e: {  	_ =	shalt  }
0x6f: {  	_ =	shalt  }
0x70: {  	_ =	shalt  }
0x71: {  	_ =	shalt  }
0x72: {  	_ =	shalt  }
0x73: {  	_ =	shalt  }
0x74: {  	_ =	shalt  }
0x75: {  	_ =	shalt  }
0x76: {  	_ =	shalt  }
0x77: {  	_ =	shalt  }
0x78: {  	_ =	shalt  }
0x79: {  	_ =	shalt  }
0x7a: {  	_ =	shalt  }
0x7b: {  	_ =	shalt  }
0x7c: {  	_ =	shalt  }
0x7d: {  	_ =	shalt  }
0x7e: {  	_ =	shalt  }
0x7f: {  	_ =	shalt  }
0x80: {  	_ =	shalt  }
0x81: {  	_ =	shalt  }
0x82: {  	_ =	shalt  }
0x83: {  	_ =	shalt  }
0x84: {  	_ =	shalt  }
0x85: {  	_ =	shalt  }
0x86: {  	_ =	shalt  }
0x87: {  	_ =	shalt  }
.Lfunc_end0:
.L_simem_size_0:
called_computation_lowered:
.L_overlay_start_0:
0x88: {  	s2 =	sld [smem:$0x3FD9]  }
0x89: {  	s3 =	sld [smem:$0x3FFE];
	_ =	sdelay $0x1  }
0x8a: {  	s1 =	srdreg.scid  }
0x8b: {  	s0 =	sand.u32 $0x1, s1  }
0x8c: {  	s16 =	sshll.u32 s0, $0xA;
	s2 =	sadd.s32 s3, s2  }
0x8d: {  	s2 =	sadd.s32 s2, s16  }
0x8e: {  	[smem:$0x3FB5] =	sst s2  }
0x8f: {  	_ = 	snop  }
0x90: {  	(tm) =	ssettm $0x1  }
0x91: {  	s17 =	sld [smem:$0x3FFB];
	_ =	sdelay $0x3  }
0x92: {  	_ =	strace s17  }
0x93: {  	s2 =	sld [smem:$0x3FFC];
	_ =	sdelay $0x3  }
0x94: {  	_ =	strace s2  }
0x95: {  	s2 =	sld [smem:$0x3FFD];
	_ =	sdelay $0x3  }
0x96: {  	_ =	strace s2  }
0x97: {  	_ =	strace $0x8FFFFFFF  }
0x98: {  	s18 =	sld [smem:$0x3FDB];
	_ =	sdelay $0x1  }
0x99: {  	s19 =	simm.s32 $_scs_section_size  }
0x9a: {  	s4 =	simm.s32 $_size__tile_overlayer_lowered;
	s5 =	simm.s32 $_tile_overlayer_lowered  }
0x9b: {  	s22 =	simm.s32 $0x1BFF;
	s21 =	sshll.u32 s5, $0x1;
	s2 =	sadd.s32 s19, s18  }
0x9c: {  	s6 =	simm.s32 $0x0;
	s20 =	sshll.u32 s4, $0x1;
	s4 =	sadd.s32 s21, s2  }
0x9d: {  	[timem:s6], [sflag:s22] =	dma.local [hbm:s4], s20  }
0x9e: {  	_ =	swait.ge [sflag:s22], s20  }
0x9f: {  	s3 =	ssub.s32 $0x0, s20;
	[sflag:s22] =	ssyncset.done $0x0  }
0xa0: {  	[sflag:s22] =	ssyncadd.s32 s3;
	_ =	sdelay $0x1  }
0xa1: {  	s23 =	simm.s32 $0x1B8B  }
0xa2: {  	_ =	swait.ge [sflag:s23], $0x1  }
0xa3: {  	[sflag:s23] =	ssyncset.done $0x0  }
0xa4: {  	s25 =	simm.s32 $0x1B8E;
	s24 =	sld [smem:$0x3FFE];
	[sflag:s23] =	ssyncadd.s32 $0xFFFFFFFF  }
0xa5: {  	s26 =	simm.s32 $execute0_lowered;
	[smem:$0x3FD2] =	sst s25  }
0xa6: {  	s4 =	sshll.u32 s26, $0x1;
	_ =	strace $0x80000049;
	[dreg:$0x1] =	wrdreg $0xFFFFFFFF  }
0xa7: {  	s28 =	simm.s32 $_size_execute0_lowered;
	s2 =	sadd.s32 s2, s4;
	[dreg:$0x0] =	wrdreg $0x0  }
0xa8: {  	s4 =	sshll.u32 s28, $0x1;
	[dreg:$0x2] =	wrdreg s2  }
0xa9: {  	[dreg:$0x3] =	wrdreg s4  }
0xaa: {  	[dreg:$0x4] =	wrdreg $0xC0  }
0xab: {  	_ =	task [dreg:s6], $0x5FFFF  }
0xac: {  	[dreg:$0x1] =	wrdreg $0xFFFFFFFF  }
0xad: {  	[dreg:$0x0] =	wrdreg $0x60  }
0xae: {  	[dreg:$0x2] =	wrdreg s24  }
0xaf: {  	[dreg:$0x3] =	wrdreg $0x9  }
0xb0: {  	_ =	task.clear_ibuf [dreg:s6], $0x4FFFF;
	_ =	strace $0x90000049  }
0xb1: {  	s29 =	simm.s32 $0x9;
	_ =	strace $0x8000004B  }
0xb2: {  	_ =	swait.ge [sflag:s29], $0x1  }
0xb3: {  	[sflag:s29] =	ssyncadd.s32 $0xFFFFFFFF  }
0xb4: {  	_ =	strace $0x9000004B  }
0xb5: {  	_ =	sfence  }
0xb6: {  	s30 =	sld [smem:$0x0];
	_ =	sdelay $0x2  }
0xb7: {  	s31 =	sshll.u32 s1, $0xD;
	s1 =	sshrl.u32 s1, $0x2  }
0xb8: {  	s3 =	sand.u32 $0x4000, s31;
	s1 =	sadd.s32 s1, s30  }
0xb9: {  	s0 =	sor.u32 s3, s0;
	s1 =	sshll.u32 s1, $0x11  }
0xba: {  	s0 =	sor.u32 s1, s0  }
0xbb: {  	s0 =	sadd.s32 $0x8F2B, s0  }
0xbc: {  	[sflag:s0] =	ssyncadd.remote.s32 $0x1  }
0xbd: {  	_ =	sfence.sel $0xFFFF  }
0xbe: {  	[dreg:$0x0] =	wrdreg $0xFFFFFFFF;
	(pc) =	sbr.abs _section_cstart, $3  }
0xbf: {  	[dreg:$0x1] =	wrdreg $0xFFFFFFFF  }
0xc0: {  	_ =	task.clear_ibuf [dreg:s6], $0x2FFFF;
	_ =	strace $0x9FFFFFFF  }
0xc1: {  	(tm) =	ssettm $0x7FFFFFFF  }
tec
execute0_lowered:
.L_overlay_start_1:
0x0: {  	(tag) =	ssettag $0x1  }
0x1: {  	s7 =	rddreg [dreg:$0x0]  }
0x2: {  	s0 =	rddreg [dreg:$0x1];
	_ =	strace $0x8000004A  }
0x3: {  	s1 =	srdreg.scid;
	s4 =	simm.s32 $0x1;
	s9 =	simm.s32 $0x3  }
0x4: {  	s11 =	simm.s32 $0x0;
	p0 =	por $0x0, $0x0;
	s5 =	sshll.u32 s1, $0x4  }
.Ltmp0:
0x5: {  	s1 =	stileid.u32;
	s5 =	sand.u32 $0x10, s5;
	(pc) =	sbr.rel .LBB2_1-.Ltmp0, $4  }
0x6: {  	s2 =	sadd.s32 $0x302200, s7;
	s3 =	sadd.s32 $0x44E00, s7;
	s6 =	sor.u32 s1, s5  }
0x7: {  	[sflag:s4] =	ssyncpa.u1 $0x0;
	s5 =	simm.s32 $0x2;
	s6 =	sshll.u32 s6, $0xB  }
0x8: {  	s7 =	sadd.s32 $0xC2200, s7;
	[sflag:s5] =	ssyncpa.u1 $0x0;
	s8 =	sadd.s32 $0x800, s6  }
0x9: {  	vm0 =	vmmov $0xff;
	vm1 =	vcmask $0x3F20;
	[sflag:s9] =	ssyncpa.u1 $0x0;
	s10 =	smov.u32 s6;
	s9 =	simm.s32 $0x0  }
.LBB2_7:
0xa: {  	p1 =	slt.u32 s9, $0x2;
	s11 =	sadd.s32 $0x100, s10  }
0xb: {  	s13 =	smov.u32 s6;
	s9 =	sadd.s32 $0x1, s9;
	p2 =	slt.s32 s11, s8  }
0xc: {  	s13 =	smov.u32 @p2 s11;
	p2 =	sne.s32 s9, $0xA  }
.Ltmp1:
0xd: {  	_ = 	snop;
	(pc) =	sbr.rel @!p2 .LBB2_8-.Ltmp1, $4  }
0xe: {  	s12 =	simm.s32 @!p1 $0x3  }
0xf: {  	_ =	swait.ge @!p1 [sflag:s12], $0x8000  }
0x10: {  	p0 =	por !p0, !p0;
	[sflag:s12] =	ssyncset.done @!p1 $0x0  }
0x11: {  	s11 =	smov.u32 s10;
	s10 =	smov.u32 s13;
	[sflag:s12] =	ssyncadd.s32 @!p1 $0xFFFF8000  }
.LBB2_1:
0x12: {  	p1 =	sgt.u32 s9, $0x7  }
0x13: {  	s12 =	sxor.u32 @!p1 $0xFFFFFFFF, s9  }
0x14: {  	s13 =	sshrl.u32 @!p1 s10, $0x3;
	s12 =	sshll.u32 @!p1 s12, $0x8  }
0x15: {  	s14 =	sand.u32 @!p1 $0x7, s10;
	s13 =	sadd.s32 @!p1 s3, s13;
	s12 =	sand.u32 @!p1 $0x100, s12  }
0x16: {  	[tilespmem:s12], [sflag:$0x2] =	stream.linear.gather @!p1 [hbm4b:s13+s14], $0x100, $0x38;
	[tilespmem:$0x10200] =	vst v63  }
0x17: {  	p1 =	seq.s32 s9, $0x0  }
0x18: {  	p2 =	seq.s32 @!p1 s9, $0x9  }
0x19: {  	p1 =	por p1, p2  }
.Ltmp2:
0x1a: {  	_ = 	snop;
	(pc) =	sbr.rel @p1 .LBB2_7-.Ltmp2, $1  }
0x1b: {  	_ =	sdelay $0x3  }
0x1c: {  	s12 =	simm.s32 $0x1  }
0x1d: {  	_ =	swait.ge [sflag:s5], $0x100;
	s12 =	simm.s32 @!p0 $0x0  }
0x1e: {  	[sflag:s5] =	ssyncset.done $0x0;
	s14 =	sshll.u32 s12, $0x8  }
0x1f: {  	[sflag:s5] =	ssyncadd.s32 $0xFFFFFF00;
	s13 =	sadd.s32 $0x0, s14  }
0x20: {  	v0 =	vld.msk [tilespmem:s13+$0x0 ss:$0x1], $0xffff;
	_ =	sdelay $0x4  }
0x21: {  	vm2 =	vgt.s32 v0, $0x0  }
0x22: {  	v0 =	vnsel vm2, $0x0, v0  }
0x23: {  	v0 =	vmin.u32 v0, $0x11FFF  }
0x24: {  	v0 =	vshll.u32 v0, $0x4;
	_ =	sdelay $0x2  }
0x25: {  	s12 =	sshll.u32 s12, $0xF  }
0x26: {  	s12 =	sor.u32 $0x200, s12  }
0x27: {  	[tilespmem:s12], [sflag:$0x1] =	stream.indirect_vreg.gather [hbm:s2], $0x80, v0, vm0, $0x38;
	[tilespmem:$0x10200] =	vst v63  }
0x28: {  	s15 =	sadd.s32 $0x10, s14;
	s13 =	sadd.s32 $0x400, s12  }
0x29: {  	[tilespmem:s13], [sflag:$0x1] =	stream.indirect_vreg.gather [hbm:s2], $0x80, v0, vm1, $0x38;
	[tilespmem:$0x10200] =	vst v63  }
0x2a: {  	s16 =	simm.s32 $0x80;
	v0 =	vld.msk [tilespmem:s15+$0x0 ss:$0x1], $0xffff;
	s15 =	smov.u32 s12  }
.LBB2_3:
0x2b: {  	p1 =	sne.s32 s16, $0x3C0;
	_ =	sdelay $0x4  }
0x2c: {  	vm2 =	vgt.s32 v0, $0x0  }
0x2d: {  	v0 =	vnsel vm2, $0x0, v0  }
0x2e: {  	v0 =	vmin.u32 v0, $0x11FFF  }
0x2f: {  	v0 =	vshll.u32 v0, $0x4;
	_ =	sdelay $0x3  }
.Ltmp3:
0x30: {  	s17 =	sshra.s32 s16, $0x2;
	s15 =	sadd.s32 $0x800, s15;
	(pc) =	sbr.rel @p1 .LBB2_3-.Ltmp3, $4  }
0x31: {  	[tilespmem:s15], [sflag:$0x1] =	stream.indirect_vreg.gather [hbm:s2], $0x80, v0, vm0, $0x38;
	[tilespmem:$0x10200] =	vst v63  }
0x32: {  	s17 =	sadd.s32 s17, s14;
	s18 =	sadd.s32 $0x400, s15  }
0x33: {  	[tilespmem:s18], [sflag:$0x1] =	stream.indirect_vreg.gather [hbm:s2], $0x80, v0, vm1, $0x38;
	[tilespmem:$0x10200] =	vst v63  }
0x34: {  	s16 =	sadd.s32 $0x40, s16;
	v0 =	vld.msk [tilespmem:s17+$0x0 ss:$0x1], $0xffff  }
0x35: {  	_ =	sdelay $0x3  }
0x36: {  	vm2 =	vgt.s32 v0, $0x0  }
0x37: {  	v0 =	vnsel vm2, $0x0, v0  }
0x38: {  	v0 =	vmin.u32 v0, $0x11FFF  }
0x39: {  	v0 =	vshll.u32 v0, $0x4;
	_ =	sdelay $0x3  }
0x3a: {  	s14 =	sadd.s32 $0x800, s15  }
0x3b: {  	[tilespmem:s14], [sflag:$0x1] =	stream.indirect_vreg.gather [hbm:s2], $0x80, v0, vm0, $0x38;
	[tilespmem:$0x10200] =	vst v63  }
0x3c: {  	s14 =	sadd.s32 $0x400, s14  }
0x3d: {  	[tilespmem:s14], [sflag:$0x1] =	stream.indirect_vreg.gather [hbm:s2], $0x80, v0, vm1, $0x38;
	[tilespmem:$0x10200] =	vst v63  }
0x3e: {  	s11 =	sshll.u32 s11, $0x4;
	_ =	swait.ge [sflag:s4], $0x8000  }
0x3f: {  	s11 =	sadd.s32 s11, s7;
	[sflag:s4] =	ssyncset.done $0x0  }
0x40: {  	s15 =	sadd.s32 $0x0, s11;
	s14 =	simm.s32 $0x80;
	[sflag:s4] =	ssyncadd.s32 $0xFFFF8000  }
.LBB2_5:
0x41: {  	[hbm:s15] =	stream.linear.scatter [tilespmem:s12], [sflag:$0x3], $0x400, $0x38;
	[tilespmem:$0x10200] =	vst v63  }
0x42: {  	s15 =	smov.u32 s14;
	s12 =	smov.u32 s13;
	p1 =	sne.s32 s14, $0xF80  }
.Ltmp4:
0x43: {  	s14 =	sadd.s32 $0x80, s14;
	(pc) =	sbr.rel @p1 .LBB2_5-.Ltmp4, $2  }
0x44: {  	_ =	sdelay $0x2  }
0x45: {  	s13 =	sadd.s32 $0x400, s13;
	s15 =	sadd.s32 s15, s11  }
.Ltmp5:
0x46: {  	(pc) =	sbr.rel .LBB2_7-.Ltmp5, $2  }
0x47: {  	_ =	sdelay $0x2  }
0x48: {  	[hbm:s15] =	stream.linear.scatter [tilespmem:s12], [sflag:$0x3], $0x400, $0x38;
	[tilespmem:$0x10200] =	vst v63  }
.LBB2_8:
0x49: {  	_ =	sfence.sel $0x180000  }
0x4a: {  	s2 =	simm.s32 $0x2;
	[bflag:$0x0] =	sbarrier.arrive $0xFFFF  }
0x4b: {  	s30 =	simm.s32 $0x3;
	[sflag:s2] =	ssyncpa.u1 $0x1  }
0x4c: {  	s31 =	simm.s32 $0x1;
	[sflag:s30] =	ssyncpa.u1 $0x1  }
0x4d: {  	[sflag:s31] =	ssyncpa.u1 $0x1  }
0x4e: {  	p0 =	sne.s32 s1, $0x0;
	_ =	strace $0x9000004A  }
0x4f: {  	s0 =	sadd.s32 @!p0 $0x100000, s0;
	[bflag:$0x2] =	sbarrier.arrive $0xFFFF  }
0x50: {  	[sflag:s0] =	ssyncadd.tile.s32 @!p0 $0x1;
	_ =	shalt  }
.Lfunc_end2:
_tile_overlayer_lowered:
.L_overlay_start_2:
0x51: {  	(tag) =	ssettag $0x2  }
0x52: {  	s0 =	rddreg [dreg:$0x0];
	s2 =	stileid.u32  }
0x53: {  	s1 =	rddreg [dreg:$0x1];
	p0 =	sne.s32 s2, $0x0  }
0x54: {  	s3 =	rddreg [dreg:$0x2];
	[bflag:$0x3] =	sbarrier.arrive $0xFFFF;
	s2 =	simm.s32 @!p0 $0x1C01  }
0x55: {  	[timem:s3], [sflag:s2] =	dma.local @!p0 [hbm:s0], s1  }
0x56: {  	s0 =	simm.s32 @!p0 $0x1  }
0x57: {  	_ =	swait.ge @!p0 [sflag:s0], s1  }
0x58: {  	s1 =	ssub.s32 @!p0 $0x0, s1;
	[sflag:s0] =	ssyncset.done @!p0 $0x0  }
0x59: {  	[sflag:s0] =	ssyncadd.s32 @!p0 s1  }
0x5a: {  	[bflag:$0x3] =	sbarrier.arrive $0xFFFF  }
0x5b: {  	_ =	shalt  }

// kernel: kernel.5.cloned.1.call-start
scs
__scs_entry_jumppad:
0x0: {  	(pc) =	sbr.rel $0x88, $3  }
0x1: {  	(tag) =	ssettag $0x0;
	lr =	simm.s32 $0x1  }
0x2: {  	[smem:$0x3F8E] =	sst lr;
	_ =	strace $0xD0000000  }
0x3: {  	_ = 	snop  }
0x4: {  	_ = 	snop  }
0x5: {  	_ = 	snop  }
0x6: {  	_ = 	snop  }
0x7: {  	_ = 	snop  }
__scs_overlays_trampoline_lowered:
0x8: {  	[smem:$0x3F9D] =	sst s0  }
0x9: {  	[smem:$0x3F9E] =	sst s1  }
0xa: {  	[smem:$0x3F9F] =	sst s2  }
0xb: {  	[smem:$0x3FA0] =	sst s3  }
0xc: {  	[smem:$0x3FA1] =	sst s4  }
0xd: {  	[smem:$0x3FA2] =	sst s5  }
0xe: {  	[smem:$0x3FA3] =	sst s6  }
0xf: {  	[smem:$0x3FA4] =	sst s7  }
0x10: {  	[smem:$0x3FA5] =	sst s8  }
0x11: {  	[smem:$0x3FA6] =	sst s9;
	s0 =	simm.s32 @!p0 $0x0  }
0x12: {  	s1 =	sld [smem:$0x3F8C];
	s0 =	simm.s32 @p0 $0x1  }
0x13: {  	[smem:$0x3FA7] =	sst s0;
	s0 =	simm.s32 @!p1 $0x0  }
0x14: {  	s2 =	sld [smem:$0x3F8B];
	s0 =	simm.s32 @p1 $0x1  }
0x15: {  	[smem:$0x3FA8] =	sst s0;
	s0 =	simm.s32 @!p2 $0x0  }
0x16: {  	s3 =	sld [smem:$0x3FDB];
	s0 =	simm.s32 @p2 $0x1  }
0x17: {  	s4 =	simm.s32 $0x1BF5;
	[smem:$0x3FAA] =	sst s0  }
0x18: {  	s0 =	sld [smem:$0x3F8D];
	_ =	swait.ge [sflag:s4], $0x0  }
0x19: {  	s7 =	sld [smem:$0x3F8E]  }
0x1a: {  	s8 =	sadd.s32 $0xFFFFE003, lr  }
0x1b: {  	s9 =	sadd.s32 $0xFFFFFEF7, lr;
	s5 =	simm.s32 $0xFFFFFFFF;
	p2 =	slt.u32 s8, $0xFFFFF086  }
0x1c: {  	p1 =	slt.u32 s9, $0xF7A;
	s5 =	simm.s32 @!p2 $0x0  }
0x1d: {  	s5 =	simm.s32 @p1 $0x1;
	p0 =	seq.s32 s7, s2  }
0x1e: {  	s7 =	smul.u32 @!p0 $0xF7A, s2;
	p2 =	seq.s32 @!p0 s5, $0x0  }
0x1f: {  	s9 =	smul.u32 $0xF7A, s1;
	s8 =	simm.s32 @!p0 $0x1BF5;
	p2 =	por !p2, p0  }
0x20: {  	[sflag:s8] =	ssyncset.s32 @!p0 $0xFFFFF086;
	s6 =	sadd.s32 @!p0 s3, s7;
	s7 =	simm.s32 @!p0 $0x108  }
0x21: {  	s3 =	sadd.s32 s3, s9;
	s6 =	sadd.s32 @!p0 $0x88, s6;
	s7 =	simm.s32 @p2 $0x1082  }
0x22: {  	[simem:s7], [sflag:s8] =	dma.local @!p0 [hbm:s6], $0xF7A  }
0x23: {  	s9 =	sor.u32 $0xD0000000, s2;
	s6 =	simm.s32 $0x108;
	_ =	swait.ge @!p0 [sflag:s8], $0x0  }
0x24: {  	s3 =	sadd.s32 $0x88, s3;
	s6 =	simm.s32 @!p1 $0x1082;
	[sflag:s4] =	ssyncset.s32 $0xFFFFF086  }
0x25: {  	[simem:s6], [sflag:s4] =	dma.local [hbm:s3], $0xF7A  }
0x26: {  	[smem:$0x3F8E] =	sst s1;
	(tag) =	ssettag s2;
	_ =	strace s9  }
0x27: {  	s1 =	sld [smem:$0x3F9E]  }
0x28: {  	s2 =	sld [smem:$0x3F9F]  }
0x29: {  	s4 =	sld [smem:$0x3FA1]  }
0x2a: {  	p0 =	seq.s32 s5, $0x0;
	s5 =	sld [smem:$0x3FA2]  }
0x2b: {  	s6 =	sld [smem:$0x3FA3]  }
0x2c: {  	s7 =	sld [smem:$0x3FA4]  }
0x2d: {  	s3 =	simm.s32 $0x108;
	s8 =	sld [smem:$0x3FA5]  }
0x2e: {  	s3 =	simm.s32 @!p0 $0x1082;
	s9 =	sld [smem:$0x3FA6]  }
0x2f: {  	lr =	sadd.s32 s0, s3;
	s0 =	sld [smem:$0x3F9D]  }
0x30: {  	s3 =	sld [smem:$0x3FA0]  }
0x31: {  	[smem:$0x3FA9] =	sst s10  }
0x32: {  	s10 =	sld [smem:$0x3FA7];
	_ =	sdelay $0x3  }
0x33: {  	p0 =	seq.s32 s10, $0x1;
	s10 =	sld [smem:$0x3FA9];
	_ =	sdelay $0x3  }
0x34: {  	[smem:$0x3FA9] =	sst s10  }
0x35: {  	s10 =	sld [smem:$0x3FA8];
	_ =	sdelay $0x3  }
0x36: {  	p1 =	seq.s32 s10, $0x1;
	s10 =	sld [smem:$0x3FA9];
	_ =	sdelay $0x3  }
0x37: {  	[smem:$0x3FA9] =	sst s10  }
0x38: {  	s10 =	sld [smem:$0x3FAA]  }
0x39: {  	_ = 	snop;
	(pc) =	sbr.ind lr, $3  }
0x3a: {  	_ = 	snop  }
0x3b: {  	_ = 	snop  }
0x3c: {  	p2 =	seq.s32 s10, $0x1;
	s10 =	sld [smem:$0x3FA9]  }
0x3d: {  	_ =	shalt  }
0x3e: {  	_ =	shalt  }
0x3f: {  	_ =	shalt  }
0x40: {  	_ =	shalt  }
0x41: {  	_ =	shalt  }
0x42: {  	_ =	shalt  }
0x43: {  	_ =	shalt  }
0x44: {  	_ =	shalt  }
0x45: {  	_ =	shalt  }
0x46: {  	_ =	shalt  }
0x47: {  	_ =	shalt  }
0x48: {  	_ =	shalt  }
0x49: {  	_ =	shalt  }
0x4a: {  	_ =	shalt  }
0x4b: {  	_ =	shalt  }
0x4c: {  	_ =	shalt  }
0x4d: {  	_ =	shalt  }
0x4e: {  	_ =	shalt  }
0x4f: {  	_ =	shalt  }
0x50: {  	_ =	shalt  }
0x51: {  	_ =	shalt  }
0x52: {  	_ =	shalt  }
0x53: {  	_ =	shalt  }
0x54: {  	_ =	shalt  }
0x55: {  	_ =	shalt  }
0x56: {  	_ =	shalt  }
0x57: {  	_ =	shalt  }
0x58: {  	_ =	shalt  }
0x59: {  	_ =	shalt  }
0x5a: {  	_ =	shalt  }
0x5b: {  	_ =	shalt  }
0x5c: {  	_ =	shalt  }
0x5d: {  	_ =	shalt  }
0x5e: {  	_ =	shalt  }
0x5f: {  	_ =	shalt  }
0x60: {  	_ =	shalt  }
0x61: {  	_ =	shalt  }
0x62: {  	_ =	shalt  }
0x63: {  	_ =	shalt  }
0x64: {  	_ =	shalt  }
0x65: {  	_ =	shalt  }
0x66: {  	_ =	shalt  }
0x67: {  	_ =	shalt  }
0x68: {  	_ =	shalt  }
0x69: {  	_ =	shalt  }
0x6a: {  	_ =	shalt  }
0x6b: {  	_ =	shalt  }
0x6c: {  	_ =	shalt  }
0x6d: {  	_ =	shalt  }
0x6e: {  	_ =	shalt  }
0x6f: {  	_ =	shalt  }
0x70: {  	_ =	shalt  }
0x71: {  	_ =	shalt  }
0x72: {  	_ =	shalt  }
0x73: {  	_ =	shalt  }
0x74: {  	_ =	shalt  }
0x75: {  	_ =	shalt  }
0x76: {  	_ =	shalt  }
0x77: {  	_ =	shalt  }
0x78: {  	_ =	shalt  }
0x79: {  	_ =	shalt  }
0x7a: {  	_ =	shalt  }
0x7b: {  	_ =	shalt  }
0x7c: {  	_ =	shalt  }
0x7d: {  	_ =	shalt  }
0x7e: {  	_ =	shalt  }
0x7f: {  	_ =	shalt  }
0x80: {  	_ =	shalt  }
0x81: {  	_ =	shalt  }
0x82: {  	_ =	shalt  }
0x83: {  	_ =	shalt  }
0x84: {  	_ =	shalt  }
0x85: {  	_ =	shalt  }
0x86: {  	_ =	shalt  }
0x87: {  	_ =	shalt  }
.Lfunc_end0:
.L_simem_size_0:
called_computation.1_lowered:
.L_overlay_start_0:
0x88: {  	s2 =	sld [smem:$0x3FD9]  }
0x89: {  	s3 =	sld [smem:$0x3FFE];
	_ =	sdelay $0x1  }
0x8a: {  	s1 =	srdreg.scid  }
0x8b: {  	s0 =	sand.u32 $0x1, s1  }
0x8c: {  	s14 =	sshll.u32 s0, $0xA;
	s2 =	sadd.s32 s3, s2  }
0x8d: {  	s2 =	sadd.s32 s2, s14  }
0x8e: {  	[smem:$0x3FB5] =	sst s2  }
0x8f: {  	_ = 	snop  }
0x90: {  	s2 =	sld [smem:$0x3FD0];
	_ =	sdelay $0x2  }
0x91: {  	s15 =	simm.s32 $0xA;
	s4 =	simm.s32 $0x10  }
0x92: {  	[smem:s4], [sflag:s15] =	dma.local [hbm:s2], $0x1  }
0x93: {  	_ =	swait.eq [sflag:s15], $0x1  }
0x94: {  	[sflag:s15] =	ssyncset.done $0x0  }
0x95: {  	[sflag:s15] =	ssyncadd.s32 $0xFFFFFFFF  }
0x96: {  	s16 =	sld [smem:$0x10];
	(tm) =	ssettm $0x1  }
0x97: {  	s17 =	sld [smem:$0x3FFB];
	_ =	sdelay $0x3  }
0x98: {  	_ =	strace s17  }
0x99: {  	s3 =	sld [smem:$0x3FFC];
	_ =	sdelay $0x3  }
0x9a: {  	_ =	strace s3  }
0x9b: {  	s3 =	sld [smem:$0x3FFD];
	_ =	sdelay $0x3  }
0x9c: {  	_ =	strace s3  }
0x9d: {  	_ =	strace $0x8FFFFFFF  }
0x9e: {  	s18 =	sld [smem:$0x3FDB];
	_ =	sdelay $0x1  }
0x9f: {  	s19 =	simm.s32 $_scs_section_size  }
0xa0: {  	s5 =	simm.s32 $_size__tile_overlayer_lowered;
	s6 =	simm.s32 $_tile_overlayer_lowered  }
0xa1: {  	s22 =	simm.s32 $0x1BFF;
	s21 =	sshll.u32 s6, $0x1;
	s3 =	sadd.s32 s19, s18  }
0xa2: {  	s7 =	simm.s32 $0x0;
	s20 =	sshll.u32 s5, $0x1;
	s5 =	sadd.s32 s21, s3  }
0xa3: {  	[timem:s7], [sflag:s22] =	dma.local [hbm:s5], s20  }
0xa4: {  	_ =	swait.ge [sflag:s22], s20  }
0xa5: {  	s4 =	ssub.s32 $0x0, s20;
	[sflag:s22] =	ssyncset.done $0x0  }
0xa6: {  	[sflag:s22] =	ssyncadd.s32 s4;
	_ =	sdelay $0x1  }
0xa7: {  	s23 =	simm.s32 $0x1B8B  }
0xa8: {  	_ =	swait.ge [sflag:s23], $0x1  }
0xa9: {  	[sflag:s23] =	ssyncset.done $0x0  }
0xaa: {  	s25 =	simm.s32 $0x1B8E;
	s24 =	sld [smem:$0x3FFE];
	[sflag:s23] =	ssyncadd.s32 $0xFFFFFFFF  }
0xab: {  	s26 =	simm.s32 $execute0_lowered;
	[smem:$0x3FD2] =	sst s25  }
0xac: {  	s5 =	sshll.u32 s26, $0x1;
	_ =	strace $0x80000046;
	[dreg:$0x1] =	wrdreg $0xFFFFFFFF  }
0xad: {  	s28 =	simm.s32 $_size_execute0_lowered;
	s3 =	sadd.s32 s3, s5;
	[dreg:$0x0] =	wrdreg $0x0  }
0xae: {  	s5 =	sshll.u32 s28, $0x1;
	[dreg:$0x2] =	wrdreg s3  }
0xaf: {  	[dreg:$0x3] =	wrdreg s5  }
0xb0: {  	[dreg:$0x4] =	wrdreg $0xC0  }
0xb1: {  	_ =	task [dreg:s7], $0x5FFFF  }
0xb2: {  	[dreg:$0x1] =	wrdreg $0xFFFFFFFF  }
0xb3: {  	[dreg:$0x0] =	wrdreg $0x60  }
0xb4: {  	[dreg:$0x2] =	wrdreg s24  }
0xb5: {  	[dreg:$0x3] =	wrdreg s16  }
0xb6: {  	[dreg:$0x4] =	wrdreg $0x9  }
0xb7: {  	_ =	task.clear_ibuf [dreg:s7], $0x5FFFF;
	_ =	strace $0x90000046  }
0xb8: {  	s29 =	simm.s32 $0x9;
	_ =	strace $0x80000048  }
0xb9: {  	_ =	swait.ge [sflag:s29], $0x1  }
0xba: {  	[sflag:s29] =	ssyncadd.s32 $0xFFFFFFFF  }
0xbb: {  	_ =	strace $0x90000048  }
0xbc: {  	_ =	sfence  }
0xbd: {  	s30 =	sld [smem:$0x0];
	_ =	sdelay $0x2  }
0xbe: {  	s31 =	sshll.u32 s1, $0xD;
	s1 =	sshrl.u32 s1, $0x2  }
0xbf: {  	s3 =	sand.u32 $0x4000, s31;
	s1 =	sadd.s32 s1, s30  }
0xc0: {  	s0 =	sor.u32 s3, s0;
	s1 =	sshll.u32 s1, $0x11  }
0xc1: {  	s0 =	sor.u32 s1, s0  }
0xc2: {  	s0 =	sadd.s32 $0x8F2B, s0  }
0xc3: {  	[sflag:s0] =	ssyncadd.remote.s32 $0x1  }
0xc4: {  	_ =	sfence.sel $0xFFFF  }
0xc5: {  	[dreg:$0x0] =	wrdreg $0xFFFFFFFF;
	(pc) =	sbr.abs _section_cstart, $3  }
0xc6: {  	[dreg:$0x1] =	wrdreg $0xFFFFFFFF  }
0xc7: {  	_ =	task.clear_ibuf [dreg:s7], $0x2FFFF;
	_ =	strace $0x9FFFFFFF  }
0xc8: {  	(tm) =	ssettm $0x7FFFFFFF  }
0xc9: {  	_ =	shalt  }
tec
execute0_lowered:
.L_overlay_start_1:
0x0: {  	(tag) =	ssettag $0x1  }
0x1: {  	s1 =	srdreg.scid  }
0x2: {  	s0 =	stileid.u32;
	s4 =	sand.u32 $0x1, s1  }
0x3: {  	s8 =	sshll.u32 s0, $0xC;
	s2 =	sshll.u32 s4, $0xB  }
0x4: {  	v58 =	vlaneseq.u32;
	s2 =	sor.u32 s2, s8  }
0x5: {  	s1 =	sor.u32 $0x10, s2;
	v0 =	vor.u32 s2, v58  }
0x6: {  	s9 =	sor.u32 $0x20, s2;
	v1 =	vor.u32 s1, v58;
	v0 =	vshrl.u32 v0, $0x2  }
0x7: {  	s3 =	sor.u32 $0x30, s2;
	v47 =	vor.u32 s9, v58;
	[tilespmem:$0x1FBC0] =	vst v0;
	v46 =	vshrl.u32 v1, $0x2  }
0x8: {  	s5 =	sor.u32 $0x40, s2;
	v48 =	vor.u32 s3, v58;
	v0 =	vshrl.u32 v47, $0x2;
	[tilespmem:$0x1FBD0] =	vst v46  }
0x9: {  	s11 =	sor.u32 $0x60, s2;
	v2 =	vor.u32 s5, v58;
	v49 =	vshrl.u32 v48, $0x2;
	[tilespmem:$0x1FBE0] =	vst v0  }
0xa: {  	s12 =	sor.u32 $0x70, s2;
	v52 =	vor.u32 s11, v58;
	v50 =	vshrl.u32 v2, $0x2;
	[tilespmem:$0x1FBF0] =	vst v49  }
0xb: {  	s10 =	sor.u32 $0x50, s2;
	s14 =	sor.u32 $0x90, s2;
	v53 =	vor.u32 s12, v58;
	v54 =	vshrl.u32 v52, $0x2;
	[tilespmem:$0x1FC00] =	vst v50  }
0xc: {  	s13 =	sor.u32 $0x80, s2;
	s15 =	sor.u32 $0xA0, s2;
	v51 =	vor.u32 s10, v58;
	v57 =	vor.u32 s14, v58;
	v55 =	vshrl.u32 v53, $0x2;
	[tilespmem:$0x1FC20] =	vst v54  }
0xd: {  	s16 =	sor.u32 $0xB0, s2;
	s17 =	sor.u32 $0xC0, s2;
	v56 =	vor.u32 s13, v58;
	v59 =	vor.u32 s15, v58;
	v60 =	vshrl.u32 v57, $0x2;
	[tilespmem:$0x1FC30] =	vst v55  }
0xe: {  	s18 =	sor.u32 $0xD0, s2;
	s19 =	sor.u32 $0xE0, s2;
	v62 =	vor.u32 s16, v58;
	v63 =	vor.u32 s17, v58;
	v61 =	vshrl.u32 v59, $0x2;
	[tilespmem:$0x1FC50] =	vst v60  }
0xf: {  	s20 =	sor.u32 $0xF0, s2;
	s21 =	sor.u32 $0x100, s2;
	v32 =	vor.u32 s18, v58;
	v35 =	vor.u32 s19, v58;
	v33 =	vshrl.u32 v63, $0x2;
	[tilespmem:$0x1FC60] =	vst v61  }
0x10: {  	s22 =	sor.u32 $0x110, s2;
	s23 =	sor.u32 $0x120, s2;
	v36 =	vor.u32 s20, v58;
	v37 =	vor.u32 s21, v58;
	v34 =	vshrl.u32 v32, $0x2;
	[tilespmem:$0x1FC80] =	vst v33  }
0x11: {  	s24 =	sor.u32 $0x130, s2;
	s25 =	sor.u32 $0x140, s2;
	v40 =	vor.u32 s22, v58;
	v41 =	vor.u32 s23, v58;
	v38 =	vshrl.u32 v36, $0x2;
	[tilespmem:$0x1FC90] =	vst v34  }
0x12: {  	s0 =	sor.u32 $0x160, s2;
	v42 =	vor.u32 s24, v58;
	v45 =	vor.u32 s25, v58;
	v39 =	vshrl.u32 v37, $0x2;
	[tilespmem:$0x1FCB0] =	vst v38  }
0x13: {  	s6 =	sor.u32 $0x190, s2;
	s9 =	sor.u32 $0x1C0, s2;
	s12 =	sor.u32 $0x1F0, s2;
	v43 =	vshrl.u32 v41, $0x2;
	v44 =	vshrl.u32 v42, $0x2;
	v47 =	vor.u32 s0, v58;
	[tilespmem:$0x1FCC0] =	vst v39  }
0x14: {  	s15 =	sor.u32 $0x220, s2;
	s18 =	sor.u32 $0x250, s2;
	v52 =	vor.u32 s6, v58;
	v57 =	vor.u32 s9, v58;
	v63 =	vor.u32 s12, v58;
	[tilespmem:$0x1FCE0] =	vst v43  }
0x15: {  	s26 =	sor.u32 $0x150, s2;
	s3 =	sor.u32 $0x170, s2;
	v36 =	vor.u32 s15, v58;
	v41 =	vor.u32 s18, v58;
	v0 =	vshrl.u32 v51, $0x2;
	[tilespmem:$0x1FCF0] =	vst v44  }
0x16: {  	s7 =	sor.u32 $0x1A0, s2;
	s5 =	sor.u32 $0x180, s2;
	v46 =	vor.u32 s26, v58;
	v49 =	vshrl.u32 v47, $0x2;
	v50 =	vor.u32 s3, v58;
	[tilespmem:$0x1FC10] =	vst v0  }
0x17: {  	s10 =	sor.u32 $0x1D0, s2;
	v51 =	vor.u32 s5, v58;
	v54 =	vshrl.u32 v52, $0x2;
	v55 =	vor.u32 s7, v58;
	[tilespmem:$0x1FD20] =	vst v49  }
0x18: {  	s13 =	sor.u32 $0x200, s2;
	s16 =	sor.u32 $0x230, s2;
	v60 =	vshrl.u32 v57, $0x2;
	v61 =	vor.u32 s10, v58;
	v33 =	vshrl.u32 v63, $0x2;
	[tilespmem:$0x1FD50] =	vst v54  }
0x19: {  	s19 =	sor.u32 $0x260, s2;
	v34 =	vor.u32 s13, v58;
	v38 =	vshrl.u32 v36, $0x2;
	v39 =	vor.u32 s16, v58;
	[tilespmem:$0x1FD80] =	vst v60  }
0x1a: {  	s8 =	sor.u32 $0x1B0, s2;
	v43 =	vshrl.u32 v41, $0x2;
	v44 =	vor.u32 s19, v58;
	v0 =	vshrl.u32 v56, $0x2;
	[tilespmem:$0x1FDB0] =	vst v33  }
0x1b: {  	s21 =	sor.u32 $0x280, s2;
	s22 =	sor.u32 $0x290, s2;
	s24 =	sor.u32 $0x2B0, s2;
	v48 =	vshrl.u32 v46, $0x2;
	v53 =	vshrl.u32 v51, $0x2;
	v56 =	vor.u32 s8, v58;
	[tilespmem:$0x1FDE0] =	vst v38  }
0x1c: {  	s25 =	sor.u32 $0x2C0, s2;
	s6 =	sor.u32 $0x2F0, s2;
	s9 =	sor.u32 $0x320, s2;
	[tilespmem:$0x1FE10] =	vst v43;
	v46 =	vor.u32 s21, v58;
	v49 =	vor.u32 s22, v58;
	v51 =	vor.u32 s24, v58  }
0x1d: {  	s12 =	sor.u32 $0x350, s2;
	s15 =	sor.u32 $0x380, s2;
	v54 =	vor.u32 s25, v58;
	v60 =	vor.u32 s6, v58;
	v33 =	vor.u32 s9, v58;
	[tilespmem:$0x1FC40] =	vst v0  }
0x1e: {  	s11 =	sor.u32 $0x1E0, s2;
	v38 =	vor.u32 s12, v58;
	v43 =	vor.u32 s15, v58;
	v0 =	vshrl.u32 v62, $0x2;
	[tilespmem:$0x1FD10] =	vst v48  }
0x1f: {  	s0 =	sor.u32 $0x2E0, s2;
	s9 =	sor.u32 $0x490, s2;
	[tilespmem:$0x1FD40] =	vst v53;
	v59 =	vshrl.u32 v56, $0x2;
	v62 =	vor.u32 s11, v58;
	v48 =	vshrl.u32 v46, $0x2  }
0x20: {  	s12 =	sor.u32 $0x4C0, s2;
	s15 =	sor.u32 $0x4F0, s2;
	v53 =	vshrl.u32 v51, $0x2;
	v56 =	vor.u32 s0, v58;
	v9 =	vor.u32 s9, v58;
	[tilespmem:$0x1FC70] =	vst v0  }
0x21: {  	s14 =	sor.u32 $0x210, s2;
	v12 =	vor.u32 s12, v58;
	v15 =	vor.u32 s15, v58;
	v0 =	vshrl.u32 v35, $0x2;
	[tilespmem:$0x1FD70] =	vst v59  }
0x22: {  	s18 =	sor.u32 $0x3B0, s2;
	s8 =	sor.u32 $0x310, s2;
	s21 =	sor.u32 $0x3E0, s2;
	v32 =	vshrl.u32 v62, $0x2;
	v35 =	vor.u32 s14, v58;
	[tilespmem:$0x1FE40] =	vst v48;
	v59 =	vshrl.u32 v56, $0x2  }
0x23: {  	s0 =	sor.u32 $0x450, s2;
	[tilespmem:$0x1FE70] =	vst v53;
	v62 =	vor.u32 s8, v58;
	v48 =	vor.u32 s18, v58;
	v53 =	vor.u32 s21, v58  }
0x24: {  	v5 =	vor.u32 s0, v58;
	v9 =	vshrl.u32 v9, $0x2;
	v12 =	vshrl.u32 v12, $0x2  }
0x25: {  	s17 =	sor.u32 $0x240, s2;
	s11 =	sor.u32 $0x340, s2;
	v15 =	vshrl.u32 v15, $0x2;
	[tilespmem:$0x1FCA0] =	vst v0;
	v0 =	vshrl.u32 v40, $0x2;
	v37 =	vshrl.u32 v35, $0x2  }
0x26: {  	s24 =	sor.u32 $0x410, s2;
	s8 =	sor.u32 $0x460, s2;
	[tilespmem:$0x1FDA0] =	vst v32;
	v40 =	vor.u32 s17, v58;
	v32 =	vshrl.u32 v62, $0x2;
	v35 =	vor.u32 s11, v58  }
0x27: {  	s18 =	sor.u32 $0x520, s2;
	s21 =	sor.u32 $0x540, s2;
	s0 =	sor.u32 $0x5A0, s2;
	[tilespmem:$0x1FEA0] =	vst v59;
	v59 =	vor.u32 s24, v58;
	v6 =	vor.u32 s8, v58;
	v5 =	vshrl.u32 v5, $0x2  }
0x28: {  	s20 =	sor.u32 $0x270, s2;
	v18 =	vor.u32 s18, v58;
	v20 =	vor.u32 s21, v58;
	v26 =	vor.u32 s0, v58  }
0x29: {  	s14 =	sor.u32 $0x370, s2;
	[tilespmem:$0x1FCD0] =	vst v0;
	v0 =	vshrl.u32 v45, $0x2;
	v42 =	vshrl.u32 v40, $0x2;
	v45 =	vor.u32 s20, v58  }
0x2a: {  	s8 =	sor.u32 $0x480, s2;
	s11 =	sor.u32 $0x4B0, s2;
	[tilespmem:$0x1FDD0] =	vst v37;
	v37 =	vshrl.u32 v35, $0x2;
	v40 =	vor.u32 s14, v58;
	v6 =	vshrl.u32 v6, $0x2  }
0x2b: {  	s24 =	sor.u32 $0x570, s2;
	v8 =	vor.u32 s8, v58;
	v11 =	vor.u32 s11, v58;
	v18 =	vshrl.u32 v18, $0x2  }
0x2c: {  	s12 =	sor.u32 $0x600, s2;
	s18 =	sor.u32 $0x5F0, s2;
	[tilespmem:$0x1FED0] =	vst v32;
	v20 =	vshrl.u32 v20, $0x2;
	v23 =	vor.u32 s24, v58;
	v26 =	vshrl.u32 v26, $0x2  }
0x2d: {  	s23 =	sor.u32 $0x2A0, s2;
	v31 =	vor.u32 s18, v58;
	v32 =	vor.u32 s12, v58;
	[tilespmem:$0x1FD00] =	vst v0;
	v0 =	vshrl.u32 v50, $0x2  }
0x2e: {  	s17 =	sor.u32 $0x3A0, s2;
	[tilespmem:$0x1FE00] =	vst v42;
	v47 =	vshrl.u32 v45, $0x2;
	v50 =	vor.u32 s23, v58;
	v42 =	vshrl.u32 v40, $0x2  }
0x2f: {  	s14 =	sor.u32 $0x4E0, s2;
	s11 =	sor.u32 $0x5C0, s2;
	v45 =	vor.u32 s17, v58;
	v8 =	vshrl.u32 v8, $0x2;
	v11 =	vshrl.u32 v11, $0x2  }
0x30: {  	s15 =	sor.u32 $0x650, s2;
	v14 =	vor.u32 s14, v58;
	v23 =	vshrl.u32 v23, $0x2;
	v28 =	vor.u32 s11, v58  }
0x31: {  	s26 =	sor.u32 $0x2D0, s2;
	[tilespmem:$0x1FF00] =	vst v37;
	v31 =	vshrl.u32 v31, $0x2;
	v32 =	vshrl.u32 v32, $0x2;
	v37 =	vor.u32 s15, v58  }
0x32: {  	s20 =	sor.u32 $0x3D0, s2;
	[tilespmem:$0x1FD30] =	vst v0;
	v0 =	vshrl.u32 v55, $0x2;
	v52 =	vshrl.u32 v50, $0x2;
	v55 =	vor.u32 s26, v58  }
0x33: {  	s17 =	sor.u32 $0x510, s2;
	[tilespmem:$0x1FE30] =	vst v47;
	v47 =	vshrl.u32 v45, $0x2;
	v50 =	vor.u32 s20, v58;
	v14 =	vshrl.u32 v14, $0x2  }
0x34: {  	s7 =	sor.u32 $0x300, s2;
	v17 =	vor.u32 s17, v58;
	v28 =	vshrl.u32 v28, $0x2;
	v37 =	vshrl.u32 v37, $0x2  }
0x35: {  	s23 =	sor.u32 $0x400, s2;
	s26 =	sor.u32 $0x440, s2;
	[tilespmem:$0x1FD60] =	vst v0;
	v0 =	vshrl.u32 v61, $0x2;
	v57 =	vshrl.u32 v55, $0x2;
	v61 =	vor.u32 s7, v58  }
0x36: {  	s20 =	sor.u32 $0x530, s2;
	s17 =	sor.u32 $0x5E0, s2;
	[tilespmem:$0x1FE60] =	vst v52;
	v52 =	vshrl.u32 v50, $0x2;
	v55 =	vor.u32 s23, v58;
	v4 =	vor.u32 s26, v58  }
0x37: {  	s29 =	sor.u32 $0x6F0, s2;
	[tilespmem:$0x1FF60] =	vst v47;
	v17 =	vshrl.u32 v17, $0x2;
	v19 =	vor.u32 s20, v58;
	v30 =	vor.u32 s17, v58  }
0x38: {  	s10 =	sor.u32 $0x330, s2;
	s7 =	sor.u32 $0x430, s2;
	v47 =	vor.u32 s29, v58;
	[tilespmem:$0x1FD90] =	vst v0;
	v0 =	vshrl.u32 v34, $0x2;
	v63 =	vshrl.u32 v61, $0x2  }
0x39: {  	[tilespmem:$0x1FE90] =	vst v57;
	v34 =	vor.u32 s10, v58;
	v57 =	vshrl.u32 v55, $0x2;
	v3 =	vor.u32 s7, v58  }
0x3a: {  	[tilespmem:$0x1FF30] =	vst v42;
	s23 =	sor.u32 $0x560, s2;
	s26 =	sor.u32 $0x590, s2;
	v61 =	vshrl.u32 v59, $0x2;
	v4 =	vshrl.u32 v4, $0x2;
	v19 =	vshrl.u32 v19, $0x2  }
0x3b: {  	s11 =	sor.u32 $0x740, s2;
	s17 =	sor.u32 $0x770, s2;
	[tilespmem:$0x1FF90] =	vst v52;
	v22 =	vor.u32 s23, v58;
	v25 =	vor.u32 s26, v58;
	v30 =	vshrl.u32 v30, $0x2  }
0x3c: {  	s13 =	sor.u32 $0x360, s2;
	v47 =	vshrl.u32 v47, $0x2;
	v52 =	vor.u32 s11, v58;
	v55 =	vor.u32 s17, v58;
	[tilespmem:$0x1FDC0] =	vst v0  }
0x3d: {  	s31 =	simm.s32 $0x1780;
	s7 =	sor.u32 $0x470, s2;
	s10 =	sor.u32 $0x4A0, s2;
	v0 =	vshrl.u32 v39, $0x2;
	[tilespmem:$0x1FEC0] =	vst v63;
	v36 =	vshrl.u32 v34, $0x2;
	v39 =	vor.u32 s13, v58  }
0x3e: {  	s4 =	ssub.s32 $0x2, s4;
	s28 =	sor.u32 $0x6E0, s2;
	s14 =	sor.u32 $0x620, s2;
	[tilespmem:$0x1FFC0] =	vst v57;
	v63 =	vshrl.u32 v3, $0x2;
	v7 =	vor.u32 s7, v58;
	v10 =	vor.u32 s10, v58  }
0x3f: {  	s30 =	sor.u32 $0x700, s2;
	s23 =	sor.u32 $0x6A0, s2;
	s26 =	sor.u32 $0x6D0, s2;
	[tilespmem:$0x1FFD0] =	vst v61;
	v22 =	vshrl.u32 v22, $0x2;
	v25 =	vshrl.u32 v25, $0x2;
	v34 =	vor.u32 s14, v58  }
0x40: {  	s1 =	rddreg [dreg:$0x1];
	s16 =	sor.u32 $0x390, s2;
	s19 =	sor.u32 $0x3C0, s2;
	v42 =	vor.u32 s23, v58;
	v45 =	vor.u32 s26, v58;
	v52 =	vshrl.u32 v52, $0x2;
	[tilespmem:$0x1FDF0] =	vst v0  }
0x41: {  	s3 =	simm.s32 $0x0;
	s5 =	simm.s32 $0x1800;
	s22 =	sor.u32 $0x3F0, s2;
	v55 =	vshrl.u32 v55, $0x2;
	v0 =	vshrl.u32 v44, $0x2;
	[tilespmem:$0x1FEF0] =	vst v36;
	v41 =	vshrl.u32 v39, $0x2  }
0x42: {  	s13 =	sor.u32 $0x4D0, s2;
	s10 =	sor.u32 $0x5B0, s2;
	s7 =	sor.u32 $0x5D0, s2;
	v44 =	vor.u32 s16, v58;
	[tilespmem:$0x1FFF0] =	vst v63;
	v7 =	vshrl.u32 v7, $0x2;
	v10 =	vshrl.u32 v10, $0x2  }
0x43: {  	s6 =	rddreg [dreg:$0x0];
	s9 =	sshrl.u32 s2, $0x3;
	s21 =	sor.u32 $0x640, s2;
	v13 =	vor.u32 s13, v58;
	v27 =	vor.u32 s10, v58;
	v29 =	vor.u32 s7, v58;
	[tilespmem:$0x1FE20] =	vst v0  }
0x44: {  	s25 =	sor.u32 $0x420, s2;
	s9 =	sadd.s32 s9, s6;
	s20 =	sor.u32 $0x670, s2;
	v36 =	vor.u32 s21, v58;
	v34 =	vshrl.u32 v34, $0x2;
	v0 =	vshrl.u32 v49, $0x2;
	[tilespmem:$0x1FF20] =	vst v41  }
0x45: {  	[smem:$0x7FF] =	sst s3;
	s6 =	sadd.s32 $0x44200, s6;
	s9 =	sadd.s32 $0x42200, s9;
	v39 =	vor.u32 s20, v58;
	v42 =	vshrl.u32 v42, $0x2;
	v46 =	vshrl.u32 v44, $0x2;
	[tilespmem:$0x1FE50] =	vst v0  }
0x46: {  	s0 =	sor.u32 $0x690, s2;
	s24 =	sor.u32 $0x6B0, s2;
	s16 =	sor.u32 $0x500, s2;
	v45 =	vshrl.u32 v45, $0x2;
	v49 =	vor.u32 s19, v58;
	v0 =	vshrl.u32 v54, $0x2;
	[tilespmem:$0x1FF50] =	vst v46  }
0x47: {  	s8 =	sor.u32 $0x730, s2;
	s12 =	sor.u32 $0x750, s2;
	s18 =	sor.u32 $0x780, s2;
	v13 =	vshrl.u32 v13, $0x2;
	v16 =	vor.u32 s16, v58;
	v51 =	vshrl.u32 v49, $0x2;
	[tilespmem:$0x1FE80] =	vst v0  }
0x48: {  	s15 =	simm.s32 $0x1000;
	s29 =	simm.s32 $0x1700;
	s11 =	simm.s32 $0xB00;
	v27 =	vshrl.u32 v27, $0x2;
	v54 =	vor.u32 s22, v58;
	v0 =	vshrl.u32 v60, $0x2;
	[tilespmem:$0x1FF80] =	vst v51  }
0x49: {  	s17 =	simm.s32 $0xC80;
	s14 =	simm.s32 $0x800;
	s23 =	simm.s32 $0x1080;
	v29 =	vshrl.u32 v29, $0x2;
	v36 =	vshrl.u32 v36, $0x2;
	v56 =	vshrl.u32 v54, $0x2;
	[tilespmem:$0x1FEB0] =	vst v0  }
0x4a: {  	s26 =	simm.s32 $0xA00;
	s13 =	sor.u32 $0x610, s2;
	s7 =	sor.u32 $0x720, s2;
	v39 =	vshrl.u32 v39, $0x2;
	v60 =	vor.u32 s25, v58;
	v0 =	vshrl.u32 v33, $0x2;
	[tilespmem:$0x1FFB0] =	vst v56  }
0x4b: {  	s20 =	sor.u32 $0x7A0, s2;
	s21 =	sor.u32 $0x7B0, s2;
	s10 =	sor.u32 $0x7E0, s2;
	v41 =	vor.u32 s0, v58;
	v50 =	vor.u32 s7, v58;
	v62 =	vshrl.u32 v60, $0x2;
	[tilespmem:$0x1FEE0] =	vst v0  }
0x4c: {  	s19 =	sshrl.u32 s4, $0x1;
	s16 =	sor.u32 $0x660, s2;
	s0 =	sor.u32 $0x7D0, s2;
	v59 =	vor.u32 s20, v58;
	v63 =	vor.u32 s10, v58;
	v0 =	vshrl.u32 v38, $0x2;
	[tilespmem:$0x1FFE0] =	vst v62  }
0x4d: {  	s7 =	simm.s32 $0x80;
	s20 =	simm.s32 $0x1500;
	v16 =	vshrl.u32 v16, $0x2;
	s22 =	sor.u32 $0x550, s2;
	v41 =	vshrl.u32 v41, $0x2;
	[tilespmem:$0x1FF10] =	vst v0;
	v0 =	vshrl.u32 v43, $0x2  }
0x4e: {  	s4 =	ssub.s32 s4, s19;
	s19 =	sor.u32 $0x630, s2;
	v46 =	vor.u32 s28, v58;
	v50 =	vshrl.u32 v50, $0x2;
	s28 =	simm.s32 $0xF00;
	[tilespmem:$0x1FF40] =	vst v0;
	v0 =	vshrl.u32 v48, $0x2  }
0x4f: {  	v21 =	vor.u32 s22, v58;
	s25 =	sor.u32 $0x580, s2;
	s22 =	sor.u32 $0x680, s2;
	v35 =	vor.u32 s19, v58;
	s19 =	sor.u32 $0x790, s2;
	[tilespmem:$0x1FF70] =	vst v0;
	v0 =	vshrl.u32 v53, $0x2  }
0x50: {  	v46 =	vshrl.u32 v46, $0x2;
	s4 =	smax.u32 s4, $0x1;
	v24 =	vor.u32 s25, v58;
	s25 =	sor.u32 $0x6C0, s2;
	v33 =	vor.u32 s13, v58;
	s13 =	sor.u32 $0x760, s2;
	[tilespmem:$0x1FFA0] =	vst v0  }
0x51: {  	v51 =	vor.u32 s8, v58;
	v21 =	vshrl.u32 v21, $0x2;
	v40 =	vor.u32 s22, v58;
	s22 =	sor.u32 $0x7C0, s2;
	_ =	strace $0x80000047;
	[dreg:$0x3] =	wrdreg s6  }
0x52: {  	v35 =	vshrl.u32 v35, $0x2;
	v56 =	vor.u32 s18, v58;
	v57 =	vor.u32 s19, v58;
	s18 =	simm.s32 $0x1480;
	s19 =	simm.s32 $0xD00;
	[dreg:$0x4] =	wrdreg s9  }
0x53: {  	v51 =	vshrl.u32 v51, $0x2;
	v60 =	vor.u32 s21, v58;
	s21 =	simm.s32 $0xD80;
	v38 =	vor.u32 s16, v58;
	s16 =	simm.s32 $0x880;
	[dreg:$0x5] =	wrdreg s14  }
0x54: {  	v24 =	vshrl.u32 v24, $0x2;
	v44 =	vor.u32 s25, v58;
	s25 =	simm.s32 $0x1180;
	v54 =	vor.u32 s13, v58;
	s13 =	simm.s32 $0xB80;
	[dreg:$0x6] =	wrdreg s15  }
0x55: {  	v33 =	vshrl.u32 v33, $0x2;
	v61 =	vor.u32 s22, v58;
	s22 =	simm.s32 $0x1580;
	v43 =	vor.u32 s24, v58;
	s24 =	simm.s32 $0x1600;
	[dreg:$0x7] =	wrdreg s16  }
0x56: {  	v40 =	vshrl.u32 v40, $0x2;
	v48 =	vor.u32 s30, v58;
	s30 =	simm.s32 $0xF80;
	v53 =	vor.u32 s12, v58;
	s12 =	simm.s32 $0x1300;
	[dreg:$0x8] =	wrdreg s23  }
0x57: {  	v56 =	vshrl.u32 v56, $0x2;
	v57 =	vshrl.u32 v57, $0x2;
	v62 =	vor.u32 s0, v58;
	s6 =	sor.u32 $0x710, s2;
	s9 =	simm.s32 $0x900;
	[dreg:$0xc] =	wrdreg s25  }
0x58: {  	v38 =	vshrl.u32 v38, $0x2;
	v44 =	vshrl.u32 v44, $0x2;
	v54 =	vshrl.u32 v54, $0x2;
	s15 =	simm.s32 $0x1100;
	s2 =	sor.u32 $0x7F0, s2;
	[dreg:$0xd] =	wrdreg s26  }
0x59: {  	v43 =	vshrl.u32 v43, $0x2;
	v48 =	vshrl.u32 v48, $0x2;
	v53 =	vshrl.u32 v53, $0x2;
	s16 =	simm.s32 $0x980;
	s14 =	simm.s32 $0x1380;
	[dreg:$0x9] =	wrdreg s9  }
0x5a: {  	s23 =	simm.s32 $0xE00;
	s25 =	simm.s32 $0xE80;
	[dreg:$0xa] =	wrdreg s15;
	v49 =	vor.u32 s6, v58;
	v0 =	vor.u32 s2, v58;
	v58 =	vshrl.u32 v59, $0x2  }
0x5b: {  	s26 =	simm.s32 $0x1680;
	[dreg:$0xb] =	wrdreg s16;
	s6 =	simm.s32 $0x2;
	v59 =	vshrl.u32 v60, $0x2;
	v60 =	vshrl.u32 v61, $0x2;
	v61 =	vshrl.u32 v62, $0x2  }
0x5c: {  	s15 =	simm.s32 $0xC00;
	s16 =	simm.s32 $0x1400;
	v62 =	vshrl.u32 v63, $0x2;
	s2 =	simm.s32 $0x1;
	v49 =	vshrl.u32 v49, $0x2;
	v63 =	vshrl.u32 v0, $0x2  }
.LBB2_1:
0x5d: {  	s0 =	rddreg [dreg:$0x3]  }
0x5e: {  	[tilespmem:s5], [sflag:$0x2] =	stream.linear.gather [hbm4b:s0+s3], $0x80, $0x38;
	[tilespmem:$0x1880] =	vst v63  }
0x5f: {  	_ =	swait.ge [sflag:s6], $0x80  }
0x60: {  	[sflag:s6] =	ssyncset.done $0x0  }
0x61: {  	s10 =	rddreg [dreg:$0x4];
	[sflag:s6] =	ssyncadd.s32 $0xFFFFFF80  }
0x62: {  	[tilespmem:s3], [sflag:$0x2] =	stream.linear.gather [hbm4b:s10+s3], $0x800, $0x38;
	[tilespmem:$0x1880] =	vst v63  }
0x63: {  	_ =	swait.ge [sflag:s6], $0x800  }
0x64: {  	[sflag:s6] =	ssyncset.done $0x0  }
0x65: {  	[sflag:s6] =	ssyncadd.s32 $0xFFFFF800  }
0x66: {  	v0 =	vld [tilespmem:$0x0];
	_ =	sdelay $0x4  }
0x67: {  	v1 =	vshra.s32 v0, $0xE;
	_ =	sdelay $0x4  }
0x68: {  	v1 =	vld.idx.msk [tilespmem:v1+s5+$0x0], $0xffff  }
0x69: {  	v2 =	vld [tilespmem:$0x10];
	_ =	sdelay $0x3  }
0x6a: {  	v0 =	vadd.s32 v0, v1;
	v1 =	vld [tilespmem:$0x1FBC0]  }
0x6b: {  	v3 =	vshra.s32 v2, $0xE;
	_ =	sdelay $0x2  }
0x6c: {  	[tilespmem:$0x800] =	vst v0  }
0x6d: {  	[tilespmem:$0x1000] =	vst v1  }
0x6e: {  	v1 =	vld.idx.msk [tilespmem:v3+s5+$0x0], $0xffff  }
0x6f: {  	v0 =	vld [tilespmem:$0x20];
	_ =	sdelay $0x3  }
0x70: {  	v1 =	vadd.s32 v2, v1;
	v2 =	vld [tilespmem:$0x1FBD0]  }
0x71: {  	v3 =	vshra.s32 v0, $0xE;
	_ =	sdelay $0x2  }
0x72: {  	[tilespmem:$0x810] =	vst v1  }
0x73: {  	[tilespmem:$0x1010] =	vst v2  }
0x74: {  	v2 =	vld.idx.msk [tilespmem:v3+s5+$0x0], $0xffff  }
0x75: {  	v1 =	vld [tilespmem:$0x30];
	_ =	sdelay $0x3  }
0x76: {  	v0 =	vadd.s32 v0, v2;
	v2 =	vld [tilespmem:$0x1FBE0]  }
0x77: {  	v3 =	vshra.s32 v1, $0xE;
	_ =	sdelay $0x2  }
0x78: {  	[tilespmem:$0x820] =	vst v0  }
0x79: {  	[tilespmem:$0x1020] =	vst v2  }
0x7a: {  	v2 =	vld.idx.msk [tilespmem:v3+s5+$0x0], $0xffff  }
0x7b: {  	v0 =	vld [tilespmem:$0x40];
	_ =	sdelay $0x3  }
0x7c: {  	v1 =	vadd.s32 v1, v2;
	v2 =	vld [tilespmem:$0x1FBF0]  }
0x7d: {  	v3 =	vshra.s32 v0, $0xE;
	_ =	sdelay $0x2  }
0x7e: {  	[tilespmem:$0x830] =	vst v1  }
0x7f: {  	[tilespmem:$0x1030] =	vst v2  }
0x80: {  	v2 =	vld.idx.msk [tilespmem:v3+s5+$0x0], $0xffff  }
0x81: {  	v1 =	vld [tilespmem:$0x50];
	_ =	sdelay $0x3  }
0x82: {  	v0 =	vadd.s32 v0, v2;
	v2 =	vld [tilespmem:$0x1FC00]  }
0x83: {  	v3 =	vshra.s32 v1, $0xE;
	_ =	sdelay $0x2  }
0x84: {  	[tilespmem:$0x840] =	vst v0  }
0x85: {  	[tilespmem:$0x1040] =	vst v2  }
0x86: {  	v2 =	vld.idx.msk [tilespmem:v3+s5+$0x0], $0xffff  }
0x87: {  	v0 =	vld [tilespmem:$0x60];
	_ =	sdelay $0x3  }
0x88: {  	v1 =	vadd.s32 v1, v2;
	v2 =	vld [tilespmem:$0x1FC10]  }
0x89: {  	v3 =	vshra.s32 v0, $0xE;
	_ =	sdelay $0x2  }
0x8a: {  	[tilespmem:$0x850] =	vst v1  }
0x8b: {  	[tilespmem:$0x1050] =	vst v2  }
0x8c: {  	v2 =	vld.idx.msk [tilespmem:v3+s5+$0x0], $0xffff  }
0x8d: {  	v1 =	vld [tilespmem:$0x70];
	_ =	sdelay $0x3  }
0x8e: {  	v0 =	vadd.s32 v0, v2;
	v2 =	vld [tilespmem:$0x1FC20]  }
0x8f: {  	v3 =	vshra.s32 v1, $0xE;
	_ =	sdelay $0x2  }
0x90: {  	[tilespmem:$0x860] =	vst v0  }
0x91: {  	[tilespmem:$0x1060] =	vst v2  }
0x92: {  	v2 =	vld.idx.msk [tilespmem:v3+s5+$0x0], $0xffff  }
0x93: {  	v0 =	vld [tilespmem:$0x80];
	_ =	sdelay $0x3  }
0x94: {  	v1 =	vadd.s32 v1, v2;
	v2 =	vld [tilespmem:$0x1FC30]  }
0x95: {  	v3 =	vshra.s32 v0, $0xE;
	_ =	sdelay $0x2  }
0x96: {  	[tilespmem:$0x870] =	vst v1  }
0x97: {  	[tilespmem:$0x1070] =	vst v2  }
0x98: {  	v2 =	vld.idx.msk [tilespmem:v3+s5+$0x0], $0xffff  }
0x99: {  	v1 =	vld [tilespmem:$0x90];
	_ =	sdelay $0x3  }
0x9a: {  	v0 =	vadd.s32 v0, v2;
	v2 =	vld [tilespmem:$0x1FC40]  }
0x9b: {  	v3 =	vshra.s32 v1, $0xE;
	_ =	sdelay $0x2  }
0x9c: {  	[tilespmem:$0x880] =	vst v0  }
0x9d: {  	[tilespmem:$0x1080] =	vst v2  }
0x9e: {  	v2 =	vld.idx.msk [tilespmem:v3+s5+$0x0], $0xffff  }
0x9f: {  	v0 =	vld [tilespmem:$0xA0];
	_ =	sdelay $0x3  }
0xa0: {  	v1 =	vadd.s32 v1, v2;
	v2 =	vld [tilespmem:$0x1FC50]  }
0xa1: {  	v3 =	vshra.s32 v0, $0xE;
	_ =	sdelay $0x2  }
0xa2: {  	[tilespmem:$0x890] =	vst v1  }
0xa3: {  	[tilespmem:$0x1090] =	vst v2  }
0xa4: {  	v2 =	vld.idx.msk [tilespmem:v3+s5+$0x0], $0xffff  }
0xa5: {  	v1 =	vld [tilespmem:$0xB0];
	_ =	sdelay $0x3  }
0xa6: {  	v0 =	vadd.s32 v0, v2;
	v2 =	vld [tilespmem:$0x1FC60]  }
0xa7: {  	v3 =	vshra.s32 v1, $0xE;
	_ =	sdelay $0x2  }
0xa8: {  	[tilespmem:$0x8A0] =	vst v0  }
0xa9: {  	[tilespmem:$0x10A0] =	vst v2  }
0xaa: {  	v2 =	vld.idx.msk [tilespmem:v3+s5+$0x0], $0xffff  }
0xab: {  	v0 =	vld [tilespmem:$0xC0];
	_ =	sdelay $0x3  }
0xac: {  	v1 =	vadd.s32 v1, v2;
	v2 =	vld [tilespmem:$0x1FC70]  }
0xad: {  	v3 =	vshra.s32 v0, $0xE;
	_ =	sdelay $0x2  }
0xae: {  	[tilespmem:$0x8B0] =	vst v1  }
0xaf: {  	[tilespmem:$0x10B0] =	vst v2  }
0xb0: {  	v2 =	vld.idx.msk [tilespmem:v3+s5+$0x0], $0xffff  }
0xb1: {  	v1 =	vld [tilespmem:$0xD0];
	_ =	sdelay $0x3  }
0xb2: {  	v0 =	vadd.s32 v0, v2;
	v2 =	vld [tilespmem:$0x1FC80]  }
0xb3: {  	v3 =	vshra.s32 v1, $0xE;
	_ =	sdelay $0x2  }
0xb4: {  	[tilespmem:$0x8C0] =	vst v0  }
0xb5: {  	[tilespmem:$0x10C0] =	vst v2  }
0xb6: {  	v2 =	vld.idx.msk [tilespmem:v3+s5+$0x0], $0xffff  }
0xb7: {  	v0 =	vld [tilespmem:$0xE0];
	_ =	sdelay $0x3  }
0xb8: {  	v1 =	vadd.s32 v1, v2;
	v2 =	vld [tilespmem:$0x1FC90]  }
0xb9: {  	v3 =	vshra.s32 v0, $0xE;
	_ =	sdelay $0x2  }
0xba: {  	[tilespmem:$0x8D0] =	vst v1  }
0xbb: {  	[tilespmem:$0x10D0] =	vst v2  }
0xbc: {  	v2 =	vld.idx.msk [tilespmem:v3+s5+$0x0], $0xffff  }
0xbd: {  	v1 =	vld [tilespmem:$0xF0];
	_ =	sdelay $0x3  }
0xbe: {  	v0 =	vadd.s32 v0, v2;
	v2 =	vld [tilespmem:$0x1FCA0]  }
0xbf: {  	v3 =	vshra.s32 v1, $0xE;
	_ =	sdelay $0x2  }
0xc0: {  	[tilespmem:$0x8E0] =	vst v0  }
0xc1: {  	[tilespmem:$0x10E0] =	vst v2  }
0xc2: {  	v2 =	vld.idx.msk [tilespmem:v3+s5+$0x0], $0xffff  }
0xc3: {  	v0 =	vld [tilespmem:$0x100];
	_ =	sdelay $0x3  }
0xc4: {  	v1 =	vadd.s32 v1, v2;
	v2 =	vld [tilespmem:$0x1FCB0]  }
0xc5: {  	v3 =	vshra.s32 v0, $0xE;
	_ =	sdelay $0x2  }
0xc6: {  	[tilespmem:$0x8F0] =	vst v1  }
0xc7: {  	[tilespmem:$0x10F0] =	vst v2  }
0xc8: {  	v2 =	vld.idx.msk [tilespmem:v3+s5+$0x0], $0xffff;
	_ =	sdelay $0x1  }
0xc9: {  	v1 =	vld [tilespmem:$0x110];
	_ =	sdelay $0x2  }
0xca: {  	v0 =	vadd.s32 v0, v2  }
0xcb: {  	[tilespmem:$0x900] =	vst v0;
	v0 =	vld [tilespmem:$0x1FCC0]  }
0xcc: {  	v3 =	vshra.s32 v1, $0xE;
	_ =	sdelay $0x3  }
0xcd: {  	[tilespmem:$0x1100] =	vst v0  }
0xce: {  	v0 =	vld.idx.msk [tilespmem:v3+s5+$0x0], $0xffff  }
0xcf: {  	v2 =	vld [tilespmem:$0x120];
	_ =	sdelay $0x3  }
0xd0: {  	v0 =	vadd.s32 v1, v0;
	v1 =	vld [tilespmem:$0x1FCD0]  }
0xd1: {  	v3 =	vshra.s32 v2, $0xE;
	_ =	sdelay $0x2  }
0xd2: {  	[tilespmem:$0x910] =	vst v0  }
0xd3: {  	[tilespmem:$0x1110] =	vst v1  }
0xd4: {  	v1 =	vld.idx.msk [tilespmem:v3+s5+$0x0], $0xffff  }
0xd5: {  	v0 =	vld [tilespmem:$0x130];
	_ =	sdelay $0x3  }
0xd6: {  	v1 =	vadd.s32 v2, v1;
	v2 =	vld [tilespmem:$0x1FCE0]  }
0xd7: {  	v3 =	vshra.s32 v0, $0xE;
	_ =	sdelay $0x2  }
0xd8: {  	[tilespmem:$0x920] =	vst v1  }
0xd9: {  	[tilespmem:$0x1120] =	vst v2  }
0xda: {  	v2 =	vld.idx.msk [tilespmem:v3+s5+$0x0], $0xffff  }
0xdb: {  	v1 =	vld [tilespmem:$0x140];
	_ =	sdelay $0x3  }
0xdc: {  	v0 =	vadd.s32 v0, v2;
	v2 =	vld [tilespmem:$0x1FCF0]  }
0xdd: {  	v3 =	vshra.s32 v1, $0xE;
	_ =	sdelay $0x2  }
0xde: {  	[tilespmem:$0x930] =	vst v0  }
0xdf: {  	[tilespmem:$0x1130] =	vst v2  }
0xe0: {  	v2 =	vld.idx.msk [tilespmem:v3+s5+$0x0], $0xffff  }
0xe1: {  	v0 =	vld [tilespmem:$0x150];
	_ =	sdelay $0x3  }
0xe2: {  	v1 =	vadd.s32 v1, v2;
	v2 =	vld [tilespmem:$0x1FD00]  }
0xe3: {  	v3 =	vshra.s32 v0, $0xE;
	_ =	sdelay $0x2  }
0xe4: {  	[tilespmem:$0x940] =	vst v1  }
0xe5: {  	[tilespmem:$0x1140] =	vst v2  }
0xe6: {  	v2 =	vld.idx.msk [tilespmem:v3+s5+$0x0], $0xffff  }
0xe7: {  	v1 =	vld [tilespmem:$0x160];
	_ =	sdelay $0x3  }
0xe8: {  	v0 =	vadd.s32 v0, v2;
	v2 =	vld [tilespmem:$0x1FD10]  }
0xe9: {  	v3 =	vshra.s32 v1, $0xE;
	_ =	sdelay $0x2  }
0xea: {  	[tilespmem:$0x950] =	vst v0  }
0xeb: {  	[tilespmem:$0x1150] =	vst v2  }
0xec: {  	v2 =	vld.idx.msk [tilespmem:v3+s5+$0x0], $0xffff  }
0xed: {  	v0 =	vld [tilespmem:$0x170];
	_ =	sdelay $0x3  }
0xee: {  	v1 =	vadd.s32 v1, v2;
	v2 =	vld [tilespmem:$0x1FD20]  }
0xef: {  	v3 =	vshra.s32 v0, $0xE;
	_ =	sdelay $0x2  }
0xf0: {  	[tilespmem:$0x960] =	vst v1  }
0xf1: {  	[tilespmem:$0x1160] =	vst v2  }
0xf2: {  	v2 =	vld.idx.msk [tilespmem:v3+s5+$0x0], $0xffff  }
0xf3: {  	v1 =	vld [tilespmem:$0x180];
	_ =	sdelay $0x3  }
0xf4: {  	v0 =	vadd.s32 v0, v2;
	v2 =	vld [tilespmem:$0x1FD30]  }
0xf5: {  	v3 =	vshra.s32 v1, $0xE;
	_ =	sdelay $0x2  }
0xf6: {  	[tilespmem:$0x970] =	vst v0  }
0xf7: {  	[tilespmem:$0x1170] =	vst v2  }
0xf8: {  	v2 =	vld.idx.msk [tilespmem:v3+s5+$0x0], $0xffff  }
0xf9: {  	v0 =	vld [tilespmem:$0x190];
	_ =	sdelay $0x3  }
0xfa: {  	v1 =	vadd.s32 v1, v2;
	v2 =	vld [tilespmem:$0x1FD40]  }
0xfb: {  	v3 =	vshra.s32 v0, $0xE;
	_ =	sdelay $0x2  }
0xfc: {  	[tilespmem:$0x980] =	vst v1  }
0xfd: {  	[tilespmem:$0x1180] =	vst v2  }
0xfe: {  	v2 =	vld.idx.msk [tilespmem:v3+s5+$0x0], $0xffff  }
0xff: {  	v1 =	vld [tilespmem:$0x1A0];
	_ =	sdelay $0x3  }
0x100: {  	v0 =	vadd.s32 v0, v2;
	v2 =	vld [tilespmem:$0x1FD50]  }
0x101: {  	v3 =	vshra.s32 v1, $0xE;
	_ =	sdelay $0x2  }
0x102: {  	[tilespmem:$0x990] =	vst v0  }
0x103: {  	[tilespmem:$0x1190] =	vst v2  }
0x104: {  	v2 =	vld.idx.msk [tilespmem:v3+s5+$0x0], $0xffff  }
0x105: {  	v0 =	vld [tilespmem:$0x1B0];
	_ =	sdelay $0x3  }
0x106: {  	v1 =	vadd.s32 v1, v2;
	v2 =	vld [tilespmem:$0x1FD60]  }
0x107: {  	v3 =	vshra.s32 v0, $0xE;
	_ =	sdelay $0x2  }
0x108: {  	[tilespmem:$0x9A0] =	vst v1  }
0x109: {  	v1 =	vld [tilespmem:$0x1C0];
	[tilespmem:$0x11A0] =	vst v2  }
0x10a: {  	v2 =	vld.idx.msk [tilespmem:v3+s5+$0x0], $0xffff;
	_ =	sdelay $0x4  }
0x10b: {  	v0 =	vadd.s32 v0, v2;
	v2 =	vld [tilespmem:$0x1FD70]  }
0x10c: {  	v3 =	vshra.s32 v1, $0xE;
	_ =	sdelay $0x2  }
0x10d: {  	[tilespmem:$0x9B0] =	vst v0  }
0x10e: {  	[tilespmem:$0x11B0] =	vst v2  }
0x10f: {  	v2 =	vld.idx.msk [tilespmem:v3+s5+$0x0], $0xffff  }
0x110: {  	v0 =	vld [tilespmem:$0x1D0];
	_ =	sdelay $0x3  }
0x111: {  	v1 =	vadd.s32 v1, v2;
	v2 =	vld [tilespmem:$0x1FD80]  }
0x112: {  	v3 =	vshra.s32 v0, $0xE;
	_ =	sdelay $0x2  }
0x113: {  	[tilespmem:$0x9C0] =	vst v1  }
0x114: {  	[tilespmem:$0x11C0] =	vst v2  }
0x115: {  	v2 =	vld.idx.msk [tilespmem:v3+s5+$0x0], $0xffff  }
0x116: {  	v1 =	vld [tilespmem:$0x1E0];
	_ =	sdelay $0x3  }
0x117: {  	v0 =	vadd.s32 v0, v2;
	v2 =	vld [tilespmem:$0x1FD90]  }
0x118: {  	v3 =	vshra.s32 v1, $0xE;
	_ =	sdelay $0x2  }
0x119: {  	[tilespmem:$0x9D0] =	vst v0  }
0x11a: {  	[tilespmem:$0x11D0] =	vst v2  }
0x11b: {  	v2 =	vld.idx.msk [tilespmem:v3+s5+$0x0], $0xffff  }
0x11c: {  	v0 =	vld [tilespmem:$0x1F0];
	_ =	sdelay $0x3  }
0x11d: {  	v1 =	vadd.s32 v1, v2;
	v2 =	vld [tilespmem:$0x1FDA0]  }
0x11e: {  	v3 =	vshra.s32 v0, $0xE;
	_ =	sdelay $0x2  }
0x11f: {  	[tilespmem:$0x9E0] =	vst v1  }
0x120: {  	[tilespmem:$0x11E0] =	vst v2  }
0x121: {  	v2 =	vld.idx.msk [tilespmem:v3+s5+$0x0], $0xffff  }
0x122: {  	v1 =	vld [tilespmem:$0x200];
	_ =	sdelay $0x3  }
0x123: {  	v0 =	vadd.s32 v0, v2;
	v2 =	vld [tilespmem:$0x1FDB0]  }
0x124: {  	v3 =	vshra.s32 v1, $0xE;
	_ =	sdelay $0x2  }
0x125: {  	[tilespmem:$0x9F0] =	vst v0  }
0x126: {  	[tilespmem:$0x11F0] =	vst v2  }
0x127: {  	v2 =	vld.idx.msk [tilespmem:v3+s5+$0x0], $0xffff  }
0x128: {  	v0 =	vld [tilespmem:$0x210];
	_ =	sdelay $0x3  }
0x129: {  	v1 =	vadd.s32 v1, v2;
	v2 =	vld [tilespmem:$0x1FDC0]  }
0x12a: {  	v3 =	vshra.s32 v0, $0xE;
	_ =	sdelay $0x2  }
0x12b: {  	[tilespmem:$0xA00] =	vst v1  }
0x12c: {  	[tilespmem:$0x1200] =	vst v2  }
0x12d: {  	v2 =	vld.idx.msk [tilespmem:v3+s5+$0x0], $0xffff  }
0x12e: {  	v1 =	vld [tilespmem:$0x220];
	_ =	sdelay $0x3  }
0x12f: {  	v0 =	vadd.s32 v0, v2;
	v2 =	vld [tilespmem:$0x1FDD0]  }
0x130: {  	v3 =	vshra.s32 v1, $0xE;
	_ =	sdelay $0x2  }
0x131: {  	[tilespmem:$0xA10] =	vst v0  }
0x132: {  	[tilespmem:$0x1210] =	vst v2  }
0x133: {  	v2 =	vld.idx.msk [tilespmem:v3+s5+$0x0], $0xffff  }
0x134: {  	v0 =	vld [tilespmem:$0x230];
	_ =	sdelay $0x3  }
0x135: {  	v1 =	vadd.s32 v1, v2;
	v2 =	vld [tilespmem:$0x1FDE0]  }
0x136: {  	v3 =	vshra.s32 v0, $0xE;
	_ =	sdelay $0x2  }
0x137: {  	[tilespmem:$0xA20] =	vst v1  }
0x138: {  	[tilespmem:$0x1220] =	vst v2  }
0x139: {  	v2 =	vld.idx.msk [tilespmem:v3+s5+$0x0], $0xffff  }
0x13a: {  	v1 =	vld [tilespmem:$0x240];
	_ =	sdelay $0x3  }
0x13b: {  	v0 =	vadd.s32 v0, v2;
	v2 =	vld [tilespmem:$0x1FDF0]  }
0x13c: {  	v3 =	vshra.s32 v1, $0xE;
	_ =	sdelay $0x2  }
0x13d: {  	[tilespmem:$0xA30] =	vst v0  }
0x13e: {  	[tilespmem:$0x1230] =	vst v2  }
0x13f: {  	v2 =	vld.idx.msk [tilespmem:v3+s5+$0x0], $0xffff  }
0x140: {  	v0 =	vld [tilespmem:$0x250];
	_ =	sdelay $0x3  }
0x141: {  	v1 =	vadd.s32 v1, v2;
	v2 =	vld [tilespmem:$0x1FE00]  }
0x142: {  	v3 =	vshra.s32 v0, $0xE;
	_ =	sdelay $0x2  }
0x143: {  	[tilespmem:$0xA40] =	vst v1  }
0x144: {  	[tilespmem:$0x1240] =	vst v2  }
0x145: {  	v2 =	vld.idx.msk [tilespmem:v3+s5+$0x0], $0xffff  }
0x146: {  	v1 =	vld [tilespmem:$0x260];
	_ =	sdelay $0x3  }
0x147: {  	v0 =	vadd.s32 v0, v2;
	v2 =	vld [tilespmem:$0x1FE10]  }
0x148: {  	v3 =	vshra.s32 v1, $0xE;
	_ =	sdelay $0x2  }
0x149: {  	[tilespmem:$0xA50] =	vst v0  }
0x14a: {  	[tilespmem:$0x1250] =	vst v2  }
0x14b: {  	v2 =	vld.idx.msk [tilespmem:v3+s5+$0x0], $0xffff  }
0x14c: {  	v0 =	vld [tilespmem:$0x270];
	_ =	sdelay $0x3  }
0x14d: {  	v1 =	vadd.s32 v1, v2;
	v2 =	vld [tilespmem:$0x1FE20]  }
0x14e: {  	v3 =	vshra.s32 v0, $0xE;
	_ =	sdelay $0x2  }
0x14f: {  	[tilespmem:$0xA60] =	vst v1  }
0x150: {  	[tilespmem:$0x1260] =	vst v2  }
0x151: {  	v2 =	vld.idx.msk [tilespmem:v3+s5+$0x0], $0xffff  }
0x152: {  	v1 =	vld [tilespmem:$0x280];
	_ =	sdelay $0x3  }
0x153: {  	v0 =	vadd.s32 v0, v2;
	v2 =	vld [tilespmem:$0x1FE30]  }
0x154: {  	v3 =	vshra.s32 v1, $0xE;
	_ =	sdelay $0x2  }
0x155: {  	[tilespmem:$0xA70] =	vst v0  }
0x156: {  	[tilespmem:$0x1270] =	vst v2  }
0x157: {  	v2 =	vld.idx.msk [tilespmem:v3+s5+$0x0], $0xffff  }
0x158: {  	v0 =	vld [tilespmem:$0x290];
	_ =	sdelay $0x3  }
0x159: {  	v1 =	vadd.s32 v1, v2;
	v2 =	vld [tilespmem:$0x1FE40]  }
0x15a: {  	v3 =	vshra.s32 v0, $0xE;
	_ =	sdelay $0x2  }
0x15b: {  	[tilespmem:$0xA80] =	vst v1  }
0x15c: {  	[tilespmem:$0x1280] =	vst v2  }
0x15d: {  	v2 =	vld.idx.msk [tilespmem:v3+s5+$0x0], $0xffff  }
0x15e: {  	v1 =	vld [tilespmem:$0x2A0];
	_ =	sdelay $0x3  }
0x15f: {  	v0 =	vadd.s32 v0, v2;
	v2 =	vld [tilespmem:$0x1FE50]  }
0x160: {  	v3 =	vshra.s32 v1, $0xE;
	_ =	sdelay $0x2  }
0x161: {  	[tilespmem:$0xA90] =	vst v0  }
0x162: {  	[tilespmem:$0x1290] =	vst v2  }
0x163: {  	v2 =	vld.idx.msk [tilespmem:v3+s5+$0x0], $0xffff  }
0x164: {  	v0 =	vld [tilespmem:$0x2B0];
	_ =	sdelay $0x3  }
0x165: {  	v1 =	vadd.s32 v1, v2;
	v2 =	vld [tilespmem:$0x1FE60]  }
0x166: {  	v3 =	vshra.s32 v0, $0xE;
	_ =	sdelay $0x2  }
0x167: {  	[tilespmem:$0xAA0] =	vst v1  }
0x168: {  	[tilespmem:$0x12A0] =	vst v2  }
0x169: {  	v2 =	vld.idx.msk [tilespmem:v3+s5+$0x0], $0xffff  }
0x16a: {  	v1 =	vld [tilespmem:$0x2C0];
	_ =	sdelay $0x3  }
0x16b: {  	v0 =	vadd.s32 v0, v2;
	v2 =	vld [tilespmem:$0x1FE70]  }
0x16c: {  	v3 =	vshra.s32 v1, $0xE;
	_ =	sdelay $0x2  }
0x16d: {  	[tilespmem:$0xAB0] =	vst v0  }
0x16e: {  	[tilespmem:$0x12B0] =	vst v2  }
0x16f: {  	v2 =	vld.idx.msk [tilespmem:v3+s5+$0x0], $0xffff  }
0x170: {  	v0 =	vld [tilespmem:$0x2D0];
	_ =	sdelay $0x3  }
0x171: {  	v1 =	vadd.s32 v1, v2;
	v2 =	vld [tilespmem:$0x1FE80]  }
0x172: {  	v3 =	vshra.s32 v0, $0xE;
	_ =	sdelay $0x2  }
0x173: {  	[tilespmem:$0xAC0] =	vst v1  }
0x174: {  	[tilespmem:$0x12C0] =	vst v2  }
0x175: {  	v2 =	vld.idx.msk [tilespmem:v3+s5+$0x0], $0xffff  }
0x176: {  	v1 =	vld [tilespmem:$0x2E0];
	_ =	sdelay $0x3  }
0x177: {  	v0 =	vadd.s32 v0, v2;
	v2 =	vld [tilespmem:$0x1FE90]  }
0x178: {  	v3 =	vshra.s32 v1, $0xE;
	_ =	sdelay $0x2  }
0x179: {  	[tilespmem:$0xAD0] =	vst v0  }
0x17a: {  	[tilespmem:$0x12D0] =	vst v2  }
0x17b: {  	v2 =	vld.idx.msk [tilespmem:v3+s5+$0x0], $0xffff  }
0x17c: {  	v0 =	vld [tilespmem:$0x2F0];
	_ =	sdelay $0x3  }
0x17d: {  	v1 =	vadd.s32 v1, v2;
	v2 =	vld [tilespmem:$0x1FEA0]  }
0x17e: {  	v3 =	vshra.s32 v0, $0xE;
	_ =	sdelay $0x2  }
0x17f: {  	[tilespmem:$0xAE0] =	vst v1  }
0x180: {  	[tilespmem:$0x12E0] =	vst v2  }
0x181: {  	v2 =	vld.idx.msk [tilespmem:v3+s5+$0x0], $0xffff  }
0x182: {  	v1 =	vld [tilespmem:$0x300];
	_ =	sdelay $0x3  }
0x183: {  	v0 =	vadd.s32 v0, v2;
	v2 =	vld [tilespmem:$0x1FEB0]  }
0x184: {  	v3 =	vshra.s32 v1, $0xE;
	_ =	sdelay $0x2  }
0x185: {  	[tilespmem:$0xAF0] =	vst v0  }
0x186: {  	[tilespmem:$0x12F0] =	vst v2  }
0x187: {  	v2 =	vld.idx.msk [tilespmem:v3+s5+$0x0], $0xffff  }
0x188: {  	v0 =	vld [tilespmem:$0x310];
	_ =	sdelay $0x3  }
0x189: {  	v1 =	vadd.s32 v1, v2;
	v2 =	vld [tilespmem:$0x1FEC0]  }
0x18a: {  	v3 =	vshra.s32 v0, $0xE;
	_ =	sdelay $0x2  }
0x18b: {  	[tilespmem:$0xB00] =	vst v1  }
0x18c: {  	[tilespmem:$0x1300] =	vst v2  }
0x18d: {  	v2 =	vld.idx.msk [tilespmem:v3+s5+$0x0], $0xffff  }
0x18e: {  	v1 =	vld [tilespmem:$0x320];
	_ =	sdelay $0x3  }
0x18f: {  	v0 =	vadd.s32 v0, v2;
	v2 =	vld [tilespmem:$0x1FED0]  }
0x190: {  	v3 =	vshra.s32 v1, $0xE;
	_ =	sdelay $0x2  }
0x191: {  	[tilespmem:$0xB10] =	vst v0  }
0x192: {  	[tilespmem:$0x1310] =	vst v2  }
0x193: {  	v2 =	vld.idx.msk [tilespmem:v3+s5+$0x0], $0xffff  }
0x194: {  	v0 =	vld [tilespmem:$0x330];
	_ =	sdelay $0x3  }
0x195: {  	v1 =	vadd.s32 v1, v2;
	v2 =	vld [tilespmem:$0x1FEE0]  }
0x196: {  	v3 =	vshra.s32 v0, $0xE;
	_ =	sdelay $0x2  }
0x197: {  	[tilespmem:$0xB20] =	vst v1  }
0x198: {  	[tilespmem:$0x1320] =	vst v2  }
0x199: {  	v2 =	vld.idx.msk [tilespmem:v3+s5+$0x0], $0xffff  }
0x19a: {  	v1 =	vld [tilespmem:$0x340];
	_ =	sdelay $0x3  }
0x19b: {  	v0 =	vadd.s32 v0, v2;
	v2 =	vld [tilespmem:$0x1FEF0]  }
0x19c: {  	v3 =	vshra.s32 v1, $0xE;
	_ =	sdelay $0x2  }
0x19d: {  	[tilespmem:$0xB30] =	vst v0  }
0x19e: {  	[tilespmem:$0x1330] =	vst v2  }
0x19f: {  	v2 =	vld.idx.msk [tilespmem:v3+s5+$0x0], $0xffff  }
0x1a0: {  	v0 =	vld [tilespmem:$0x350];
	_ =	sdelay $0x3  }
0x1a1: {  	v1 =	vadd.s32 v1, v2;
	v2 =	vld [tilespmem:$0x1FF00]  }
0x1a2: {  	v3 =	vshra.s32 v0, $0xE;
	_ =	sdelay $0x2  }
0x1a3: {  	[tilespmem:$0xB40] =	vst v1  }
0x1a4: {  	[tilespmem:$0x1340] =	vst v2  }
0x1a5: {  	v2 =	vld.idx.msk [tilespmem:v3+s5+$0x0], $0xffff  }
0x1a6: {  	v1 =	vld [tilespmem:$0x360];
	_ =	sdelay $0x3  }
0x1a7: {  	v0 =	vadd.s32 v0, v2;
	v2 =	vld [tilespmem:$0x1FF10]  }
0x1a8: {  	v3 =	vshra.s32 v1, $0xE;
	_ =	sdelay $0x2  }
0x1a9: {  	[tilespmem:$0xB50] =	vst v0  }
0x1aa: {  	[tilespmem:$0x1350] =	vst v2  }
0x1ab: {  	v2 =	vld.idx.msk [tilespmem:v3+s5+$0x0], $0xffff  }
0x1ac: {  	v0 =	vld [tilespmem:$0x370];
	_ =	sdelay $0x3  }
0x1ad: {  	v1 =	vadd.s32 v1, v2;
	v2 =	vld [tilespmem:$0x1FF20]  }
0x1ae: {  	v3 =	vshra.s32 v0, $0xE;
	_ =	sdelay $0x2  }
0x1af: {  	[tilespmem:$0xB60] =	vst v1  }
0x1b0: {  	[tilespmem:$0x1360] =	vst v2  }
0x1b1: {  	v2 =	vld.idx.msk [tilespmem:v3+s5+$0x0], $0xffff  }
0x1b2: {  	v1 =	vld [tilespmem:$0x380];
	_ =	sdelay $0x3  }
0x1b3: {  	v0 =	vadd.s32 v0, v2;
	v2 =	vld [tilespmem:$0x1FF30]  }
0x1b4: {  	v3 =	vshra.s32 v1, $0xE;
	_ =	sdelay $0x2  }
0x1b5: {  	[tilespmem:$0xB70] =	vst v0  }
0x1b6: {  	[tilespmem:$0x1370] =	vst v2  }
0x1b7: {  	v2 =	vld.idx.msk [tilespmem:v3+s5+$0x0], $0xffff  }
0x1b8: {  	v0 =	vld [tilespmem:$0x390];
	_ =	sdelay $0x3  }
0x1b9: {  	v1 =	vadd.s32 v1, v2;
	v2 =	vld [tilespmem:$0x1FF40]  }
0x1ba: {  	v3 =	vshra.s32 v0, $0xE;
	_ =	sdelay $0x2  }
0x1bb: {  	[tilespmem:$0xB80] =	vst v1  }
0x1bc: {  	[tilespmem:$0x1380] =	vst v2  }
0x1bd: {  	v2 =	vld.idx.msk [tilespmem:v3+s5+$0x0], $0xffff  }
0x1be: {  	v1 =	vld [tilespmem:$0x3A0];
	_ =	sdelay $0x3  }
0x1bf: {  	v0 =	vadd.s32 v0, v2;
	v2 =	vld [tilespmem:$0x1FF50]  }
0x1c0: {  	v3 =	vshra.s32 v1, $0xE;
	_ =	sdelay $0x2  }
0x1c1: {  	[tilespmem:$0xB90] =	vst v0  }
0x1c2: {  	[tilespmem:$0x1390] =	vst v2  }
0x1c3: {  	v2 =	vld.idx.msk [tilespmem:v3+s5+$0x0], $0xffff  }
0x1c4: {  	v0 =	vld [tilespmem:$0x3B0];
	_ =	sdelay $0x3  }
0x1c5: {  	v1 =	vadd.s32 v1, v2;
	v2 =	vld [tilespmem:$0x1FF60]  }
0x1c6: {  	v3 =	vshra.s32 v0, $0xE;
	_ =	sdelay $0x2  }
0x1c7: {  	[tilespmem:$0xBA0] =	vst v1  }
0x1c8: {  	[tilespmem:$0x13A0] =	vst v2  }
0x1c9: {  	v2 =	vld.idx.msk [tilespmem:v3+s5+$0x0], $0xffff  }
0x1ca: {  	v1 =	vld [tilespmem:$0x3C0];
	_ =	sdelay $0x3  }
0x1cb: {  	v0 =	vadd.s32 v0, v2;
	v2 =	vld [tilespmem:$0x1FF70]  }
0x1cc: {  	v3 =	vshra.s32 v1, $0xE;
	_ =	sdelay $0x2  }
0x1cd: {  	[tilespmem:$0xBB0] =	vst v0  }
0x1ce: {  	[tilespmem:$0x13B0] =	vst v2  }
0x1cf: {  	v2 =	vld.idx.msk [tilespmem:v3+s5+$0x0], $0xffff  }
0x1d0: {  	v0 =	vld [tilespmem:$0x3D0];
	_ =	sdelay $0x3  }
0x1d1: {  	v1 =	vadd.s32 v1, v2;
	v2 =	vld [tilespmem:$0x1FF80]  }
0x1d2: {  	v3 =	vshra.s32 v0, $0xE;
	_ =	sdelay $0x2  }
0x1d3: {  	[tilespmem:$0xBC0] =	vst v1  }
0x1d4: {  	[tilespmem:$0x13C0] =	vst v2  }
0x1d5: {  	v2 =	vld.idx.msk [tilespmem:v3+s5+$0x0], $0xffff  }
0x1d6: {  	v1 =	vld [tilespmem:$0x3E0];
	_ =	sdelay $0x3  }
0x1d7: {  	v0 =	vadd.s32 v0, v2;
	v2 =	vld [tilespmem:$0x1FF90]  }
0x1d8: {  	v3 =	vshra.s32 v1, $0xE;
	_ =	sdelay $0x2  }
0x1d9: {  	[tilespmem:$0xBD0] =	vst v0  }
0x1da: {  	[tilespmem:$0x13D0] =	vst v2  }
0x1db: {  	v2 =	vld.idx.msk [tilespmem:v3+s5+$0x0], $0xffff  }
0x1dc: {  	v0 =	vld [tilespmem:$0x3F0];
	_ =	sdelay $0x3  }
0x1dd: {  	v1 =	vadd.s32 v1, v2;
	v2 =	vld [tilespmem:$0x1FFA0]  }
0x1de: {  	v3 =	vshra.s32 v0, $0xE;
	_ =	sdelay $0x2  }
0x1df: {  	[tilespmem:$0xBE0] =	vst v1  }
0x1e0: {  	[tilespmem:$0x13E0] =	vst v2  }
0x1e1: {  	v2 =	vld.idx.msk [tilespmem:v3+s5+$0x0], $0xffff  }
0x1e2: {  	v1 =	vld [tilespmem:$0x400];
	_ =	sdelay $0x3  }
0x1e3: {  	v0 =	vadd.s32 v0, v2;
	v2 =	vld [tilespmem:$0x1FFB0]  }
0x1e4: {  	v3 =	vshra.s32 v1, $0xE;
	_ =	sdelay $0x2  }
0x1e5: {  	[tilespmem:$0xBF0] =	vst v0  }
0x1e6: {  	[tilespmem:$0x13F0] =	vst v2  }
0x1e7: {  	v2 =	vld.idx.msk [tilespmem:v3+s5+$0x0], $0xffff  }
0x1e8: {  	v0 =	vld [tilespmem:$0x410];
	_ =	sdelay $0x3  }
0x1e9: {  	v1 =	vadd.s32 v1, v2;
	v2 =	vld [tilespmem:$0x1FFC0]  }
0x1ea: {  	v3 =	vshra.s32 v0, $0xE;
	_ =	sdelay $0x2  }
0x1eb: {  	[tilespmem:$0xC00] =	vst v1  }
0x1ec: {  	[tilespmem:$0x1400] =	vst v2  }
0x1ed: {  	v2 =	vld.idx.msk [tilespmem:v3+s5+$0x0], $0xffff  }
0x1ee: {  	v1 =	vld [tilespmem:$0x420];
	_ =	sdelay $0x3  }
0x1ef: {  	v0 =	vadd.s32 v0, v2;
	v2 =	vld [tilespmem:$0x1FFD0]  }
0x1f0: {  	v3 =	vshra.s32 v1, $0xE;
	_ =	sdelay $0x2  }
0x1f1: {  	[tilespmem:$0xC10] =	vst v0  }
0x1f2: {  	[tilespmem:$0x1410] =	vst v2  }
0x1f3: {  	v2 =	vld.idx.msk [tilespmem:v3+s5+$0x0], $0xffff  }
0x1f4: {  	v0 =	vld [tilespmem:$0x430];
	_ =	sdelay $0x3  }
0x1f5: {  	v1 =	vadd.s32 v1, v2;
	v2 =	vld [tilespmem:$0x1FFE0]  }
0x1f6: {  	v3 =	vshra.s32 v0, $0xE;
	_ =	sdelay $0x2  }
0x1f7: {  	[tilespmem:$0xC20] =	vst v1  }
0x1f8: {  	[tilespmem:$0x1420] =	vst v2  }
0x1f9: {  	v2 =	vld.idx.msk [tilespmem:v3+s5+$0x0], $0xffff  }
0x1fa: {  	v1 =	vld [tilespmem:$0x440];
	_ =	sdelay $0x3  }
0x1fb: {  	v0 =	vadd.s32 v0, v2;
	v2 =	vld [tilespmem:$0x1FFF0]  }
0x1fc: {  	v3 =	vshra.s32 v1, $0xE;
	_ =	sdelay $0x1  }
0x1fd: {  	[tilespmem:$0xC30] =	vst v0;
	v0 =	vld [tilespmem:$0x450];
	_ =	sdelay $0x1  }
0x1fe: {  	[tilespmem:$0x1430] =	vst v2  }
0x1ff: {  	v2 =	vld.idx.msk [tilespmem:v3+s5+$0x0], $0xffff;
	_ =	sdelay $0x1  }
0x200: {  	v3 =	vshra.s32 v0, $0xE;
	_ =	sdelay $0x2  }
0x201: {  	[tilespmem:$0x1440] =	vst v4;
	v1 =	vadd.s32 v1, v2  }
0x202: {  	[tilespmem:$0xC40] =	vst v1;
	v1 =	vld [tilespmem:$0x460]  }
0x203: {  	v2 =	vld.idx.msk [tilespmem:v3+s5+$0x0], $0xffff;
	_ =	sdelay $0x3  }
0x204: {  	v3 =	vshra.s32 v1, $0xE  }
0x205: {  	v0 =	vadd.s32 v0, v2  }
0x206: {  	[tilespmem:$0xC50] =	vst v0;
	v0 =	vld [tilespmem:$0x470];
	_ =	sdelay $0x1  }
0x207: {  	[tilespmem:$0x1450] =	vst v5  }
0x208: {  	v2 =	vld.idx.msk [tilespmem:v3+s5+$0x0], $0xffff;
	_ =	sdelay $0x1  }
0x209: {  	v3 =	vshra.s32 v0, $0xE;
	_ =	sdelay $0x2  }
0x20a: {  	[tilespmem:$0x1460] =	vst v6;
	v1 =	vadd.s32 v1, v2  }
0x20b: {  	[tilespmem:$0xC60] =	vst v1;
	v1 =	vld [tilespmem:$0x480]  }
0x20c: {  	v2 =	vld.idx.msk [tilespmem:v3+s5+$0x0], $0xffff;
	_ =	sdelay $0x3  }
0x20d: {  	v3 =	vshra.s32 v1, $0xE  }
0x20e: {  	v0 =	vadd.s32 v0, v2  }
0x20f: {  	[tilespmem:$0xC70] =	vst v0;
	v0 =	vld [tilespmem:$0x490];
	_ =	sdelay $0x1  }
0x210: {  	[tilespmem:$0x1470] =	vst v7  }
0x211: {  	v2 =	vld.idx.msk [tilespmem:v3+s5+$0x0], $0xffff;
	_ =	sdelay $0x1  }
0x212: {  	v3 =	vshra.s32 v0, $0xE;
	_ =	sdelay $0x2  }
0x213: {  	[tilespmem:$0x1480] =	vst v8;
	v1 =	vadd.s32 v1, v2  }
0x214: {  	[tilespmem:$0xC80] =	vst v1;
	v1 =	vld [tilespmem:$0x4A0]  }
0x215: {  	v2 =	vld.idx.msk [tilespmem:v3+s5+$0x0], $0xffff;
	_ =	sdelay $0x3  }
0x216: {  	v3 =	vshra.s32 v1, $0xE  }
0x217: {  	v0 =	vadd.s32 v0, v2  }
0x218: {  	[tilespmem:$0xC90] =	vst v0;
	v0 =	vld [tilespmem:$0x4B0];
	_ =	sdelay $0x1  }
0x219: {  	[tilespmem:$0x1490] =	vst v9  }
0x21a: {  	v2 =	vld.idx.msk [tilespmem:v3+s5+$0x0], $0xffff;
	_ =	sdelay $0x1  }
0x21b: {  	v3 =	vshra.s32 v0, $0xE;
	_ =	sdelay $0x2  }
0x21c: {  	[tilespmem:$0x14A0] =	vst v10;
	v1 =	vadd.s32 v1, v2  }
0x21d: {  	[tilespmem:$0xCA0] =	vst v1;
	v1 =	vld [tilespmem:$0x4C0]  }
0x21e: {  	v2 =	vld.idx.msk [tilespmem:v3+s5+$0x0], $0xffff;
	_ =	sdelay $0x3  }
0x21f: {  	v3 =	vshra.s32 v1, $0xE  }
0x220: {  	v0 =	vadd.s32 v0, v2  }
0x221: {  	[tilespmem:$0xCB0] =	vst v0;
	v0 =	vld [tilespmem:$0x4D0];
	_ =	sdelay $0x1  }
0x222: {  	[tilespmem:$0x14B0] =	vst v11  }
0x223: {  	v2 =	vld.idx.msk [tilespmem:v3+s5+$0x0], $0xffff;
	_ =	sdelay $0x1  }
0x224: {  	v3 =	vshra.s32 v0, $0xE;
	_ =	sdelay $0x2  }
0x225: {  	[tilespmem:$0x14C0] =	vst v12;
	v1 =	vadd.s32 v1, v2  }
0x226: {  	[tilespmem:$0xCC0] =	vst v1;
	v1 =	vld [tilespmem:$0x4E0]  }
0x227: {  	v2 =	vld.idx.msk [tilespmem:v3+s5+$0x0], $0xffff;
	_ =	sdelay $0x3  }
0x228: {  	v3 =	vshra.s32 v1, $0xE  }
0x229: {  	v0 =	vadd.s32 v0, v2  }
0x22a: {  	[tilespmem:$0xCD0] =	vst v0;
	v0 =	vld [tilespmem:$0x4F0];
	_ =	sdelay $0x1  }
0x22b: {  	[tilespmem:$0x14D0] =	vst v13  }
0x22c: {  	v2 =	vld.idx.msk [tilespmem:v3+s5+$0x0], $0xffff;
	_ =	sdelay $0x1  }
0x22d: {  	v3 =	vshra.s32 v0, $0xE;
	_ =	sdelay $0x2  }
0x22e: {  	[tilespmem:$0x14E0] =	vst v14;
	v1 =	vadd.s32 v1, v2  }
0x22f: {  	[tilespmem:$0xCE0] =	vst v1;
	v1 =	vld [tilespmem:$0x500]  }
0x230: {  	v2 =	vld.idx.msk [tilespmem:v3+s5+$0x0], $0xffff;
	_ =	sdelay $0x3  }
0x231: {  	v3 =	vshra.s32 v1, $0xE  }
0x232: {  	v0 =	vadd.s32 v0, v2  }
0x233: {  	[tilespmem:$0xCF0] =	vst v0;
	v0 =	vld [tilespmem:$0x510];
	_ =	sdelay $0x1  }
0x234: {  	[tilespmem:$0x14F0] =	vst v15  }
0x235: {  	v2 =	vld.idx.msk [tilespmem:v3+s5+$0x0], $0xffff;
	_ =	sdelay $0x1  }
0x236: {  	v3 =	vshra.s32 v0, $0xE;
	_ =	sdelay $0x2  }
0x237: {  	[tilespmem:$0x1500] =	vst v16;
	v1 =	vadd.s32 v1, v2  }
0x238: {  	[tilespmem:$0xD00] =	vst v1;
	v1 =	vld [tilespmem:$0x520]  }
0x239: {  	v2 =	vld.idx.msk [tilespmem:v3+s5+$0x0], $0xffff;
	_ =	sdelay $0x3  }
0x23a: {  	v3 =	vshra.s32 v1, $0xE  }
0x23b: {  	v0 =	vadd.s32 v0, v2  }
0x23c: {  	[tilespmem:$0xD10] =	vst v0;
	v0 =	vld [tilespmem:$0x530];
	_ =	sdelay $0x1  }
0x23d: {  	[tilespmem:$0x1510] =	vst v17  }
0x23e: {  	v2 =	vld.idx.msk [tilespmem:v3+s5+$0x0], $0xffff;
	_ =	sdelay $0x1  }
0x23f: {  	v3 =	vshra.s32 v0, $0xE;
	_ =	sdelay $0x2  }
0x240: {  	[tilespmem:$0x1520] =	vst v18;
	v1 =	vadd.s32 v1, v2  }
0x241: {  	[tilespmem:$0xD20] =	vst v1;
	v1 =	vld [tilespmem:$0x540]  }
0x242: {  	v2 =	vld.idx.msk [tilespmem:v3+s5+$0x0], $0xffff;
	_ =	sdelay $0x3  }
0x243: {  	v3 =	vshra.s32 v1, $0xE  }
0x244: {  	v0 =	vadd.s32 v0, v2  }
0x245: {  	[tilespmem:$0xD30] =	vst v0;
	v0 =	vld [tilespmem:$0x550];
	_ =	sdelay $0x1  }
0x246: {  	[tilespmem:$0x1530] =	vst v19  }
0x247: {  	v2 =	vld.idx.msk [tilespmem:v3+s5+$0x0], $0xffff;
	_ =	sdelay $0x1  }
0x248: {  	v3 =	vshra.s32 v0, $0xE;
	_ =	sdelay $0x2  }
0x249: {  	[tilespmem:$0x1540] =	vst v20;
	v1 =	vadd.s32 v1, v2  }
0x24a: {  	[tilespmem:$0xD40] =	vst v1;
	v1 =	vld [tilespmem:$0x560]  }
0x24b: {  	v2 =	vld.idx.msk [tilespmem:v3+s5+$0x0], $0xffff;
	_ =	sdelay $0x3  }
0x24c: {  	v3 =	vshra.s32 v1, $0xE  }
0x24d: {  	v0 =	vadd.s32 v0, v2  }
0x24e: {  	[tilespmem:$0xD50] =	vst v0;
	v0 =	vld [tilespmem:$0x570];
	_ =	sdelay $0x1  }
0x24f: {  	[tilespmem:$0x1550] =	vst v21  }
0x250: {  	v2 =	vld.idx.msk [tilespmem:v3+s5+$0x0], $0xffff;
	_ =	sdelay $0x1  }
0x251: {  	v3 =	vshra.s32 v0, $0xE;
	_ =	sdelay $0x2  }
0x252: {  	[tilespmem:$0x1560] =	vst v22;
	v1 =	vadd.s32 v1, v2  }
0x253: {  	[tilespmem:$0xD60] =	vst v1;
	v1 =	vld [tilespmem:$0x580]  }
0x254: {  	v2 =	vld.idx.msk [tilespmem:v3+s5+$0x0], $0xffff;
	_ =	sdelay $0x3  }
0x255: {  	v3 =	vshra.s32 v1, $0xE  }
0x256: {  	v0 =	vadd.s32 v0, v2  }
0x257: {  	[tilespmem:$0xD70] =	vst v0;
	v0 =	vld [tilespmem:$0x590];
	_ =	sdelay $0x1  }
0x258: {  	[tilespmem:$0x1570] =	vst v23  }
0x259: {  	v2 =	vld.idx.msk [tilespmem:v3+s5+$0x0], $0xffff;
	_ =	sdelay $0x1  }
0x25a: {  	v3 =	vshra.s32 v0, $0xE;
	_ =	sdelay $0x2  }
0x25b: {  	[tilespmem:$0x1580] =	vst v24;
	v1 =	vadd.s32 v1, v2  }
0x25c: {  	[tilespmem:$0xD80] =	vst v1;
	v1 =	vld [tilespmem:$0x5A0]  }
0x25d: {  	v2 =	vld.idx.msk [tilespmem:v3+s5+$0x0], $0xffff;
	_ =	sdelay $0x3  }
0x25e: {  	v3 =	vshra.s32 v1, $0xE  }
0x25f: {  	v0 =	vadd.s32 v0, v2  }
0x260: {  	[tilespmem:$0xD90] =	vst v0;
	v0 =	vld [tilespmem:$0x5B0];
	_ =	sdelay $0x1  }
0x261: {  	[tilespmem:$0x1590] =	vst v25  }
0x262: {  	v2 =	vld.idx.msk [tilespmem:v3+s5+$0x0], $0xffff;
	_ =	sdelay $0x1  }
0x263: {  	v3 =	vshra.s32 v0, $0xE;
	_ =	sdelay $0x2  }
0x264: {  	[tilespmem:$0x15A0] =	vst v26;
	v1 =	vadd.s32 v1, v2  }
0x265: {  	[tilespmem:$0xDA0] =	vst v1;
	v1 =	vld [tilespmem:$0x5C0]  }
0x266: {  	v2 =	vld.idx.msk [tilespmem:v3+s5+$0x0], $0xffff;
	_ =	sdelay $0x3  }
0x267: {  	v3 =	vshra.s32 v1, $0xE  }
0x268: {  	v0 =	vadd.s32 v0, v2  }
0x269: {  	[tilespmem:$0xDB0] =	vst v0;
	v0 =	vld [tilespmem:$0x5D0];
	_ =	sdelay $0x1  }
0x26a: {  	[tilespmem:$0x15B0] =	vst v27  }
0x26b: {  	v2 =	vld.idx.msk [tilespmem:v3+s5+$0x0], $0xffff;
	_ =	sdelay $0x1  }
0x26c: {  	v3 =	vshra.s32 v0, $0xE;
	_ =	sdelay $0x2  }
0x26d: {  	[tilespmem:$0x15C0] =	vst v28;
	v1 =	vadd.s32 v1, v2  }
0x26e: {  	[tilespmem:$0xDC0] =	vst v1;
	v1 =	vld [tilespmem:$0x5E0]  }
0x26f: {  	v2 =	vld.idx.msk [tilespmem:v3+s5+$0x0], $0xffff;
	_ =	sdelay $0x3  }
0x270: {  	v3 =	vshra.s32 v1, $0xE  }
0x271: {  	v0 =	vadd.s32 v0, v2  }
0x272: {  	[tilespmem:$0xDD0] =	vst v0;
	v0 =	vld [tilespmem:$0x5F0];
	_ =	sdelay $0x1  }
0x273: {  	[tilespmem:$0x15D0] =	vst v29  }
0x274: {  	v2 =	vld.idx.msk [tilespmem:v3+s5+$0x0], $0xffff;
	_ =	sdelay $0x1  }
0x275: {  	v3 =	vshra.s32 v0, $0xE;
	_ =	sdelay $0x2  }
0x276: {  	[tilespmem:$0x15E0] =	vst v30;
	v1 =	vadd.s32 v1, v2  }
0x277: {  	[tilespmem:$0xDE0] =	vst v1;
	v1 =	vld [tilespmem:$0x600]  }
0x278: {  	v2 =	vld.idx.msk [tilespmem:v3+s5+$0x0], $0xffff;
	_ =	sdelay $0x3  }
0x279: {  	v3 =	vshra.s32 v1, $0xE  }
0x27a: {  	v0 =	vadd.s32 v0, v2  }
0x27b: {  	[tilespmem:$0xDF0] =	vst v0;
	v0 =	vld [tilespmem:$0x610];
	_ =	sdelay $0x1  }
0x27c: {  	[tilespmem:$0x15F0] =	vst v31  }
0x27d: {  	v2 =	vld.idx.msk [tilespmem:v3+s5+$0x0], $0xffff;
	_ =	sdelay $0x1  }
0x27e: {  	v3 =	vshra.s32 v0, $0xE;
	_ =	sdelay $0x2  }
0x27f: {  	[tilespmem:$0x1600] =	vst v32;
	v1 =	vadd.s32 v1, v2  }
0x280: {  	[tilespmem:$0xE00] =	vst v1;
	v1 =	vld [tilespmem:$0x620]  }
0x281: {  	v2 =	vld.idx.msk [tilespmem:v3+s5+$0x0], $0xffff;
	_ =	sdelay $0x3  }
0x282: {  	v3 =	vshra.s32 v1, $0xE  }
0x283: {  	v0 =	vadd.s32 v0, v2  }
0x284: {  	[tilespmem:$0xE10] =	vst v0;
	v0 =	vld [tilespmem:$0x630];
	_ =	sdelay $0x1  }
0x285: {  	[tilespmem:$0x1610] =	vst v33  }
0x286: {  	v2 =	vld.idx.msk [tilespmem:v3+s5+$0x0], $0xffff;
	_ =	sdelay $0x1  }
0x287: {  	v3 =	vshra.s32 v0, $0xE;
	_ =	sdelay $0x2  }
0x288: {  	[tilespmem:$0x1620] =	vst v34;
	v1 =	vadd.s32 v1, v2  }
0x289: {  	[tilespmem:$0xE20] =	vst v1;
	v1 =	vld [tilespmem:$0x640]  }
0x28a: {  	v2 =	vld.idx.msk [tilespmem:v3+s5+$0x0], $0xffff;
	_ =	sdelay $0x3  }
0x28b: {  	v3 =	vshra.s32 v1, $0xE  }
0x28c: {  	v0 =	vadd.s32 v0, v2  }
0x28d: {  	[tilespmem:$0xE30] =	vst v0;
	v0 =	vld [tilespmem:$0x650];
	_ =	sdelay $0x1  }
0x28e: {  	[tilespmem:$0x1630] =	vst v35  }
0x28f: {  	v2 =	vld.idx.msk [tilespmem:v3+s5+$0x0], $0xffff;
	_ =	sdelay $0x1  }
0x290: {  	v3 =	vshra.s32 v0, $0xE;
	_ =	sdelay $0x2  }
0x291: {  	[tilespmem:$0x1640] =	vst v36;
	v1 =	vadd.s32 v1, v2  }
0x292: {  	[tilespmem:$0xE40] =	vst v1;
	v1 =	vld [tilespmem:$0x660]  }
0x293: {  	v2 =	vld.idx.msk [tilespmem:v3+s5+$0x0], $0xffff;
	_ =	sdelay $0x3  }
0x294: {  	v3 =	vshra.s32 v1, $0xE  }
0x295: {  	v0 =	vadd.s32 v0, v2  }
0x296: {  	[tilespmem:$0xE50] =	vst v0;
	v0 =	vld [tilespmem:$0x670];
	_ =	sdelay $0x1  }
0x297: {  	[tilespmem:$0x1650] =	vst v37  }
0x298: {  	v2 =	vld.idx.msk [tilespmem:v3+s5+$0x0], $0xffff;
	_ =	sdelay $0x1  }
0x299: {  	v3 =	vshra.s32 v0, $0xE;
	_ =	sdelay $0x2  }
0x29a: {  	[tilespmem:$0x1660] =	vst v38;
	v1 =	vadd.s32 v1, v2  }
0x29b: {  	[tilespmem:$0xE60] =	vst v1;
	v1 =	vld [tilespmem:$0x680]  }
0x29c: {  	v2 =	vld.idx.msk [tilespmem:v3+s5+$0x0], $0xffff;
	_ =	sdelay $0x3  }
0x29d: {  	v3 =	vshra.s32 v1, $0xE  }
0x29e: {  	v0 =	vadd.s32 v0, v2  }
0x29f: {  	[tilespmem:$0xE70] =	vst v0;
	v0 =	vld [tilespmem:$0x690];
	_ =	sdelay $0x1  }
0x2a0: {  	[tilespmem:$0x1670] =	vst v39  }
0x2a1: {  	v2 =	vld.idx.msk [tilespmem:v3+s5+$0x0], $0xffff;
	_ =	sdelay $0x1  }
0x2a2: {  	v3 =	vshra.s32 v0, $0xE;
	_ =	sdelay $0x2  }
0x2a3: {  	[tilespmem:$0x1680] =	vst v40;
	v1 =	vadd.s32 v1, v2  }
0x2a4: {  	[tilespmem:$0xE80] =	vst v1;
	v1 =	vld [tilespmem:$0x6A0]  }
0x2a5: {  	v2 =	vld.idx.msk [tilespmem:v3+s5+$0x0], $0xffff;
	_ =	sdelay $0x3  }
0x2a6: {  	v3 =	vshra.s32 v1, $0xE  }
0x2a7: {  	v0 =	vadd.s32 v0, v2  }
0x2a8: {  	[tilespmem:$0xE90] =	vst v0;
	v0 =	vld [tilespmem:$0x6B0];
	_ =	sdelay $0x1  }
0x2a9: {  	[tilespmem:$0x1690] =	vst v41  }
0x2aa: {  	v2 =	vld.idx.msk [tilespmem:v3+s5+$0x0], $0xffff;
	_ =	sdelay $0x1  }
0x2ab: {  	v3 =	vshra.s32 v0, $0xE;
	_ =	sdelay $0x2  }
0x2ac: {  	[tilespmem:$0x16A0] =	vst v42;
	v1 =	vadd.s32 v1, v2  }
0x2ad: {  	[tilespmem:$0xEA0] =	vst v1;
	v1 =	vld [tilespmem:$0x6C0]  }
0x2ae: {  	v2 =	vld.idx.msk [tilespmem:v3+s5+$0x0], $0xffff;
	_ =	sdelay $0x3  }
0x2af: {  	v3 =	vshra.s32 v1, $0xE  }
0x2b0: {  	v0 =	vadd.s32 v0, v2  }
0x2b1: {  	[tilespmem:$0xEB0] =	vst v0;
	v0 =	vld [tilespmem:$0x6D0];
	_ =	sdelay $0x1  }
0x2b2: {  	[tilespmem:$0x16B0] =	vst v43  }
0x2b3: {  	v2 =	vld.idx.msk [tilespmem:v3+s5+$0x0], $0xffff;
	_ =	sdelay $0x1  }
0x2b4: {  	v3 =	vshra.s32 v0, $0xE;
	_ =	sdelay $0x2  }
0x2b5: {  	[tilespmem:$0x16C0] =	vst v44;
	v1 =	vadd.s32 v1, v2  }
0x2b6: {  	[tilespmem:$0xEC0] =	vst v1;
	v1 =	vld [tilespmem:$0x6E0]  }
0x2b7: {  	v2 =	vld.idx.msk [tilespmem:v3+s5+$0x0], $0xffff;
	_ =	sdelay $0x3  }
0x2b8: {  	v3 =	vshra.s32 v1, $0xE  }
0x2b9: {  	v0 =	vadd.s32 v0, v2  }
0x2ba: {  	[tilespmem:$0xED0] =	vst v0;
	v0 =	vld [tilespmem:$0x6F0];
	_ =	sdelay $0x1  }
0x2bb: {  	[tilespmem:$0x16D0] =	vst v45  }
0x2bc: {  	v2 =	vld.idx.msk [tilespmem:v3+s5+$0x0], $0xffff;
	_ =	sdelay $0x1  }
0x2bd: {  	v3 =	vshra.s32 v0, $0xE;
	_ =	sdelay $0x2  }
0x2be: {  	[tilespmem:$0x16E0] =	vst v46;
	v1 =	vadd.s32 v1, v2  }
0x2bf: {  	[tilespmem:$0xEE0] =	vst v1;
	v1 =	vld [tilespmem:$0x700]  }
0x2c0: {  	v2 =	vld.idx.msk [tilespmem:v3+s5+$0x0], $0xffff;
	_ =	sdelay $0x3  }
0x2c1: {  	v3 =	vshra.s32 v1, $0xE  }
0x2c2: {  	v0 =	vadd.s32 v0, v2  }
0x2c3: {  	[tilespmem:$0xEF0] =	vst v0;
	v0 =	vld [tilespmem:$0x710];
	_ =	sdelay $0x1  }
0x2c4: {  	[tilespmem:$0x16F0] =	vst v47  }
0x2c5: {  	v2 =	vld.idx.msk [tilespmem:v3+s5+$0x0], $0xffff;
	_ =	sdelay $0x1  }
0x2c6: {  	v3 =	vshra.s32 v0, $0xE;
	_ =	sdelay $0x2  }
0x2c7: {  	[tilespmem:$0x1700] =	vst v48;
	v1 =	vadd.s32 v1, v2  }
0x2c8: {  	[tilespmem:$0xF00] =	vst v1;
	v1 =	vld [tilespmem:$0x720]  }
0x2c9: {  	v2 =	vld.idx.msk [tilespmem:v3+s5+$0x0], $0xffff;
	_ =	sdelay $0x3  }
0x2ca: {  	v3 =	vshra.s32 v1, $0xE  }
0x2cb: {  	v0 =	vadd.s32 v0, v2  }
0x2cc: {  	[tilespmem:$0xF10] =	vst v0;
	v0 =	vld [tilespmem:$0x730];
	_ =	sdelay $0x1  }
0x2cd: {  	[tilespmem:$0x1710] =	vst v49  }
0x2ce: {  	v2 =	vld.idx.msk [tilespmem:v3+s5+$0x0], $0xffff;
	_ =	sdelay $0x1  }
0x2cf: {  	v3 =	vshra.s32 v0, $0xE;
	_ =	sdelay $0x2  }
0x2d0: {  	[tilespmem:$0x1720] =	vst v50;
	v1 =	vadd.s32 v1, v2  }
0x2d1: {  	[tilespmem:$0xF20] =	vst v1;
	v1 =	vld [tilespmem:$0x740]  }
0x2d2: {  	v2 =	vld.idx.msk [tilespmem:v3+s5+$0x0], $0xffff;
	_ =	sdelay $0x3  }
0x2d3: {  	v3 =	vshra.s32 v1, $0xE  }
0x2d4: {  	v0 =	vadd.s32 v0, v2  }
0x2d5: {  	[tilespmem:$0xF30] =	vst v0;
	v0 =	vld [tilespmem:$0x750];
	_ =	sdelay $0x1  }
0x2d6: {  	[tilespmem:$0x1730] =	vst v51  }
0x2d7: {  	v2 =	vld.idx.msk [tilespmem:v3+s5+$0x0], $0xffff;
	_ =	sdelay $0x1  }
0x2d8: {  	v3 =	vshra.s32 v0, $0xE;
	_ =	sdelay $0x2  }
0x2d9: {  	[tilespmem:$0x1740] =	vst v52;
	v1 =	vadd.s32 v1, v2  }
0x2da: {  	[tilespmem:$0xF40] =	vst v1;
	v1 =	vld [tilespmem:$0x760]  }
0x2db: {  	v2 =	vld.idx.msk [tilespmem:v3+s5+$0x0], $0xffff;
	_ =	sdelay $0x3  }
0x2dc: {  	v3 =	vshra.s32 v1, $0xE  }
0x2dd: {  	v0 =	vadd.s32 v0, v2  }
0x2de: {  	[tilespmem:$0xF50] =	vst v0;
	v0 =	vld [tilespmem:$0x770];
	_ =	sdelay $0x1  }
0x2df: {  	[tilespmem:$0x1750] =	vst v53  }
0x2e0: {  	v2 =	vld.idx.msk [tilespmem:v3+s5+$0x0], $0xffff;
	_ =	sdelay $0x1  }
0x2e1: {  	v3 =	vshra.s32 v0, $0xE;
	_ =	sdelay $0x2  }
0x2e2: {  	[tilespmem:$0x1760] =	vst v54;
	v1 =	vadd.s32 v1, v2  }
0x2e3: {  	[tilespmem:$0xF60] =	vst v1;
	v1 =	vld [tilespmem:$0x780]  }
0x2e4: {  	v2 =	vld.idx.msk [tilespmem:v3+s5+$0x0], $0xffff;
	_ =	sdelay $0x3  }
0x2e5: {  	v3 =	vshra.s32 v1, $0xE  }
0x2e6: {  	v0 =	vadd.s32 v0, v2  }
0x2e7: {  	[tilespmem:$0xF70] =	vst v0;
	v0 =	vld [tilespmem:$0x790];
	_ =	sdelay $0x1  }
0x2e8: {  	[tilespmem:$0x1770] =	vst v55  }
0x2e9: {  	v2 =	vld.idx.msk [tilespmem:v3+s5+$0x0], $0xffff;
	_ =	sdelay $0x1  }
0x2ea: {  	v3 =	vshra.s32 v0, $0xE;
	_ =	sdelay $0x2  }
0x2eb: {  	[tilespmem:$0x1780] =	vst v56;
	v1 =	vadd.s32 v1, v2  }
0x2ec: {  	[tilespmem:$0xF80] =	vst v1;
	v1 =	vld [tilespmem:$0x7A0]  }
0x2ed: {  	v2 =	vld.idx.msk [tilespmem:v3+s5+$0x0], $0xffff;
	_ =	sdelay $0x3  }
0x2ee: {  	v3 =	vshra.s32 v1, $0xE  }
0x2ef: {  	v0 =	vadd.s32 v0, v2  }
0x2f0: {  	[tilespmem:$0xF90] =	vst v0;
	v0 =	vld [tilespmem:$0x7B0];
	_ =	sdelay $0x1  }
0x2f1: {  	[tilespmem:$0x1790] =	vst v57  }
0x2f2: {  	v2 =	vld.idx.msk [tilespmem:v3+s5+$0x0], $0xffff;
	_ =	sdelay $0x1  }
0x2f3: {  	v3 =	vshra.s32 v0, $0xE;
	_ =	sdelay $0x2  }
0x2f4: {  	[tilespmem:$0x17A0] =	vst v58;
	v1 =	vadd.s32 v1, v2  }
0x2f5: {  	[tilespmem:$0xFA0] =	vst v1;
	v1 =	vld [tilespmem:$0x7C0]  }
0x2f6: {  	v2 =	vld.idx.msk [tilespmem:v3+s5+$0x0], $0xffff;
	_ =	sdelay $0x3  }
0x2f7: {  	v3 =	vshra.s32 v1, $0xE  }
0x2f8: {  	v0 =	vadd.s32 v0, v2  }
0x2f9: {  	[tilespmem:$0xFB0] =	vst v0;
	v0 =	vld [tilespmem:$0x7D0];
	_ =	sdelay $0x1  }
0x2fa: {  	[tilespmem:$0x17B0] =	vst v59  }
0x2fb: {  	v2 =	vld.idx.msk [tilespmem:v3+s5+$0x0], $0xffff;
	_ =	sdelay $0x1  }
0x2fc: {  	v3 =	vshra.s32 v0, $0xE;
	_ =	sdelay $0x2  }
0x2fd: {  	[tilespmem:$0x17C0] =	vst v60;
	v1 =	vadd.s32 v1, v2  }
0x2fe: {  	[tilespmem:$0xFC0] =	vst v1;
	v1 =	vld [tilespmem:$0x7E0]  }
0x2ff: {  	v2 =	vld.idx.msk [tilespmem:v3+s5+$0x0], $0xffff;
	_ =	sdelay $0x3  }
0x300: {  	v3 =	vshra.s32 v1, $0xE  }
0x301: {  	v0 =	vadd.s32 v0, v2  }
0x302: {  	[tilespmem:$0xFD0] =	vst v0;
	v0 =	vld [tilespmem:$0x7F0];
	_ =	sdelay $0x1  }
0x303: {  	[tilespmem:$0x17D0] =	vst v61  }
0x304: {  	v2 =	vld.idx.msk [tilespmem:v3+s5+$0x0], $0xffff;
	_ =	sdelay $0x1  }
0x305: {  	v3 =	vshra.s32 v0, $0xE;
	_ =	sdelay $0x2  }
0x306: {  	[tilespmem:$0x17E0] =	vst v62;
	v1 =	vadd.s32 v1, v2  }
0x307: {  	[tilespmem:$0xFE0] =	vst v1  }
0x308: {  	v1 =	vld.idx.msk [tilespmem:v3+s5+$0x0], $0xffff;
	_ =	sdelay $0x2  }
0x309: {  	s0 =	rddreg [dreg:$0x5]  }
0x30a: {  	s8 =	rddreg [dreg:$0x6]  }
0x30b: {  	s9 =	rddreg [dreg:$0x7];
	[tilespmem:$0x17F0] =	vst v63;
	v0 =	vadd.s32 v0, v1  }
0x30c: {  	s10 =	rddreg [dreg:$0x8];
	[tilespmem:$0xFF0] =	vst v0  }
0x30d: {  	[hbm4b:s1+s7] =	stream.indirect.scatter [tilespmem:s8], [sflag:$0x1], $0x1, s0, s7, $0xb8;
	[tilespmem:$0x1880] =	vst v63  }
0x30e: {  	s0 =	rddreg [dreg:$0x9]  }
0x30f: {  	s8 =	rddreg [dreg:$0xa]  }
0x310: {  	[hbm4b:s1+s7] =	stream.indirect.scatter [tilespmem:s10], [sflag:$0x1], $0x1, s9, s7, $0xb8;
	[tilespmem:$0x1880] =	vst v63  }
0x311: {  	s9 =	rddreg [dreg:$0xb]  }
0x312: {  	[hbm4b:s1+s7] =	stream.indirect.scatter [tilespmem:s8], [sflag:$0x1], $0x1, s0, s7, $0xb8;
	[tilespmem:$0x1880] =	vst v63  }
0x313: {  	s10 =	rddreg [dreg:$0xc]  }
0x314: {  	[hbm4b:s1+s7] =	stream.indirect.scatter [tilespmem:s10], [sflag:$0x1], $0x1, s9, s7, $0xb8;
	[tilespmem:$0x1880] =	vst v63  }
0x315: {  	s8 =	rddreg [dreg:$0xd];
	s10 =	simm.s32 $0x1200  }
0x316: {  	[hbm4b:s1+s7] =	stream.indirect.scatter [tilespmem:s10], [sflag:$0x1], $0x1, s8, s7, $0xb8;
	[tilespmem:$0x1880] =	vst v63  }
0x317: {  	s9 =	simm.s32 $0xA80;
	s10 =	simm.s32 $0x1280  }
0x318: {  	[hbm4b:s1+s7] =	stream.indirect.scatter [tilespmem:s10], [sflag:$0x1], $0x1, s9, s7, $0xb8;
	[tilespmem:$0x1880] =	vst v63  }
0x319: {  	_ = 	snop  }
0x31a: {  	[hbm4b:s1+s7] =	stream.indirect.scatter [tilespmem:s12], [sflag:$0x1], $0x1, s11, s7, $0xb8;
	[tilespmem:$0x1880] =	vst v63  }
0x31b: {  	_ = 	snop  }
0x31c: {  	[hbm4b:s1+s7] =	stream.indirect.scatter [tilespmem:s14], [sflag:$0x1], $0x1, s13, s7, $0xb8;
	[tilespmem:$0x1880] =	vst v63  }
0x31d: {  	_ = 	snop  }
0x31e: {  	[hbm4b:s1+s7] =	stream.indirect.scatter [tilespmem:s16], [sflag:$0x1], $0x1, s15, s7, $0xb8;
	[tilespmem:$0x1880] =	vst v63  }
0x31f: {  	_ = 	snop  }
0x320: {  	[hbm4b:s1+s7] =	stream.indirect.scatter [tilespmem:s18], [sflag:$0x1], $0x1, s17, s7, $0xb8;
	[tilespmem:$0x1880] =	vst v63  }
0x321: {  	_ = 	snop  }
0x322: {  	[hbm4b:s1+s7] =	stream.indirect.scatter [tilespmem:s20], [sflag:$0x1], $0x1, s19, s7, $0xb8;
	[tilespmem:$0x1880] =	vst v63  }
0x323: {  	_ = 	snop  }
0x324: {  	[hbm4b:s1+s7] =	stream.indirect.scatter [tilespmem:s22], [sflag:$0x1], $0x1, s21, s7, $0xb8;
	[tilespmem:$0x1880] =	vst v63  }
0x325: {  	_ = 	snop  }
0x326: {  	[hbm4b:s1+s7] =	stream.indirect.scatter [tilespmem:s24], [sflag:$0x1], $0x1, s23, s7, $0xb8;
	[tilespmem:$0x1880] =	vst v63  }
0x327: {  	_ = 	snop  }
0x328: {  	[hbm4b:s1+s7] =	stream.indirect.scatter [tilespmem:s26], [sflag:$0x1], $0x1, s25, s7, $0xb8;
	[tilespmem:$0x1880] =	vst v63  }
0x329: {  	_ = 	snop  }
0x32a: {  	[hbm4b:s1+s7] =	stream.indirect.scatter [tilespmem:s29], [sflag:$0x1], $0x1, s28, s7, $0xb8;
	[tilespmem:$0x1880] =	vst v63  }
0x32b: {  	_ = 	snop  }
0x32c: {  	[hbm4b:s1+s7] =	stream.indirect.scatter [tilespmem:s31], [sflag:$0x1], $0x1, s30, s7, $0xb8;
	[tilespmem:$0x1880] =	vst v63  }
0x32d: {  	_ =	swait.ge [sflag:s2], $0x80  }
0x32e: {  	[sflag:s2] =	ssyncset.done $0x0  }
0x32f: {  	[sflag:s2] =	ssyncadd.s32 $0xFFFFFF80  }
0x330: {  	_ =	swait.ge [sflag:s2], $0x80  }
0x331: {  	[sflag:s2] =	ssyncset.done $0x0  }
0x332: {  	[sflag:s2] =	ssyncadd.s32 $0xFFFFFF80  }
0x333: {  	_ =	swait.ge [sflag:s2], $0x80  }
0x334: {  	[sflag:s2] =	ssyncset.done $0x0  }
0x335: {  	[sflag:s2] =	ssyncadd.s32 $0xFFFFFF80  }
0x336: {  	_ =	swait.ge [sflag:s2], $0x80  }
0x337: {  	[sflag:s2] =	ssyncset.done $0x0  }
0x338: {  	[sflag:s2] =	ssyncadd.s32 $0xFFFFFF80  }
0x339: {  	_ =	swait.ge [sflag:s2], $0x80  }
0x33a: {  	[sflag:s2] =	ssyncset.done $0x0  }
0x33b: {  	[sflag:s2] =	ssyncadd.s32 $0xFFFFFF80  }
0x33c: {  	_ =	swait.ge [sflag:s2], $0x80  }
0x33d: {  	[sflag:s2] =	ssyncset.done $0x0  }
0x33e: {  	[sflag:s2] =	ssyncadd.s32 $0xFFFFFF80  }
0x33f: {  	_ =	swait.ge [sflag:s2], $0x80  }
0x340: {  	[sflag:s2] =	ssyncset.done $0x0  }
0x341: {  	[sflag:s2] =	ssyncadd.s32 $0xFFFFFF80  }
0x342: {  	_ =	swait.ge [sflag:s2], $0x80  }
0x343: {  	[sflag:s2] =	ssyncset.done $0x0  }
0x344: {  	[sflag:s2] =	ssyncadd.s32 $0xFFFFFF80  }
0x345: {  	_ =	swait.ge [sflag:s2], $0x80  }
0x346: {  	[sflag:s2] =	ssyncset.done $0x0  }
0x347: {  	[sflag:s2] =	ssyncadd.s32 $0xFFFFFF80  }
0x348: {  	_ =	swait.ge [sflag:s2], $0x80  }
0x349: {  	[sflag:s2] =	ssyncset.done $0x0  }
0x34a: {  	[sflag:s2] =	ssyncadd.s32 $0xFFFFFF80  }
0x34b: {  	_ =	swait.ge [sflag:s2], $0x80  }
0x34c: {  	[sflag:s2] =	ssyncset.done $0x0  }
0x34d: {  	[sflag:s2] =	ssyncadd.s32 $0xFFFFFF80  }
0x34e: {  	_ =	swait.ge [sflag:s2], $0x80  }
0x34f: {  	[sflag:s2] =	ssyncset.done $0x0  }
0x350: {  	[sflag:s2] =	ssyncadd.s32 $0xFFFFFF80  }
0x351: {  	_ =	swait.ge [sflag:s2], $0x80  }
0x352: {  	[sflag:s2] =	ssyncset.done $0x0  }
0x353: {  	[sflag:s2] =	ssyncadd.s32 $0xFFFFFF80  }
0x354: {  	_ =	swait.ge [sflag:s2], $0x80  }
0x355: {  	[sflag:s2] =	ssyncset.done $0x0  }
0x356: {  	[sflag:s2] =	ssyncadd.s32 $0xFFFFFF80  }
0x357: {  	p0 =	sne.s32 s4, $0x1;
	_ =	swait.ge [sflag:s2], $0x80  }
.Ltmp0:
0x358: {  	[sflag:s2] =	ssyncset.done $0x0;
	(pc) =	sbr.rel @p0 .LBB2_1-.Ltmp0, $4  }
0x359: {  	[sflag:s2] =	ssyncadd.s32 $0xFFFFFF80  }
0x35a: {  	_ =	swait.ge [sflag:s2], $0x80  }
0x35b: {  	[sflag:s2] =	ssyncset.done $0x0  }
0x35c: {  	s4 =	sadd.s32 $0xFFFFFFFF, s4;
	[sflag:s2] =	ssyncadd.s32 $0xFFFFFF80  }
0x35d: {  	_ =	sfence.sel $0x180000  }
0x35e: {  	[bflag:$0x0] =	sbarrier.arrive $0xFFFF  }
0x35f: {  	_ =	strace $0x90000047  }
0x360: {  	s0 =	stileid.u32;
	[bflag:$0x2] =	sbarrier.arrive $0xFFFF  }
0x361: {  	p0 =	sne.s32 s0, $0x0;
	s0 =	rddreg [dreg:$0x2]  }
0x362: {  	s0 =	sadd.s32 @!p0 $0x100000, s0  }
0x363: {  	[sflag:s0] =	ssyncadd.tile.s32 @!p0 $0x1;
	_ =	shalt  }
.Lfunc_end2:
_tile_overlayer_lowered:
.L_overlay_start_2:
0x364: {  	(tag) =	ssettag $0x2  }
0x365: {  	s0 =	rddreg [dreg:$0x0];
	s2 =	stileid.u32  }
0x366: {  	s1 =	rddreg [dreg:$0x1];
	p0 =	sne.s32 s2, $0x0  }
0x367: {  	s3 =	rddreg [dreg:$0x2];
	[bflag:$0x3] =	sbarrier.arrive $0xFFFF;
	s2 =	simm.s32 @!p0 $0x1C02  }
0x368: {  	[timem:s3], [sflag:s2] =	dma.local @!p0 [hbm:s0], s1  }
0x369: {  	s0 =	simm.s32 @!p0 $0x2  }
0x36a: {  	_ =	swait.ge @!p0 [sflag:s0], s1  }
0x36b: {  	s1 =	ssub.s32 @!p0 $0x0, s1;
	[sflag:s0] =	ssyncset.done @!p0 $0x0  }
0x36c: {  	[sflag:s0] =	ssyncadd.s32 @!p0 s1  }
0x36d: {  	[bflag:$0x3] =	sbarrier.arrive $0xFFFF  }
0x36e: {  	_ =	shalt  }

</sc_bundles>
